<compile_context>
chip_gen: v7x
topology: tpu7x:2x2x1
jax: 0.10.2.dev20260603
libtpu: 0.0.44.dev20260713+nightly
codegen_flags: <defaults>
</compile_context>

<pallas_src>
import functools

import jax
import jax.numpy as jnp
from jax import lax
from jax.experimental import pallas as pl
from jax.experimental.pallas import tpu as pltpu
from jax.experimental.pallas import tpu_sc as plsc

_sc_kernel = functools.partial(
    pl.kernel,
    compiler_params=pltpu.CompilerParams(needs_layout_passes=False))

N = 10000
N2 = 10240
NC = 2500
NC2 = 2560
E = 320000
EC = 80000
C = 128
NCORES = 2
NSUB = 16
NW = NCORES * NSUB
CH = 80
F32 = jnp.float32
I32 = jnp.int32


def _worker_id():
    return lax.axis_index("s") * NCORES + lax.axis_index("c")


def _zero_vmem_2d(ref, nrows):
    z = jnp.zeros((16,), F32)

    def body(i, _):
        ref[i // (C // 16), pl.ds((i % (C // 16)) * 16, 16)] = z
        return 0

    lax.fori_loop(0, nrows * (C // 16), body, 0)


def _zero_vmem_1d(ref, n):
    z = jnp.zeros((16,), F32)

    def body(i, _):
        ref[pl.ds(i * 16, 16)] = z
        return 0

    lax.fori_loop(0, n // 16, body, 0)


def _edge_pass(table, src, dst, acc_rows, with_counts, K):
    n_edges = dst.shape[0]
    n_chunks = n_edges // CH
    trips = n_chunks // NW
    assert n_edges % CH == 0 and n_chunks % NW == 0 and trips % K == 0
    rpt = acc_rows // NSUB
    nfull, rem = divmod(rpt, CH)
    assert rem == 0

    out_type = [jax.ShapeDtypeStruct((NCORES, acc_rows, C), F32)]
    scratch = [pltpu.VMEM_SHARED((acc_rows, C), F32)]
    scratch += [pltpu.VMEM((CH, C), F32) for _ in range(K)]
    scratch += [pltpu.VMEM((CH,), I32) for _ in range(2 * K)]
    scratch += [pltpu.SemaphoreType.DMA for _ in range(2 * K + 1)]
    if with_counts:
        out_type.append(jax.ShapeDtypeStruct((NCORES * acc_rows,), F32))
        out_type.append(jax.ShapeDtypeStruct((NW * acc_rows,), F32))
        scratch.append(pltpu.VMEM((acc_rows,), F32))
        scratch.append(pltpu.VMEM((NSUB * rpt,), F32))

    def body(*refs):
        it = iter(refs)
        table_h, src_h, dst_h = next(it), next(it), next(it)
        sums_h = next(it)
        cnts_h = next(it) if with_counts else None
        cparts_h = next(it) if with_counts else None
        acc = next(it)
        rows = [next(it) for _ in range(K)]
        srcv = [next(it) for _ in range(K)]
        dstv = [next(it) for _ in range(K)]
        isem = [next(it) for _ in range(K)]
        gsem = [next(it) for _ in range(K)]
        ssem = next(it)
        if with_counts:
            cntv, redv = next(it), next(it)

        cidx = lax.axis_index("c")
        sidx = lax.axis_index("s")
        w = _worker_id()

        _zero_vmem_2d(rows[0], CH)
        base = sidx * rpt
        for i in range(nfull):
            pltpu.sync_copy(rows[0], acc.at[pl.ds(base + i * CH, CH)])
        if with_counts:
            _zero_vmem_1d(cntv, acc_rows)
        plsc.subcore_barrier()

        ones16 = jnp.ones((16,), F32)

        def off_of(j):
            return (j * NW + w) * CH

        def do_counts(dv):
            if with_counts:
                for g in range(CH // 16):
                    d16 = dv[pl.ds(g * 16, 16)]
                    plsc.addupdate_scatter(cntv, (d16,), ones16)

        if K == 1:
            def trip(j, _):
                off = off_of(j)
                pltpu.sync_copy(src_h.at[pl.ds(off, CH)], srcv[0])
                pltpu.sync_copy(dst_h.at[pl.ds(off, CH)], dstv[0])
                pltpu.async_copy(table_h.at[srcv[0]], rows[0], gsem[0]).wait()
                pltpu.sync_copy(rows[0], acc.at[dstv[0]], add=True)
                do_counts(dstv[0])
                return 0

            lax.fori_loop(0, trips, trip, 0)

        def titer(t, _):
            j0 = t * K
            idescs = []
            for b in range(K):
                off = off_of(j0 + b)
                idescs.append(pltpu.async_copy(
                    src_h.at[pl.ds(off, CH)], srcv[b], isem[b]))
                idescs.append(pltpu.async_copy(
                    dst_h.at[pl.ds(off, CH)], dstv[b], isem[b]))
            gdescs = []
            for b in range(K):
                idescs[2 * b].wait()
                idescs[2 * b + 1].wait()
                gdescs.append(pltpu.async_copy(
                    table_h.at[srcv[b]], rows[b], gsem[b]))
            sdescs = []
            for b in range(K):
                gdescs[b].wait()
                sdescs.append(pltpu.async_copy(
                    rows[b], acc.at[dstv[b]], ssem, add=True))
                do_counts(dstv[b])
            for d in sdescs:
                d.wait()
            return 0

        if K > 1:
            lax.fori_loop(0, trips // K, titer, 0)

        if with_counts:
            pltpu.sync_copy(
                cntv,
                cparts_h.at[pl.ds((cidx * NSUB + sidx) * acc_rows, acc_rows)])
            plsc.subcore_barrier()
            rdescs = [pltpu.async_copy(
                cparts_h.at[pl.ds((cidx * NSUB + p) * acc_rows + base, rpt)],
                redv.at[pl.ds(p * rpt, rpt)], ssem) for p in range(NSUB)]
            for d in rdescs:
                d.wait()

            def redloop(i, _):
                tot = redv[pl.ds(i * 16, 16)]
                for p in range(1, NSUB):
                    tot = tot + redv[pl.ds(p * rpt + i * 16, 16)]
                cntv[pl.ds(i * 16, 16)] = tot
                return 0

            lax.fori_loop(0, rpt // 16, redloop, 0)
            pltpu.sync_copy(cntv.at[pl.ds(0, rpt)],
                            cnts_h.at[pl.ds(cidx * acc_rows + base, rpt)])

        plsc.subcore_barrier()
        pltpu.sync_copy(acc.at[pl.ds(base, rpt)],
                        sums_h.at[cidx, pl.ds(base, rpt)])

    mesh = plsc.VectorSubcoreMesh(core_axis_name="c", subcore_axis_name="s")
    fn = _sc_kernel(body, out_type=tuple(out_type), mesh=mesh,
                    scratch_types=tuple(scratch))
    return fn(table, src, dst)


def _edge_pass_r1(table, src, dst, acc_rows, with_counts):
    n_edges = dst.shape[0]
    assert n_edges % CH == 0
    n_chunks = n_edges // CH
    trips = -(-n_chunks // NW)
    rpt = acc_rows // NSUB
    nfull, rem = divmod(rpt, CH)

    out_type = [jax.ShapeDtypeStruct((NCORES, acc_rows, C), F32)]
    scratch = [
        pltpu.VMEM_SHARED((acc_rows, C), F32),
        pltpu.VMEM((CH, C), F32),
        pltpu.VMEM((CH,), I32),
        pltpu.VMEM((CH,), I32),
        pltpu.SemaphoreType.DMA,
    ]
    if with_counts:
        out_type.append(jax.ShapeDtypeStruct((NCORES * acc_rows,), F32))
        out_type.append(jax.ShapeDtypeStruct((NW * acc_rows,), F32))
        scratch.append(pltpu.VMEM((acc_rows,), F32))
        scratch.append(pltpu.VMEM((NSUB * rpt,), F32))

    def body(*refs):
        it = iter(refs)
        table_h, src_h, dst_h = next(it), next(it), next(it)
        sums_h = next(it)
        cnts_h = next(it) if with_counts else None
        cparts_h = next(it) if with_counts else None
        acc, rows, dstv, srcv, sem = (next(it), next(it), next(it), next(it),
                                      next(it))
        if with_counts:
            cntv, redv = next(it), next(it)

        cidx = lax.axis_index("c")
        sidx = lax.axis_index("s")
        w = _worker_id()

        _zero_vmem_2d(rows, CH)
        base = sidx * rpt
        for i in range(nfull):
            pltpu.sync_copy(rows, acc.at[pl.ds(base + i * CH, CH)])
        if rem:
            pltpu.sync_copy(rows.at[pl.ds(0, rem)],
                            acc.at[pl.ds(base + nfull * CH, rem)])
        if with_counts:
            _zero_vmem_1d(cntv, acc_rows)
        plsc.subcore_barrier()

        ones16 = jnp.ones((16,), F32)

        def trip(j, _):
            k = j * NW + w

            @pl.when(k < n_chunks)
            def _():
                off = k * CH
                pltpu.sync_copy(dst_h.at[pl.ds(off, CH)], dstv)
                pltpu.sync_copy(src_h.at[pl.ds(off, CH)], srcv)
                pltpu.async_copy(table_h.at[srcv], rows, sem).wait()
                pltpu.sync_copy(rows, acc.at[dstv], add=True)
                if with_counts:
                    for g in range(CH // 16):
                        d16 = dstv[pl.ds(g * 16, 16)]
                        plsc.addupdate_scatter(cntv, (d16,), ones16)

            return 0

        lax.fori_loop(0, trips, trip, 0)

        if with_counts:
            pltpu.sync_copy(
                cntv,
                cparts_h.at[pl.ds((cidx * NSUB + sidx) * acc_rows, acc_rows)])
            plsc.subcore_barrier()
            rdescs = [pltpu.async_copy(
                cparts_h.at[pl.ds((cidx * NSUB + q) * acc_rows + base, rpt)],
                redv.at[pl.ds(q * rpt, rpt)], sem) for q in range(NSUB)]
            for d in rdescs:
                d.wait()

            def redloop(i, _):
                tot = redv[pl.ds(i * 16, 16)]
                for q in range(1, NSUB):
                    tot = tot + redv[pl.ds(q * rpt + i * 16, 16)]
                cntv[pl.ds(i * 16, 16)] = tot
                return 0

            lax.fori_loop(0, rpt // 16, redloop, 0)
            pltpu.sync_copy(cntv.at[pl.ds(0, rpt)],
                            cnts_h.at[pl.ds(cidx * acc_rows + base, rpt)])

        plsc.subcore_barrier()
        pltpu.sync_copy(acc.at[pl.ds(base, rpt)],
                        sums_h.at[cidx, pl.ds(base, rpt)])

    mesh = plsc.VectorSubcoreMesh(core_axis_name="c", subcore_axis_name="s")
    fn = _sc_kernel(body, out_type=tuple(out_type), mesh=mesh,
                    scratch_types=tuple(scratch))
    return fn(table, src, dst)


def _pool_pass(sums, cnts, pool_idx):
    n_chunks = N // CH
    trips = -(-n_chunks // NW)
    rpt = NC2 // NSUB
    nfull, rem = divmod(rpt, CH)

    out_type = (jax.ShapeDtypeStruct((NCORES, NC2, C), F32),
                jax.ShapeDtypeStruct((NCORES * NC2,), F32))
    scratch = (
        pltpu.VMEM_SHARED((NC2, C), F32),
        pltpu.VMEM_SHARED((NC2,), F32),
        pltpu.VMEM((CH, C), F32),
        pltpu.VMEM((CH, C), F32),
        pltpu.VMEM((CH, C), F32),
        pltpu.VMEM((CH,), F32),
        pltpu.VMEM((CH,), F32),
        pltpu.VMEM((CH,), I32),
        pltpu.VMEM((NC2,), F32),
        pltpu.VMEM((CH,), I32),
        pltpu.SemaphoreType.DMA,
    )

    def body(s_h, c_h, pool_h, psums_h, pcnts_h,
             acc, cacc, rows0, rows1, hbuf, c0v, c1v, dstv, cntv, iotav, sem):
        cidx = lax.axis_index("c")
        sidx = lax.axis_index("s")
        w = _worker_id()

        _zero_vmem_2d(hbuf, CH)
        base = sidx * rpt
        for i in range(nfull):
            pltpu.sync_copy(hbuf, acc.at[pl.ds(base + i * CH, CH)])
        if rem:
            pltpu.sync_copy(hbuf.at[pl.ds(0, rem)],
                            acc.at[pl.ds(base + nfull * CH, rem)])
        _zero_vmem_1d(cntv, NC2)
        for i in range(nfull):
            pltpu.sync_copy(cntv.at[pl.ds(0, CH)],
                            cacc.at[pl.ds(base + i * CH, CH)])
        if rem:
            pltpu.sync_copy(cntv.at[pl.ds(0, rem)],
                            cacc.at[pl.ds(base + nfull * CH, rem)])
        plsc.subcore_barrier()

        ones16 = jnp.ones((16,), F32)
        one16 = jnp.ones((16,), F32)

        def trip(j, _):
          k = j * NW + w

          @pl.when(k < n_chunks)
          def _():
            off = k * CH
            pltpu.sync_copy(s_h.at[0, pl.ds(off, CH)], rows0)
            pltpu.sync_copy(s_h.at[1, pl.ds(off, CH)], rows1)
            pltpu.sync_copy(c_h.at[pl.ds(off, CH)], c0v)
            pltpu.sync_copy(c_h.at[pl.ds(N2 + off, CH)], c1v)
            pltpu.sync_copy(pool_h.at[pl.ds(off, CH)], dstv)

            def row(r, _):
                ridx = jnp.full((16,), r, I32)
                d = (plsc.load_gather(c0v, (ridx,))
                     + plsc.load_gather(c1v, (ridx,)))
                rcp = one16 / jnp.maximum(d, 1.0)
                for f in range(C // 16):
                    v = (rows0[r, pl.ds(f * 16, 16)]
                         + rows1[r, pl.ds(f * 16, 16)]) * rcp
                    hbuf[r, pl.ds(f * 16, 16)] = jnp.maximum(v, 0.0)
                return 0

            lax.fori_loop(0, CH, row, 0)
            pltpu.sync_copy(hbuf, acc.at[dstv], add=True)
            for g in range(CH // 16):
                d16 = dstv[pl.ds(g * 16, 16)]
                plsc.addupdate_scatter(cntv, (d16,), ones16)

          return 0

        lax.fori_loop(0, trips, trip, 0)

        iota16 = lax.iota(I32, 16)
        for g in range(CH // 16):
            iotav[pl.ds(g * 16, 16)] = iota16 + g * 16

        def cmerge(j, _):
            pltpu.sync_copy(cntv.at[pl.ds(j * CH, CH)], cacc.at[iotav], add=True)

            def bump(g, _):
                v = iotav[pl.ds(g * 16, 16)]
                iotav[pl.ds(g * 16, 16)] = v + CH
                return 0

            lax.fori_loop(0, CH // 16, bump, 0)
            return 0

        lax.fori_loop(0, NC2 // CH, cmerge, 0)

        plsc.subcore_barrier()
        pltpu.sync_copy(acc.at[pl.ds(base, rpt)],
                        psums_h.at[cidx, pl.ds(base, rpt)])
        pltpu.sync_copy(cacc.at[pl.ds(base, rpt)], cntv.at[pl.ds(0, rpt)])
        pltpu.sync_copy(cntv.at[pl.ds(0, rpt)],
                        pcnts_h.at[pl.ds(cidx * NC2 + base, rpt)])

    mesh = plsc.VectorSubcoreMesh(core_axis_name="c", subcore_axis_name="s")
    fn = _sc_kernel(body, out_type=out_type, mesh=mesh, scratch_types=scratch)
    return fn(sums, cnts, pool_idx)


def _gather_rows(table, idx):
    n_chunks = N // CH
    trips = -(-n_chunks // NW)

    def body(table_h, idx_h, out_h, idxv, rows, sem):
        w = _worker_id()

        def trip(j, _):
            k = j * NW + w

            @pl.when(k < n_chunks)
            def _():
                off = k * CH
                pltpu.sync_copy(idx_h.at[pl.ds(off, CH)], idxv)
                pltpu.async_copy(table_h.at[idxv], rows, sem).wait()
                pltpu.sync_copy(rows, out_h.at[pl.ds(off, CH)])

            return 0

        lax.fori_loop(0, trips, trip, 0)

    mesh = plsc.VectorSubcoreMesh(core_axis_name="c", subcore_axis_name="s")
    fn = _sc_kernel(body,
                    out_type=jax.ShapeDtypeStruct((N, C), F32),
                    mesh=mesh,
                    scratch_types=(pltpu.VMEM((CH,), I32),
                                   pltpu.VMEM((CH, C), F32),
                                   pltpu.SemaphoreType.DMA))
    return fn(table, idx)



def _tc_call(fn, out_type, *args):
    return pl.pallas_call(fn, out_shape=out_type)(*args)


def _k_matmul(x, w):
    def body(x_ref, w_ref, o_ref):
        o_ref[...] = jnp.dot(x_ref[...], w_ref[...],
                             preferred_element_type=F32)

    return _tc_call(body, jax.ShapeDtypeStruct((x.shape[0], w.shape[1]), F32),
                    x, w)


def _k_mean_mm(sums, cnt3, w, relu):

    def body(s_ref, c_ref, w_ref, x_ref, y_ref):
        s = s_ref[0] + s_ref[1]
        d = jnp.maximum(c_ref[0] + c_ref[1], 1.0)
        x = s / d
        if relu:
            x = jnp.maximum(x, 0.0)
        x_ref[...] = x
        y_ref[...] = jnp.dot(x, w_ref[...], preferred_element_type=F32)

    out = (jax.ShapeDtypeStruct((NC2, C), F32),
           jax.ShapeDtypeStruct((NC2, C), F32))
    return _tc_call(body, out, sums, cnt3, w)


def _k_skip_merge(csums, cnt3, hc2, wm, pmat):

    def body(s_ref, c_ref, h_ref, wm_ref, p_ref, m_ref, ps_ref):
        d = jnp.maximum(c_ref[0] + c_ref[1], 1.0)
        s2 = (s_ref[0] + s_ref[1]) / d
        hc2 = h_ref[...]
        skip = jnp.maximum(s2 + hc2, 0.0)
        m_ref[...] = (jnp.dot(hc2, wm_ref[:C], preferred_element_type=F32)
                      + jnp.dot(skip, wm_ref[C:], preferred_element_type=F32))
        pa = jnp.dot(hc2, p_ref[...], preferred_element_type=F32)
        pb = jnp.dot(skip, p_ref[...], preferred_element_type=F32)
        ps_ref[...] = jnp.concatenate([pa, pb], axis=-1)

    out = (jax.ShapeDtypeStruct((NC2, C), F32),
           jax.ShapeDtypeStruct((NC2, C), F32))
    return _tc_call(body, out, csums, cnt3, hc2, wm, pmat)


def _k_final_mm(dsums, cnt3, pairsum, wup):

    def body(s_ref, c_ref, p_ref, w_ref, u_ref):
        d = jnp.maximum(c_ref[0] + c_ref[1], 1.0)
        merge = jnp.maximum((s_ref[0] + s_ref[1]) / d, 0.0)
        rf = merge + p_ref[...]
        u_ref[...] = jnp.maximum(
            jnp.dot(rf, w_ref[...], preferred_element_type=F32), 0.0)

    return _tc_call(body, jax.ShapeDtypeStruct((NC2, C), F32),
                    dsums, cnt3, pairsum, wup)



@jax.jit
def kernel(point_feat, edge_index, coarse_edge_index, pool_idx,
           W0, W1, Ws1, Ws2, Wm, Wup):
    src, dst = edge_index[0], edge_index[1]
    csrc, cdst = coarse_edge_index[0], coarse_edge_index[1]
    pool_pad = pool_idx
    pmat = jnp.repeat(jnp.eye(64, dtype=F32), 2, axis=0)

    p0 = _k_matmul(point_feat, W0)
    fsums, fcnts, _ = _edge_pass_r1(p0, src, dst, N2, True)
    psums, pcnts = _pool_pass(fsums, fcnts, pool_pad)
    pcnt3 = pcnts.reshape(NCORES, NC2, 1)
    hc, h1 = _k_mean_mm(psums, pcnt3, W1, relu=False)
    asums, ccnts, _ = _edge_pass_r1(h1, csrc, cdst, NC2, True)
    ccnt3 = ccnts.reshape(NCORES, NC2, 1)
    hc2, s1 = _k_mean_mm(asums, ccnt3, Ws1, relu=True)
    bsums = _edge_pass_r1(s1, csrc, cdst, NC2, False)[0]
    s, s2m = _k_mean_mm(bsums, ccnt3, Ws2, relu=True)
    csums = _edge_pass_r1(s2m, csrc, cdst, NC2, False)[0]
    m, pairsum = _k_skip_merge(csums, ccnt3, hc2, Wm, pmat)
    dsums = _edge_pass_r1(m, csrc, cdst, NC2, False)[0]
    u = _k_final_mm(dsums, ccnt3, pairsum, Wup)
    return _gather_rows(u, pool_idx)

# --- scband reference (transcript-rebuilt; emitter-appended) ---
"""Pipeline reference for scband-point-conv-net-67997922230608 (READ-ONLY COPY).

The authoritative reference and input builder live on the scoring server;
editing this copy changes nothing except your own understanding.
"""

import jax, jax.numpy as jnp
import numpy as np

N = 10000   # fine point/voxel count
NC = 2500   # coarse point/voxel count after grid sampling
E = 320000  # fine graph edges
EC = 80000  # coarse graph edges
C = 128     # feature channels


def scatter_mean(vals, dst, num):
    s = jax.ops.segment_sum(vals, dst, num_segments=num)
    cnt = jax.ops.segment_sum(jnp.ones((vals.shape[0],), vals.dtype), dst, num_segments=num)
    return s / jnp.maximum(cnt, 1.0)[:, None]


def setup_inputs(seed: int = 0) -> dict:
    key = jax.random.key(seed)
    ks = jax.random.split(key, 12)
    point_feat = jax.random.normal(ks[0], (N, C), dtype=jnp.float32)
    edge_index = jax.random.randint(ks[1], (2, E), 0, N, dtype=jnp.int32)
    coarse_edge_index = jax.random.randint(ks[2], (2, EC), 0, NC, dtype=jnp.int32)
    pool_idx = jnp.sort(jax.random.randint(ks[3], (N,), 0, NC, dtype=jnp.int32))
    sc = 1.0 / np.sqrt(C)
    W0 = jax.random.normal(ks[4], (C, C), dtype=jnp.float32) * sc
    W1 = jax.random.normal(ks[5], (C, C), dtype=jnp.float32) * sc
    Ws1 = jax.random.normal(ks[6], (C, C), dtype=jnp.float32) * sc
    Ws2 = jax.random.normal(ks[7], (C, C), dtype=jnp.float32) * sc
    Wm = jax.random.normal(ks[8], (2 * C, C), dtype=jnp.float32) * (1.0 / np.sqrt(2 * C))
    Wup = jax.random.normal(ks[9], (C, C), dtype=jnp.float32) * sc
    return {"point_feat": point_feat, "edge_index": edge_index,
            "coarse_edge_index": coarse_edge_index, "pool_idx": pool_idx,
            "W0": W0, "W1": W1, "Ws1": Ws1, "Ws2": Ws2, "Wm": Wm, "Wup": Wup}


def reference(point_feat, edge_index, coarse_edge_index, pool_idx, W0, W1, Ws1, Ws2, Wm, Wup):
    src, dst = edge_index[0], edge_index[1]
    csrc, cdst = coarse_edge_index[0], coarse_edge_index[1]
    # ---- Down path (SA): GridConv flat block on fine graph ----
    h = jax.nn.relu(scatter_mean(jnp.take(point_feat, src, axis=0) @ W0, dst, N))
    # GridConvDownBlock: pool fine -> coarse by grid-cell assignment (mean)
    hc = scatter_mean(h, pool_idx, NC)
    # GridConvFlatBlock on coarse graph
    hc = jax.nn.relu(scatter_mean(jnp.take(hc, csrc, axis=0) @ W1, cdst, NC))
    # ---- Up path (FP): skip modules (two flat blocks + residual relu) ----
    identity = hc
    s = jax.nn.relu(scatter_mean(jnp.take(hc, csrc, axis=0) @ Ws1, cdst, NC))
    s = scatter_mean(jnp.take(s, csrc, axis=0) @ Ws2, cdst, NC)  # RELU=False block
    skip = jax.nn.relu(s + identity)
    # merge module over concatenated features
    concat = jnp.concatenate([hc, skip], axis=-1)
    merge = jax.nn.relu(scatter_mean(jnp.take(concat, csrc, axis=0) @ Wm, cdst, NC))
    # ref.feat = merge + concat.view(N, -1, 2).sum(dim=2)
    ref_feat = merge + concat.reshape(NC, -1, 2).sum(axis=2)
    # GridConvUpBlock: gather coarse features back to fine points
    out = jax.nn.relu(jnp.take(ref_feat, pool_idx, axis=0) @ Wup)
    return out

if __name__ == "__main__":
    import jax
    _d = setup_inputs()
    print(jax.jit(kernel)(*tuple(_d.values())))

</pallas_src>

<mosaic_0001>
#map = affine_map<(d0, d1) -> (0, 0)>
#map1 = affine_map<(d0, d1) -> (0)>
#map2 = affine_map<(d0, d1) -> (0, 0, 0)>
module attributes {stable_mosaic.version = 14 : i64} {
  func.func @body(%arg0: i32, %arg1: i32, %arg2: memref<2560x128xf32, #tpu.memory_space<hbm>>, %arg3: memref<80000xi32, #tpu.memory_space<hbm>>, %arg4: memref<80000xi32, #tpu.memory_space<hbm>>, %arg5: memref<2x2560x128xf32, #tpu.memory_space<hbm>>, %arg6: memref<2560x128xf32, #tpu.memory_space<vmem_shared>>, %arg7: memref<80x128xf32, #tpu.memory_space<vmem>>, %arg8: memref<80xi32, #tpu.memory_space<vmem>>, %arg9: memref<80xi32, #tpu.memory_space<vmem>>, %arg10: memref<!tpu.dma_semaphore, #tpu.memory_space<semaphore_mem>>) attributes {dimension_semantics = [#tpu.dimension_semantics<core_parallel>, #tpu.dimension_semantics<subcore_parallel>], iteration_bounds = array<i64: 2, 16>, scalar_prefetch = 0 : i64, scratch_operands = 5 : i64, tpu.core_type = #tpu.core_type<sc_vector_subcore>, window_params = [{transform_indices = #map}, {transform_indices = #map1}, {transform_indices = #map1}, {transform_indices = #map2}]} {
    %mul3A = arith.constant 2 : i32
    %mul3A_0 = arith.muli %arg1, %mul3A : i32
    %add3A = arith.addi %mul3A_0, %arg0 : i32
    %broadcast_in_dim3A = arith.constant 0.000000e+00 : f32
    %broadcast_in_dim3A_1 = vector.broadcast %broadcast_in_dim3A : f32 to vector<16xf32>
    %scan3A = arith.constant 0 : i32
    %scan3A_2 = arith.constant 0 : i32
    %scan3A_3 = arith.constant 640 : i32
    %scan3A_4 = arith.addi %scan3A_2, %scan3A_3 : i32
    %scan3A_5 = arith.constant 1 : i32
    %scan3A_6 = scf.for %scan3A_24 = %scan3A_2 to %scan3A_4 step %scan3A_5 iter_args(%scan3A_25 = %scan3A) -> (i32)  : i32 {
      %jit3A = arith.constant 8 : i32
      %div3A = arith.divsi %scan3A_24, %jit3A : i32
      %sign3A = arith.constant 0 : i32
      %sign3A_26 = arith.cmpi sgt, %scan3A_24, %sign3A : i32
      %sign3A_27 = arith.extui %sign3A_26 : i1 to i32
      %sign3A_28 = arith.constant 0 : i32
      %sign3A_29 = arith.cmpi slt, %scan3A_24, %sign3A_28 : i32
      %sign3A_30 = arith.extui %sign3A_29 : i1 to i32
      %sign3A_31 = arith.subi %sign3A_27, %sign3A_30 : i32
      %sign3A_32 = arith.constant 0 : i32
      %sign3A_33 = arith.cmpi sgt, %jit3A, %sign3A_32 : i32
      %sign3A_34 = arith.extui %sign3A_33 : i1 to i32
      %sign3A_35 = arith.constant 0 : i32
      %sign3A_36 = arith.cmpi slt, %jit3A, %sign3A_35 : i32
      %sign3A_37 = arith.extui %sign3A_36 : i1 to i32
      %sign3A_38 = arith.subi %sign3A_34, %sign3A_37 : i32
      %ne3A = arith.cmpi ne, %sign3A_31, %sign3A_38 : i32
      %rem3A = arith.remsi %scan3A_24, %jit3A : i32
      %ne3A_39 = arith.constant 0 : i32
      %ne3A_40 = arith.cmpi ne, %rem3A, %ne3A_39 : i32
      %and3A = arith.andi %ne3A, %ne3A_40 : i1
      %sub3A = arith.constant 1 : i32
      %sub3A_41 = arith.subi %div3A, %sub3A : i32
      %select_n3A = arith.select %and3A, %sub3A_41, %div3A : i32
      %jit3A_42 = arith.constant 8 : i32
      %eq3A = arith.constant 0 : i32
      %eq3A_43 = arith.cmpi eq, %jit3A_42, %eq3A : i32
      %jit3A_44 = arith.constant 1 : i32
      %select_n3A_45 = arith.select %eq3A_43, %jit3A_44, %jit3A_42 : i32
      %rem3A_46 = arith.remsi %scan3A_24, %select_n3A_45 : i32
      %ne3A_47 = arith.constant 0 : i32
      %ne3A_48 = arith.cmpi ne, %rem3A_46, %ne3A_47 : i32
      %lt3A = arith.constant 0 : i32
      %lt3A_49 = arith.cmpi slt, %rem3A_46, %lt3A : i32
      %lt3A_50 = arith.constant 0 : i32
      %lt3A_51 = arith.cmpi slt, %select_n3A_45, %lt3A_50 : i32
      %ne3A_52 = arith.xori %lt3A_49, %lt3A_51 : i1
      %and3A_53 = arith.andi %ne3A_52, %ne3A_48 : i1
      %add3A_54 = arith.addi %rem3A_46, %select_n3A_45 : i32
      %select_n3A_55 = arith.select %and3A_53, %add3A_54, %rem3A_46 : i32
      %mul3A_56 = arith.constant 16 : i32
      %mul3A_57 = arith.muli %select_n3A_55, %mul3A_56 : i32
      %swap3A = arith.index_cast %select_n3A : i32 to index
      %swap3A_58 = arith.index_cast %mul3A_57 : i32 to index
      %swap3A_59 = tpu.vector_load %arg7[%swap3A, %swap3A_58] {strides = array<i32>} : memref<80x128xf32, #tpu.memory_space<vmem>>, vector<16xf32>,
      tpu.vector_store %arg7[%swap3A, %swap3A_58], %broadcast_in_dim3A_1 {strides = array<i32>} : memref<80x128xf32, #tpu.memory_space<vmem>>, vector<16xf32>,
      %scan3A_60 = arith.constant 0 : i32
      scf.yield %scan3A_60 : i32
    }
    %scan3A_7 = arith.constant 640 : i32
    %mul3A_8 = arith.constant 160 : i32
    %mul3A_9 = arith.muli %arg1, %mul3A_8 : i32
    %add3A_10 = arith.constant 0 : i32
    %add3A_11 = arith.addi %mul3A_9, %add3A_10 : i32
    "tpu.region"() ({
      %run_scoped3A = tpu.sem_alloc : memref<!tpu.dma_semaphore, #tpu.memory_space<semaphore_mem>>
      %dma_start3A = arith.constant 0 : i32
      %dma_start3A_24 = tpu.memref_slice %arg6[%add3A_11, %dma_start3A] : memref<2560x128xf32, #tpu.memory_space<vmem_shared>> -> memref<80x128xf32, #tpu.memory_space<vmem_shared>>
      %dma_start3A_25 = arith.constant 0 : i32
      %dma_start3A_26 = tpu.memref_slice %arg6[%add3A_11, %dma_start3A_25] : memref<2560x128xf32, #tpu.memory_space<vmem_shared>> -> memref<80x128xf32, #tpu.memory_space<vmem_shared>>
      tpu.enqueue_dma source(%arg7 : memref<80x128xf32, #tpu.memory_space<vmem>>) target(%dma_start3A_26 : memref<80x128xf32, #tpu.memory_space<vmem_shared>>) target_semaphore(%run_scoped3A : memref<!tpu.dma_semaphore, #tpu.memory_space<semaphore_mem>>)
      %dma_wait3A = arith.constant 0 : i32
      %dma_wait3A_27 = tpu.memref_slice %arg6[%add3A_11, %dma_wait3A] : memref<2560x128xf32, #tpu.memory_space<vmem_shared>> -> memref<80x128xf32, #tpu.memory_space<vmem_shared>>
      %dma_wait3A_28 = arith.constant 0 : i32
      %dma_wait3A_29 = tpu.memref_slice %arg6[%add3A_11, %dma_wait3A_28] : memref<2560x128xf32, #tpu.memory_space<vmem_shared>> -> memref<80x128xf32, #tpu.memory_space<vmem_shared>>
      tpu.wait_dma2 semaphore(%run_scoped3A : memref<!tpu.dma_semaphore, #tpu.memory_space<semaphore_mem>>) src(%arg7 : memref<80x128xf32, #tpu.memory_space<vmem>>) dst(%dma_wait3A_29 : memref<80x128xf32, #tpu.memory_space<vmem_shared>>)
      tpu.yield
    }) : () -> ()
    %add3A_12 = arith.constant 80 : i32
    %add3A_13 = arith.addi %mul3A_9, %add3A_12 : i32
    "tpu.region"() ({
      %run_scoped3A = tpu.sem_alloc : memref<!tpu.dma_semaphore, #tpu.memory_space<semaphore_mem>>
      %dma_start3A = arith.constant 0 : i32
      %dma_start3A_24 = tpu.memref_slice %arg6[%add3A_13, %dma_start3A] : memref<2560x128xf32, #tpu.memory_space<vmem_shared>> -> memref<80x128xf32, #tpu.memory_space<vmem_shared>>
      %dma_start3A_25 = arith.constant 0 : i32
      %dma_start3A_26 = tpu.memref_slice %arg6[%add3A_13, %dma_start3A_25] : memref<2560x128xf32, #tpu.memory_space<vmem_shared>> -> memref<80x128xf32, #tpu.memory_space<vmem_shared>>
      tpu.enqueue_dma source(%arg7 : memref<80x128xf32, #tpu.memory_space<vmem>>) target(%dma_start3A_26 : memref<80x128xf32, #tpu.memory_space<vmem_shared>>) target_semaphore(%run_scoped3A : memref<!tpu.dma_semaphore, #tpu.memory_space<semaphore_mem>>)
      %dma_wait3A = arith.constant 0 : i32
      %dma_wait3A_27 = tpu.memref_slice %arg6[%add3A_13, %dma_wait3A] : memref<2560x128xf32, #tpu.memory_space<vmem_shared>> -> memref<80x128xf32, #tpu.memory_space<vmem_shared>>
      %dma_wait3A_28 = arith.constant 0 : i32
      %dma_wait3A_29 = tpu.memref_slice %arg6[%add3A_13, %dma_wait3A_28] : memref<2560x128xf32, #tpu.memory_space<vmem_shared>> -> memref<80x128xf32, #tpu.memory_space<vmem_shared>>
      tpu.wait_dma2 semaphore(%run_scoped3A : memref<!tpu.dma_semaphore, #tpu.memory_space<semaphore_mem>>) src(%arg7 : memref<80x128xf32, #tpu.memory_space<vmem>>) dst(%dma_wait3A_29 : memref<80x128xf32, #tpu.memory_space<vmem_shared>>)
      tpu.yield
    }) : () -> ()
    %barrier3A = arith.constant 0 : index
    tpu.barrier barrier_id(%barrier3A)
    %broadcast_in_dim3A_14 = arith.constant 1.000000e+00 : f32
    %broadcast_in_dim3A_15 = vector.broadcast %broadcast_in_dim3A_14 : f32 to vector<16xf32>
    %scan3A_16 = arith.constant 0 : i32
    %scan3A_17 = arith.constant 0 : i32
    %scan3A_18 = arith.constant 32 : i32
    %scan3A_19 = arith.addi %scan3A_17, %scan3A_18 : i32
    %scan3A_20 = arith.constant 1 : i32
    %scan3A_21 = scf.for %scan3A_24 = %scan3A_17 to %scan3A_19 step %scan3A_20 iter_args(%scan3A_25 = %scan3A_16) -> (i32)  : i32 {
      %mul3A_26 = arith.constant 32 : i32
      %mul3A_27 = arith.muli %scan3A_24, %mul3A_26 : i32
      %add3A_28 = arith.addi %mul3A_27, %add3A : i32
      %lt3A = arith.constant 1000 : i32
      %lt3A_29 = arith.cmpi slt, %add3A_28, %lt3A : i32
      %convert_element_type3A = arith.extui %lt3A_29 : i1 to i32
      %cond3A = arith.constant 0 : i32
      %cond3A_30 = arith.cmpi ne, %convert_element_type3A, %cond3A : i32
      scf.if %cond3A_30 {
        %mul3A_32 = arith.constant 80 : i32
        %mul3A_33 = arith.muli %add3A_28, %mul3A_32 : i32
        "tpu.region"() ({
          %run_scoped3A = tpu.sem_alloc : memref<!tpu.dma_semaphore, #tpu.memory_space<semaphore_mem>>
          %dma_start3A_38 = tpu.memref_slice %arg4[%mul3A_33] : memref<80000xi32, #tpu.memory_space<hbm>> -> memref<80xi32, #tpu.memory_space<hbm>>
          %dma_start3A_39 = tpu.memref_slice %arg4[%mul3A_33] : memref<80000xi32, #tpu.memory_space<hbm>> -> memref<80xi32, #tpu.memory_space<hbm>>
          tpu.enqueue_dma source(%dma_start3A_39 : memref<80xi32, #tpu.memory_space<hbm>>) target(%arg8 : memref<80xi32, #tpu.memory_space<vmem>>) target_semaphore(%run_scoped3A : memref<!tpu.dma_semaphore, #tpu.memory_space<semaphore_mem>>)
          %dma_wait3A_40 = tpu.memref_slice %arg4[%mul3A_33] : memref<80000xi32, #tpu.memory_space<hbm>> -> memref<80xi32, #tpu.memory_space<hbm>>
          %dma_wait3A_41 = tpu.memref_slice %arg4[%mul3A_33] : memref<80000xi32, #tpu.memory_space<hbm>> -> memref<80xi32, #tpu.memory_space<hbm>>
          tpu.wait_dma2 semaphore(%run_scoped3A : memref<!tpu.dma_semaphore, #tpu.memory_space<semaphore_mem>>) src(%dma_wait3A_41 : memref<80xi32, #tpu.memory_space<hbm>>) dst(%arg8 : memref<80xi32, #tpu.memory_space<vmem>>)
          tpu.yield
        }) : () -> ()
        "tpu.region"() ({
          %run_scoped3A = tpu.sem_alloc : memref<!tpu.dma_semaphore, #tpu.memory_space<semaphore_mem>>
          %dma_start3A_38 = tpu.memref_slice %arg3[%mul3A_33] : memref<80000xi32, #tpu.memory_space<hbm>> -> memref<80xi32, #tpu.memory_space<hbm>>
          %dma_start3A_39 = tpu.memref_slice %arg3[%mul3A_33] : memref<80000xi32, #tpu.memory_space<hbm>> -> memref<80xi32, #tpu.memory_space<hbm>>
          tpu.enqueue_dma source(%dma_start3A_39 : memref<80xi32, #tpu.memory_space<hbm>>) target(%arg9 : memref<80xi32, #tpu.memory_space<vmem>>) target_semaphore(%run_scoped3A : memref<!tpu.dma_semaphore, #tpu.memory_space<semaphore_mem>>)
          %dma_wait3A_40 = tpu.memref_slice %arg3[%mul3A_33] : memref<80000xi32, #tpu.memory_space<hbm>> -> memref<80xi32, #tpu.memory_space<hbm>>
          %dma_wait3A_41 = tpu.memref_slice %arg3[%mul3A_33] : memref<80000xi32, #tpu.memory_space<hbm>> -> memref<80xi32, #tpu.memory_space<hbm>>
          tpu.wait_dma2 semaphore(%run_scoped3A : memref<!tpu.dma_semaphore, #tpu.memory_space<semaphore_mem>>) src(%dma_wait3A_41 : memref<80xi32, #tpu.memory_space<hbm>>) dst(%arg9 : memref<80xi32, #tpu.memory_space<vmem>>)
          tpu.yield
        }) : () -> ()
        %dma_start3A = arith.constant 0 : i32
        %dma_start3A_34 = arith.constant 0 : i32
        %dma_start3A_35 = tpu.memref_slice %arg2[%dma_start3A, %dma_start3A_34] : memref<2560x128xf32, #tpu.memory_space<hbm>> -> memref<2560x128xf32, #tpu.memory_space<hbm>>
        tpu.enqueue_indirect_dma source(%dma_start3A_35 : memref<2560x128xf32, #tpu.memory_space<hbm>>) target(%arg7 : memref<80x128xf32, #tpu.memory_space<vmem>>) offsets(%arg9 : memref<80xi32, #tpu.memory_space<vmem>>) semaphore(%arg10 : memref<!tpu.dma_semaphore, #tpu.memory_space<semaphore_mem>>)
        %dma_wait3A = arith.constant 0 : i32
        %dma_wait3A_36 = arith.constant 0 : i32
        %dma_wait3A_37 = tpu.memref_slice %arg2[%dma_wait3A, %dma_wait3A_36] : memref<2560x128xf32, #tpu.memory_space<hbm>> -> memref<2560x128xf32, #tpu.memory_space<hbm>>
        tpu.wait_indirect_dma semaphore(%arg10 : memref<!tpu.dma_semaphore, #tpu.memory_space<semaphore_mem>>) src(%dma_wait3A_37 : memref<2560x128xf32, #tpu.memory_space<hbm>>) dst(%arg7 : memref<80x128xf32, #tpu.memory_space<vmem>>)
        "tpu.region"() ({
          %run_scoped3A = tpu.sem_alloc : memref<!tpu.dma_semaphore, #tpu.memory_space<semaphore_mem>>
          %dma_start3A_38 = arith.constant 0 : i32
          %dma_start3A_39 = arith.constant 0 : i32
          %dma_start3A_40 = tpu.memref_slice %arg6[%dma_start3A_38, %dma_start3A_39] : memref<2560x128xf32, #tpu.memory_space<vmem_shared>> -> memref<2560x128xf32, #tpu.memory_space<vmem_shared>>
          tpu.enqueue_indirect_dma source(%arg7 : memref<80x128xf32, #tpu.memory_space<vmem>>) target(%dma_start3A_40 : memref<2560x128xf32, #tpu.memory_space<vmem_shared>>) offsets(%arg8 : memref<80xi32, #tpu.memory_space<vmem>>) semaphore(%run_scoped3A : memref<!tpu.dma_semaphore, #tpu.memory_space<semaphore_mem>>) {add = true}
          %dma_wait3A_41 = arith.constant 0 : i32
          %dma_wait3A_42 = arith.constant 0 : i32
          %dma_wait3A_43 = tpu.memref_slice %arg6[%dma_wait3A_41, %dma_wait3A_42] : memref<2560x128xf32, #tpu.memory_space<vmem_shared>> -> memref<2560x128xf32, #tpu.memory_space<vmem_shared>>
          tpu.wait_indirect_dma semaphore(%run_scoped3A : memref<!tpu.dma_semaphore, #tpu.memory_space<semaphore_mem>>) src(%arg7 : memref<80x128xf32, #tpu.memory_space<vmem>>) dst(%dma_wait3A_43 : memref<2560x128xf32, #tpu.memory_space<vmem_shared>>)
          tpu.yield
        }) : () -> ()
      } else {
      }
      %scan3A_31 = arith.constant 0 : i32
      scf.yield %scan3A_31 : i32
    }
    %scan3A_22 = arith.constant 32 : i32
    %barrier3A_23 = arith.constant 0 : index
    tpu.barrier barrier_id(%barrier3A_23)
    "tpu.region"() ({
      %run_scoped3A = tpu.sem_alloc : memref<!tpu.dma_semaphore, #tpu.memory_space<semaphore_mem>>
      %dma_start3A = arith.constant 0 : i32
      %dma_start3A_24 = tpu.memref_slice %arg5[%arg0, %mul3A_9, %dma_start3A] : memref<2x2560x128xf32, #tpu.memory_space<hbm>> -> memref<1x160x128xf32, #tpu.memory_space<hbm>>
      %dma_start3A_25 = tpu.memref_squeeze %dma_start3A_24 : memref<1x160x128xf32, #tpu.memory_space<hbm>> -> memref<160x128xf32, #tpu.memory_space<hbm>>
      %dma_start3A_26 = arith.constant 0 : i32
      %dma_start3A_27 = tpu.memref_slice %arg6[%mul3A_9, %dma_start3A_26] : memref<2560x128xf32, #tpu.memory_space<vmem_shared>> -> memref<160x128xf32, #tpu.memory_space<vmem_shared>>
      tpu.enqueue_dma source(%dma_start3A_27 : memref<160x128xf32, #tpu.memory_space<vmem_shared>>) target(%dma_start3A_25 : memref<160x128xf32, #tpu.memory_space<hbm>>) target_semaphore(%run_scoped3A : memref<!tpu.dma_semaphore, #tpu.memory_space<semaphore_mem>>)
      %dma_wait3A = arith.constant 0 : i32
      %dma_wait3A_28 = tpu.memref_slice %arg5[%arg0, %mul3A_9, %dma_wait3A] : memref<2x2560x128xf32, #tpu.memory_space<hbm>> -> memref<1x160x128xf32, #tpu.memory_space<hbm>>
      %dma_wait3A_29 = tpu.memref_squeeze %dma_wait3A_28 : memref<1x160x128xf32, #tpu.memory_space<hbm>> -> memref<160x128xf32, #tpu.memory_space<hbm>>
      %dma_wait3A_30 = arith.constant 0 : i32
      %dma_wait3A_31 = tpu.memref_slice %arg6[%mul3A_9, %dma_wait3A_30] : memref<2560x128xf32, #tpu.memory_space<vmem_shared>> -> memref<160x128xf32, #tpu.memory_space<vmem_shared>>
      tpu.wait_dma2 semaphore(%run_scoped3A : memref<!tpu.dma_semaphore, #tpu.memory_space<semaphore_mem>>) src(%dma_wait3A_31 : memref<160x128xf32, #tpu.memory_space<vmem_shared>>) dst(%dma_wait3A_29 : memref<160x128xf32, #tpu.memory_space<hbm>>)
      tpu.yield
    }) : () -> ()
    return
  }
}

#map = affine_map<(d0, d1) -> (0, 0)>
#map1 = affine_map<(d0, d1) -> (0)>
#map2 = affine_map<(d0, d1) -> (0, 0, 0)>
module attributes {stable_mosaic.version = 14 : i64} {
  func.func @body(%arg0: i32, %arg1: i32, %arg2: memref<10000x128xf32, #tpu.memory_space<hbm>>, %arg3: memref<320000xi32, #tpu.memory_space<hbm>>, %arg4: memref<320000xi32, #tpu.memory_space<hbm>>, %arg5: memref<2x10240x128xf32, #tpu.memory_space<hbm>>, %arg6: memref<20480xf32, #tpu.memory_space<hbm>>, %arg7: memref<327680xf32, #tpu.memory_space<hbm>>, %arg8: memref<10240x128xf32, #tpu.memory_space<vmem_shared>>, %arg9: memref<80x128xf32, #tpu.memory_space<vmem>>, %arg10: memref<80xi32, #tpu.memory_space<vmem>>, %arg11: memref<80xi32, #tpu.memory_space<vmem>>, %arg12: memref<!tpu.dma_semaphore, #tpu.memory_space<semaphore_mem>>, %arg13: memref<10240xf32, #tpu.memory_space<vmem>>, %arg14: memref<10240xf32, #tpu.memory_space<vmem>>) attributes {dimension_semantics = [#tpu.dimension_semantics<core_parallel>, #tpu.dimension_semantics<subcore_parallel>], iteration_bounds = array<i64: 2, 16>, scalar_prefetch = 0 : i64, scratch_operands = 7 : i64, tpu.core_type = #tpu.core_type<sc_vector_subcore>, window_params = [{transform_indices = #map}, {transform_indices = #map1}, {transform_indices = #map1}, {transform_indices = #map2}, {transform_indices = #map1}, {transform_indices = #map1}]} {
    %mul3A = arith.constant 2 : i32
    %mul3A_0 = arith.muli %arg1, %mul3A : i32
    %add3A = arith.addi %mul3A_0, %arg0 : i32
    %broadcast_in_dim3A = arith.constant 0.000000e+00 : f32
    %broadcast_in_dim3A_1 = vector.broadcast %broadcast_in_dim3A : f32 to vector<16xf32>
    %scan3A = arith.constant 0 : i32
    %scan3A_2 = arith.constant 0 : i32
    %scan3A_3 = arith.constant 640 : i32
    %scan3A_4 = arith.addi %scan3A_2, %scan3A_3 : i32
    %scan3A_5 = arith.constant 1 : i32
    %scan3A_6 = scf.for %scan3A_363 = %scan3A_2 to %scan3A_4 step %scan3A_5 iter_args(%scan3A_364 = %scan3A) -> (i32)  : i32 {
      %jit3A = arith.constant 8 : i32
      %div3A = arith.divsi %scan3A_363, %jit3A : i32
      %sign3A = arith.constant 0 : i32
      %sign3A_365 = arith.cmpi sgt, %scan3A_363, %sign3A : i32
      %sign3A_366 = arith.extui %sign3A_365 : i1 to i32
      %sign3A_367 = arith.constant 0 : i32
      %sign3A_368 = arith.cmpi slt, %scan3A_363, %sign3A_367 : i32
      %sign3A_369 = arith.extui %sign3A_368 : i1 to i32
      %sign3A_370 = arith.subi %sign3A_366, %sign3A_369 : i32
      %sign3A_371 = arith.constant 0 : i32
      %sign3A_372 = arith.cmpi sgt, %jit3A, %sign3A_371 : i32
      %sign3A_373 = arith.extui %sign3A_372 : i1 to i32
      %sign3A_374 = arith.constant 0 : i32
      %sign3A_375 = arith.cmpi slt, %jit3A, %sign3A_374 : i32
      %sign3A_376 = arith.extui %sign3A_375 : i1 to i32
      %sign3A_377 = arith.subi %sign3A_373, %sign3A_376 : i32
      %ne3A = arith.cmpi ne, %sign3A_370, %sign3A_377 : i32
      %rem3A = arith.remsi %scan3A_363, %jit3A : i32
      %ne3A_378 = arith.constant 0 : i32
      %ne3A_379 = arith.cmpi ne, %rem3A, %ne3A_378 : i32
      %and3A = arith.andi %ne3A, %ne3A_379 : i1
      %sub3A = arith.constant 1 : i32
      %sub3A_380 = arith.subi %div3A, %sub3A : i32
      %select_n3A = arith.select %and3A, %sub3A_380, %div3A : i32
      %jit3A_381 = arith.constant 8 : i32
      %eq3A = arith.constant 0 : i32
      %eq3A_382 = arith.cmpi eq, %jit3A_381, %eq3A : i32
      %jit3A_383 = arith.constant 1 : i32
      %select_n3A_384 = arith.select %eq3A_382, %jit3A_383, %jit3A_381 : i32
      %rem3A_385 = arith.remsi %scan3A_363, %select_n3A_384 : i32
      %ne3A_386 = arith.constant 0 : i32
      %ne3A_387 = arith.cmpi ne, %rem3A_385, %ne3A_386 : i32
      %lt3A = arith.constant 0 : i32
      %lt3A_388 = arith.cmpi slt, %rem3A_385, %lt3A : i32
      %lt3A_389 = arith.constant 0 : i32
      %lt3A_390 = arith.cmpi slt, %select_n3A_384, %lt3A_389 : i32
      %ne3A_391 = arith.xori %lt3A_388, %lt3A_390 : i1
      %and3A_392 = arith.andi %ne3A_391, %ne3A_387 : i1
      %add3A_393 = arith.addi %rem3A_385, %select_n3A_384 : i32
      %select_n3A_394 = arith.select %and3A_392, %add3A_393, %rem3A_385 : i32
      %mul3A_395 = arith.constant 16 : i32
      %mul3A_396 = arith.muli %select_n3A_394, %mul3A_395 : i32
      %swap3A = arith.index_cast %select_n3A : i32 to index
      %swap3A_397 = arith.index_cast %mul3A_396 : i32 to index
      %swap3A_398 = tpu.vector_load %arg9[%swap3A, %swap3A_397] {strides = array<i32>} : memref<80x128xf32, #tpu.memory_space<vmem>>, vector<16xf32>,
      tpu.vector_store %arg9[%swap3A, %swap3A_397], %broadcast_in_dim3A_1 {strides = array<i32>} : memref<80x128xf32, #tpu.memory_space<vmem>>, vector<16xf32>,
      %scan3A_399 = arith.constant 0 : i32
      scf.yield %scan3A_399 : i32
    }
    %scan3A_7 = arith.constant 640 : i32
    %mul3A_8 = arith.constant 640 : i32
    %mul3A_9 = arith.muli %arg1, %mul3A_8 : i32
    %add3A_10 = arith.constant 0 : i32
    %add3A_11 = arith.addi %mul3A_9, %add3A_10 : i32
    "tpu.region"() ({
      %run_scoped3A = tpu.sem_alloc : memref<!tpu.dma_semaphore, #tpu.memory_space<semaphore_mem>>
      %dma_start3A_363 = arith.constant 0 : i32
      %dma_start3A_364 = tpu.memref_slice %arg8[%add3A_11, %dma_start3A_363] : memref<10240x128xf32, #tpu.memory_space<vmem_shared>> -> memref<80x128xf32, #tpu.memory_space<vmem_shared>>
      %dma_start3A_365 = arith.constant 0 : i32
      %dma_start3A_366 = tpu.memref_slice %arg8[%add3A_11, %dma_start3A_365] : memref<10240x128xf32, #tpu.memory_space<vmem_shared>> -> memref<80x128xf32, #tpu.memory_space<vmem_shared>>
      tpu.enqueue_dma source(%arg9 : memref<80x128xf32, #tpu.memory_space<vmem>>) target(%dma_start3A_366 : memref<80x128xf32, #tpu.memory_space<vmem_shared>>) target_semaphore(%run_scoped3A : memref<!tpu.dma_semaphore, #tpu.memory_space<semaphore_mem>>)
      %dma_wait3A_367 = arith.constant 0 : i32
      %dma_wait3A_368 = tpu.memref_slice %arg8[%add3A_11, %dma_wait3A_367] : memref<10240x128xf32, #tpu.memory_space<vmem_shared>> -> memref<80x128xf32, #tpu.memory_space<vmem_shared>>
      %dma_wait3A_369 = arith.constant 0 : i32
      %dma_wait3A_370 = tpu.memref_slice %arg8[%add3A_11, %dma_wait3A_369] : memref<10240x128xf32, #tpu.memory_space<vmem_shared>> -> memref<80x128xf32, #tpu.memory_space<vmem_shared>>
      tpu.wait_dma2 semaphore(%run_scoped3A : memref<!tpu.dma_semaphore, #tpu.memory_space<semaphore_mem>>) src(%arg9 : memref<80x128xf32, #tpu.memory_space<vmem>>) dst(%dma_wait3A_370 : memref<80x128xf32, #tpu.memory_space<vmem_shared>>)
      tpu.yield
    }) : () -> ()
    %add3A_12 = arith.constant 80 : i32
    %add3A_13 = arith.addi %mul3A_9, %add3A_12 : i32
    "tpu.region"() ({
      %run_scoped3A = tpu.sem_alloc : memref<!tpu.dma_semaphore, #tpu.memory_space<semaphore_mem>>
      %dma_start3A_363 = arith.constant 0 : i32
      %dma_start3A_364 = tpu.memref_slice %arg8[%add3A_13, %dma_start3A_363] : memref<10240x128xf32, #tpu.memory_space<vmem_shared>> -> memref<80x128xf32, #tpu.memory_space<vmem_shared>>
      %dma_start3A_365 = arith.constant 0 : i32
      %dma_start3A_366 = tpu.memref_slice %arg8[%add3A_13, %dma_start3A_365] : memref<10240x128xf32, #tpu.memory_space<vmem_shared>> -> memref<80x128xf32, #tpu.memory_space<vmem_shared>>
      tpu.enqueue_dma source(%arg9 : memref<80x128xf32, #tpu.memory_space<vmem>>) target(%dma_start3A_366 : memref<80x128xf32, #tpu.memory_space<vmem_shared>>) target_semaphore(%run_scoped3A : memref<!tpu.dma_semaphore, #tpu.memory_space<semaphore_mem>>)
      %dma_wait3A_367 = arith.constant 0 : i32
      %dma_wait3A_368 = tpu.memref_slice %arg8[%add3A_13, %dma_wait3A_367] : memref<10240x128xf32, #tpu.memory_space<vmem_shared>> -> memref<80x128xf32, #tpu.memory_space<vmem_shared>>
      %dma_wait3A_369 = arith.constant 0 : i32
      %dma_wait3A_370 = tpu.memref_slice %arg8[%add3A_13, %dma_wait3A_369] : memref<10240x128xf32, #tpu.memory_space<vmem_shared>> -> memref<80x128xf32, #tpu.memory_space<vmem_shared>>
      tpu.wait_dma2 semaphore(%run_scoped3A : memref<!tpu.dma_semaphore, #tpu.memory_space<semaphore_mem>>) src(%arg9 : memref<80x128xf32, #tpu.memory_space<vmem>>) dst(%dma_wait3A_370 : memref<80x128xf32, #tpu.memory_space<vmem_shared>>)
      tpu.yield
    }) : () -> ()
    %add3A_14 = arith.constant 160 : i32
    %add3A_15 = arith.addi %mul3A_9, %add3A_14 : i32
    "tpu.region"() ({
      %run_scoped3A = tpu.sem_alloc : memref<!tpu.dma_semaphore, #tpu.memory_space<semaphore_mem>>
      %dma_start3A_363 = arith.constant 0 : i32
      %dma_start3A_364 = tpu.memref_slice %arg8[%add3A_15, %dma_start3A_363] : memref<10240x128xf32, #tpu.memory_space<vmem_shared>> -> memref<80x128xf32, #tpu.memory_space<vmem_shared>>
      %dma_start3A_365 = arith.constant 0 : i32
      %dma_start3A_366 = tpu.memref_slice %arg8[%add3A_15, %dma_start3A_365] : memref<10240x128xf32, #tpu.memory_space<vmem_shared>> -> memref<80x128xf32, #tpu.memory_space<vmem_shared>>
      tpu.enqueue_dma source(%arg9 : memref<80x128xf32, #tpu.memory_space<vmem>>) target(%dma_start3A_366 : memref<80x128xf32, #tpu.memory_space<vmem_shared>>) target_semaphore(%run_scoped3A : memref<!tpu.dma_semaphore, #tpu.memory_space<semaphore_mem>>)
      %dma_wait3A_367 = arith.constant 0 : i32
      %dma_wait3A_368 = tpu.memref_slice %arg8[%add3A_15, %dma_wait3A_367] : memref<10240x128xf32, #tpu.memory_space<vmem_shared>> -> memref<80x128xf32, #tpu.memory_space<vmem_shared>>
      %dma_wait3A_369 = arith.constant 0 : i32
      %dma_wait3A_370 = tpu.memref_slice %arg8[%add3A_15, %dma_wait3A_369] : memref<10240x128xf32, #tpu.memory_space<vmem_shared>> -> memref<80x128xf32, #tpu.memory_space<vmem_shared>>
      tpu.wait_dma2 semaphore(%run_scoped3A : memref<!tpu.dma_semaphore, #tpu.memory_space<semaphore_mem>>) src(%arg9 : memref<80x128xf32, #tpu.memory_space<vmem>>) dst(%dma_wait3A_370 : memref<80x128xf32, #tpu.memory_space<vmem_shared>>)
      tpu.yield
    }) : () -> ()
    %add3A_16 = arith.constant 240 : i32
    %add3A_17 = arith.addi %mul3A_9, %add3A_16 : i32
    "tpu.region"() ({
      %run_scoped3A = tpu.sem_alloc : memref<!tpu.dma_semaphore, #tpu.memory_space<semaphore_mem>>
      %dma_start3A_363 = arith.constant 0 : i32
      %dma_start3A_364 = tpu.memref_slice %arg8[%add3A_17, %dma_start3A_363] : memref<10240x128xf32, #tpu.memory_space<vmem_shared>> -> memref<80x128xf32, #tpu.memory_space<vmem_shared>>
      %dma_start3A_365 = arith.constant 0 : i32
      %dma_start3A_366 = tpu.memref_slice %arg8[%add3A_17, %dma_start3A_365] : memref<10240x128xf32, #tpu.memory_space<vmem_shared>> -> memref<80x128xf32, #tpu.memory_space<vmem_shared>>
      tpu.enqueue_dma source(%arg9 : memref<80x128xf32, #tpu.memory_space<vmem>>) target(%dma_start3A_366 : memref<80x128xf32, #tpu.memory_space<vmem_shared>>) target_semaphore(%run_scoped3A : memref<!tpu.dma_semaphore, #tpu.memory_space<semaphore_mem>>)
      %dma_wait3A_367 = arith.constant 0 : i32
      %dma_wait3A_368 = tpu.memref_slice %arg8[%add3A_17, %dma_wait3A_367] : memref<10240x128xf32, #tpu.memory_space<vmem_shared>> -> memref<80x128xf32, #tpu.memory_space<vmem_shared>>
      %dma_wait3A_369 = arith.constant 0 : i32
      %dma_wait3A_370 = tpu.memref_slice %arg8[%add3A_17, %dma_wait3A_369] : memref<10240x128xf32, #tpu.memory_space<vmem_shared>> -> memref<80x128xf32, #tpu.memory_space<vmem_shared>>
      tpu.wait_dma2 semaphore(%run_scoped3A : memref<!tpu.dma_semaphore, #tpu.memory_space<semaphore_mem>>) src(%arg9 : memref<80x128xf32, #tpu.memory_space<vmem>>) dst(%dma_wait3A_370 : memref<80x128xf32, #tpu.memory_space<vmem_shared>>)
      tpu.yield
    }) : () -> ()
    %add3A_18 = arith.constant 320 : i32
    %add3A_19 = arith.addi %mul3A_9, %add3A_18 : i32
    "tpu.region"() ({
      %run_scoped3A = tpu.sem_alloc : memref<!tpu.dma_semaphore, #tpu.memory_space<semaphore_mem>>
      %dma_start3A_363 = arith.constant 0 : i32
      %dma_start3A_364 = tpu.memref_slice %arg8[%add3A_19, %dma_start3A_363] : memref<10240x128xf32, #tpu.memory_space<vmem_shared>> -> memref<80x128xf32, #tpu.memory_space<vmem_shared>>
      %dma_start3A_365 = arith.constant 0 : i32
      %dma_start3A_366 = tpu.memref_slice %arg8[%add3A_19, %dma_start3A_365] : memref<10240x128xf32, #tpu.memory_space<vmem_shared>> -> memref<80x128xf32, #tpu.memory_space<vmem_shared>>
      tpu.enqueue_dma source(%arg9 : memref<80x128xf32, #tpu.memory_space<vmem>>) target(%dma_start3A_366 : memref<80x128xf32, #tpu.memory_space<vmem_shared>>) target_semaphore(%run_scoped3A : memref<!tpu.dma_semaphore, #tpu.memory_space<semaphore_mem>>)
      %dma_wait3A_367 = arith.constant 0 : i32
      %dma_wait3A_368 = tpu.memref_slice %arg8[%add3A_19, %dma_wait3A_367] : memref<10240x128xf32, #tpu.memory_space<vmem_shared>> -> memref<80x128xf32, #tpu.memory_space<vmem_shared>>
      %dma_wait3A_369 = arith.constant 0 : i32
      %dma_wait3A_370 = tpu.memref_slice %arg8[%add3A_19, %dma_wait3A_369] : memref<10240x128xf32, #tpu.memory_space<vmem_shared>> -> memref<80x128xf32, #tpu.memory_space<vmem_shared>>
      tpu.wait_dma2 semaphore(%run_scoped3A : memref<!tpu.dma_semaphore, #tpu.memory_space<semaphore_mem>>) src(%arg9 : memref<80x128xf32, #tpu.memory_space<vmem>>) dst(%dma_wait3A_370 : memref<80x128xf32, #tpu.memory_space<vmem_shared>>)
      tpu.yield
    }) : () -> ()
    %add3A_20 = arith.constant 400 : i32
    %add3A_21 = arith.addi %mul3A_9, %add3A_20 : i32
    "tpu.region"() ({
      %run_scoped3A = tpu.sem_alloc : memref<!tpu.dma_semaphore, #tpu.memory_space<semaphore_mem>>
      %dma_start3A_363 = arith.constant 0 : i32
      %dma_start3A_364 = tpu.memref_slice %arg8[%add3A_21, %dma_start3A_363] : memref<10240x128xf32, #tpu.memory_space<vmem_shared>> -> memref<80x128xf32, #tpu.memory_space<vmem_shared>>
      %dma_start3A_365 = arith.constant 0 : i32
      %dma_start3A_366 = tpu.memref_slice %arg8[%add3A_21, %dma_start3A_365] : memref<10240x128xf32, #tpu.memory_space<vmem_shared>> -> memref<80x128xf32, #tpu.memory_space<vmem_shared>>
      tpu.enqueue_dma source(%arg9 : memref<80x128xf32, #tpu.memory_space<vmem>>) target(%dma_start3A_366 : memref<80x128xf32, #tpu.memory_space<vmem_shared>>) target_semaphore(%run_scoped3A : memref<!tpu.dma_semaphore, #tpu.memory_space<semaphore_mem>>)
      %dma_wait3A_367 = arith.constant 0 : i32
      %dma_wait3A_368 = tpu.memref_slice %arg8[%add3A_21, %dma_wait3A_367] : memref<10240x128xf32, #tpu.memory_space<vmem_shared>> -> memref<80x128xf32, #tpu.memory_space<vmem_shared>>
      %dma_wait3A_369 = arith.constant 0 : i32
      %dma_wait3A_370 = tpu.memref_slice %arg8[%add3A_21, %dma_wait3A_369] : memref<10240x128xf32, #tpu.memory_space<vmem_shared>> -> memref<80x128xf32, #tpu.memory_space<vmem_shared>>
      tpu.wait_dma2 semaphore(%run_scoped3A : memref<!tpu.dma_semaphore, #tpu.memory_space<semaphore_mem>>) src(%arg9 : memref<80x128xf32, #tpu.memory_space<vmem>>) dst(%dma_wait3A_370 : memref<80x128xf32, #tpu.memory_space<vmem_shared>>)
      tpu.yield
    }) : () -> ()
    %add3A_22 = arith.constant 480 : i32
    %add3A_23 = arith.addi %mul3A_9, %add3A_22 : i32
    "tpu.region"() ({
      %run_scoped3A = tpu.sem_alloc : memref<!tpu.dma_semaphore, #tpu.memory_space<semaphore_mem>>
      %dma_start3A_363 = arith.constant 0 : i32
      %dma_start3A_364 = tpu.memref_slice %arg8[%add3A_23, %dma_start3A_363] : memref<10240x128xf32, #tpu.memory_space<vmem_shared>> -> memref<80x128xf32, #tpu.memory_space<vmem_shared>>
      %dma_start3A_365 = arith.constant 0 : i32
      %dma_start3A_366 = tpu.memref_slice %arg8[%add3A_23, %dma_start3A_365] : memref<10240x128xf32, #tpu.memory_space<vmem_shared>> -> memref<80x128xf32, #tpu.memory_space<vmem_shared>>
      tpu.enqueue_dma source(%arg9 : memref<80x128xf32, #tpu.memory_space<vmem>>) target(%dma_start3A_366 : memref<80x128xf32, #tpu.memory_space<vmem_shared>>) target_semaphore(%run_scoped3A : memref<!tpu.dma_semaphore, #tpu.memory_space<semaphore_mem>>)
      %dma_wait3A_367 = arith.constant 0 : i32
      %dma_wait3A_368 = tpu.memref_slice %arg8[%add3A_23, %dma_wait3A_367] : memref<10240x128xf32, #tpu.memory_space<vmem_shared>> -> memref<80x128xf32, #tpu.memory_space<vmem_shared>>
      %dma_wait3A_369 = arith.constant 0 : i32
      %dma_wait3A_370 = tpu.memref_slice %arg8[%add3A_23, %dma_wait3A_369] : memref<10240x128xf32, #tpu.memory_space<vmem_shared>> -> memref<80x128xf32, #tpu.memory_space<vmem_shared>>
      tpu.wait_dma2 semaphore(%run_scoped3A : memref<!tpu.dma_semaphore, #tpu.memory_space<semaphore_mem>>) src(%arg9 : memref<80x128xf32, #tpu.memory_space<vmem>>) dst(%dma_wait3A_370 : memref<80x128xf32, #tpu.memory_space<vmem_shared>>)
      tpu.yield
    }) : () -> ()
    %add3A_24 = arith.constant 560 : i32
    %add3A_25 = arith.addi %mul3A_9, %add3A_24 : i32
    "tpu.region"() ({
      %run_scoped3A = tpu.sem_alloc : memref<!tpu.dma_semaphore, #tpu.memory_space<semaphore_mem>>
      %dma_start3A_363 = arith.constant 0 : i32
      %dma_start3A_364 = tpu.memref_slice %arg8[%add3A_25, %dma_start3A_363] : memref<10240x128xf32, #tpu.memory_space<vmem_shared>> -> memref<80x128xf32, #tpu.memory_space<vmem_shared>>
      %dma_start3A_365 = arith.constant 0 : i32
      %dma_start3A_366 = tpu.memref_slice %arg8[%add3A_25, %dma_start3A_365] : memref<10240x128xf32, #tpu.memory_space<vmem_shared>> -> memref<80x128xf32, #tpu.memory_space<vmem_shared>>
      tpu.enqueue_dma source(%arg9 : memref<80x128xf32, #tpu.memory_space<vmem>>) target(%dma_start3A_366 : memref<80x128xf32, #tpu.memory_space<vmem_shared>>) target_semaphore(%run_scoped3A : memref<!tpu.dma_semaphore, #tpu.memory_space<semaphore_mem>>)
      %dma_wait3A_367 = arith.constant 0 : i32
      %dma_wait3A_368 = tpu.memref_slice %arg8[%add3A_25, %dma_wait3A_367] : memref<10240x128xf32, #tpu.memory_space<vmem_shared>> -> memref<80x128xf32, #tpu.memory_space<vmem_shared>>
      %dma_wait3A_369 = arith.constant 0 : i32
      %dma_wait3A_370 = tpu.memref_slice %arg8[%add3A_25, %dma_wait3A_369] : memref<10240x128xf32, #tpu.memory_space<vmem_shared>> -> memref<80x128xf32, #tpu.memory_space<vmem_shared>>
      tpu.wait_dma2 semaphore(%run_scoped3A : memref<!tpu.dma_semaphore, #tpu.memory_space<semaphore_mem>>) src(%arg9 : memref<80x128xf32, #tpu.memory_space<vmem>>) dst(%dma_wait3A_370 : memref<80x128xf32, #tpu.memory_space<vmem_shared>>)
      tpu.yield
    }) : () -> ()
    %broadcast_in_dim3A_26 = arith.constant 0.000000e+00 : f32
    %broadcast_in_dim3A_27 = vector.broadcast %broadcast_in_dim3A_26 : f32 to vector<16xf32>
    %scan3A_28 = arith.constant 0 : i32
    %scan3A_29 = arith.constant 0 : i32
    %scan3A_30 = arith.constant 640 : i32
    %scan3A_31 = arith.addi %scan3A_29, %scan3A_30 : i32
    %scan3A_32 = arith.constant 1 : i32
    %scan3A_33 = scf.for %scan3A_363 = %scan3A_29 to %scan3A_31 step %scan3A_32 iter_args(%scan3A_364 = %scan3A_28) -> (i32)  : i32 {
      %mul3A_365 = arith.constant 16 : i32
      %mul3A_366 = arith.muli %scan3A_363, %mul3A_365 : i32
      %swap3A = arith.index_cast %mul3A_366 : i32 to index
      %swap3A_367 = tpu.vector_load %arg13[%swap3A] {strides = array<i32>} : memref<10240xf32, #tpu.memory_space<vmem>>, vector<16xf32>,
      tpu.vector_store %arg13[%swap3A], %broadcast_in_dim3A_27 {strides = array<i32>} : memref<10240xf32, #tpu.memory_space<vmem>>, vector<16xf32>,
      %scan3A_368 = arith.constant 0 : i32
      scf.yield %scan3A_368 : i32
    }
    %scan3A_34 = arith.constant 640 : i32
    %barrier3A = arith.constant 0 : index
    tpu.barrier barrier_id(%barrier3A)
    %broadcast_in_dim3A_35 = arith.constant 1.000000e+00 : f32
    %broadcast_in_dim3A_36 = vector.broadcast %broadcast_in_dim3A_35 : f32 to vector<16xf32>
    %scan3A_37 = arith.constant 0 : i32
    %scan3A_38 = arith.constant 0 : i32
    %scan3A_39 = arith.constant 125 : i32
    %scan3A_40 = arith.addi %scan3A_38, %scan3A_39 : i32
    %scan3A_41 = arith.constant 1 : i32
    %scan3A_42 = scf.for %scan3A_363 = %scan3A_38 to %scan3A_40 step %scan3A_41 iter_args(%scan3A_364 = %scan3A_37) -> (i32)  : i32 {
      %mul3A_365 = arith.constant 32 : i32
      %mul3A_366 = arith.muli %scan3A_363, %mul3A_365 : i32
      %add3A_367 = arith.addi %mul3A_366, %add3A : i32
      %lt3A = arith.constant 4000 : i32
      %lt3A_368 = arith.cmpi slt, %add3A_367, %lt3A : i32
      %convert_element_type3A = arith.extui %lt3A_368 : i1 to i32
      %cond3A = arith.constant 0 : i32
      %cond3A_369 = arith.cmpi ne, %convert_element_type3A, %cond3A : i32
      scf.if %cond3A_369 {
        %mul3A_371 = arith.constant 80 : i32
        %mul3A_372 = arith.muli %add3A_367, %mul3A_371 : i32
        "tpu.region"() ({
          %run_scoped3A = tpu.sem_alloc : memref<!tpu.dma_semaphore, #tpu.memory_space<semaphore_mem>>
          %dma_start3A_388 = tpu.memref_slice %arg4[%mul3A_372] : memref<320000xi32, #tpu.memory_space<hbm>> -> memref<80xi32, #tpu.memory_space<hbm>>
          %dma_start3A_389 = tpu.memref_slice %arg4[%mul3A_372] : memref<320000xi32, #tpu.memory_space<hbm>> -> memref<80xi32, #tpu.memory_space<hbm>>
          tpu.enqueue_dma source(%dma_start3A_389 : memref<80xi32, #tpu.memory_space<hbm>>) target(%arg10 : memref<80xi32, #tpu.memory_space<vmem>>) target_semaphore(%run_scoped3A : memref<!tpu.dma_semaphore, #tpu.memory_space<semaphore_mem>>)
          %dma_wait3A_390 = tpu.memref_slice %arg4[%mul3A_372] : memref<320000xi32, #tpu.memory_space<hbm>> -> memref<80xi32, #tpu.memory_space<hbm>>
          %dma_wait3A_391 = tpu.memref_slice %arg4[%mul3A_372] : memref<320000xi32, #tpu.memory_space<hbm>> -> memref<80xi32, #tpu.memory_space<hbm>>
          tpu.wait_dma2 semaphore(%run_scoped3A : memref<!tpu.dma_semaphore, #tpu.memory_space<semaphore_mem>>) src(%dma_wait3A_391 : memref<80xi32, #tpu.memory_space<hbm>>) dst(%arg10 : memref<80xi32, #tpu.memory_space<vmem>>)
          tpu.yield
        }) : () -> ()
        "tpu.region"() ({
          %run_scoped3A = tpu.sem_alloc : memref<!tpu.dma_semaphore, #tpu.memory_space<semaphore_mem>>
          %dma_start3A_388 = tpu.memref_slice %arg3[%mul3A_372] : memref<320000xi32, #tpu.memory_space<hbm>> -> memref<80xi32, #tpu.memory_space<hbm>>
          %dma_start3A_389 = tpu.memref_slice %arg3[%mul3A_372] : memref<320000xi32, #tpu.memory_space<hbm>> -> memref<80xi32, #tpu.memory_space<hbm>>
          tpu.enqueue_dma source(%dma_start3A_389 : memref<80xi32, #tpu.memory_space<hbm>>) target(%arg11 : memref<80xi32, #tpu.memory_space<vmem>>) target_semaphore(%run_scoped3A : memref<!tpu.dma_semaphore, #tpu.memory_space<semaphore_mem>>)
          %dma_wait3A_390 = tpu.memref_slice %arg3[%mul3A_372] : memref<320000xi32, #tpu.memory_space<hbm>> -> memref<80xi32, #tpu.memory_space<hbm>>
          %dma_wait3A_391 = tpu.memref_slice %arg3[%mul3A_372] : memref<320000xi32, #tpu.memory_space<hbm>> -> memref<80xi32, #tpu.memory_space<hbm>>
          tpu.wait_dma2 semaphore(%run_scoped3A : memref<!tpu.dma_semaphore, #tpu.memory_space<semaphore_mem>>) src(%dma_wait3A_391 : memref<80xi32, #tpu.memory_space<hbm>>) dst(%arg11 : memref<80xi32, #tpu.memory_space<vmem>>)
          tpu.yield
        }) : () -> ()
        %dma_start3A_373 = arith.constant 0 : i32
        %dma_start3A_374 = arith.constant 0 : i32
        %dma_start3A_375 = tpu.memref_slice %arg2[%dma_start3A_373, %dma_start3A_374] : memref<10000x128xf32, #tpu.memory_space<hbm>> -> memref<10000x128xf32, #tpu.memory_space<hbm>>
        tpu.enqueue_indirect_dma source(%dma_start3A_375 : memref<10000x128xf32, #tpu.memory_space<hbm>>) target(%arg9 : memref<80x128xf32, #tpu.memory_space<vmem>>) offsets(%arg11 : memref<80xi32, #tpu.memory_space<vmem>>) semaphore(%arg12 : memref<!tpu.dma_semaphore, #tpu.memory_space<semaphore_mem>>)
        %dma_wait3A_376 = arith.constant 0 : i32
        %dma_wait3A_377 = arith.constant 0 : i32
        %dma_wait3A_378 = tpu.memref_slice %arg2[%dma_wait3A_376, %dma_wait3A_377] : memref<10000x128xf32, #tpu.memory_space<hbm>> -> memref<10000x128xf32, #tpu.memory_space<hbm>>
        tpu.wait_indirect_dma semaphore(%arg12 : memref<!tpu.dma_semaphore, #tpu.memory_space<semaphore_mem>>) src(%dma_wait3A_378 : memref<10000x128xf32, #tpu.memory_space<hbm>>) dst(%arg9 : memref<80x128xf32, #tpu.memory_space<vmem>>)
        "tpu.region"() ({
          %run_scoped3A = tpu.sem_alloc : memref<!tpu.dma_semaphore, #tpu.memory_space<semaphore_mem>>
          %dma_start3A_388 = arith.constant 0 : i32
          %dma_start3A_389 = arith.constant 0 : i32
          %dma_start3A_390 = tpu.memref_slice %arg8[%dma_start3A_388, %dma_start3A_389] : memref<10240x128xf32, #tpu.memory_space<vmem_shared>> -> memref<10240x128xf32, #tpu.memory_space<vmem_shared>>
          tpu.enqueue_indirect_dma source(%arg9 : memref<80x128xf32, #tpu.memory_space<vmem>>) target(%dma_start3A_390 : memref<10240x128xf32, #tpu.memory_space<vmem_shared>>) offsets(%arg10 : memref<80xi32, #tpu.memory_space<vmem>>) semaphore(%run_scoped3A : memref<!tpu.dma_semaphore, #tpu.memory_space<semaphore_mem>>) {add = true}
          %dma_wait3A_391 = arith.constant 0 : i32
          %dma_wait3A_392 = arith.constant 0 : i32
          %dma_wait3A_393 = tpu.memref_slice %arg8[%dma_wait3A_391, %dma_wait3A_392] : memref<10240x128xf32, #tpu.memory_space<vmem_shared>> -> memref<10240x128xf32, #tpu.memory_space<vmem_shared>>
          tpu.wait_indirect_dma semaphore(%run_scoped3A : memref<!tpu.dma_semaphore, #tpu.memory_space<semaphore_mem>>) src(%arg9 : memref<80x128xf32, #tpu.memory_space<vmem>>) dst(%dma_wait3A_393 : memref<10240x128xf32, #tpu.memory_space<vmem_shared>>)
          tpu.yield
        }) : () -> ()
        %get3A = arith.constant 0 : index
        %get3A_379 = tpu.vector_load %arg10[%get3A] {strides = array<i32>} : memref<80xi32, #tpu.memory_space<vmem>>, vector<16xi32>,
        tpu.vector_store_idx %arg13[%get3A_379], %broadcast_in_dim3A_36 {add = true} : memref<10240xf32, #tpu.memory_space<vmem>>[vector<16xi32>], vector<16xf32>,
        %get3A_380 = arith.constant 16 : index
        %get3A_381 = tpu.vector_load %arg10[%get3A_380] {strides = array<i32>} : memref<80xi32, #tpu.memory_space<vmem>>, vector<16xi32>,
        tpu.vector_store_idx %arg13[%get3A_381], %broadcast_in_dim3A_36 {add = true} : memref<10240xf32, #tpu.memory_space<vmem>>[vector<16xi32>], vector<16xf32>,
        %get3A_382 = arith.constant 32 : index
        %get3A_383 = tpu.vector_load %arg10[%get3A_382] {strides = array<i32>} : memref<80xi32, #tpu.memory_space<vmem>>, vector<16xi32>,
        tpu.vector_store_idx %arg13[%get3A_383], %broadcast_in_dim3A_36 {add = true} : memref<10240xf32, #tpu.memory_space<vmem>>[vector<16xi32>], vector<16xf32>,
        %get3A_384 = arith.constant 48 : index
        %get3A_385 = tpu.vector_load %arg10[%get3A_384] {strides = array<i32>} : memref<80xi32, #tpu.memory_space<vmem>>, vector<16xi32>,
        tpu.vector_store_idx %arg13[%get3A_385], %broadcast_in_dim3A_36 {add = true} : memref<10240xf32, #tpu.memory_space<vmem>>[vector<16xi32>], vector<16xf32>,
        %get3A_386 = arith.constant 64 : index
        %get3A_387 = tpu.vector_load %arg10[%get3A_386] {strides = array<i32>} : memref<80xi32, #tpu.memory_space<vmem>>, vector<16xi32>,
        tpu.vector_store_idx %arg13[%get3A_387], %broadcast_in_dim3A_36 {add = true} : memref<10240xf32, #tpu.memory_space<vmem>>[vector<16xi32>], vector<16xf32>,
      } else {
      }
      %scan3A_370 = arith.constant 0 : i32
      scf.yield %scan3A_370 : i32
    }
    %scan3A_43 = arith.constant 125 : i32
    %mul3A_44 = arith.constant 16 : i32
    %mul3A_45 = arith.muli %arg0, %mul3A_44 : i32
    %add3A_46 = arith.addi %mul3A_45, %arg1 : i32
    %mul3A_47 = arith.constant 10240 : i32
    %mul3A_48 = arith.muli %add3A_46, %mul3A_47 : i32
    "tpu.region"() ({
      %run_scoped3A = tpu.sem_alloc : memref<!tpu.dma_semaphore, #tpu.memory_space<semaphore_mem>>
      %dma_start3A_363 = tpu.memref_slice %arg7[%mul3A_48] : memref<327680xf32, #tpu.memory_space<hbm>> -> memref<10240xf32, #tpu.memory_space<hbm>>
      %dma_start3A_364 = tpu.memref_slice %arg7[%mul3A_48] : memref<327680xf32, #tpu.memory_space<hbm>> -> memref<10240xf32, #tpu.memory_space<hbm>>
      tpu.enqueue_dma source(%arg13 : memref<10240xf32, #tpu.memory_space<vmem>>) target(%dma_start3A_364 : memref<10240xf32, #tpu.memory_space<hbm>>) target_semaphore(%run_scoped3A : memref<!tpu.dma_semaphore, #tpu.memory_space<semaphore_mem>>)
      %dma_wait3A_365 = tpu.memref_slice %arg7[%mul3A_48] : memref<327680xf32, #tpu.memory_space<hbm>> -> memref<10240xf32, #tpu.memory_space<hbm>>
      %dma_wait3A_366 = tpu.memref_slice %arg7[%mul3A_48] : memref<327680xf32, #tpu.memory_space<hbm>> -> memref<10240xf32, #tpu.memory_space<hbm>>
      tpu.wait_dma2 semaphore(%run_scoped3A : memref<!tpu.dma_semaphore, #tpu.memory_space<semaphore_mem>>) src(%arg13 : memref<10240xf32, #tpu.memory_space<vmem>>) dst(%dma_wait3A_366 : memref<10240xf32, #tpu.memory_space<hbm>>)
      tpu.yield
    }) : () -> ()
    %barrier3A_49 = arith.constant 0 : index
    tpu.barrier barrier_id(%barrier3A_49)
    %mul3A_50 = arith.constant 16 : i32
    %mul3A_51 = arith.muli %arg0, %mul3A_50 : i32
    %add3A_52 = arith.constant 0 : i32
    %add3A_53 = arith.addi %mul3A_51, %add3A_52 : i32
    %mul3A_54 = arith.constant 10240 : i32
    %mul3A_55 = arith.muli %add3A_53, %mul3A_54 : i32
    %add3A_56 = arith.addi %mul3A_55, %mul3A_9 : i32
    %dma_start3A = arith.constant 0 : i32
    %dma_start3A_57 = tpu.memref_slice %arg14[%dma_start3A] : memref<10240xf32, #tpu.memory_space<vmem>> -> memref<640xf32, #tpu.memory_space<vmem>>
    %dma_start3A_58 = tpu.memref_slice %arg7[%add3A_56] : memref<327680xf32, #tpu.memory_space<hbm>> -> memref<640xf32, #tpu.memory_space<hbm>>
    %dma_start3A_59 = arith.constant 0 : i32
    %dma_start3A_60 = tpu.memref_slice %arg14[%dma_start3A_59] : memref<10240xf32, #tpu.memory_space<vmem>> -> memref<640xf32, #tpu.memory_space<vmem>>
    %dma_start3A_61 = tpu.memref_slice %arg7[%add3A_56] : memref<327680xf32, #tpu.memory_space<hbm>> -> memref<640xf32, #tpu.memory_space<hbm>>
    tpu.enqueue_dma source(%dma_start3A_61 : memref<640xf32, #tpu.memory_space<hbm>>) target(%dma_start3A_60 : memref<640xf32, #tpu.memory_space<vmem>>) target_semaphore(%arg12 : memref<!tpu.dma_semaphore, #tpu.memory_space<semaphore_mem>>)
    %mul3A_62 = arith.constant 16 : i32
    %mul3A_63 = arith.muli %arg0, %mul3A_62 : i32
    %add3A_64 = arith.constant 1 : i32
    %add3A_65 = arith.addi %mul3A_63, %add3A_64 : i32
    %mul3A_66 = arith.constant 10240 : i32
    %mul3A_67 = arith.muli %add3A_65, %mul3A_66 : i32
    %add3A_68 = arith.addi %mul3A_67, %mul3A_9 : i32
    %dma_start3A_69 = arith.constant 640 : i32
    %dma_start3A_70 = tpu.memref_slice %arg14[%dma_start3A_69] : memref<10240xf32, #tpu.memory_space<vmem>> -> memref<640xf32, #tpu.memory_space<vmem>>
    %dma_start3A_71 = tpu.memref_slice %arg7[%add3A_68] : memref<327680xf32, #tpu.memory_space<hbm>> -> memref<640xf32, #tpu.memory_space<hbm>>
    %dma_start3A_72 = arith.constant 640 : i32
    %dma_start3A_73 = tpu.memref_slice %arg14[%dma_start3A_72] : memref<10240xf32, #tpu.memory_space<vmem>> -> memref<640xf32, #tpu.memory_space<vmem>>
    %dma_start3A_74 = tpu.memref_slice %arg7[%add3A_68] : memref<327680xf32, #tpu.memory_space<hbm>> -> memref<640xf32, #tpu.memory_space<hbm>>
    tpu.enqueue_dma source(%dma_start3A_74 : memref<640xf32, #tpu.memory_space<hbm>>) target(%dma_start3A_73 : memref<640xf32, #tpu.memory_space<vmem>>) target_semaphore(%arg12 : memref<!tpu.dma_semaphore, #tpu.memory_space<semaphore_mem>>)
    %mul3A_75 = arith.constant 16 : i32
    %mul3A_76 = arith.muli %arg0, %mul3A_75 : i32
    %add3A_77 = arith.constant 2 : i32
    %add3A_78 = arith.addi %mul3A_76, %add3A_77 : i32
    %mul3A_79 = arith.constant 10240 : i32
    %mul3A_80 = arith.muli %add3A_78, %mul3A_79 : i32
    %add3A_81 = arith.addi %mul3A_80, %mul3A_9 : i32
    %dma_start3A_82 = arith.constant 1280 : i32
    %dma_start3A_83 = tpu.memref_slice %arg14[%dma_start3A_82] : memref<10240xf32, #tpu.memory_space<vmem>> -> memref<640xf32, #tpu.memory_space<vmem>>
    %dma_start3A_84 = tpu.memref_slice %arg7[%add3A_81] : memref<327680xf32, #tpu.memory_space<hbm>> -> memref<640xf32, #tpu.memory_space<hbm>>
    %dma_start3A_85 = arith.constant 1280 : i32
    %dma_start3A_86 = tpu.memref_slice %arg14[%dma_start3A_85] : memref<10240xf32, #tpu.memory_space<vmem>> -> memref<640xf32, #tpu.memory_space<vmem>>
    %dma_start3A_87 = tpu.memref_slice %arg7[%add3A_81] : memref<327680xf32, #tpu.memory_space<hbm>> -> memref<640xf32, #tpu.memory_space<hbm>>
    tpu.enqueue_dma source(%dma_start3A_87 : memref<640xf32, #tpu.memory_space<hbm>>) target(%dma_start3A_86 : memref<640xf32, #tpu.memory_space<vmem>>) target_semaphore(%arg12 : memref<!tpu.dma_semaphore, #tpu.memory_space<semaphore_mem>>)
    %mul3A_88 = arith.constant 16 : i32
    %mul3A_89 = arith.muli %arg0, %mul3A_88 : i32
    %add3A_90 = arith.constant 3 : i32
    %add3A_91 = arith.addi %mul3A_89, %add3A_90 : i32
    %mul3A_92 = arith.constant 10240 : i32
    %mul3A_93 = arith.muli %add3A_91, %mul3A_92 : i32
    %add3A_94 = arith.addi %mul3A_93, %mul3A_9 : i32
    %dma_start3A_95 = arith.constant 1920 : i32
    %dma_start3A_96 = tpu.memref_slice %arg14[%dma_start3A_95] : memref<10240xf32, #tpu.memory_space<vmem>> -> memref<640xf32, #tpu.memory_space<vmem>>
    %dma_start3A_97 = tpu.memref_slice %arg7[%add3A_94] : memref<327680xf32, #tpu.memory_space<hbm>> -> memref<640xf32, #tpu.memory_space<hbm>>
    %dma_start3A_98 = arith.constant 1920 : i32
    %dma_start3A_99 = tpu.memref_slice %arg14[%dma_start3A_98] : memref<10240xf32, #tpu.memory_space<vmem>> -> memref<640xf32, #tpu.memory_space<vmem>>
    %dma_start3A_100 = tpu.memref_slice %arg7[%add3A_94] : memref<327680xf32, #tpu.memory_space<hbm>> -> memref<640xf32, #tpu.memory_space<hbm>>
    tpu.enqueue_dma source(%dma_start3A_100 : memref<640xf32, #tpu.memory_space<hbm>>) target(%dma_start3A_99 : memref<640xf32, #tpu.memory_space<vmem>>) target_semaphore(%arg12 : memref<!tpu.dma_semaphore, #tpu.memory_space<semaphore_mem>>)
    %mul3A_101 = arith.constant 16 : i32
    %mul3A_102 = arith.muli %arg0, %mul3A_101 : i32
    %add3A_103 = arith.constant 4 : i32
    %add3A_104 = arith.addi %mul3A_102, %add3A_103 : i32
    %mul3A_105 = arith.constant 10240 : i32
    %mul3A_106 = arith.muli %add3A_104, %mul3A_105 : i32
    %add3A_107 = arith.addi %mul3A_106, %mul3A_9 : i32
    %dma_start3A_108 = arith.constant 2560 : i32
    %dma_start3A_109 = tpu.memref_slice %arg14[%dma_start3A_108] : memref<10240xf32, #tpu.memory_space<vmem>> -> memref<640xf32, #tpu.memory_space<vmem>>
    %dma_start3A_110 = tpu.memref_slice %arg7[%add3A_107] : memref<327680xf32, #tpu.memory_space<hbm>> -> memref<640xf32, #tpu.memory_space<hbm>>
    %dma_start3A_111 = arith.constant 2560 : i32
    %dma_start3A_112 = tpu.memref_slice %arg14[%dma_start3A_111] : memref<10240xf32, #tpu.memory_space<vmem>> -> memref<640xf32, #tpu.memory_space<vmem>>
    %dma_start3A_113 = tpu.memref_slice %arg7[%add3A_107] : memref<327680xf32, #tpu.memory_space<hbm>> -> memref<640xf32, #tpu.memory_space<hbm>>
    tpu.enqueue_dma source(%dma_start3A_113 : memref<640xf32, #tpu.memory_space<hbm>>) target(%dma_start3A_112 : memref<640xf32, #tpu.memory_space<vmem>>) target_semaphore(%arg12 : memref<!tpu.dma_semaphore, #tpu.memory_space<semaphore_mem>>)
    %mul3A_114 = arith.constant 16 : i32
    %mul3A_115 = arith.muli %arg0, %mul3A_114 : i32
    %add3A_116 = arith.constant 5 : i32
    %add3A_117 = arith.addi %mul3A_115, %add3A_116 : i32
    %mul3A_118 = arith.constant 10240 : i32
    %mul3A_119 = arith.muli %add3A_117, %mul3A_118 : i32
    %add3A_120 = arith.addi %mul3A_119, %mul3A_9 : i32
    %dma_start3A_121 = arith.constant 3200 : i32
    %dma_start3A_122 = tpu.memref_slice %arg14[%dma_start3A_121] : memref<10240xf32, #tpu.memory_space<vmem>> -> memref<640xf32, #tpu.memory_space<vmem>>
    %dma_start3A_123 = tpu.memref_slice %arg7[%add3A_120] : memref<327680xf32, #tpu.memory_space<hbm>> -> memref<640xf32, #tpu.memory_space<hbm>>
    %dma_start3A_124 = arith.constant 3200 : i32
    %dma_start3A_125 = tpu.memref_slice %arg14[%dma_start3A_124] : memref<10240xf32, #tpu.memory_space<vmem>> -> memref<640xf32, #tpu.memory_space<vmem>>
    %dma_start3A_126 = tpu.memref_slice %arg7[%add3A_120] : memref<327680xf32, #tpu.memory_space<hbm>> -> memref<640xf32, #tpu.memory_space<hbm>>
    tpu.enqueue_dma source(%dma_start3A_126 : memref<640xf32, #tpu.memory_space<hbm>>) target(%dma_start3A_125 : memref<640xf32, #tpu.memory_space<vmem>>) target_semaphore(%arg12 : memref<!tpu.dma_semaphore, #tpu.memory_space<semaphore_mem>>)
    %mul3A_127 = arith.constant 16 : i32
    %mul3A_128 = arith.muli %arg0, %mul3A_127 : i32
    %add3A_129 = arith.constant 6 : i32
    %add3A_130 = arith.addi %mul3A_128, %add3A_129 : i32
    %mul3A_131 = arith.constant 10240 : i32
    %mul3A_132 = arith.muli %add3A_130, %mul3A_131 : i32
    %add3A_133 = arith.addi %mul3A_132, %mul3A_9 : i32
    %dma_start3A_134 = arith.constant 3840 : i32
    %dma_start3A_135 = tpu.memref_slice %arg14[%dma_start3A_134] : memref<10240xf32, #tpu.memory_space<vmem>> -> memref<640xf32, #tpu.memory_space<vmem>>
    %dma_start3A_136 = tpu.memref_slice %arg7[%add3A_133] : memref<327680xf32, #tpu.memory_space<hbm>> -> memref<640xf32, #tpu.memory_space<hbm>>
    %dma_start3A_137 = arith.constant 3840 : i32
    %dma_start3A_138 = tpu.memref_slice %arg14[%dma_start3A_137] : memref<10240xf32, #tpu.memory_space<vmem>> -> memref<640xf32, #tpu.memory_space<vmem>>
    %dma_start3A_139 = tpu.memref_slice %arg7[%add3A_133] : memref<327680xf32, #tpu.memory_space<hbm>> -> memref<640xf32, #tpu.memory_space<hbm>>
    tpu.enqueue_dma source(%dma_start3A_139 : memref<640xf32, #tpu.memory_space<hbm>>) target(%dma_start3A_138 : memref<640xf32, #tpu.memory_space<vmem>>) target_semaphore(%arg12 : memref<!tpu.dma_semaphore, #tpu.memory_space<semaphore_mem>>)
    %mul3A_140 = arith.constant 16 : i32
    %mul3A_141 = arith.muli %arg0, %mul3A_140 : i32
    %add3A_142 = arith.constant 7 : i32
    %add3A_143 = arith.addi %mul3A_141, %add3A_142 : i32
    %mul3A_144 = arith.constant 10240 : i32
    %mul3A_145 = arith.muli %add3A_143, %mul3A_144 : i32
    %add3A_146 = arith.addi %mul3A_145, %mul3A_9 : i32
    %dma_start3A_147 = arith.constant 4480 : i32
    %dma_start3A_148 = tpu.memref_slice %arg14[%dma_start3A_147] : memref<10240xf32, #tpu.memory_space<vmem>> -> memref<640xf32, #tpu.memory_space<vmem>>
    %dma_start3A_149 = tpu.memref_slice %arg7[%add3A_146] : memref<327680xf32, #tpu.memory_space<hbm>> -> memref<640xf32, #tpu.memory_space<hbm>>
    %dma_start3A_150 = arith.constant 4480 : i32
    %dma_start3A_151 = tpu.memref_slice %arg14[%dma_start3A_150] : memref<10240xf32, #tpu.memory_space<vmem>> -> memref<640xf32, #tpu.memory_space<vmem>>
    %dma_start3A_152 = tpu.memref_slice %arg7[%add3A_146] : memref<327680xf32, #tpu.memory_space<hbm>> -> memref<640xf32, #tpu.memory_space<hbm>>
    tpu.enqueue_dma source(%dma_start3A_152 : memref<640xf32, #tpu.memory_space<hbm>>) target(%dma_start3A_151 : memref<640xf32, #tpu.memory_space<vmem>>) target_semaphore(%arg12 : memref<!tpu.dma_semaphore, #tpu.memory_space<semaphore_mem>>)
    %mul3A_153 = arith.constant 16 : i32
    %mul3A_154 = arith.muli %arg0, %mul3A_153 : i32
    %add3A_155 = arith.constant 8 : i32
    %add3A_156 = arith.addi %mul3A_154, %add3A_155 : i32
    %mul3A_157 = arith.constant 10240 : i32
    %mul3A_158 = arith.muli %add3A_156, %mul3A_157 : i32
    %add3A_159 = arith.addi %mul3A_158, %mul3A_9 : i32
    %dma_start3A_160 = arith.constant 5120 : i32
    %dma_start3A_161 = tpu.memref_slice %arg14[%dma_start3A_160] : memref<10240xf32, #tpu.memory_space<vmem>> -> memref<640xf32, #tpu.memory_space<vmem>>
    %dma_start3A_162 = tpu.memref_slice %arg7[%add3A_159] : memref<327680xf32, #tpu.memory_space<hbm>> -> memref<640xf32, #tpu.memory_space<hbm>>
    %dma_start3A_163 = arith.constant 5120 : i32
    %dma_start3A_164 = tpu.memref_slice %arg14[%dma_start3A_163] : memref<10240xf32, #tpu.memory_space<vmem>> -> memref<640xf32, #tpu.memory_space<vmem>>
    %dma_start3A_165 = tpu.memref_slice %arg7[%add3A_159] : memref<327680xf32, #tpu.memory_space<hbm>> -> memref<640xf32, #tpu.memory_space<hbm>>
    tpu.enqueue_dma source(%dma_start3A_165 : memref<640xf32, #tpu.memory_space<hbm>>) target(%dma_start3A_164 : memref<640xf32, #tpu.memory_space<vmem>>) target_semaphore(%arg12 : memref<!tpu.dma_semaphore, #tpu.memory_space<semaphore_mem>>)
    %mul3A_166 = arith.constant 16 : i32
    %mul3A_167 = arith.muli %arg0, %mul3A_166 : i32
    %add3A_168 = arith.constant 9 : i32
    %add3A_169 = arith.addi %mul3A_167, %add3A_168 : i32
    %mul3A_170 = arith.constant 10240 : i32
    %mul3A_171 = arith.muli %add3A_169, %mul3A_170 : i32
    %add3A_172 = arith.addi %mul3A_171, %mul3A_9 : i32
    %dma_start3A_173 = arith.constant 5760 : i32
    %dma_start3A_174 = tpu.memref_slice %arg14[%dma_start3A_173] : memref<10240xf32, #tpu.memory_space<vmem>> -> memref<640xf32, #tpu.memory_space<vmem>>
    %dma_start3A_175 = tpu.memref_slice %arg7[%add3A_172] : memref<327680xf32, #tpu.memory_space<hbm>> -> memref<640xf32, #tpu.memory_space<hbm>>
    %dma_start3A_176 = arith.constant 5760 : i32
    %dma_start3A_177 = tpu.memref_slice %arg14[%dma_start3A_176] : memref<10240xf32, #tpu.memory_space<vmem>> -> memref<640xf32, #tpu.memory_space<vmem>>
    %dma_start3A_178 = tpu.memref_slice %arg7[%add3A_172] : memref<327680xf32, #tpu.memory_space<hbm>> -> memref<640xf32, #tpu.memory_space<hbm>>
    tpu.enqueue_dma source(%dma_start3A_178 : memref<640xf32, #tpu.memory_space<hbm>>) target(%dma_start3A_177 : memref<640xf32, #tpu.memory_space<vmem>>) target_semaphore(%arg12 : memref<!tpu.dma_semaphore, #tpu.memory_space<semaphore_mem>>)
    %mul3A_179 = arith.constant 16 : i32
    %mul3A_180 = arith.muli %arg0, %mul3A_179 : i32
    %add3A_181 = arith.constant 10 : i32
    %add3A_182 = arith.addi %mul3A_180, %add3A_181 : i32
    %mul3A_183 = arith.constant 10240 : i32
    %mul3A_184 = arith.muli %add3A_182, %mul3A_183 : i32
    %add3A_185 = arith.addi %mul3A_184, %mul3A_9 : i32
    %dma_start3A_186 = arith.constant 6400 : i32
    %dma_start3A_187 = tpu.memref_slice %arg14[%dma_start3A_186] : memref<10240xf32, #tpu.memory_space<vmem>> -> memref<640xf32, #tpu.memory_space<vmem>>
    %dma_start3A_188 = tpu.memref_slice %arg7[%add3A_185] : memref<327680xf32, #tpu.memory_space<hbm>> -> memref<640xf32, #tpu.memory_space<hbm>>
    %dma_start3A_189 = arith.constant 6400 : i32
    %dma_start3A_190 = tpu.memref_slice %arg14[%dma_start3A_189] : memref<10240xf32, #tpu.memory_space<vmem>> -> memref<640xf32, #tpu.memory_space<vmem>>
    %dma_start3A_191 = tpu.memref_slice %arg7[%add3A_185] : memref<327680xf32, #tpu.memory_space<hbm>> -> memref<640xf32, #tpu.memory_space<hbm>>
    tpu.enqueue_dma source(%dma_start3A_191 : memref<640xf32, #tpu.memory_space<hbm>>) target(%dma_start3A_190 : memref<640xf32, #tpu.memory_space<vmem>>) target_semaphore(%arg12 : memref<!tpu.dma_semaphore, #tpu.memory_space<semaphore_mem>>)
    %mul3A_192 = arith.constant 16 : i32
    %mul3A_193 = arith.muli %arg0, %mul3A_192 : i32
    %add3A_194 = arith.constant 11 : i32
    %add3A_195 = arith.addi %mul3A_193, %add3A_194 : i32
    %mul3A_196 = arith.constant 10240 : i32
    %mul3A_197 = arith.muli %add3A_195, %mul3A_196 : i32
    %add3A_198 = arith.addi %mul3A_197, %mul3A_9 : i32
    %dma_start3A_199 = arith.constant 7040 : i32
    %dma_start3A_200 = tpu.memref_slice %arg14[%dma_start3A_199] : memref<10240xf32, #tpu.memory_space<vmem>> -> memref<640xf32, #tpu.memory_space<vmem>>
    %dma_start3A_201 = tpu.memref_slice %arg7[%add3A_198] : memref<327680xf32, #tpu.memory_space<hbm>> -> memref<640xf32, #tpu.memory_space<hbm>>
    %dma_start3A_202 = arith.constant 7040 : i32
    %dma_start3A_203 = tpu.memref_slice %arg14[%dma_start3A_202] : memref<10240xf32, #tpu.memory_space<vmem>> -> memref<640xf32, #tpu.memory_space<vmem>>
    %dma_start3A_204 = tpu.memref_slice %arg7[%add3A_198] : memref<327680xf32, #tpu.memory_space<hbm>> -> memref<640xf32, #tpu.memory_space<hbm>>
    tpu.enqueue_dma source(%dma_start3A_204 : memref<640xf32, #tpu.memory_space<hbm>>) target(%dma_start3A_203 : memref<640xf32, #tpu.memory_space<vmem>>) target_semaphore(%arg12 : memref<!tpu.dma_semaphore, #tpu.memory_space<semaphore_mem>>)
    %mul3A_205 = arith.constant 16 : i32
    %mul3A_206 = arith.muli %arg0, %mul3A_205 : i32
    %add3A_207 = arith.constant 12 : i32
    %add3A_208 = arith.addi %mul3A_206, %add3A_207 : i32
    %mul3A_209 = arith.constant 10240 : i32
    %mul3A_210 = arith.muli %add3A_208, %mul3A_209 : i32
    %add3A_211 = arith.addi %mul3A_210, %mul3A_9 : i32
    %dma_start3A_212 = arith.constant 7680 : i32
    %dma_start3A_213 = tpu.memref_slice %arg14[%dma_start3A_212] : memref<10240xf32, #tpu.memory_space<vmem>> -> memref<640xf32, #tpu.memory_space<vmem>>
    %dma_start3A_214 = tpu.memref_slice %arg7[%add3A_211] : memref<327680xf32, #tpu.memory_space<hbm>> -> memref<640xf32, #tpu.memory_space<hbm>>
    %dma_start3A_215 = arith.constant 7680 : i32
    %dma_start3A_216 = tpu.memref_slice %arg14[%dma_start3A_215] : memref<10240xf32, #tpu.memory_space<vmem>> -> memref<640xf32, #tpu.memory_space<vmem>>
    %dma_start3A_217 = tpu.memref_slice %arg7[%add3A_211] : memref<327680xf32, #tpu.memory_space<hbm>> -> memref<640xf32, #tpu.memory_space<hbm>>
    tpu.enqueue_dma source(%dma_start3A_217 : memref<640xf32, #tpu.memory_space<hbm>>) target(%dma_start3A_216 : memref<640xf32, #tpu.memory_space<vmem>>) target_semaphore(%arg12 : memref<!tpu.dma_semaphore, #tpu.memory_space<semaphore_mem>>)
    %mul3A_218 = arith.constant 16 : i32
    %mul3A_219 = arith.muli %arg0, %mul3A_218 : i32
    %add3A_220 = arith.constant 13 : i32
    %add3A_221 = arith.addi %mul3A_219, %add3A_220 : i32
    %mul3A_222 = arith.constant 10240 : i32
    %mul3A_223 = arith.muli %add3A_221, %mul3A_222 : i32
    %add3A_224 = arith.addi %mul3A_223, %mul3A_9 : i32
    %dma_start3A_225 = arith.constant 8320 : i32
    %dma_start3A_226 = tpu.memref_slice %arg14[%dma_start3A_225] : memref<10240xf32, #tpu.memory_space<vmem>> -> memref<640xf32, #tpu.memory_space<vmem>>
    %dma_start3A_227 = tpu.memref_slice %arg7[%add3A_224] : memref<327680xf32, #tpu.memory_space<hbm>> -> memref<640xf32, #tpu.memory_space<hbm>>
    %dma_start3A_228 = arith.constant 8320 : i32
    %dma_start3A_229 = tpu.memref_slice %arg14[%dma_start3A_228] : memref<10240xf32, #tpu.memory_space<vmem>> -> memref<640xf32, #tpu.memory_space<vmem>>
    %dma_start3A_230 = tpu.memref_slice %arg7[%add3A_224] : memref<327680xf32, #tpu.memory_space<hbm>> -> memref<640xf32, #tpu.memory_space<hbm>>
    tpu.enqueue_dma source(%dma_start3A_230 : memref<640xf32, #tpu.memory_space<hbm>>) target(%dma_start3A_229 : memref<640xf32, #tpu.memory_space<vmem>>) target_semaphore(%arg12 : memref<!tpu.dma_semaphore, #tpu.memory_space<semaphore_mem>>)
    %mul3A_231 = arith.constant 16 : i32
    %mul3A_232 = arith.muli %arg0, %mul3A_231 : i32
    %add3A_233 = arith.constant 14 : i32
    %add3A_234 = arith.addi %mul3A_232, %add3A_233 : i32
    %mul3A_235 = arith.constant 10240 : i32
    %mul3A_236 = arith.muli %add3A_234, %mul3A_235 : i32
    %add3A_237 = arith.addi %mul3A_236, %mul3A_9 : i32
    %dma_start3A_238 = arith.constant 8960 : i32
    %dma_start3A_239 = tpu.memref_slice %arg14[%dma_start3A_238] : memref<10240xf32, #tpu.memory_space<vmem>> -> memref<640xf32, #tpu.memory_space<vmem>>
    %dma_start3A_240 = tpu.memref_slice %arg7[%add3A_237] : memref<327680xf32, #tpu.memory_space<hbm>> -> memref<640xf32, #tpu.memory_space<hbm>>
    %dma_start3A_241 = arith.constant 8960 : i32
    %dma_start3A_242 = tpu.memref_slice %arg14[%dma_start3A_241] : memref<10240xf32, #tpu.memory_space<vmem>> -> memref<640xf32, #tpu.memory_space<vmem>>
    %dma_start3A_243 = tpu.memref_slice %arg7[%add3A_237] : memref<327680xf32, #tpu.memory_space<hbm>> -> memref<640xf32, #tpu.memory_space<hbm>>
    tpu.enqueue_dma source(%dma_start3A_243 : memref<640xf32, #tpu.memory_space<hbm>>) target(%dma_start3A_242 : memref<640xf32, #tpu.memory_space<vmem>>) target_semaphore(%arg12 : memref<!tpu.dma_semaphore, #tpu.memory_space<semaphore_mem>>)
    %mul3A_244 = arith.constant 16 : i32
    %mul3A_245 = arith.muli %arg0, %mul3A_244 : i32
    %add3A_246 = arith.constant 15 : i32
    %add3A_247 = arith.addi %mul3A_245, %add3A_246 : i32
    %mul3A_248 = arith.constant 10240 : i32
    %mul3A_249 = arith.muli %add3A_247, %mul3A_248 : i32
    %add3A_250 = arith.addi %mul3A_249, %mul3A_9 : i32
    %dma_start3A_251 = arith.constant 9600 : i32
    %dma_start3A_252 = tpu.memref_slice %arg14[%dma_start3A_251] : memref<10240xf32, #tpu.memory_space<vmem>> -> memref<640xf32, #tpu.memory_space<vmem>>
    %dma_start3A_253 = tpu.memref_slice %arg7[%add3A_250] : memref<327680xf32, #tpu.memory_space<hbm>> -> memref<640xf32, #tpu.memory_space<hbm>>
    %dma_start3A_254 = arith.constant 9600 : i32
    %dma_start3A_255 = tpu.memref_slice %arg14[%dma_start3A_254] : memref<10240xf32, #tpu.memory_space<vmem>> -> memref<640xf32, #tpu.memory_space<vmem>>
    %dma_start3A_256 = tpu.memref_slice %arg7[%add3A_250] : memref<327680xf32, #tpu.memory_space<hbm>> -> memref<640xf32, #tpu.memory_space<hbm>>
    tpu.enqueue_dma source(%dma_start3A_256 : memref<640xf32, #tpu.memory_space<hbm>>) target(%dma_start3A_255 : memref<640xf32, #tpu.memory_space<vmem>>) target_semaphore(%arg12 : memref<!tpu.dma_semaphore, #tpu.memory_space<semaphore_mem>>)
    %dma_wait3A = arith.constant 0 : i32
    %dma_wait3A_257 = tpu.memref_slice %arg14[%dma_wait3A] : memref<10240xf32, #tpu.memory_space<vmem>> -> memref<640xf32, #tpu.memory_space<vmem>>
    %dma_wait3A_258 = tpu.memref_slice %arg7[%add3A_56] : memref<327680xf32, #tpu.memory_space<hbm>> -> memref<640xf32, #tpu.memory_space<hbm>>
    %dma_wait3A_259 = arith.constant 0 : i32
    %dma_wait3A_260 = tpu.memref_slice %arg14[%dma_wait3A_259] : memref<10240xf32, #tpu.memory_space<vmem>> -> memref<640xf32, #tpu.memory_space<vmem>>
    %dma_wait3A_261 = tpu.memref_slice %arg7[%add3A_56] : memref<327680xf32, #tpu.memory_space<hbm>> -> memref<640xf32, #tpu.memory_space<hbm>>
    tpu.wait_dma2 semaphore(%arg12 : memref<!tpu.dma_semaphore, #tpu.memory_space<semaphore_mem>>) src(%dma_wait3A_261 : memref<640xf32, #tpu.memory_space<hbm>>) dst(%dma_wait3A_260 : memref<640xf32, #tpu.memory_space<vmem>>)
    %dma_wait3A_262 = arith.constant 640 : i32
    %dma_wait3A_263 = tpu.memref_slice %arg14[%dma_wait3A_262] : memref<10240xf32, #tpu.memory_space<vmem>> -> memref<640xf32, #tpu.memory_space<vmem>>
    %dma_wait3A_264 = tpu.memref_slice %arg7[%add3A_68] : memref<327680xf32, #tpu.memory_space<hbm>> -> memref<640xf32, #tpu.memory_space<hbm>>
    %dma_wait3A_265 = arith.constant 640 : i32
    %dma_wait3A_266 = tpu.memref_slice %arg14[%dma_wait3A_265] : memref<10240xf32, #tpu.memory_space<vmem>> -> memref<640xf32, #tpu.memory_space<vmem>>
    %dma_wait3A_267 = tpu.memref_slice %arg7[%add3A_68] : memref<327680xf32, #tpu.memory_space<hbm>> -> memref<640xf32, #tpu.memory_space<hbm>>
    tpu.wait_dma2 semaphore(%arg12 : memref<!tpu.dma_semaphore, #tpu.memory_space<semaphore_mem>>) src(%dma_wait3A_267 : memref<640xf32, #tpu.memory_space<hbm>>) dst(%dma_wait3A_266 : memref<640xf32, #tpu.memory_space<vmem>>)
    %dma_wait3A_268 = arith.constant 1280 : i32
    %dma_wait3A_269 = tpu.memref_slice %arg14[%dma_wait3A_268] : memref<10240xf32, #tpu.memory_space<vmem>> -> memref<640xf32, #tpu.memory_space<vmem>>
    %dma_wait3A_270 = tpu.memref_slice %arg7[%add3A_81] : memref<327680xf32, #tpu.memory_space<hbm>> -> memref<640xf32, #tpu.memory_space<hbm>>
    %dma_wait3A_271 = arith.constant 1280 : i32
    %dma_wait3A_272 = tpu.memref_slice %arg14[%dma_wait3A_271] : memref<10240xf32, #tpu.memory_space<vmem>> -> memref<640xf32, #tpu.memory_space<vmem>>
    %dma_wait3A_273 = tpu.memref_slice %arg7[%add3A_81] : memref<327680xf32, #tpu.memory_space<hbm>> -> memref<640xf32, #tpu.memory_space<hbm>>
    tpu.wait_dma2 semaphore(%arg12 : memref<!tpu.dma_semaphore, #tpu.memory_space<semaphore_mem>>) src(%dma_wait3A_273 : memref<640xf32, #tpu.memory_space<hbm>>) dst(%dma_wait3A_272 : memref<640xf32, #tpu.memory_space<vmem>>)
    %dma_wait3A_274 = arith.constant 1920 : i32
    %dma_wait3A_275 = tpu.memref_slice %arg14[%dma_wait3A_274] : memref<10240xf32, #tpu.memory_space<vmem>> -> memref<640xf32, #tpu.memory_space<vmem>>
    %dma_wait3A_276 = tpu.memref_slice %arg7[%add3A_94] : memref<327680xf32, #tpu.memory_space<hbm>> -> memref<640xf32, #tpu.memory_space<hbm>>
    %dma_wait3A_277 = arith.constant 1920 : i32
    %dma_wait3A_278 = tpu.memref_slice %arg14[%dma_wait3A_277] : memref<10240xf32, #tpu.memory_space<vmem>> -> memref<640xf32, #tpu.memory_space<vmem>>
    %dma_wait3A_279 = tpu.memref_slice %arg7[%add3A_94] : memref<327680xf32, #tpu.memory_space<hbm>> -> memref<640xf32, #tpu.memory_space<hbm>>
    tpu.wait_dma2 semaphore(%arg12 : memref<!tpu.dma_semaphore, #tpu.memory_space<semaphore_mem>>) src(%dma_wait3A_279 : memref<640xf32, #tpu.memory_space<hbm>>) dst(%dma_wait3A_278 : memref<640xf32, #tpu.memory_space<vmem>>)
    %dma_wait3A_280 = arith.constant 2560 : i32
    %dma_wait3A_281 = tpu.memref_slice %arg14[%dma_wait3A_280] : memref<10240xf32, #tpu.memory_space<vmem>> -> memref<640xf32, #tpu.memory_space<vmem>>
    %dma_wait3A_282 = tpu.memref_slice %arg7[%add3A_107] : memref<327680xf32, #tpu.memory_space<hbm>> -> memref<640xf32, #tpu.memory_space<hbm>>
    %dma_wait3A_283 = arith.constant 2560 : i32
    %dma_wait3A_284 = tpu.memref_slice %arg14[%dma_wait3A_283] : memref<10240xf32, #tpu.memory_space<vmem>> -> memref<640xf32, #tpu.memory_space<vmem>>
    %dma_wait3A_285 = tpu.memref_slice %arg7[%add3A_107] : memref<327680xf32, #tpu.memory_space<hbm>> -> memref<640xf32, #tpu.memory_space<hbm>>
    tpu.wait_dma2 semaphore(%arg12 : memref<!tpu.dma_semaphore, #tpu.memory_space<semaphore_mem>>) src(%dma_wait3A_285 : memref<640xf32, #tpu.memory_space<hbm>>) dst(%dma_wait3A_284 : memref<640xf32, #tpu.memory_space<vmem>>)
    %dma_wait3A_286 = arith.constant 3200 : i32
    %dma_wait3A_287 = tpu.memref_slice %arg14[%dma_wait3A_286] : memref<10240xf32, #tpu.memory_space<vmem>> -> memref<640xf32, #tpu.memory_space<vmem>>
    %dma_wait3A_288 = tpu.memref_slice %arg7[%add3A_120] : memref<327680xf32, #tpu.memory_space<hbm>> -> memref<640xf32, #tpu.memory_space<hbm>>
    %dma_wait3A_289 = arith.constant 3200 : i32
    %dma_wait3A_290 = tpu.memref_slice %arg14[%dma_wait3A_289] : memref<10240xf32, #tpu.memory_space<vmem>> -> memref<640xf32, #tpu.memory_space<vmem>>
    %dma_wait3A_291 = tpu.memref_slice %arg7[%add3A_120] : memref<327680xf32, #tpu.memory_space<hbm>> -> memref<640xf32, #tpu.memory_space<hbm>>
    tpu.wait_dma2 semaphore(%arg12 : memref<!tpu.dma_semaphore, #tpu.memory_space<semaphore_mem>>) src(%dma_wait3A_291 : memref<640xf32, #tpu.memory_space<hbm>>) dst(%dma_wait3A_290 : memref<640xf32, #tpu.memory_space<vmem>>)
    %dma_wait3A_292 = arith.constant 3840 : i32
    %dma_wait3A_293 = tpu.memref_slice %arg14[%dma_wait3A_292] : memref<10240xf32, #tpu.memory_space<vmem>> -> memref<640xf32, #tpu.memory_space<vmem>>
    %dma_wait3A_294 = tpu.memref_slice %arg7[%add3A_133] : memref<327680xf32, #tpu.memory_space<hbm>> -> memref<640xf32, #tpu.memory_space<hbm>>
    %dma_wait3A_295 = arith.constant 3840 : i32
    %dma_wait3A_296 = tpu.memref_slice %arg14[%dma_wait3A_295] : memref<10240xf32, #tpu.memory_space<vmem>> -> memref<640xf32, #tpu.memory_space<vmem>>
    %dma_wait3A_297 = tpu.memref_slice %arg7[%add3A_133] : memref<327680xf32, #tpu.memory_space<hbm>> -> memref<640xf32, #tpu.memory_space<hbm>>
    tpu.wait_dma2 semaphore(%arg12 : memref<!tpu.dma_semaphore, #tpu.memory_space<semaphore_mem>>) src(%dma_wait3A_297 : memref<640xf32, #tpu.memory_space<hbm>>) dst(%dma_wait3A_296 : memref<640xf32, #tpu.memory_space<vmem>>)
    %dma_wait3A_298 = arith.constant 4480 : i32
    %dma_wait3A_299 = tpu.memref_slice %arg14[%dma_wait3A_298] : memref<10240xf32, #tpu.memory_space<vmem>> -> memref<640xf32, #tpu.memory_space<vmem>>
    %dma_wait3A_300 = tpu.memref_slice %arg7[%add3A_146] : memref<327680xf32, #tpu.memory_space<hbm>> -> memref<640xf32, #tpu.memory_space<hbm>>
    %dma_wait3A_301 = arith.constant 4480 : i32
    %dma_wait3A_302 = tpu.memref_slice %arg14[%dma_wait3A_301] : memref<10240xf32, #tpu.memory_space<vmem>> -> memref<640xf32, #tpu.memory_space<vmem>>
    %dma_wait3A_303 = tpu.memref_slice %arg7[%add3A_146] : memref<327680xf32, #tpu.memory_space<hbm>> -> memref<640xf32, #tpu.memory_space<hbm>>
    tpu.wait_dma2 semaphore(%arg12 : memref<!tpu.dma_semaphore, #tpu.memory_space<semaphore_mem>>) src(%dma_wait3A_303 : memref<640xf32, #tpu.memory_space<hbm>>) dst(%dma_wait3A_302 : memref<640xf32, #tpu.memory_space<vmem>>)
    %dma_wait3A_304 = arith.constant 5120 : i32
    %dma_wait3A_305 = tpu.memref_slice %arg14[%dma_wait3A_304] : memref<10240xf32, #tpu.memory_space<vmem>> -> memref<640xf32, #tpu.memory_space<vmem>>
    %dma_wait3A_306 = tpu.memref_slice %arg7[%add3A_159] : memref<327680xf32, #tpu.memory_space<hbm>> -> memref<640xf32, #tpu.memory_space<hbm>>
    %dma_wait3A_307 = arith.constant 5120 : i32
    %dma_wait3A_308 = tpu.memref_slice %arg14[%dma_wait3A_307] : memref<10240xf32, #tpu.memory_space<vmem>> -> memref<640xf32, #tpu.memory_space<vmem>>
    %dma_wait3A_309 = tpu.memref_slice %arg7[%add3A_159] : memref<327680xf32, #tpu.memory_space<hbm>> -> memref<640xf32, #tpu.memory_space<hbm>>
    tpu.wait_dma2 semaphore(%arg12 : memref<!tpu.dma_semaphore, #tpu.memory_space<semaphore_mem>>) src(%dma_wait3A_309 : memref<640xf32, #tpu.memory_space<hbm>>) dst(%dma_wait3A_308 : memref<640xf32, #tpu.memory_space<vmem>>)
    %dma_wait3A_310 = arith.constant 5760 : i32
    %dma_wait3A_311 = tpu.memref_slice %arg14[%dma_wait3A_310] : memref<10240xf32, #tpu.memory_space<vmem>> -> memref<640xf32, #tpu.memory_space<vmem>>
    %dma_wait3A_312 = tpu.memref_slice %arg7[%add3A_172] : memref<327680xf32, #tpu.memory_space<hbm>> -> memref<640xf32, #tpu.memory_space<hbm>>
    %dma_wait3A_313 = arith.constant 5760 : i32
    %dma_wait3A_314 = tpu.memref_slice %arg14[%dma_wait3A_313] : memref<10240xf32, #tpu.memory_space<vmem>> -> memref<640xf32, #tpu.memory_space<vmem>>
    %dma_wait3A_315 = tpu.memref_slice %arg7[%add3A_172] : memref<327680xf32, #tpu.memory_space<hbm>> -> memref<640xf32, #tpu.memory_space<hbm>>
    tpu.wait_dma2 semaphore(%arg12 : memref<!tpu.dma_semaphore, #tpu.memory_space<semaphore_mem>>) src(%dma_wait3A_315 : memref<640xf32, #tpu.memory_space<hbm>>) dst(%dma_wait3A_314 : memref<640xf32, #tpu.memory_space<vmem>>)
    %dma_wait3A_316 = arith.constant 6400 : i32
    %dma_wait3A_317 = tpu.memref_slice %arg14[%dma_wait3A_316] : memref<10240xf32, #tpu.memory_space<vmem>> -> memref<640xf32, #tpu.memory_space<vmem>>
    %dma_wait3A_318 = tpu.memref_slice %arg7[%add3A_185] : memref<327680xf32, #tpu.memory_space<hbm>> -> memref<640xf32, #tpu.memory_space<hbm>>
    %dma_wait3A_319 = arith.constant 6400 : i32
    %dma_wait3A_320 = tpu.memref_slice %arg14[%dma_wait3A_319] : memref<10240xf32, #tpu.memory_space<vmem>> -> memref<640xf32, #tpu.memory_space<vmem>>
    %dma_wait3A_321 = tpu.memref_slice %arg7[%add3A_185] : memref<327680xf32, #tpu.memory_space<hbm>> -> memref<640xf32, #tpu.memory_space<hbm>>
    tpu.wait_dma2 semaphore(%arg12 : memref<!tpu.dma_semaphore, #tpu.memory_space<semaphore_mem>>) src(%dma_wait3A_321 : memref<640xf32, #tpu.memory_space<hbm>>) dst(%dma_wait3A_320 : memref<640xf32, #tpu.memory_space<vmem>>)
    %dma_wait3A_322 = arith.constant 7040 : i32
    %dma_wait3A_323 = tpu.memref_slice %arg14[%dma_wait3A_322] : memref<10240xf32, #tpu.memory_space<vmem>> -> memref<640xf32, #tpu.memory_space<vmem>>
    %dma_wait3A_324 = tpu.memref_slice %arg7[%add3A_198] : memref<327680xf32, #tpu.memory_space<hbm>> -> memref<640xf32, #tpu.memory_space<hbm>>
    %dma_wait3A_325 = arith.constant 7040 : i32
    %dma_wait3A_326 = tpu.memref_slice %arg14[%dma_wait3A_325] : memref<10240xf32, #tpu.memory_space<vmem>> -> memref<640xf32, #tpu.memory_space<vmem>>
    %dma_wait3A_327 = tpu.memref_slice %arg7[%add3A_198] : memref<327680xf32, #tpu.memory_space<hbm>> -> memref<640xf32, #tpu.memory_space<hbm>>
    tpu.wait_dma2 semaphore(%arg12 : memref<!tpu.dma_semaphore, #tpu.memory_space<semaphore_mem>>) src(%dma_wait3A_327 : memref<640xf32, #tpu.memory_space<hbm>>) dst(%dma_wait3A_326 : memref<640xf32, #tpu.memory_space<vmem>>)
    %dma_wait3A_328 = arith.constant 7680 : i32
    %dma_wait3A_329 = tpu.memref_slice %arg14[%dma_wait3A_328] : memref<10240xf32, #tpu.memory_space<vmem>> -> memref<640xf32, #tpu.memory_space<vmem>>
    %dma_wait3A_330 = tpu.memref_slice %arg7[%add3A_211] : memref<327680xf32, #tpu.memory_space<hbm>> -> memref<640xf32, #tpu.memory_space<hbm>>
    %dma_wait3A_331 = arith.constant 7680 : i32
    %dma_wait3A_332 = tpu.memref_slice %arg14[%dma_wait3A_331] : memref<10240xf32, #tpu.memory_space<vmem>> -> memref<640xf32, #tpu.memory_space<vmem>>
    %dma_wait3A_333 = tpu.memref_slice %arg7[%add3A_211] : memref<327680xf32, #tpu.memory_space<hbm>> -> memref<640xf32, #tpu.memory_space<hbm>>
    tpu.wait_dma2 semaphore(%arg12 : memref<!tpu.dma_semaphore, #tpu.memory_space<semaphore_mem>>) src(%dma_wait3A_333 : memref<640xf32, #tpu.memory_space<hbm>>) dst(%dma_wait3A_332 : memref<640xf32, #tpu.memory_space<vmem>>)
    %dma_wait3A_334 = arith.constant 8320 : i32
    %dma_wait3A_335 = tpu.memref_slice %arg14[%dma_wait3A_334] : memref<10240xf32, #tpu.memory_space<vmem>> -> memref<640xf32, #tpu.memory_space<vmem>>
    %dma_wait3A_336 = tpu.memref_slice %arg7[%add3A_224] : memref<327680xf32, #tpu.memory_space<hbm>> -> memref<640xf32, #tpu.memory_space<hbm>>
    %dma_wait3A_337 = arith.constant 8320 : i32
    %dma_wait3A_338 = tpu.memref_slice %arg14[%dma_wait3A_337] : memref<10240xf32, #tpu.memory_space<vmem>> -> memref<640xf32, #tpu.memory_space<vmem>>
    %dma_wait3A_339 = tpu.memref_slice %arg7[%add3A_224] : memref<327680xf32, #tpu.memory_space<hbm>> -> memref<640xf32, #tpu.memory_space<hbm>>
    tpu.wait_dma2 semaphore(%arg12 : memref<!tpu.dma_semaphore, #tpu.memory_space<semaphore_mem>>) src(%dma_wait3A_339 : memref<640xf32, #tpu.memory_space<hbm>>) dst(%dma_wait3A_338 : memref<640xf32, #tpu.memory_space<vmem>>)
    %dma_wait3A_340 = arith.constant 8960 : i32
    %dma_wait3A_341 = tpu.memref_slice %arg14[%dma_wait3A_340] : memref<10240xf32, #tpu.memory_space<vmem>> -> memref<640xf32, #tpu.memory_space<vmem>>
    %dma_wait3A_342 = tpu.memref_slice %arg7[%add3A_237] : memref<327680xf32, #tpu.memory_space<hbm>> -> memref<640xf32, #tpu.memory_space<hbm>>
    %dma_wait3A_343 = arith.constant 8960 : i32
    %dma_wait3A_344 = tpu.memref_slice %arg14[%dma_wait3A_343] : memref<10240xf32, #tpu.memory_space<vmem>> -> memref<640xf32, #tpu.memory_space<vmem>>
    %dma_wait3A_345 = tpu.memref_slice %arg7[%add3A_237] : memref<327680xf32, #tpu.memory_space<hbm>> -> memref<640xf32, #tpu.memory_space<hbm>>
    tpu.wait_dma2 semaphore(%arg12 : memref<!tpu.dma_semaphore, #tpu.memory_space<semaphore_mem>>) src(%dma_wait3A_345 : memref<640xf32, #tpu.memory_space<hbm>>) dst(%dma_wait3A_344 : memref<640xf32, #tpu.memory_space<vmem>>)
    %dma_wait3A_346 = arith.constant 9600 : i32
    %dma_wait3A_347 = tpu.memref_slice %arg14[%dma_wait3A_346] : memref<10240xf32, #tpu.memory_space<vmem>> -> memref<640xf32, #tpu.memory_space<vmem>>
    %dma_wait3A_348 = tpu.memref_slice %arg7[%add3A_250] : memref<327680xf32, #tpu.memory_space<hbm>> -> memref<640xf32, #tpu.memory_space<hbm>>
    %dma_wait3A_349 = arith.constant 9600 : i32
    %dma_wait3A_350 = tpu.memref_slice %arg14[%dma_wait3A_349] : memref<10240xf32, #tpu.memory_space<vmem>> -> memref<640xf32, #tpu.memory_space<vmem>>
    %dma_wait3A_351 = tpu.memref_slice %arg7[%add3A_250] : memref<327680xf32, #tpu.memory_space<hbm>> -> memref<640xf32, #tpu.memory_space<hbm>>
    tpu.wait_dma2 semaphore(%arg12 : memref<!tpu.dma_semaphore, #tpu.memory_space<semaphore_mem>>) src(%dma_wait3A_351 : memref<640xf32, #tpu.memory_space<hbm>>) dst(%dma_wait3A_350 : memref<640xf32, #tpu.memory_space<vmem>>)
    %scan3A_352 = arith.constant 0 : i32
    %scan3A_353 = arith.constant 0 : i32
    %scan3A_354 = arith.constant 40 : i32
    %scan3A_355 = arith.addi %scan3A_353, %scan3A_354 : i32
    %scan3A_356 = arith.constant 1 : i32
    %scan3A_357 = scf.for %scan3A_363 = %scan3A_353 to %scan3A_355 step %scan3A_356 iter_args(%scan3A_364 = %scan3A_352) -> (i32)  : i32 {
      %mul3A_365 = arith.constant 16 : i32
      %mul3A_366 = arith.muli %scan3A_363, %mul3A_365 : i32
      %get3A = arith.index_cast %mul3A_366 : i32 to index
      %get3A_367 = tpu.vector_load %arg14[%get3A] {strides = array<i32>} : memref<10240xf32, #tpu.memory_space<vmem>>, vector<16xf32>,
      %mul3A_368 = arith.constant 16 : i32
      %mul3A_369 = arith.muli %scan3A_363, %mul3A_368 : i32
      %add3A_370 = arith.constant 640 : i32
      %add3A_371 = arith.addi %add3A_370, %mul3A_369 : i32
      %get3A_372 = arith.index_cast %add3A_371 : i32 to index
      %get3A_373 = tpu.vector_load %arg14[%get3A_372] {strides = array<i32>} : memref<10240xf32, #tpu.memory_space<vmem>>, vector<16xf32>,
      %add3A_374 = arith.addf %get3A_367, %get3A_373 : vector<16xf32>
      %mul3A_375 = arith.constant 16 : i32
      %mul3A_376 = arith.muli %scan3A_363, %mul3A_375 : i32
      %add3A_377 = arith.constant 1280 : i32
      %add3A_378 = arith.addi %add3A_377, %mul3A_376 : i32
      %get3A_379 = arith.index_cast %add3A_378 : i32 to index
      %get3A_380 = tpu.vector_load %arg14[%get3A_379] {strides = array<i32>} : memref<10240xf32, #tpu.memory_space<vmem>>, vector<16xf32>,
      %add3A_381 = arith.addf %add3A_374, %get3A_380 : vector<16xf32>
      %mul3A_382 = arith.constant 16 : i32
      %mul3A_383 = arith.muli %scan3A_363, %mul3A_382 : i32
      %add3A_384 = arith.constant 1920 : i32
      %add3A_385 = arith.addi %add3A_384, %mul3A_383 : i32
      %get3A_386 = arith.index_cast %add3A_385 : i32 to index
      %get3A_387 = tpu.vector_load %arg14[%get3A_386] {strides = array<i32>} : memref<10240xf32, #tpu.memory_space<vmem>>, vector<16xf32>,
      %add3A_388 = arith.addf %add3A_381, %get3A_387 : vector<16xf32>
      %mul3A_389 = arith.constant 16 : i32
      %mul3A_390 = arith.muli %scan3A_363, %mul3A_389 : i32
      %add3A_391 = arith.constant 2560 : i32
      %add3A_392 = arith.addi %add3A_391, %mul3A_390 : i32
      %get3A_393 = arith.index_cast %add3A_392 : i32 to index
      %get3A_394 = tpu.vector_load %arg14[%get3A_393] {strides = array<i32>} : memref<10240xf32, #tpu.memory_space<vmem>>, vector<16xf32>,
      %add3A_395 = arith.addf %add3A_388, %get3A_394 : vector<16xf32>
      %mul3A_396 = arith.constant 16 : i32
      %mul3A_397 = arith.muli %scan3A_363, %mul3A_396 : i32
      %add3A_398 = arith.constant 3200 : i32
      %add3A_399 = arith.addi %add3A_398, %mul3A_397 : i32
      %get3A_400 = arith.index_cast %add3A_399 : i32 to index
      %get3A_401 = tpu.vector_load %arg14[%get3A_400] {strides = array<i32>} : memref<10240xf32, #tpu.memory_space<vmem>>, vector<16xf32>,
      %add3A_402 = arith.addf %add3A_395, %get3A_401 : vector<16xf32>
      %mul3A_403 = arith.constant 16 : i32
      %mul3A_404 = arith.muli %scan3A_363, %mul3A_403 : i32
      %add3A_405 = arith.constant 3840 : i32
      %add3A_406 = arith.addi %add3A_405, %mul3A_404 : i32
      %get3A_407 = arith.index_cast %add3A_406 : i32 to index
      %get3A_408 = tpu.vector_load %arg14[%get3A_407] {strides = array<i32>} : memref<10240xf32, #tpu.memory_space<vmem>>, vector<16xf32>,
      %add3A_409 = arith.addf %add3A_402, %get3A_408 : vector<16xf32>
      %mul3A_410 = arith.constant 16 : i32
      %mul3A_411 = arith.muli %scan3A_363, %mul3A_410 : i32
      %add3A_412 = arith.constant 4480 : i32
      %add3A_413 = arith.addi %add3A_412, %mul3A_411 : i32
      %get3A_414 = arith.index_cast %add3A_413 : i32 to index
      %get3A_415 = tpu.vector_load %arg14[%get3A_414] {strides = array<i32>} : memref<10240xf32, #tpu.memory_space<vmem>>, vector<16xf32>,
      %add3A_416 = arith.addf %add3A_409, %get3A_415 : vector<16xf32>
      %mul3A_417 = arith.constant 16 : i32
      %mul3A_418 = arith.muli %scan3A_363, %mul3A_417 : i32
      %add3A_419 = arith.constant 5120 : i32
      %add3A_420 = arith.addi %add3A_419, %mul3A_418 : i32
      %get3A_421 = arith.index_cast %add3A_420 : i32 to index
      %get3A_422 = tpu.vector_load %arg14[%get3A_421] {strides = array<i32>} : memref<10240xf32, #tpu.memory_space<vmem>>, vector<16xf32>,
      %add3A_423 = arith.addf %add3A_416, %get3A_422 : vector<16xf32>
      %mul3A_424 = arith.constant 16 : i32
      %mul3A_425 = arith.muli %scan3A_363, %mul3A_424 : i32
      %add3A_426 = arith.constant 5760 : i32
      %add3A_427 = arith.addi %add3A_426, %mul3A_425 : i32
      %get3A_428 = arith.index_cast %add3A_427 : i32 to index
      %get3A_429 = tpu.vector_load %arg14[%get3A_428] {strides = array<i32>} : memref<10240xf32, #tpu.memory_space<vmem>>, vector<16xf32>,
      %add3A_430 = arith.addf %add3A_423, %get3A_429 : vector<16xf32>
      %mul3A_431 = arith.constant 16 : i32
      %mul3A_432 = arith.muli %scan3A_363, %mul3A_431 : i32
      %add3A_433 = arith.constant 6400 : i32
      %add3A_434 = arith.addi %add3A_433, %mul3A_432 : i32
      %get3A_435 = arith.index_cast %add3A_434 : i32 to index
      %get3A_436 = tpu.vector_load %arg14[%get3A_435] {strides = array<i32>} : memref<10240xf32, #tpu.memory_space<vmem>>, vector<16xf32>,
      %add3A_437 = arith.addf %add3A_430, %get3A_436 : vector<16xf32>
      %mul3A_438 = arith.constant 16 : i32
      %mul3A_439 = arith.muli %scan3A_363, %mul3A_438 : i32
      %add3A_440 = arith.constant 7040 : i32
      %add3A_441 = arith.addi %add3A_440, %mul3A_439 : i32
      %get3A_442 = arith.index_cast %add3A_441 : i32 to index
      %get3A_443 = tpu.vector_load %arg14[%get3A_442] {strides = array<i32>} : memref<10240xf32, #tpu.memory_space<vmem>>, vector<16xf32>,
      %add3A_444 = arith.addf %add3A_437, %get3A_443 : vector<16xf32>
      %mul3A_445 = arith.constant 16 : i32
      %mul3A_446 = arith.muli %scan3A_363, %mul3A_445 : i32
      %add3A_447 = arith.constant 7680 : i32
      %add3A_448 = arith.addi %add3A_447, %mul3A_446 : i32
      %get3A_449 = arith.index_cast %add3A_448 : i32 to index
      %get3A_450 = tpu.vector_load %arg14[%get3A_449] {strides = array<i32>} : memref<10240xf32, #tpu.memory_space<vmem>>, vector<16xf32>,
      %add3A_451 = arith.addf %add3A_444, %get3A_450 : vector<16xf32>
      %mul3A_452 = arith.constant 16 : i32
      %mul3A_453 = arith.muli %scan3A_363, %mul3A_452 : i32
      %add3A_454 = arith.constant 8320 : i32
      %add3A_455 = arith.addi %add3A_454, %mul3A_453 : i32
      %get3A_456 = arith.index_cast %add3A_455 : i32 to index
      %get3A_457 = tpu.vector_load %arg14[%get3A_456] {strides = array<i32>} : memref<10240xf32, #tpu.memory_space<vmem>>, vector<16xf32>,
      %add3A_458 = arith.addf %add3A_451, %get3A_457 : vector<16xf32>
      %mul3A_459 = arith.constant 16 : i32
      %mul3A_460 = arith.muli %scan3A_363, %mul3A_459 : i32
      %add3A_461 = arith.constant 8960 : i32
      %add3A_462 = arith.addi %add3A_461, %mul3A_460 : i32
      %get3A_463 = arith.index_cast %add3A_462 : i32 to index
      %get3A_464 = tpu.vector_load %arg14[%get3A_463] {strides = array<i32>} : memref<10240xf32, #tpu.memory_space<vmem>>, vector<16xf32>,
      %add3A_465 = arith.addf %add3A_458, %get3A_464 : vector<16xf32>
      %mul3A_466 = arith.constant 16 : i32
      %mul3A_467 = arith.muli %scan3A_363, %mul3A_466 : i32
      %add3A_468 = arith.constant 9600 : i32
      %add3A_469 = arith.addi %add3A_468, %mul3A_467 : i32
      %get3A_470 = arith.index_cast %add3A_469 : i32 to index
      %get3A_471 = tpu.vector_load %arg14[%get3A_470] {strides = array<i32>} : memref<10240xf32, #tpu.memory_space<vmem>>, vector<16xf32>,
      %add3A_472 = arith.addf %add3A_465, %get3A_471 : vector<16xf32>
      %mul3A_473 = arith.constant 16 : i32
      %mul3A_474 = arith.muli %scan3A_363, %mul3A_473 : i32
      %swap3A = arith.index_cast %mul3A_474 : i32 to index
      %swap3A_475 = tpu.vector_load %arg13[%swap3A] {strides = array<i32>} : memref<10240xf32, #tpu.memory_space<vmem>>, vector<16xf32>,
      tpu.vector_store %arg13[%swap3A], %add3A_472 {strides = array<i32>} : memref<10240xf32, #tpu.memory_space<vmem>>, vector<16xf32>,
      %scan3A_476 = arith.constant 0 : i32
      scf.yield %scan3A_476 : i32
    }
    %scan3A_358 = arith.constant 40 : i32
    %mul3A_359 = arith.constant 10240 : i32
    %mul3A_360 = arith.muli %arg0, %mul3A_359 : i32
    %add3A_361 = arith.addi %mul3A_360, %mul3A_9 : i32
    "tpu.region"() ({
      %run_scoped3A = tpu.sem_alloc : memref<!tpu.dma_semaphore, #tpu.memory_space<semaphore_mem>>
      %dma_start3A_363 = arith.constant 0 : i32
      %dma_start3A_364 = tpu.memref_slice %arg13[%dma_start3A_363] : memref<10240xf32, #tpu.memory_space<vmem>> -> memref<640xf32, #tpu.memory_space<vmem>>
      %dma_start3A_365 = tpu.memref_slice %arg6[%add3A_361] : memref<20480xf32, #tpu.memory_space<hbm>> -> memref<640xf32, #tpu.memory_space<hbm>>
      %dma_start3A_366 = tpu.memref_slice %arg6[%add3A_361] : memref<20480xf32, #tpu.memory_space<hbm>> -> memref<640xf32, #tpu.memory_space<hbm>>
      %dma_start3A_367 = arith.constant 0 : i32
      %dma_start3A_368 = tpu.memref_slice %arg13[%dma_start3A_367] : memref<10240xf32, #tpu.memory_space<vmem>> -> memref<640xf32, #tpu.memory_space<vmem>>
      tpu.enqueue_dma source(%dma_start3A_368 : memref<640xf32, #tpu.memory_space<vmem>>) target(%dma_start3A_366 : memref<640xf32, #tpu.memory_space<hbm>>) target_semaphore(%run_scoped3A : memref<!tpu.dma_semaphore, #tpu.memory_space<semaphore_mem>>)
      %dma_wait3A_369 = arith.constant 0 : i32
      %dma_wait3A_370 = tpu.memref_slice %arg13[%dma_wait3A_369] : memref<10240xf32, #tpu.memory_space<vmem>> -> memref<640xf32, #tpu.memory_space<vmem>>
      %dma_wait3A_371 = tpu.memref_slice %arg6[%add3A_361] : memref<20480xf32, #tpu.memory_space<hbm>> -> memref<640xf32, #tpu.memory_space<hbm>>
      %dma_wait3A_372 = tpu.memref_slice %arg6[%add3A_361] : memref<20480xf32, #tpu.memory_space<hbm>> -> memref<640xf32, #tpu.memory_space<hbm>>
      %dma_wait3A_373 = arith.constant 0 : i32
      %dma_wait3A_374 = tpu.memref_slice %arg13[%dma_wait3A_373] : memref<10240xf32, #tpu.memory_space<vmem>> -> memref<640xf32, #tpu.memory_space<vmem>>
      tpu.wait_dma2 semaphore(%run_scoped3A : memref<!tpu.dma_semaphore, #tpu.memory_space<semaphore_mem>>) src(%dma_wait3A_374 : memref<640xf32, #tpu.memory_space<vmem>>) dst(%dma_wait3A_372 : memref<640xf32, #tpu.memory_space<hbm>>)
      tpu.yield
    }) : () -> ()
    %barrier3A_362 = arith.constant 0 : index
    tpu.barrier barrier_id(%barrier3A_362)
    "tpu.region"() ({
      %run_scoped3A = tpu.sem_alloc : memref<!tpu.dma_semaphore, #tpu.memory_space<semaphore_mem>>
      %dma_start3A_363 = arith.constant 0 : i32
      %dma_start3A_364 = tpu.memref_slice %arg5[%arg0, %mul3A_9, %dma_start3A_363] : memref<2x10240x128xf32, #tpu.memory_space<hbm>> -> memref<1x640x128xf32, #tpu.memory_space<hbm>>
      %dma_start3A_365 = tpu.memref_squeeze %dma_start3A_364 : memref<1x640x128xf32, #tpu.memory_space<hbm>> -> memref<640x128xf32, #tpu.memory_space<hbm>>
      %dma_start3A_366 = arith.constant 0 : i32
      %dma_start3A_367 = tpu.memref_slice %arg8[%mul3A_9, %dma_start3A_366] : memref<10240x128xf32, #tpu.memory_space<vmem_shared>> -> memref<640x128xf32, #tpu.memory_space<vmem_shared>>
      tpu.enqueue_dma source(%dma_start3A_367 : memref<640x128xf32, #tpu.memory_space<vmem_shared>>) target(%dma_start3A_365 : memref<640x128xf32, #tpu.memory_space<hbm>>) target_semaphore(%run_scoped3A : memref<!tpu.dma_semaphore, #tpu.memory_space<semaphore_mem>>)
      %dma_wait3A_368 = arith.constant 0 : i32
      %dma_wait3A_369 = tpu.memref_slice %arg5[%arg0, %mul3A_9, %dma_wait3A_368] : memref<2x10240x128xf32, #tpu.memory_space<hbm>> -> memref<1x640x128xf32, #tpu.memory_space<hbm>>
      %dma_wait3A_370 = tpu.memref_squeeze %dma_wait3A_369 : memref<1x640x128xf32, #tpu.memory_space<hbm>> -> memref<640x128xf32, #tpu.memory_space<hbm>>
      %dma_wait3A_371 = arith.constant 0 : i32
      %dma_wait3A_372 = tpu.memref_slice %arg8[%mul3A_9, %dma_wait3A_371] : memref<10240x128xf32, #tpu.memory_space<vmem_shared>> -> memref<640x128xf32, #tpu.memory_space<vmem_shared>>
      tpu.wait_dma2 semaphore(%run_scoped3A : memref<!tpu.dma_semaphore, #tpu.memory_space<semaphore_mem>>) src(%dma_wait3A_372 : memref<640x128xf32, #tpu.memory_space<vmem_shared>>) dst(%dma_wait3A_370 : memref<640x128xf32, #tpu.memory_space<hbm>>)
      tpu.yield
    }) : () -> ()
    return
  }
}

#map = affine_map<(d0, d1) -> (0, 0)>
#map1 = affine_map<(d0, d1) -> (0)>
#map2 = affine_map<(d0, d1) -> (0, 0, 0)>
module attributes {stable_mosaic.version = 14 : i64} {
  func.func @body(%arg0: i32, %arg1: i32, %arg2: memref<2560x128xf32, #tpu.memory_space<hbm>>, %arg3: memref<80000xi32, #tpu.memory_space<hbm>>, %arg4: memref<80000xi32, #tpu.memory_space<hbm>>, %arg5: memref<2x2560x128xf32, #tpu.memory_space<hbm>>, %arg6: memref<5120xf32, #tpu.memory_space<hbm>>, %arg7: memref<81920xf32, #tpu.memory_space<hbm>>, %arg8: memref<2560x128xf32, #tpu.memory_space<vmem_shared>>, %arg9: memref<80x128xf32, #tpu.memory_space<vmem>>, %arg10: memref<80xi32, #tpu.memory_space<vmem>>, %arg11: memref<80xi32, #tpu.memory_space<vmem>>, %arg12: memref<!tpu.dma_semaphore, #tpu.memory_space<semaphore_mem>>, %arg13: memref<2560xf32, #tpu.memory_space<vmem>>, %arg14: memref<2560xf32, #tpu.memory_space<vmem>>) attributes {dimension_semantics = [#tpu.dimension_semantics<core_parallel>, #tpu.dimension_semantics<subcore_parallel>], iteration_bounds = array<i64: 2, 16>, scalar_prefetch = 0 : i64, scratch_operands = 7 : i64, tpu.core_type = #tpu.core_type<sc_vector_subcore>, window_params = [{transform_indices = #map}, {transform_indices = #map1}, {transform_indices = #map1}, {transform_indices = #map2}, {transform_indices = #map1}, {transform_indices = #map1}]} {
    %mul3A = arith.constant 2 : i32
    %mul3A_0 = arith.muli %arg1, %mul3A : i32
    %add3A = arith.addi %mul3A_0, %arg0 : i32
    %broadcast_in_dim3A = arith.constant 0.000000e+00 : f32
    %broadcast_in_dim3A_1 = vector.broadcast %broadcast_in_dim3A : f32 to vector<16xf32>
    %scan3A = arith.constant 0 : i32
    %scan3A_2 = arith.constant 0 : i32
    %scan3A_3 = arith.constant 640 : i32
    %scan3A_4 = arith.addi %scan3A_2, %scan3A_3 : i32
    %scan3A_5 = arith.constant 1 : i32
    %scan3A_6 = scf.for %scan3A_351 = %scan3A_2 to %scan3A_4 step %scan3A_5 iter_args(%scan3A_352 = %scan3A) -> (i32)  : i32 {
      %jit3A = arith.constant 8 : i32
      %div3A = arith.divsi %scan3A_351, %jit3A : i32
      %sign3A = arith.constant 0 : i32
      %sign3A_353 = arith.cmpi sgt, %scan3A_351, %sign3A : i32
      %sign3A_354 = arith.extui %sign3A_353 : i1 to i32
      %sign3A_355 = arith.constant 0 : i32
      %sign3A_356 = arith.cmpi slt, %scan3A_351, %sign3A_355 : i32
      %sign3A_357 = arith.extui %sign3A_356 : i1 to i32
      %sign3A_358 = arith.subi %sign3A_354, %sign3A_357 : i32
      %sign3A_359 = arith.constant 0 : i32
      %sign3A_360 = arith.cmpi sgt, %jit3A, %sign3A_359 : i32
      %sign3A_361 = arith.extui %sign3A_360 : i1 to i32
      %sign3A_362 = arith.constant 0 : i32
      %sign3A_363 = arith.cmpi slt, %jit3A, %sign3A_362 : i32
      %sign3A_364 = arith.extui %sign3A_363 : i1 to i32
      %sign3A_365 = arith.subi %sign3A_361, %sign3A_364 : i32
      %ne3A = arith.cmpi ne, %sign3A_358, %sign3A_365 : i32
      %rem3A = arith.remsi %scan3A_351, %jit3A : i32
      %ne3A_366 = arith.constant 0 : i32
      %ne3A_367 = arith.cmpi ne, %rem3A, %ne3A_366 : i32
      %and3A = arith.andi %ne3A, %ne3A_367 : i1
      %sub3A = arith.constant 1 : i32
      %sub3A_368 = arith.subi %div3A, %sub3A : i32
      %select_n3A = arith.select %and3A, %sub3A_368, %div3A : i32
      %jit3A_369 = arith.constant 8 : i32
      %eq3A = arith.constant 0 : i32
      %eq3A_370 = arith.cmpi eq, %jit3A_369, %eq3A : i32
      %jit3A_371 = arith.constant 1 : i32
      %select_n3A_372 = arith.select %eq3A_370, %jit3A_371, %jit3A_369 : i32
      %rem3A_373 = arith.remsi %scan3A_351, %select_n3A_372 : i32
      %ne3A_374 = arith.constant 0 : i32
      %ne3A_375 = arith.cmpi ne, %rem3A_373, %ne3A_374 : i32
      %lt3A = arith.constant 0 : i32
      %lt3A_376 = arith.cmpi slt, %rem3A_373, %lt3A : i32
      %lt3A_377 = arith.constant 0 : i32
      %lt3A_378 = arith.cmpi slt, %select_n3A_372, %lt3A_377 : i32
      %ne3A_379 = arith.xori %lt3A_376, %lt3A_378 : i1
      %and3A_380 = arith.andi %ne3A_379, %ne3A_375 : i1
      %add3A_381 = arith.addi %rem3A_373, %select_n3A_372 : i32
      %select_n3A_382 = arith.select %and3A_380, %add3A_381, %rem3A_373 : i32
      %mul3A_383 = arith.constant 16 : i32
      %mul3A_384 = arith.muli %select_n3A_382, %mul3A_383 : i32
      %swap3A = arith.index_cast %select_n3A : i32 to index
      %swap3A_385 = arith.index_cast %mul3A_384 : i32 to index
      %swap3A_386 = tpu.vector_load %arg9[%swap3A, %swap3A_385] {strides = array<i32>} : memref<80x128xf32, #tpu.memory_space<vmem>>, vector<16xf32>,
      tpu.vector_store %arg9[%swap3A, %swap3A_385], %broadcast_in_dim3A_1 {strides = array<i32>} : memref<80x128xf32, #tpu.memory_space<vmem>>, vector<16xf32>,
      %scan3A_387 = arith.constant 0 : i32
      scf.yield %scan3A_387 : i32
    }
    %scan3A_7 = arith.constant 640 : i32
    %mul3A_8 = arith.constant 160 : i32
    %mul3A_9 = arith.muli %arg1, %mul3A_8 : i32
    %add3A_10 = arith.constant 0 : i32
    %add3A_11 = arith.addi %mul3A_9, %add3A_10 : i32
    "tpu.region"() ({
      %run_scoped3A = tpu.sem_alloc : memref<!tpu.dma_semaphore, #tpu.memory_space<semaphore_mem>>
      %dma_start3A_351 = arith.constant 0 : i32
      %dma_start3A_352 = tpu.memref_slice %arg8[%add3A_11, %dma_start3A_351] : memref<2560x128xf32, #tpu.memory_space<vmem_shared>> -> memref<80x128xf32, #tpu.memory_space<vmem_shared>>
      %dma_start3A_353 = arith.constant 0 : i32
      %dma_start3A_354 = tpu.memref_slice %arg8[%add3A_11, %dma_start3A_353] : memref<2560x128xf32, #tpu.memory_space<vmem_shared>> -> memref<80x128xf32, #tpu.memory_space<vmem_shared>>
      tpu.enqueue_dma source(%arg9 : memref<80x128xf32, #tpu.memory_space<vmem>>) target(%dma_start3A_354 : memref<80x128xf32, #tpu.memory_space<vmem_shared>>) target_semaphore(%run_scoped3A : memref<!tpu.dma_semaphore, #tpu.memory_space<semaphore_mem>>)
      %dma_wait3A_355 = arith.constant 0 : i32
      %dma_wait3A_356 = tpu.memref_slice %arg8[%add3A_11, %dma_wait3A_355] : memref<2560x128xf32, #tpu.memory_space<vmem_shared>> -> memref<80x128xf32, #tpu.memory_space<vmem_shared>>
      %dma_wait3A_357 = arith.constant 0 : i32
      %dma_wait3A_358 = tpu.memref_slice %arg8[%add3A_11, %dma_wait3A_357] : memref<2560x128xf32, #tpu.memory_space<vmem_shared>> -> memref<80x128xf32, #tpu.memory_space<vmem_shared>>
      tpu.wait_dma2 semaphore(%run_scoped3A : memref<!tpu.dma_semaphore, #tpu.memory_space<semaphore_mem>>) src(%arg9 : memref<80x128xf32, #tpu.memory_space<vmem>>) dst(%dma_wait3A_358 : memref<80x128xf32, #tpu.memory_space<vmem_shared>>)
      tpu.yield
    }) : () -> ()
    %add3A_12 = arith.constant 80 : i32
    %add3A_13 = arith.addi %mul3A_9, %add3A_12 : i32
    "tpu.region"() ({
      %run_scoped3A = tpu.sem_alloc : memref<!tpu.dma_semaphore, #tpu.memory_space<semaphore_mem>>
      %dma_start3A_351 = arith.constant 0 : i32
      %dma_start3A_352 = tpu.memref_slice %arg8[%add3A_13, %dma_start3A_351] : memref<2560x128xf32, #tpu.memory_space<vmem_shared>> -> memref<80x128xf32, #tpu.memory_space<vmem_shared>>
      %dma_start3A_353 = arith.constant 0 : i32
      %dma_start3A_354 = tpu.memref_slice %arg8[%add3A_13, %dma_start3A_353] : memref<2560x128xf32, #tpu.memory_space<vmem_shared>> -> memref<80x128xf32, #tpu.memory_space<vmem_shared>>
      tpu.enqueue_dma source(%arg9 : memref<80x128xf32, #tpu.memory_space<vmem>>) target(%dma_start3A_354 : memref<80x128xf32, #tpu.memory_space<vmem_shared>>) target_semaphore(%run_scoped3A : memref<!tpu.dma_semaphore, #tpu.memory_space<semaphore_mem>>)
      %dma_wait3A_355 = arith.constant 0 : i32
      %dma_wait3A_356 = tpu.memref_slice %arg8[%add3A_13, %dma_wait3A_355] : memref<2560x128xf32, #tpu.memory_space<vmem_shared>> -> memref<80x128xf32, #tpu.memory_space<vmem_shared>>
      %dma_wait3A_357 = arith.constant 0 : i32
      %dma_wait3A_358 = tpu.memref_slice %arg8[%add3A_13, %dma_wait3A_357] : memref<2560x128xf32, #tpu.memory_space<vmem_shared>> -> memref<80x128xf32, #tpu.memory_space<vmem_shared>>
      tpu.wait_dma2 semaphore(%run_scoped3A : memref<!tpu.dma_semaphore, #tpu.memory_space<semaphore_mem>>) src(%arg9 : memref<80x128xf32, #tpu.memory_space<vmem>>) dst(%dma_wait3A_358 : memref<80x128xf32, #tpu.memory_space<vmem_shared>>)
      tpu.yield
    }) : () -> ()
    %broadcast_in_dim3A_14 = arith.constant 0.000000e+00 : f32
    %broadcast_in_dim3A_15 = vector.broadcast %broadcast_in_dim3A_14 : f32 to vector<16xf32>
    %scan3A_16 = arith.constant 0 : i32
    %scan3A_17 = arith.constant 0 : i32
    %scan3A_18 = arith.constant 160 : i32
    %scan3A_19 = arith.addi %scan3A_17, %scan3A_18 : i32
    %scan3A_20 = arith.constant 1 : i32
    %scan3A_21 = scf.for %scan3A_351 = %scan3A_17 to %scan3A_19 step %scan3A_20 iter_args(%scan3A_352 = %scan3A_16) -> (i32)  : i32 {
      %mul3A_353 = arith.constant 16 : i32
      %mul3A_354 = arith.muli %scan3A_351, %mul3A_353 : i32
      %swap3A = arith.index_cast %mul3A_354 : i32 to index
      %swap3A_355 = tpu.vector_load %arg13[%swap3A] {strides = array<i32>} : memref<2560xf32, #tpu.memory_space<vmem>>, vector<16xf32>,
      tpu.vector_store %arg13[%swap3A], %broadcast_in_dim3A_15 {strides = array<i32>} : memref<2560xf32, #tpu.memory_space<vmem>>, vector<16xf32>,
      %scan3A_356 = arith.constant 0 : i32
      scf.yield %scan3A_356 : i32
    }
    %scan3A_22 = arith.constant 160 : i32
    %barrier3A = arith.constant 0 : index
    tpu.barrier barrier_id(%barrier3A)
    %broadcast_in_dim3A_23 = arith.constant 1.000000e+00 : f32
    %broadcast_in_dim3A_24 = vector.broadcast %broadcast_in_dim3A_23 : f32 to vector<16xf32>
    %scan3A_25 = arith.constant 0 : i32
    %scan3A_26 = arith.constant 0 : i32
    %scan3A_27 = arith.constant 32 : i32
    %scan3A_28 = arith.addi %scan3A_26, %scan3A_27 : i32
    %scan3A_29 = arith.constant 1 : i32
    %scan3A_30 = scf.for %scan3A_351 = %scan3A_26 to %scan3A_28 step %scan3A_29 iter_args(%scan3A_352 = %scan3A_25) -> (i32)  : i32 {
      %mul3A_353 = arith.constant 32 : i32
      %mul3A_354 = arith.muli %scan3A_351, %mul3A_353 : i32
      %add3A_355 = arith.addi %mul3A_354, %add3A : i32
      %lt3A = arith.constant 1000 : i32
      %lt3A_356 = arith.cmpi slt, %add3A_355, %lt3A : i32
      %convert_element_type3A = arith.extui %lt3A_356 : i1 to i32
      %cond3A = arith.constant 0 : i32
      %cond3A_357 = arith.cmpi ne, %convert_element_type3A, %cond3A : i32
      scf.if %cond3A_357 {
        %mul3A_359 = arith.constant 80 : i32
        %mul3A_360 = arith.muli %add3A_355, %mul3A_359 : i32
        "tpu.region"() ({
          %run_scoped3A = tpu.sem_alloc : memref<!tpu.dma_semaphore, #tpu.memory_space<semaphore_mem>>
          %dma_start3A_376 = tpu.memref_slice %arg4[%mul3A_360] : memref<80000xi32, #tpu.memory_space<hbm>> -> memref<80xi32, #tpu.memory_space<hbm>>
          %dma_start3A_377 = tpu.memref_slice %arg4[%mul3A_360] : memref<80000xi32, #tpu.memory_space<hbm>> -> memref<80xi32, #tpu.memory_space<hbm>>
          tpu.enqueue_dma source(%dma_start3A_377 : memref<80xi32, #tpu.memory_space<hbm>>) target(%arg10 : memref<80xi32, #tpu.memory_space<vmem>>) target_semaphore(%run_scoped3A : memref<!tpu.dma_semaphore, #tpu.memory_space<semaphore_mem>>)
          %dma_wait3A_378 = tpu.memref_slice %arg4[%mul3A_360] : memref<80000xi32, #tpu.memory_space<hbm>> -> memref<80xi32, #tpu.memory_space<hbm>>
          %dma_wait3A_379 = tpu.memref_slice %arg4[%mul3A_360] : memref<80000xi32, #tpu.memory_space<hbm>> -> memref<80xi32, #tpu.memory_space<hbm>>
          tpu.wait_dma2 semaphore(%run_scoped3A : memref<!tpu.dma_semaphore, #tpu.memory_space<semaphore_mem>>) src(%dma_wait3A_379 : memref<80xi32, #tpu.memory_space<hbm>>) dst(%arg10 : memref<80xi32, #tpu.memory_space<vmem>>)
          tpu.yield
        }) : () -> ()
        "tpu.region"() ({
          %run_scoped3A = tpu.sem_alloc : memref<!tpu.dma_semaphore, #tpu.memory_space<semaphore_mem>>
          %dma_start3A_376 = tpu.memref_slice %arg3[%mul3A_360] : memref<80000xi32, #tpu.memory_space<hbm>> -> memref<80xi32, #tpu.memory_space<hbm>>
          %dma_start3A_377 = tpu.memref_slice %arg3[%mul3A_360] : memref<80000xi32, #tpu.memory_space<hbm>> -> memref<80xi32, #tpu.memory_space<hbm>>
          tpu.enqueue_dma source(%dma_start3A_377 : memref<80xi32, #tpu.memory_space<hbm>>) target(%arg11 : memref<80xi32, #tpu.memory_space<vmem>>) target_semaphore(%run_scoped3A : memref<!tpu.dma_semaphore, #tpu.memory_space<semaphore_mem>>)
          %dma_wait3A_378 = tpu.memref_slice %arg3[%mul3A_360] : memref<80000xi32, #tpu.memory_space<hbm>> -> memref<80xi32, #tpu.memory_space<hbm>>
          %dma_wait3A_379 = tpu.memref_slice %arg3[%mul3A_360] : memref<80000xi32, #tpu.memory_space<hbm>> -> memref<80xi32, #tpu.memory_space<hbm>>
          tpu.wait_dma2 semaphore(%run_scoped3A : memref<!tpu.dma_semaphore, #tpu.memory_space<semaphore_mem>>) src(%dma_wait3A_379 : memref<80xi32, #tpu.memory_space<hbm>>) dst(%arg11 : memref<80xi32, #tpu.memory_space<vmem>>)
          tpu.yield
        }) : () -> ()
        %dma_start3A_361 = arith.constant 0 : i32
        %dma_start3A_362 = arith.constant 0 : i32
        %dma_start3A_363 = tpu.memref_slice %arg2[%dma_start3A_361, %dma_start3A_362] : memref<2560x128xf32, #tpu.memory_space<hbm>> -> memref<2560x128xf32, #tpu.memory_space<hbm>>
        tpu.enqueue_indirect_dma source(%dma_start3A_363 : memref<2560x128xf32, #tpu.memory_space<hbm>>) target(%arg9 : memref<80x128xf32, #tpu.memory_space<vmem>>) offsets(%arg11 : memref<80xi32, #tpu.memory_space<vmem>>) semaphore(%arg12 : memref<!tpu.dma_semaphore, #tpu.memory_space<semaphore_mem>>)
        %dma_wait3A_364 = arith.constant 0 : i32
        %dma_wait3A_365 = arith.constant 0 : i32
        %dma_wait3A_366 = tpu.memref_slice %arg2[%dma_wait3A_364, %dma_wait3A_365] : memref<2560x128xf32, #tpu.memory_space<hbm>> -> memref<2560x128xf32, #tpu.memory_space<hbm>>
        tpu.wait_indirect_dma semaphore(%arg12 : memref<!tpu.dma_semaphore, #tpu.memory_space<semaphore_mem>>) src(%dma_wait3A_366 : memref<2560x128xf32, #tpu.memory_space<hbm>>) dst(%arg9 : memref<80x128xf32, #tpu.memory_space<vmem>>)
        "tpu.region"() ({
          %run_scoped3A = tpu.sem_alloc : memref<!tpu.dma_semaphore, #tpu.memory_space<semaphore_mem>>
          %dma_start3A_376 = arith.constant 0 : i32
          %dma_start3A_377 = arith.constant 0 : i32
          %dma_start3A_378 = tpu.memref_slice %arg8[%dma_start3A_376, %dma_start3A_377] : memref<2560x128xf32, #tpu.memory_space<vmem_shared>> -> memref<2560x128xf32, #tpu.memory_space<vmem_shared>>
          tpu.enqueue_indirect_dma source(%arg9 : memref<80x128xf32, #tpu.memory_space<vmem>>) target(%dma_start3A_378 : memref<2560x128xf32, #tpu.memory_space<vmem_shared>>) offsets(%arg10 : memref<80xi32, #tpu.memory_space<vmem>>) semaphore(%run_scoped3A : memref<!tpu.dma_semaphore, #tpu.memory_space<semaphore_mem>>) {add = true}
          %dma_wait3A_379 = arith.constant 0 : i32
          %dma_wait3A_380 = arith.constant 0 : i32
          %dma_wait3A_381 = tpu.memref_slice %arg8[%dma_wait3A_379, %dma_wait3A_380] : memref<2560x128xf32, #tpu.memory_space<vmem_shared>> -> memref<2560x128xf32, #tpu.memory_space<vmem_shared>>
          tpu.wait_indirect_dma semaphore(%run_scoped3A : memref<!tpu.dma_semaphore, #tpu.memory_space<semaphore_mem>>) src(%arg9 : memref<80x128xf32, #tpu.memory_space<vmem>>) dst(%dma_wait3A_381 : memref<2560x128xf32, #tpu.memory_space<vmem_shared>>)
          tpu.yield
        }) : () -> ()
        %get3A = arith.constant 0 : index
        %get3A_367 = tpu.vector_load %arg10[%get3A] {strides = array<i32>} : memref<80xi32, #tpu.memory_space<vmem>>, vector<16xi32>,
        tpu.vector_store_idx %arg13[%get3A_367], %broadcast_in_dim3A_24 {add = true} : memref<2560xf32, #tpu.memory_space<vmem>>[vector<16xi32>], vector<16xf32>,
        %get3A_368 = arith.constant 16 : index
        %get3A_369 = tpu.vector_load %arg10[%get3A_368] {strides = array<i32>} : memref<80xi32, #tpu.memory_space<vmem>>, vector<16xi32>,
        tpu.vector_store_idx %arg13[%get3A_369], %broadcast_in_dim3A_24 {add = true} : memref<2560xf32, #tpu.memory_space<vmem>>[vector<16xi32>], vector<16xf32>,
        %get3A_370 = arith.constant 32 : index
        %get3A_371 = tpu.vector_load %arg10[%get3A_370] {strides = array<i32>} : memref<80xi32, #tpu.memory_space<vmem>>, vector<16xi32>,
        tpu.vector_store_idx %arg13[%get3A_371], %broadcast_in_dim3A_24 {add = true} : memref<2560xf32, #tpu.memory_space<vmem>>[vector<16xi32>], vector<16xf32>,
        %get3A_372 = arith.constant 48 : index
        %get3A_373 = tpu.vector_load %arg10[%get3A_372] {strides = array<i32>} : memref<80xi32, #tpu.memory_space<vmem>>, vector<16xi32>,
        tpu.vector_store_idx %arg13[%get3A_373], %broadcast_in_dim3A_24 {add = true} : memref<2560xf32, #tpu.memory_space<vmem>>[vector<16xi32>], vector<16xf32>,
        %get3A_374 = arith.constant 64 : index
        %get3A_375 = tpu.vector_load %arg10[%get3A_374] {strides = array<i32>} : memref<80xi32, #tpu.memory_space<vmem>>, vector<16xi32>,
        tpu.vector_store_idx %arg13[%get3A_375], %broadcast_in_dim3A_24 {add = true} : memref<2560xf32, #tpu.memory_space<vmem>>[vector<16xi32>], vector<16xf32>,
      } else {
      }
      %scan3A_358 = arith.constant 0 : i32
      scf.yield %scan3A_358 : i32
    }
    %scan3A_31 = arith.constant 32 : i32
    %mul3A_32 = arith.constant 16 : i32
    %mul3A_33 = arith.muli %arg0, %mul3A_32 : i32
    %add3A_34 = arith.addi %mul3A_33, %arg1 : i32
    %mul3A_35 = arith.constant 2560 : i32
    %mul3A_36 = arith.muli %add3A_34, %mul3A_35 : i32
    "tpu.region"() ({
      %run_scoped3A = tpu.sem_alloc : memref<!tpu.dma_semaphore, #tpu.memory_space<semaphore_mem>>
      %dma_start3A_351 = tpu.memref_slice %arg7[%mul3A_36] : memref<81920xf32, #tpu.memory_space<hbm>> -> memref<2560xf32, #tpu.memory_space<hbm>>
      %dma_start3A_352 = tpu.memref_slice %arg7[%mul3A_36] : memref<81920xf32, #tpu.memory_space<hbm>> -> memref<2560xf32, #tpu.memory_space<hbm>>
      tpu.enqueue_dma source(%arg13 : memref<2560xf32, #tpu.memory_space<vmem>>) target(%dma_start3A_352 : memref<2560xf32, #tpu.memory_space<hbm>>) target_semaphore(%run_scoped3A : memref<!tpu.dma_semaphore, #tpu.memory_space<semaphore_mem>>)
      %dma_wait3A_353 = tpu.memref_slice %arg7[%mul3A_36] : memref<81920xf32, #tpu.memory_space<hbm>> -> memref<2560xf32, #tpu.memory_space<hbm>>
      %dma_wait3A_354 = tpu.memref_slice %arg7[%mul3A_36] : memref<81920xf32, #tpu.memory_space<hbm>> -> memref<2560xf32, #tpu.memory_space<hbm>>
      tpu.wait_dma2 semaphore(%run_scoped3A : memref<!tpu.dma_semaphore, #tpu.memory_space<semaphore_mem>>) src(%arg13 : memref<2560xf32, #tpu.memory_space<vmem>>) dst(%dma_wait3A_354 : memref<2560xf32, #tpu.memory_space<hbm>>)
      tpu.yield
    }) : () -> ()
    %barrier3A_37 = arith.constant 0 : index
    tpu.barrier barrier_id(%barrier3A_37)
    %mul3A_38 = arith.constant 16 : i32
    %mul3A_39 = arith.muli %arg0, %mul3A_38 : i32
    %add3A_40 = arith.constant 0 : i32
    %add3A_41 = arith.addi %mul3A_39, %add3A_40 : i32
    %mul3A_42 = arith.constant 2560 : i32
    %mul3A_43 = arith.muli %add3A_41, %mul3A_42 : i32
    %add3A_44 = arith.addi %mul3A_43, %mul3A_9 : i32
    %dma_start3A = arith.constant 0 : i32
    %dma_start3A_45 = tpu.memref_slice %arg14[%dma_start3A] : memref<2560xf32, #tpu.memory_space<vmem>> -> memref<160xf32, #tpu.memory_space<vmem>>
    %dma_start3A_46 = tpu.memref_slice %arg7[%add3A_44] : memref<81920xf32, #tpu.memory_space<hbm>> -> memref<160xf32, #tpu.memory_space<hbm>>
    %dma_start3A_47 = arith.constant 0 : i32
    %dma_start3A_48 = tpu.memref_slice %arg14[%dma_start3A_47] : memref<2560xf32, #tpu.memory_space<vmem>> -> memref<160xf32, #tpu.memory_space<vmem>>
    %dma_start3A_49 = tpu.memref_slice %arg7[%add3A_44] : memref<81920xf32, #tpu.memory_space<hbm>> -> memref<160xf32, #tpu.memory_space<hbm>>
    tpu.enqueue_dma source(%dma_start3A_49 : memref<160xf32, #tpu.memory_space<hbm>>) target(%dma_start3A_48 : memref<160xf32, #tpu.memory_space<vmem>>) target_semaphore(%arg12 : memref<!tpu.dma_semaphore, #tpu.memory_space<semaphore_mem>>)
    %mul3A_50 = arith.constant 16 : i32
    %mul3A_51 = arith.muli %arg0, %mul3A_50 : i32
    %add3A_52 = arith.constant 1 : i32
    %add3A_53 = arith.addi %mul3A_51, %add3A_52 : i32
    %mul3A_54 = arith.constant 2560 : i32
    %mul3A_55 = arith.muli %add3A_53, %mul3A_54 : i32
    %add3A_56 = arith.addi %mul3A_55, %mul3A_9 : i32
    %dma_start3A_57 = arith.constant 160 : i32
    %dma_start3A_58 = tpu.memref_slice %arg14[%dma_start3A_57] : memref<2560xf32, #tpu.memory_space<vmem>> -> memref<160xf32, #tpu.memory_space<vmem>>
    %dma_start3A_59 = tpu.memref_slice %arg7[%add3A_56] : memref<81920xf32, #tpu.memory_space<hbm>> -> memref<160xf32, #tpu.memory_space<hbm>>
    %dma_start3A_60 = arith.constant 160 : i32
    %dma_start3A_61 = tpu.memref_slice %arg14[%dma_start3A_60] : memref<2560xf32, #tpu.memory_space<vmem>> -> memref<160xf32, #tpu.memory_space<vmem>>
    %dma_start3A_62 = tpu.memref_slice %arg7[%add3A_56] : memref<81920xf32, #tpu.memory_space<hbm>> -> memref<160xf32, #tpu.memory_space<hbm>>
    tpu.enqueue_dma source(%dma_start3A_62 : memref<160xf32, #tpu.memory_space<hbm>>) target(%dma_start3A_61 : memref<160xf32, #tpu.memory_space<vmem>>) target_semaphore(%arg12 : memref<!tpu.dma_semaphore, #tpu.memory_space<semaphore_mem>>)
    %mul3A_63 = arith.constant 16 : i32
    %mul3A_64 = arith.muli %arg0, %mul3A_63 : i32
    %add3A_65 = arith.constant 2 : i32
    %add3A_66 = arith.addi %mul3A_64, %add3A_65 : i32
    %mul3A_67 = arith.constant 2560 : i32
    %mul3A_68 = arith.muli %add3A_66, %mul3A_67 : i32
    %add3A_69 = arith.addi %mul3A_68, %mul3A_9 : i32
    %dma_start3A_70 = arith.constant 320 : i32
    %dma_start3A_71 = tpu.memref_slice %arg14[%dma_start3A_70] : memref<2560xf32, #tpu.memory_space<vmem>> -> memref<160xf32, #tpu.memory_space<vmem>>
    %dma_start3A_72 = tpu.memref_slice %arg7[%add3A_69] : memref<81920xf32, #tpu.memory_space<hbm>> -> memref<160xf32, #tpu.memory_space<hbm>>
    %dma_start3A_73 = arith.constant 320 : i32
    %dma_start3A_74 = tpu.memref_slice %arg14[%dma_start3A_73] : memref<2560xf32, #tpu.memory_space<vmem>> -> memref<160xf32, #tpu.memory_space<vmem>>
    %dma_start3A_75 = tpu.memref_slice %arg7[%add3A_69] : memref<81920xf32, #tpu.memory_space<hbm>> -> memref<160xf32, #tpu.memory_space<hbm>>
    tpu.enqueue_dma source(%dma_start3A_75 : memref<160xf32, #tpu.memory_space<hbm>>) target(%dma_start3A_74 : memref<160xf32, #tpu.memory_space<vmem>>) target_semaphore(%arg12 : memref<!tpu.dma_semaphore, #tpu.memory_space<semaphore_mem>>)
    %mul3A_76 = arith.constant 16 : i32
    %mul3A_77 = arith.muli %arg0, %mul3A_76 : i32
    %add3A_78 = arith.constant 3 : i32
    %add3A_79 = arith.addi %mul3A_77, %add3A_78 : i32
    %mul3A_80 = arith.constant 2560 : i32
    %mul3A_81 = arith.muli %add3A_79, %mul3A_80 : i32
    %add3A_82 = arith.addi %mul3A_81, %mul3A_9 : i32
    %dma_start3A_83 = arith.constant 480 : i32
    %dma_start3A_84 = tpu.memref_slice %arg14[%dma_start3A_83] : memref<2560xf32, #tpu.memory_space<vmem>> -> memref<160xf32, #tpu.memory_space<vmem>>
    %dma_start3A_85 = tpu.memref_slice %arg7[%add3A_82] : memref<81920xf32, #tpu.memory_space<hbm>> -> memref<160xf32, #tpu.memory_space<hbm>>
    %dma_start3A_86 = arith.constant 480 : i32
    %dma_start3A_87 = tpu.memref_slice %arg14[%dma_start3A_86] : memref<2560xf32, #tpu.memory_space<vmem>> -> memref<160xf32, #tpu.memory_space<vmem>>
    %dma_start3A_88 = tpu.memref_slice %arg7[%add3A_82] : memref<81920xf32, #tpu.memory_space<hbm>> -> memref<160xf32, #tpu.memory_space<hbm>>
    tpu.enqueue_dma source(%dma_start3A_88 : memref<160xf32, #tpu.memory_space<hbm>>) target(%dma_start3A_87 : memref<160xf32, #tpu.memory_space<vmem>>) target_semaphore(%arg12 : memref<!tpu.dma_semaphore, #tpu.memory_space<semaphore_mem>>)
    %mul3A_89 = arith.constant 16 : i32
    %mul3A_90 = arith.muli %arg0, %mul3A_89 : i32
    %add3A_91 = arith.constant 4 : i32
    %add3A_92 = arith.addi %mul3A_90, %add3A_91 : i32
    %mul3A_93 = arith.constant 2560 : i32
    %mul3A_94 = arith.muli %add3A_92, %mul3A_93 : i32
    %add3A_95 = arith.addi %mul3A_94, %mul3A_9 : i32
    %dma_start3A_96 = arith.constant 640 : i32
    %dma_start3A_97 = tpu.memref_slice %arg14[%dma_start3A_96] : memref<2560xf32, #tpu.memory_space<vmem>> -> memref<160xf32, #tpu.memory_space<vmem>>
    %dma_start3A_98 = tpu.memref_slice %arg7[%add3A_95] : memref<81920xf32, #tpu.memory_space<hbm>> -> memref<160xf32, #tpu.memory_space<hbm>>
    %dma_start3A_99 = arith.constant 640 : i32
    %dma_start3A_100 = tpu.memref_slice %arg14[%dma_start3A_99] : memref<2560xf32, #tpu.memory_space<vmem>> -> memref<160xf32, #tpu.memory_space<vmem>>
    %dma_start3A_101 = tpu.memref_slice %arg7[%add3A_95] : memref<81920xf32, #tpu.memory_space<hbm>> -> memref<160xf32, #tpu.memory_space<hbm>>
    tpu.enqueue_dma source(%dma_start3A_101 : memref<160xf32, #tpu.memory_space<hbm>>) target(%dma_start3A_100 : memref<160xf32, #tpu.memory_space<vmem>>) target_semaphore(%arg12 : memref<!tpu.dma_semaphore, #tpu.memory_space<semaphore_mem>>)
    %mul3A_102 = arith.constant 16 : i32
    %mul3A_103 = arith.muli %arg0, %mul3A_102 : i32
    %add3A_104 = arith.constant 5 : i32
    %add3A_105 = arith.addi %mul3A_103, %add3A_104 : i32
    %mul3A_106 = arith.constant 2560 : i32
    %mul3A_107 = arith.muli %add3A_105, %mul3A_106 : i32
    %add3A_108 = arith.addi %mul3A_107, %mul3A_9 : i32
    %dma_start3A_109 = arith.constant 800 : i32
    %dma_start3A_110 = tpu.memref_slice %arg14[%dma_start3A_109] : memref<2560xf32, #tpu.memory_space<vmem>> -> memref<160xf32, #tpu.memory_space<vmem>>
    %dma_start3A_111 = tpu.memref_slice %arg7[%add3A_108] : memref<81920xf32, #tpu.memory_space<hbm>> -> memref<160xf32, #tpu.memory_space<hbm>>
    %dma_start3A_112 = arith.constant 800 : i32
    %dma_start3A_113 = tpu.memref_slice %arg14[%dma_start3A_112] : memref<2560xf32, #tpu.memory_space<vmem>> -> memref<160xf32, #tpu.memory_space<vmem>>
    %dma_start3A_114 = tpu.memref_slice %arg7[%add3A_108] : memref<81920xf32, #tpu.memory_space<hbm>> -> memref<160xf32, #tpu.memory_space<hbm>>
    tpu.enqueue_dma source(%dma_start3A_114 : memref<160xf32, #tpu.memory_space<hbm>>) target(%dma_start3A_113 : memref<160xf32, #tpu.memory_space<vmem>>) target_semaphore(%arg12 : memref<!tpu.dma_semaphore, #tpu.memory_space<semaphore_mem>>)
    %mul3A_115 = arith.constant 16 : i32
    %mul3A_116 = arith.muli %arg0, %mul3A_115 : i32
    %add3A_117 = arith.constant 6 : i32
    %add3A_118 = arith.addi %mul3A_116, %add3A_117 : i32
    %mul3A_119 = arith.constant 2560 : i32
    %mul3A_120 = arith.muli %add3A_118, %mul3A_119 : i32
    %add3A_121 = arith.addi %mul3A_120, %mul3A_9 : i32
    %dma_start3A_122 = arith.constant 960 : i32
    %dma_start3A_123 = tpu.memref_slice %arg14[%dma_start3A_122] : memref<2560xf32, #tpu.memory_space<vmem>> -> memref<160xf32, #tpu.memory_space<vmem>>
    %dma_start3A_124 = tpu.memref_slice %arg7[%add3A_121] : memref<81920xf32, #tpu.memory_space<hbm>> -> memref<160xf32, #tpu.memory_space<hbm>>
    %dma_start3A_125 = arith.constant 960 : i32
    %dma_start3A_126 = tpu.memref_slice %arg14[%dma_start3A_125] : memref<2560xf32, #tpu.memory_space<vmem>> -> memref<160xf32, #tpu.memory_space<vmem>>
    %dma_start3A_127 = tpu.memref_slice %arg7[%add3A_121] : memref<81920xf32, #tpu.memory_space<hbm>> -> memref<160xf32, #tpu.memory_space<hbm>>
    tpu.enqueue_dma source(%dma_start3A_127 : memref<160xf32, #tpu.memory_space<hbm>>) target(%dma_start3A_126 : memref<160xf32, #tpu.memory_space<vmem>>) target_semaphore(%arg12 : memref<!tpu.dma_semaphore, #tpu.memory_space<semaphore_mem>>)
    %mul3A_128 = arith.constant 16 : i32
    %mul3A_129 = arith.muli %arg0, %mul3A_128 : i32
    %add3A_130 = arith.constant 7 : i32
    %add3A_131 = arith.addi %mul3A_129, %add3A_130 : i32
    %mul3A_132 = arith.constant 2560 : i32
    %mul3A_133 = arith.muli %add3A_131, %mul3A_132 : i32
    %add3A_134 = arith.addi %mul3A_133, %mul3A_9 : i32
    %dma_start3A_135 = arith.constant 1120 : i32
    %dma_start3A_136 = tpu.memref_slice %arg14[%dma_start3A_135] : memref<2560xf32, #tpu.memory_space<vmem>> -> memref<160xf32, #tpu.memory_space<vmem>>
    %dma_start3A_137 = tpu.memref_slice %arg7[%add3A_134] : memref<81920xf32, #tpu.memory_space<hbm>> -> memref<160xf32, #tpu.memory_space<hbm>>
    %dma_start3A_138 = arith.constant 1120 : i32
    %dma_start3A_139 = tpu.memref_slice %arg14[%dma_start3A_138] : memref<2560xf32, #tpu.memory_space<vmem>> -> memref<160xf32, #tpu.memory_space<vmem>>
    %dma_start3A_140 = tpu.memref_slice %arg7[%add3A_134] : memref<81920xf32, #tpu.memory_space<hbm>> -> memref<160xf32, #tpu.memory_space<hbm>>
    tpu.enqueue_dma source(%dma_start3A_140 : memref<160xf32, #tpu.memory_space<hbm>>) target(%dma_start3A_139 : memref<160xf32, #tpu.memory_space<vmem>>) target_semaphore(%arg12 : memref<!tpu.dma_semaphore, #tpu.memory_space<semaphore_mem>>)
    %mul3A_141 = arith.constant 16 : i32
    %mul3A_142 = arith.muli %arg0, %mul3A_141 : i32
    %add3A_143 = arith.constant 8 : i32
    %add3A_144 = arith.addi %mul3A_142, %add3A_143 : i32
    %mul3A_145 = arith.constant 2560 : i32
    %mul3A_146 = arith.muli %add3A_144, %mul3A_145 : i32
    %add3A_147 = arith.addi %mul3A_146, %mul3A_9 : i32
    %dma_start3A_148 = arith.constant 1280 : i32
    %dma_start3A_149 = tpu.memref_slice %arg14[%dma_start3A_148] : memref<2560xf32, #tpu.memory_space<vmem>> -> memref<160xf32, #tpu.memory_space<vmem>>
    %dma_start3A_150 = tpu.memref_slice %arg7[%add3A_147] : memref<81920xf32, #tpu.memory_space<hbm>> -> memref<160xf32, #tpu.memory_space<hbm>>
    %dma_start3A_151 = arith.constant 1280 : i32
    %dma_start3A_152 = tpu.memref_slice %arg14[%dma_start3A_151] : memref<2560xf32, #tpu.memory_space<vmem>> -> memref<160xf32, #tpu.memory_space<vmem>>
    %dma_start3A_153 = tpu.memref_slice %arg7[%add3A_147] : memref<81920xf32, #tpu.memory_space<hbm>> -> memref<160xf32, #tpu.memory_space<hbm>>
    tpu.enqueue_dma source(%dma_start3A_153 : memref<160xf32, #tpu.memory_space<hbm>>) target(%dma_start3A_152 : memref<160xf32, #tpu.memory_space<vmem>>) target_semaphore(%arg12 : memref<!tpu.dma_semaphore, #tpu.memory_space<semaphore_mem>>)
    %mul3A_154 = arith.constant 16 : i32
    %mul3A_155 = arith.muli %arg0, %mul3A_154 : i32
    %add3A_156 = arith.constant 9 : i32
    %add3A_157 = arith.addi %mul3A_155, %add3A_156 : i32
    %mul3A_158 = arith.constant 2560 : i32
    %mul3A_159 = arith.muli %add3A_157, %mul3A_158 : i32
    %add3A_160 = arith.addi %mul3A_159, %mul3A_9 : i32
    %dma_start3A_161 = arith.constant 1440 : i32
    %dma_start3A_162 = tpu.memref_slice %arg14[%dma_start3A_161] : memref<2560xf32, #tpu.memory_space<vmem>> -> memref<160xf32, #tpu.memory_space<vmem>>
    %dma_start3A_163 = tpu.memref_slice %arg7[%add3A_160] : memref<81920xf32, #tpu.memory_space<hbm>> -> memref<160xf32, #tpu.memory_space<hbm>>
    %dma_start3A_164 = arith.constant 1440 : i32
    %dma_start3A_165 = tpu.memref_slice %arg14[%dma_start3A_164] : memref<2560xf32, #tpu.memory_space<vmem>> -> memref<160xf32, #tpu.memory_space<vmem>>
    %dma_start3A_166 = tpu.memref_slice %arg7[%add3A_160] : memref<81920xf32, #tpu.memory_space<hbm>> -> memref<160xf32, #tpu.memory_space<hbm>>
    tpu.enqueue_dma source(%dma_start3A_166 : memref<160xf32, #tpu.memory_space<hbm>>) target(%dma_start3A_165 : memref<160xf32, #tpu.memory_space<vmem>>) target_semaphore(%arg12 : memref<!tpu.dma_semaphore, #tpu.memory_space<semaphore_mem>>)
    %mul3A_167 = arith.constant 16 : i32
    %mul3A_168 = arith.muli %arg0, %mul3A_167 : i32
    %add3A_169 = arith.constant 10 : i32
    %add3A_170 = arith.addi %mul3A_168, %add3A_169 : i32
    %mul3A_171 = arith.constant 2560 : i32
    %mul3A_172 = arith.muli %add3A_170, %mul3A_171 : i32
    %add3A_173 = arith.addi %mul3A_172, %mul3A_9 : i32
    %dma_start3A_174 = arith.constant 1600 : i32
    %dma_start3A_175 = tpu.memref_slice %arg14[%dma_start3A_174] : memref<2560xf32, #tpu.memory_space<vmem>> -> memref<160xf32, #tpu.memory_space<vmem>>
    %dma_start3A_176 = tpu.memref_slice %arg7[%add3A_173] : memref<81920xf32, #tpu.memory_space<hbm>> -> memref<160xf32, #tpu.memory_space<hbm>>
    %dma_start3A_177 = arith.constant 1600 : i32
    %dma_start3A_178 = tpu.memref_slice %arg14[%dma_start3A_177] : memref<2560xf32, #tpu.memory_space<vmem>> -> memref<160xf32, #tpu.memory_space<vmem>>
    %dma_start3A_179 = tpu.memref_slice %arg7[%add3A_173] : memref<81920xf32, #tpu.memory_space<hbm>> -> memref<160xf32, #tpu.memory_space<hbm>>
    tpu.enqueue_dma source(%dma_start3A_179 : memref<160xf32, #tpu.memory_space<hbm>>) target(%dma_start3A_178 : memref<160xf32, #tpu.memory_space<vmem>>) target_semaphore(%arg12 : memref<!tpu.dma_semaphore, #tpu.memory_space<semaphore_mem>>)
    %mul3A_180 = arith.constant 16 : i32
    %mul3A_181 = arith.muli %arg0, %mul3A_180 : i32
    %add3A_182 = arith.constant 11 : i32
    %add3A_183 = arith.addi %mul3A_181, %add3A_182 : i32
    %mul3A_184 = arith.constant 2560 : i32
    %mul3A_185 = arith.muli %add3A_183, %mul3A_184 : i32
    %add3A_186 = arith.addi %mul3A_185, %mul3A_9 : i32
    %dma_start3A_187 = arith.constant 1760 : i32
    %dma_start3A_188 = tpu.memref_slice %arg14[%dma_start3A_187] : memref<2560xf32, #tpu.memory_space<vmem>> -> memref<160xf32, #tpu.memory_space<vmem>>
    %dma_start3A_189 = tpu.memref_slice %arg7[%add3A_186] : memref<81920xf32, #tpu.memory_space<hbm>> -> memref<160xf32, #tpu.memory_space<hbm>>
    %dma_start3A_190 = arith.constant 1760 : i32
    %dma_start3A_191 = tpu.memref_slice %arg14[%dma_start3A_190] : memref<2560xf32, #tpu.memory_space<vmem>> -> memref<160xf32, #tpu.memory_space<vmem>>
    %dma_start3A_192 = tpu.memref_slice %arg7[%add3A_186] : memref<81920xf32, #tpu.memory_space<hbm>> -> memref<160xf32, #tpu.memory_space<hbm>>
    tpu.enqueue_dma source(%dma_start3A_192 : memref<160xf32, #tpu.memory_space<hbm>>) target(%dma_start3A_191 : memref<160xf32, #tpu.memory_space<vmem>>) target_semaphore(%arg12 : memref<!tpu.dma_semaphore, #tpu.memory_space<semaphore_mem>>)
    %mul3A_193 = arith.constant 16 : i32
    %mul3A_194 = arith.muli %arg0, %mul3A_193 : i32
    %add3A_195 = arith.constant 12 : i32
    %add3A_196 = arith.addi %mul3A_194, %add3A_195 : i32
    %mul3A_197 = arith.constant 2560 : i32
    %mul3A_198 = arith.muli %add3A_196, %mul3A_197 : i32
    %add3A_199 = arith.addi %mul3A_198, %mul3A_9 : i32
    %dma_start3A_200 = arith.constant 1920 : i32
    %dma_start3A_201 = tpu.memref_slice %arg14[%dma_start3A_200] : memref<2560xf32, #tpu.memory_space<vmem>> -> memref<160xf32, #tpu.memory_space<vmem>>
    %dma_start3A_202 = tpu.memref_slice %arg7[%add3A_199] : memref<81920xf32, #tpu.memory_space<hbm>> -> memref<160xf32, #tpu.memory_space<hbm>>
    %dma_start3A_203 = arith.constant 1920 : i32
    %dma_start3A_204 = tpu.memref_slice %arg14[%dma_start3A_203] : memref<2560xf32, #tpu.memory_space<vmem>> -> memref<160xf32, #tpu.memory_space<vmem>>
    %dma_start3A_205 = tpu.memref_slice %arg7[%add3A_199] : memref<81920xf32, #tpu.memory_space<hbm>> -> memref<160xf32, #tpu.memory_space<hbm>>
    tpu.enqueue_dma source(%dma_start3A_205 : memref<160xf32, #tpu.memory_space<hbm>>) target(%dma_start3A_204 : memref<160xf32, #tpu.memory_space<vmem>>) target_semaphore(%arg12 : memref<!tpu.dma_semaphore, #tpu.memory_space<semaphore_mem>>)
    %mul3A_206 = arith.constant 16 : i32
    %mul3A_207 = arith.muli %arg0, %mul3A_206 : i32
    %add3A_208 = arith.constant 13 : i32
    %add3A_209 = arith.addi %mul3A_207, %add3A_208 : i32
    %mul3A_210 = arith.constant 2560 : i32
    %mul3A_211 = arith.muli %add3A_209, %mul3A_210 : i32
    %add3A_212 = arith.addi %mul3A_211, %mul3A_9 : i32
    %dma_start3A_213 = arith.constant 2080 : i32
    %dma_start3A_214 = tpu.memref_slice %arg14[%dma_start3A_213] : memref<2560xf32, #tpu.memory_space<vmem>> -> memref<160xf32, #tpu.memory_space<vmem>>
    %dma_start3A_215 = tpu.memref_slice %arg7[%add3A_212] : memref<81920xf32, #tpu.memory_space<hbm>> -> memref<160xf32, #tpu.memory_space<hbm>>
    %dma_start3A_216 = arith.constant 2080 : i32
    %dma_start3A_217 = tpu.memref_slice %arg14[%dma_start3A_216] : memref<2560xf32, #tpu.memory_space<vmem>> -> memref<160xf32, #tpu.memory_space<vmem>>
    %dma_start3A_218 = tpu.memref_slice %arg7[%add3A_212] : memref<81920xf32, #tpu.memory_space<hbm>> -> memref<160xf32, #tpu.memory_space<hbm>>
    tpu.enqueue_dma source(%dma_start3A_218 : memref<160xf32, #tpu.memory_space<hbm>>) target(%dma_start3A_217 : memref<160xf32, #tpu.memory_space<vmem>>) target_semaphore(%arg12 : memref<!tpu.dma_semaphore, #tpu.memory_space<semaphore_mem>>)
    %mul3A_219 = arith.constant 16 : i32
    %mul3A_220 = arith.muli %arg0, %mul3A_219 : i32
    %add3A_221 = arith.constant 14 : i32
    %add3A_222 = arith.addi %mul3A_220, %add3A_221 : i32
    %mul3A_223 = arith.constant 2560 : i32
    %mul3A_224 = arith.muli %add3A_222, %mul3A_223 : i32
    %add3A_225 = arith.addi %mul3A_224, %mul3A_9 : i32
    %dma_start3A_226 = arith.constant 2240 : i32
    %dma_start3A_227 = tpu.memref_slice %arg14[%dma_start3A_226] : memref<2560xf32, #tpu.memory_space<vmem>> -> memref<160xf32, #tpu.memory_space<vmem>>
    %dma_start3A_228 = tpu.memref_slice %arg7[%add3A_225] : memref<81920xf32, #tpu.memory_space<hbm>> -> memref<160xf32, #tpu.memory_space<hbm>>
    %dma_start3A_229 = arith.constant 2240 : i32
    %dma_start3A_230 = tpu.memref_slice %arg14[%dma_start3A_229] : memref<2560xf32, #tpu.memory_space<vmem>> -> memref<160xf32, #tpu.memory_space<vmem>>
    %dma_start3A_231 = tpu.memref_slice %arg7[%add3A_225] : memref<81920xf32, #tpu.memory_space<hbm>> -> memref<160xf32, #tpu.memory_space<hbm>>
    tpu.enqueue_dma source(%dma_start3A_231 : memref<160xf32, #tpu.memory_space<hbm>>) target(%dma_start3A_230 : memref<160xf32, #tpu.memory_space<vmem>>) target_semaphore(%arg12 : memref<!tpu.dma_semaphore, #tpu.memory_space<semaphore_mem>>)
    %mul3A_232 = arith.constant 16 : i32
    %mul3A_233 = arith.muli %arg0, %mul3A_232 : i32
    %add3A_234 = arith.constant 15 : i32
    %add3A_235 = arith.addi %mul3A_233, %add3A_234 : i32
    %mul3A_236 = arith.constant 2560 : i32
    %mul3A_237 = arith.muli %add3A_235, %mul3A_236 : i32
    %add3A_238 = arith.addi %mul3A_237, %mul3A_9 : i32
    %dma_start3A_239 = arith.constant 2400 : i32
    %dma_start3A_240 = tpu.memref_slice %arg14[%dma_start3A_239] : memref<2560xf32, #tpu.memory_space<vmem>> -> memref<160xf32, #tpu.memory_space<vmem>>
    %dma_start3A_241 = tpu.memref_slice %arg7[%add3A_238] : memref<81920xf32, #tpu.memory_space<hbm>> -> memref<160xf32, #tpu.memory_space<hbm>>
    %dma_start3A_242 = arith.constant 2400 : i32
    %dma_start3A_243 = tpu.memref_slice %arg14[%dma_start3A_242] : memref<2560xf32, #tpu.memory_space<vmem>> -> memref<160xf32, #tpu.memory_space<vmem>>
    %dma_start3A_244 = tpu.memref_slice %arg7[%add3A_238] : memref<81920xf32, #tpu.memory_space<hbm>> -> memref<160xf32, #tpu.memory_space<hbm>>
    tpu.enqueue_dma source(%dma_start3A_244 : memref<160xf32, #tpu.memory_space<hbm>>) target(%dma_start3A_243 : memref<160xf32, #tpu.memory_space<vmem>>) target_semaphore(%arg12 : memref<!tpu.dma_semaphore, #tpu.memory_space<semaphore_mem>>)
    %dma_wait3A = arith.constant 0 : i32
    %dma_wait3A_245 = tpu.memref_slice %arg14[%dma_wait3A] : memref<2560xf32, #tpu.memory_space<vmem>> -> memref<160xf32, #tpu.memory_space<vmem>>
    %dma_wait3A_246 = tpu.memref_slice %arg7[%add3A_44] : memref<81920xf32, #tpu.memory_space<hbm>> -> memref<160xf32, #tpu.memory_space<hbm>>
    %dma_wait3A_247 = arith.constant 0 : i32
    %dma_wait3A_248 = tpu.memref_slice %arg14[%dma_wait3A_247] : memref<2560xf32, #tpu.memory_space<vmem>> -> memref<160xf32, #tpu.memory_space<vmem>>
    %dma_wait3A_249 = tpu.memref_slice %arg7[%add3A_44] : memref<81920xf32, #tpu.memory_space<hbm>> -> memref<160xf32, #tpu.memory_space<hbm>>
    tpu.wait_dma2 semaphore(%arg12 : memref<!tpu.dma_semaphore, #tpu.memory_space<semaphore_mem>>) src(%dma_wait3A_249 : memref<160xf32, #tpu.memory_space<hbm>>) dst(%dma_wait3A_248 : memref<160xf32, #tpu.memory_space<vmem>>)
    %dma_wait3A_250 = arith.constant 160 : i32
    %dma_wait3A_251 = tpu.memref_slice %arg14[%dma_wait3A_250] : memref<2560xf32, #tpu.memory_space<vmem>> -> memref<160xf32, #tpu.memory_space<vmem>>
    %dma_wait3A_252 = tpu.memref_slice %arg7[%add3A_56] : memref<81920xf32, #tpu.memory_space<hbm>> -> memref<160xf32, #tpu.memory_space<hbm>>
    %dma_wait3A_253 = arith.constant 160 : i32
    %dma_wait3A_254 = tpu.memref_slice %arg14[%dma_wait3A_253] : memref<2560xf32, #tpu.memory_space<vmem>> -> memref<160xf32, #tpu.memory_space<vmem>>
    %dma_wait3A_255 = tpu.memref_slice %arg7[%add3A_56] : memref<81920xf32, #tpu.memory_space<hbm>> -> memref<160xf32, #tpu.memory_space<hbm>>
    tpu.wait_dma2 semaphore(%arg12 : memref<!tpu.dma_semaphore, #tpu.memory_space<semaphore_mem>>) src(%dma_wait3A_255 : memref<160xf32, #tpu.memory_space<hbm>>) dst(%dma_wait3A_254 : memref<160xf32, #tpu.memory_space<vmem>>)
    %dma_wait3A_256 = arith.constant 320 : i32
    %dma_wait3A_257 = tpu.memref_slice %arg14[%dma_wait3A_256] : memref<2560xf32, #tpu.memory_space<vmem>> -> memref<160xf32, #tpu.memory_space<vmem>>
    %dma_wait3A_258 = tpu.memref_slice %arg7[%add3A_69] : memref<81920xf32, #tpu.memory_space<hbm>> -> memref<160xf32, #tpu.memory_space<hbm>>
    %dma_wait3A_259 = arith.constant 320 : i32
    %dma_wait3A_260 = tpu.memref_slice %arg14[%dma_wait3A_259] : memref<2560xf32, #tpu.memory_space<vmem>> -> memref<160xf32, #tpu.memory_space<vmem>>
    %dma_wait3A_261 = tpu.memref_slice %arg7[%add3A_69] : memref<81920xf32, #tpu.memory_space<hbm>> -> memref<160xf32, #tpu.memory_space<hbm>>
    tpu.wait_dma2 semaphore(%arg12 : memref<!tpu.dma_semaphore, #tpu.memory_space<semaphore_mem>>) src(%dma_wait3A_261 : memref<160xf32, #tpu.memory_space<hbm>>) dst(%dma_wait3A_260 : memref<160xf32, #tpu.memory_space<vmem>>)
    %dma_wait3A_262 = arith.constant 480 : i32
    %dma_wait3A_263 = tpu.memref_slice %arg14[%dma_wait3A_262] : memref<2560xf32, #tpu.memory_space<vmem>> -> memref<160xf32, #tpu.memory_space<vmem>>
    %dma_wait3A_264 = tpu.memref_slice %arg7[%add3A_82] : memref<81920xf32, #tpu.memory_space<hbm>> -> memref<160xf32, #tpu.memory_space<hbm>>
    %dma_wait3A_265 = arith.constant 480 : i32
    %dma_wait3A_266 = tpu.memref_slice %arg14[%dma_wait3A_265] : memref<2560xf32, #tpu.memory_space<vmem>> -> memref<160xf32, #tpu.memory_space<vmem>>
    %dma_wait3A_267 = tpu.memref_slice %arg7[%add3A_82] : memref<81920xf32, #tpu.memory_space<hbm>> -> memref<160xf32, #tpu.memory_space<hbm>>
    tpu.wait_dma2 semaphore(%arg12 : memref<!tpu.dma_semaphore, #tpu.memory_space<semaphore_mem>>) src(%dma_wait3A_267 : memref<160xf32, #tpu.memory_space<hbm>>) dst(%dma_wait3A_266 : memref<160xf32, #tpu.memory_space<vmem>>)
    %dma_wait3A_268 = arith.constant 640 : i32
    %dma_wait3A_269 = tpu.memref_slice %arg14[%dma_wait3A_268] : memref<2560xf32, #tpu.memory_space<vmem>> -> memref<160xf32, #tpu.memory_space<vmem>>
    %dma_wait3A_270 = tpu.memref_slice %arg7[%add3A_95] : memref<81920xf32, #tpu.memory_space<hbm>> -> memref<160xf32, #tpu.memory_space<hbm>>
    %dma_wait3A_271 = arith.constant 640 : i32
    %dma_wait3A_272 = tpu.memref_slice %arg14[%dma_wait3A_271] : memref<2560xf32, #tpu.memory_space<vmem>> -> memref<160xf32, #tpu.memory_space<vmem>>
    %dma_wait3A_273 = tpu.memref_slice %arg7[%add3A_95] : memref<81920xf32, #tpu.memory_space<hbm>> -> memref<160xf32, #tpu.memory_space<hbm>>
    tpu.wait_dma2 semaphore(%arg12 : memref<!tpu.dma_semaphore, #tpu.memory_space<semaphore_mem>>) src(%dma_wait3A_273 : memref<160xf32, #tpu.memory_space<hbm>>) dst(%dma_wait3A_272 : memref<160xf32, #tpu.memory_space<vmem>>)
    %dma_wait3A_274 = arith.constant 800 : i32
    %dma_wait3A_275 = tpu.memref_slice %arg14[%dma_wait3A_274] : memref<2560xf32, #tpu.memory_space<vmem>> -> memref<160xf32, #tpu.memory_space<vmem>>
    %dma_wait3A_276 = tpu.memref_slice %arg7[%add3A_108] : memref<81920xf32, #tpu.memory_space<hbm>> -> memref<160xf32, #tpu.memory_space<hbm>>
    %dma_wait3A_277 = arith.constant 800 : i32
    %dma_wait3A_278 = tpu.memref_slice %arg14[%dma_wait3A_277] : memref<2560xf32, #tpu.memory_space<vmem>> -> memref<160xf32, #tpu.memory_space<vmem>>
    %dma_wait3A_279 = tpu.memref_slice %arg7[%add3A_108] : memref<81920xf32, #tpu.memory_space<hbm>> -> memref<160xf32, #tpu.memory_space<hbm>>
    tpu.wait_dma2 semaphore(%arg12 : memref<!tpu.dma_semaphore, #tpu.memory_space<semaphore_mem>>) src(%dma_wait3A_279 : memref<160xf32, #tpu.memory_space<hbm>>) dst(%dma_wait3A_278 : memref<160xf32, #tpu.memory_space<vmem>>)
    %dma_wait3A_280 = arith.constant 960 : i32
    %dma_wait3A_281 = tpu.memref_slice %arg14[%dma_wait3A_280] : memref<2560xf32, #tpu.memory_space<vmem>> -> memref<160xf32, #tpu.memory_space<vmem>>
    %dma_wait3A_282 = tpu.memref_slice %arg7[%add3A_121] : memref<81920xf32, #tpu.memory_space<hbm>> -> memref<160xf32, #tpu.memory_space<hbm>>
    %dma_wait3A_283 = arith.constant 960 : i32
    %dma_wait3A_284 = tpu.memref_slice %arg14[%dma_wait3A_283] : memref<2560xf32, #tpu.memory_space<vmem>> -> memref<160xf32, #tpu.memory_space<vmem>>
    %dma_wait3A_285 = tpu.memref_slice %arg7[%add3A_121] : memref<81920xf32, #tpu.memory_space<hbm>> -> memref<160xf32, #tpu.memory_space<hbm>>
    tpu.wait_dma2 semaphore(%arg12 : memref<!tpu.dma_semaphore, #tpu.memory_space<semaphore_mem>>) src(%dma_wait3A_285 : memref<160xf32, #tpu.memory_space<hbm>>) dst(%dma_wait3A_284 : memref<160xf32, #tpu.memory_space<vmem>>)
    %dma_wait3A_286 = arith.constant 1120 : i32
    %dma_wait3A_287 = tpu.memref_slice %arg14[%dma_wait3A_286] : memref<2560xf32, #tpu.memory_space<vmem>> -> memref<160xf32, #tpu.memory_space<vmem>>
    %dma_wait3A_288 = tpu.memref_slice %arg7[%add3A_134] : memref<81920xf32, #tpu.memory_space<hbm>> -> memref<160xf32, #tpu.memory_space<hbm>>
    %dma_wait3A_289 = arith.constant 1120 : i32
    %dma_wait3A_290 = tpu.memref_slice %arg14[%dma_wait3A_289] : memref<2560xf32, #tpu.memory_space<vmem>> -> memref<160xf32, #tpu.memory_space<vmem>>
    %dma_wait3A_291 = tpu.memref_slice %arg7[%add3A_134] : memref<81920xf32, #tpu.memory_space<hbm>> -> memref<160xf32, #tpu.memory_space<hbm>>
    tpu.wait_dma2 semaphore(%arg12 : memref<!tpu.dma_semaphore, #tpu.memory_space<semaphore_mem>>) src(%dma_wait3A_291 : memref<160xf32, #tpu.memory_space<hbm>>) dst(%dma_wait3A_290 : memref<160xf32, #tpu.memory_space<vmem>>)
    %dma_wait3A_292 = arith.constant 1280 : i32
    %dma_wait3A_293 = tpu.memref_slice %arg14[%dma_wait3A_292] : memref<2560xf32, #tpu.memory_space<vmem>> -> memref<160xf32, #tpu.memory_space<vmem>>
    %dma_wait3A_294 = tpu.memref_slice %arg7[%add3A_147] : memref<81920xf32, #tpu.memory_space<hbm>> -> memref<160xf32, #tpu.memory_space<hbm>>
    %dma_wait3A_295 = arith.constant 1280 : i32
    %dma_wait3A_296 = tpu.memref_slice %arg14[%dma_wait3A_295] : memref<2560xf32, #tpu.memory_space<vmem>> -> memref<160xf32, #tpu.memory_space<vmem>>
    %dma_wait3A_297 = tpu.memref_slice %arg7[%add3A_147] : memref<81920xf32, #tpu.memory_space<hbm>> -> memref<160xf32, #tpu.memory_space<hbm>>
    tpu.wait_dma2 semaphore(%arg12 : memref<!tpu.dma_semaphore, #tpu.memory_space<semaphore_mem>>) src(%dma_wait3A_297 : memref<160xf32, #tpu.memory_space<hbm>>) dst(%dma_wait3A_296 : memref<160xf32, #tpu.memory_space<vmem>>)
    %dma_wait3A_298 = arith.constant 1440 : i32
    %dma_wait3A_299 = tpu.memref_slice %arg14[%dma_wait3A_298] : memref<2560xf32, #tpu.memory_space<vmem>> -> memref<160xf32, #tpu.memory_space<vmem>>
    %dma_wait3A_300 = tpu.memref_slice %arg7[%add3A_160] : memref<81920xf32, #tpu.memory_space<hbm>> -> memref<160xf32, #tpu.memory_space<hbm>>
    %dma_wait3A_301 = arith.constant 1440 : i32
    %dma_wait3A_302 = tpu.memref_slice %arg14[%dma_wait3A_301] : memref<2560xf32, #tpu.memory_space<vmem>> -> memref<160xf32, #tpu.memory_space<vmem>>
    %dma_wait3A_303 = tpu.memref_slice %arg7[%add3A_160] : memref<81920xf32, #tpu.memory_space<hbm>> -> memref<160xf32, #tpu.memory_space<hbm>>
    tpu.wait_dma2 semaphore(%arg12 : memref<!tpu.dma_semaphore, #tpu.memory_space<semaphore_mem>>) src(%dma_wait3A_303 : memref<160xf32, #tpu.memory_space<hbm>>) dst(%dma_wait3A_302 : memref<160xf32, #tpu.memory_space<vmem>>)
    %dma_wait3A_304 = arith.constant 1600 : i32
    %dma_wait3A_305 = tpu.memref_slice %arg14[%dma_wait3A_304] : memref<2560xf32, #tpu.memory_space<vmem>> -> memref<160xf32, #tpu.memory_space<vmem>>
    %dma_wait3A_306 = tpu.memref_slice %arg7[%add3A_173] : memref<81920xf32, #tpu.memory_space<hbm>> -> memref<160xf32, #tpu.memory_space<hbm>>
    %dma_wait3A_307 = arith.constant 1600 : i32
    %dma_wait3A_308 = tpu.memref_slice %arg14[%dma_wait3A_307] : memref<2560xf32, #tpu.memory_space<vmem>> -> memref<160xf32, #tpu.memory_space<vmem>>
    %dma_wait3A_309 = tpu.memref_slice %arg7[%add3A_173] : memref<81920xf32, #tpu.memory_space<hbm>> -> memref<160xf32, #tpu.memory_space<hbm>>
    tpu.wait_dma2 semaphore(%arg12 : memref<!tpu.dma_semaphore, #tpu.memory_space<semaphore_mem>>) src(%dma_wait3A_309 : memref<160xf32, #tpu.memory_space<hbm>>) dst(%dma_wait3A_308 : memref<160xf32, #tpu.memory_space<vmem>>)
    %dma_wait3A_310 = arith.constant 1760 : i32
    %dma_wait3A_311 = tpu.memref_slice %arg14[%dma_wait3A_310] : memref<2560xf32, #tpu.memory_space<vmem>> -> memref<160xf32, #tpu.memory_space<vmem>>
    %dma_wait3A_312 = tpu.memref_slice %arg7[%add3A_186] : memref<81920xf32, #tpu.memory_space<hbm>> -> memref<160xf32, #tpu.memory_space<hbm>>
    %dma_wait3A_313 = arith.constant 1760 : i32
    %dma_wait3A_314 = tpu.memref_slice %arg14[%dma_wait3A_313] : memref<2560xf32, #tpu.memory_space<vmem>> -> memref<160xf32, #tpu.memory_space<vmem>>
    %dma_wait3A_315 = tpu.memref_slice %arg7[%add3A_186] : memref<81920xf32, #tpu.memory_space<hbm>> -> memref<160xf32, #tpu.memory_space<hbm>>
    tpu.wait_dma2 semaphore(%arg12 : memref<!tpu.dma_semaphore, #tpu.memory_space<semaphore_mem>>) src(%dma_wait3A_315 : memref<160xf32, #tpu.memory_space<hbm>>) dst(%dma_wait3A_314 : memref<160xf32, #tpu.memory_space<vmem>>)
    %dma_wait3A_316 = arith.constant 1920 : i32
    %dma_wait3A_317 = tpu.memref_slice %arg14[%dma_wait3A_316] : memref<2560xf32, #tpu.memory_space<vmem>> -> memref<160xf32, #tpu.memory_space<vmem>>
    %dma_wait3A_318 = tpu.memref_slice %arg7[%add3A_199] : memref<81920xf32, #tpu.memory_space<hbm>> -> memref<160xf32, #tpu.memory_space<hbm>>
    %dma_wait3A_319 = arith.constant 1920 : i32
    %dma_wait3A_320 = tpu.memref_slice %arg14[%dma_wait3A_319] : memref<2560xf32, #tpu.memory_space<vmem>> -> memref<160xf32, #tpu.memory_space<vmem>>
    %dma_wait3A_321 = tpu.memref_slice %arg7[%add3A_199] : memref<81920xf32, #tpu.memory_space<hbm>> -> memref<160xf32, #tpu.memory_space<hbm>>
    tpu.wait_dma2 semaphore(%arg12 : memref<!tpu.dma_semaphore, #tpu.memory_space<semaphore_mem>>) src(%dma_wait3A_321 : memref<160xf32, #tpu.memory_space<hbm>>) dst(%dma_wait3A_320 : memref<160xf32, #tpu.memory_space<vmem>>)
    %dma_wait3A_322 = arith.constant 2080 : i32
    %dma_wait3A_323 = tpu.memref_slice %arg14[%dma_wait3A_322] : memref<2560xf32, #tpu.memory_space<vmem>> -> memref<160xf32, #tpu.memory_space<vmem>>
    %dma_wait3A_324 = tpu.memref_slice %arg7[%add3A_212] : memref<81920xf32, #tpu.memory_space<hbm>> -> memref<160xf32, #tpu.memory_space<hbm>>
    %dma_wait3A_325 = arith.constant 2080 : i32
    %dma_wait3A_326 = tpu.memref_slice %arg14[%dma_wait3A_325] : memref<2560xf32, #tpu.memory_space<vmem>> -> memref<160xf32, #tpu.memory_space<vmem>>
    %dma_wait3A_327 = tpu.memref_slice %arg7[%add3A_212] : memref<81920xf32, #tpu.memory_space<hbm>> -> memref<160xf32, #tpu.memory_space<hbm>>
    tpu.wait_dma2 semaphore(%arg12 : memref<!tpu.dma_semaphore, #tpu.memory_space<semaphore_mem>>) src(%dma_wait3A_327 : memref<160xf32, #tpu.memory_space<hbm>>) dst(%dma_wait3A_326 : memref<160xf32, #tpu.memory_space<vmem>>)
    %dma_wait3A_328 = arith.constant 2240 : i32
    %dma_wait3A_329 = tpu.memref_slice %arg14[%dma_wait3A_328] : memref<2560xf32, #tpu.memory_space<vmem>> -> memref<160xf32, #tpu.memory_space<vmem>>
    %dma_wait3A_330 = tpu.memref_slice %arg7[%add3A_225] : memref<81920xf32, #tpu.memory_space<hbm>> -> memref<160xf32, #tpu.memory_space<hbm>>
    %dma_wait3A_331 = arith.constant 2240 : i32
    %dma_wait3A_332 = tpu.memref_slice %arg14[%dma_wait3A_331] : memref<2560xf32, #tpu.memory_space<vmem>> -> memref<160xf32, #tpu.memory_space<vmem>>
    %dma_wait3A_333 = tpu.memref_slice %arg7[%add3A_225] : memref<81920xf32, #tpu.memory_space<hbm>> -> memref<160xf32, #tpu.memory_space<hbm>>
    tpu.wait_dma2 semaphore(%arg12 : memref<!tpu.dma_semaphore, #tpu.memory_space<semaphore_mem>>) src(%dma_wait3A_333 : memref<160xf32, #tpu.memory_space<hbm>>) dst(%dma_wait3A_332 : memref<160xf32, #tpu.memory_space<vmem>>)
    %dma_wait3A_334 = arith.constant 2400 : i32
    %dma_wait3A_335 = tpu.memref_slice %arg14[%dma_wait3A_334] : memref<2560xf32, #tpu.memory_space<vmem>> -> memref<160xf32, #tpu.memory_space<vmem>>
    %dma_wait3A_336 = tpu.memref_slice %arg7[%add3A_238] : memref<81920xf32, #tpu.memory_space<hbm>> -> memref<160xf32, #tpu.memory_space<hbm>>
    %dma_wait3A_337 = arith.constant 2400 : i32
    %dma_wait3A_338 = tpu.memref_slice %arg14[%dma_wait3A_337] : memref<2560xf32, #tpu.memory_space<vmem>> -> memref<160xf32, #tpu.memory_space<vmem>>
    %dma_wait3A_339 = tpu.memref_slice %arg7[%add3A_238] : memref<81920xf32, #tpu.memory_space<hbm>> -> memref<160xf32, #tpu.memory_space<hbm>>
    tpu.wait_dma2 semaphore(%arg12 : memref<!tpu.dma_semaphore, #tpu.memory_space<semaphore_mem>>) src(%dma_wait3A_339 : memref<160xf32, #tpu.memory_space<hbm>>) dst(%dma_wait3A_338 : memref<160xf32, #tpu.memory_space<vmem>>)
    %scan3A_340 = arith.constant 0 : i32
    %scan3A_341 = arith.constant 0 : i32
    %scan3A_342 = arith.constant 10 : i32
    %scan3A_343 = arith.addi %scan3A_341, %scan3A_342 : i32
    %scan3A_344 = arith.constant 1 : i32
    %scan3A_345 = scf.for %scan3A_351 = %scan3A_341 to %scan3A_343 step %scan3A_344 iter_args(%scan3A_352 = %scan3A_340) -> (i32)  : i32 {
      %mul3A_353 = arith.constant 16 : i32
      %mul3A_354 = arith.muli %scan3A_351, %mul3A_353 : i32
      %get3A = arith.index_cast %mul3A_354 : i32 to index
      %get3A_355 = tpu.vector_load %arg14[%get3A] {strides = array<i32>} : memref<2560xf32, #tpu.memory_space<vmem>>, vector<16xf32>,
      %mul3A_356 = arith.constant 16 : i32
      %mul3A_357 = arith.muli %scan3A_351, %mul3A_356 : i32
      %add3A_358 = arith.constant 160 : i32
      %add3A_359 = arith.addi %add3A_358, %mul3A_357 : i32
      %get3A_360 = arith.index_cast %add3A_359 : i32 to index
      %get3A_361 = tpu.vector_load %arg14[%get3A_360] {strides = array<i32>} : memref<2560xf32, #tpu.memory_space<vmem>>, vector<16xf32>,
      %add3A_362 = arith.addf %get3A_355, %get3A_361 : vector<16xf32>
      %mul3A_363 = arith.constant 16 : i32
      %mul3A_364 = arith.muli %scan3A_351, %mul3A_363 : i32
      %add3A_365 = arith.constant 320 : i32
      %add3A_366 = arith.addi %add3A_365, %mul3A_364 : i32
      %get3A_367 = arith.index_cast %add3A_366 : i32 to index
      %get3A_368 = tpu.vector_load %arg14[%get3A_367] {strides = array<i32>} : memref<2560xf32, #tpu.memory_space<vmem>>, vector<16xf32>,
      %add3A_369 = arith.addf %add3A_362, %get3A_368 : vector<16xf32>
      %mul3A_370 = arith.constant 16 : i32
      %mul3A_371 = arith.muli %scan3A_351, %mul3A_370 : i32
      %add3A_372 = arith.constant 480 : i32
      %add3A_373 = arith.addi %add3A_372, %mul3A_371 : i32
      %get3A_374 = arith.index_cast %add3A_373 : i32 to index
      %get3A_375 = tpu.vector_load %arg14[%get3A_374] {strides = array<i32>} : memref<2560xf32, #tpu.memory_space<vmem>>, vector<16xf32>,
      %add3A_376 = arith.addf %add3A_369, %get3A_375 : vector<16xf32>
      %mul3A_377 = arith.constant 16 : i32
      %mul3A_378 = arith.muli %scan3A_351, %mul3A_377 : i32
      %add3A_379 = arith.constant 640 : i32
      %add3A_380 = arith.addi %add3A_379, %mul3A_378 : i32
      %get3A_381 = arith.index_cast %add3A_380 : i32 to index
      %get3A_382 = tpu.vector_load %arg14[%get3A_381] {strides = array<i32>} : memref<2560xf32, #tpu.memory_space<vmem>>, vector<16xf32>,
      %add3A_383 = arith.addf %add3A_376, %get3A_382 : vector<16xf32>
      %mul3A_384 = arith.constant 16 : i32
      %mul3A_385 = arith.muli %scan3A_351, %mul3A_384 : i32
      %add3A_386 = arith.constant 800 : i32
      %add3A_387 = arith.addi %add3A_386, %mul3A_385 : i32
      %get3A_388 = arith.index_cast %add3A_387 : i32 to index
      %get3A_389 = tpu.vector_load %arg14[%get3A_388] {strides = array<i32>} : memref<2560xf32, #tpu.memory_space<vmem>>, vector<16xf32>,
      %add3A_390 = arith.addf %add3A_383, %get3A_389 : vector<16xf32>
      %mul3A_391 = arith.constant 16 : i32
      %mul3A_392 = arith.muli %scan3A_351, %mul3A_391 : i32
      %add3A_393 = arith.constant 960 : i32
      %add3A_394 = arith.addi %add3A_393, %mul3A_392 : i32
      %get3A_395 = arith.index_cast %add3A_394 : i32 to index
      %get3A_396 = tpu.vector_load %arg14[%get3A_395] {strides = array<i32>} : memref<2560xf32, #tpu.memory_space<vmem>>, vector<16xf32>,
      %add3A_397 = arith.addf %add3A_390, %get3A_396 : vector<16xf32>
      %mul3A_398 = arith.constant 16 : i32
      %mul3A_399 = arith.muli %scan3A_351, %mul3A_398 : i32
      %add3A_400 = arith.constant 1120 : i32
      %add3A_401 = arith.addi %add3A_400, %mul3A_399 : i32
      %get3A_402 = arith.index_cast %add3A_401 : i32 to index
      %get3A_403 = tpu.vector_load %arg14[%get3A_402] {strides = array<i32>} : memref<2560xf32, #tpu.memory_space<vmem>>, vector<16xf32>,
      %add3A_404 = arith.addf %add3A_397, %get3A_403 : vector<16xf32>
      %mul3A_405 = arith.constant 16 : i32
      %mul3A_406 = arith.muli %scan3A_351, %mul3A_405 : i32
      %add3A_407 = arith.constant 1280 : i32
      %add3A_408 = arith.addi %add3A_407, %mul3A_406 : i32
      %get3A_409 = arith.index_cast %add3A_408 : i32 to index
      %get3A_410 = tpu.vector_load %arg14[%get3A_409] {strides = array<i32>} : memref<2560xf32, #tpu.memory_space<vmem>>, vector<16xf32>,
      %add3A_411 = arith.addf %add3A_404, %get3A_410 : vector<16xf32>
      %mul3A_412 = arith.constant 16 : i32
      %mul3A_413 = arith.muli %scan3A_351, %mul3A_412 : i32
      %add3A_414 = arith.constant 1440 : i32
      %add3A_415 = arith.addi %add3A_414, %mul3A_413 : i32
      %get3A_416 = arith.index_cast %add3A_415 : i32 to index
      %get3A_417 = tpu.vector_load %arg14[%get3A_416] {strides = array<i32>} : memref<2560xf32, #tpu.memory_space<vmem>>, vector<16xf32>,
      %add3A_418 = arith.addf %add3A_411, %get3A_417 : vector<16xf32>
      %mul3A_419 = arith.constant 16 : i32
      %mul3A_420 = arith.muli %scan3A_351, %mul3A_419 : i32
      %add3A_421 = arith.constant 1600 : i32
      %add3A_422 = arith.addi %add3A_421, %mul3A_420 : i32
      %get3A_423 = arith.index_cast %add3A_422 : i32 to index
      %get3A_424 = tpu.vector_load %arg14[%get3A_423] {strides = array<i32>} : memref<2560xf32, #tpu.memory_space<vmem>>, vector<16xf32>,
      %add3A_425 = arith.addf %add3A_418, %get3A_424 : vector<16xf32>
      %mul3A_426 = arith.constant 16 : i32
      %mul3A_427 = arith.muli %scan3A_351, %mul3A_426 : i32
      %add3A_428 = arith.constant 1760 : i32
      %add3A_429 = arith.addi %add3A_428, %mul3A_427 : i32
      %get3A_430 = arith.index_cast %add3A_429 : i32 to index
      %get3A_431 = tpu.vector_load %arg14[%get3A_430] {strides = array<i32>} : memref<2560xf32, #tpu.memory_space<vmem>>, vector<16xf32>,
      %add3A_432 = arith.addf %add3A_425, %get3A_431 : vector<16xf32>
      %mul3A_433 = arith.constant 16 : i32
      %mul3A_434 = arith.muli %scan3A_351, %mul3A_433 : i32
      %add3A_435 = arith.constant 1920 : i32
      %add3A_436 = arith.addi %add3A_435, %mul3A_434 : i32
      %get3A_437 = arith.index_cast %add3A_436 : i32 to index
      %get3A_438 = tpu.vector_load %arg14[%get3A_437] {strides = array<i32>} : memref<2560xf32, #tpu.memory_space<vmem>>, vector<16xf32>,
      %add3A_439 = arith.addf %add3A_432, %get3A_438 : vector<16xf32>
      %mul3A_440 = arith.constant 16 : i32
      %mul3A_441 = arith.muli %scan3A_351, %mul3A_440 : i32
      %add3A_442 = arith.constant 2080 : i32
      %add3A_443 = arith.addi %add3A_442, %mul3A_441 : i32
      %get3A_444 = arith.index_cast %add3A_443 : i32 to index
      %get3A_445 = tpu.vector_load %arg14[%get3A_444] {strides = array<i32>} : memref<2560xf32, #tpu.memory_space<vmem>>, vector<16xf32>,
      %add3A_446 = arith.addf %add3A_439, %get3A_445 : vector<16xf32>
      %mul3A_447 = arith.constant 16 : i32
      %mul3A_448 = arith.muli %scan3A_351, %mul3A_447 : i32
      %add3A_449 = arith.constant 2240 : i32
      %add3A_450 = arith.addi %add3A_449, %mul3A_448 : i32
      %get3A_451 = arith.index_cast %add3A_450 : i32 to index
      %get3A_452 = tpu.vector_load %arg14[%get3A_451] {strides = array<i32>} : memref<2560xf32, #tpu.memory_space<vmem>>, vector<16xf32>,
      %add3A_453 = arith.addf %add3A_446, %get3A_452 : vector<16xf32>
      %mul3A_454 = arith.constant 16 : i32
      %mul3A_455 = arith.muli %scan3A_351, %mul3A_454 : i32
      %add3A_456 = arith.constant 2400 : i32
      %add3A_457 = arith.addi %add3A_456, %mul3A_455 : i32
      %get3A_458 = arith.index_cast %add3A_457 : i32 to index
      %get3A_459 = tpu.vector_load %arg14[%get3A_458] {strides = array<i32>} : memref<2560xf32, #tpu.memory_space<vmem>>, vector<16xf32>,
      %add3A_460 = arith.addf %add3A_453, %get3A_459 : vector<16xf32>
      %mul3A_461 = arith.constant 16 : i32
      %mul3A_462 = arith.muli %scan3A_351, %mul3A_461 : i32
      %swap3A = arith.index_cast %mul3A_462 : i32 to index
      %swap3A_463 = tpu.vector_load %arg13[%swap3A] {strides = array<i32>} : memref<2560xf32, #tpu.memory_space<vmem>>, vector<16xf32>,
      tpu.vector_store %arg13[%swap3A], %add3A_460 {strides = array<i32>} : memref<2560xf32, #tpu.memory_space<vmem>>, vector<16xf32>,
      %scan3A_464 = arith.constant 0 : i32
      scf.yield %scan3A_464 : i32
    }
    %scan3A_346 = arith.constant 10 : i32
    %mul3A_347 = arith.constant 2560 : i32
    %mul3A_348 = arith.muli %arg0, %mul3A_347 : i32
    %add3A_349 = arith.addi %mul3A_348, %mul3A_9 : i32
    "tpu.region"() ({
      %run_scoped3A = tpu.sem_alloc : memref<!tpu.dma_semaphore, #tpu.memory_space<semaphore_mem>>
      %dma_start3A_351 = arith.constant 0 : i32
      %dma_start3A_352 = tpu.memref_slice %arg13[%dma_start3A_351] : memref<2560xf32, #tpu.memory_space<vmem>> -> memref<160xf32, #tpu.memory_space<vmem>>
      %dma_start3A_353 = tpu.memref_slice %arg6[%add3A_349] : memref<5120xf32, #tpu.memory_space<hbm>> -> memref<160xf32, #tpu.memory_space<hbm>>
      %dma_start3A_354 = tpu.memref_slice %arg6[%add3A_349] : memref<5120xf32, #tpu.memory_space<hbm>> -> memref<160xf32, #tpu.memory_space<hbm>>
      %dma_start3A_355 = arith.constant 0 : i32
      %dma_start3A_356 = tpu.memref_slice %arg13[%dma_start3A_355] : memref<2560xf32, #tpu.memory_space<vmem>> -> memref<160xf32, #tpu.memory_space<vmem>>
      tpu.enqueue_dma source(%dma_start3A_356 : memref<160xf32, #tpu.memory_space<vmem>>) target(%dma_start3A_354 : memref<160xf32, #tpu.memory_space<hbm>>) target_semaphore(%run_scoped3A : memref<!tpu.dma_semaphore, #tpu.memory_space<semaphore_mem>>)
      %dma_wait3A_357 = arith.constant 0 : i32
      %dma_wait3A_358 = tpu.memref_slice %arg13[%dma_wait3A_357] : memref<2560xf32, #tpu.memory_space<vmem>> -> memref<160xf32, #tpu.memory_space<vmem>>
      %dma_wait3A_359 = tpu.memref_slice %arg6[%add3A_349] : memref<5120xf32, #tpu.memory_space<hbm>> -> memref<160xf32, #tpu.memory_space<hbm>>
      %dma_wait3A_360 = tpu.memref_slice %arg6[%add3A_349] : memref<5120xf32, #tpu.memory_space<hbm>> -> memref<160xf32, #tpu.memory_space<hbm>>
      %dma_wait3A_361 = arith.constant 0 : i32
      %dma_wait3A_362 = tpu.memref_slice %arg13[%dma_wait3A_361] : memref<2560xf32, #tpu.memory_space<vmem>> -> memref<160xf32, #tpu.memory_space<vmem>>
      tpu.wait_dma2 semaphore(%run_scoped3A : memref<!tpu.dma_semaphore, #tpu.memory_space<semaphore_mem>>) src(%dma_wait3A_362 : memref<160xf32, #tpu.memory_space<vmem>>) dst(%dma_wait3A_360 : memref<160xf32, #tpu.memory_space<hbm>>)
      tpu.yield
    }) : () -> ()
    %barrier3A_350 = arith.constant 0 : index
    tpu.barrier barrier_id(%barrier3A_350)
    "tpu.region"() ({
      %run_scoped3A = tpu.sem_alloc : memref<!tpu.dma_semaphore, #tpu.memory_space<semaphore_mem>>
      %dma_start3A_351 = arith.constant 0 : i32
      %dma_start3A_352 = tpu.memref_slice %arg5[%arg0, %mul3A_9, %dma_start3A_351] : memref<2x2560x128xf32, #tpu.memory_space<hbm>> -> memref<1x160x128xf32, #tpu.memory_space<hbm>>
      %dma_start3A_353 = tpu.memref_squeeze %dma_start3A_352 : memref<1x160x128xf32, #tpu.memory_space<hbm>> -> memref<160x128xf32, #tpu.memory_space<hbm>>
      %dma_start3A_354 = arith.constant 0 : i32
      %dma_start3A_355 = tpu.memref_slice %arg8[%mul3A_9, %dma_start3A_354] : memref<2560x128xf32, #tpu.memory_space<vmem_shared>> -> memref<160x128xf32, #tpu.memory_space<vmem_shared>>
      tpu.enqueue_dma source(%dma_start3A_355 : memref<160x128xf32, #tpu.memory_space<vmem_shared>>) target(%dma_start3A_353 : memref<160x128xf32, #tpu.memory_space<hbm>>) target_semaphore(%run_scoped3A : memref<!tpu.dma_semaphore, #tpu.memory_space<semaphore_mem>>)
      %dma_wait3A_356 = arith.constant 0 : i32
      %dma_wait3A_357 = tpu.memref_slice %arg5[%arg0, %mul3A_9, %dma_wait3A_356] : memref<2x2560x128xf32, #tpu.memory_space<hbm>> -> memref<1x160x128xf32, #tpu.memory_space<hbm>>
      %dma_wait3A_358 = tpu.memref_squeeze %dma_wait3A_357 : memref<1x160x128xf32, #tpu.memory_space<hbm>> -> memref<160x128xf32, #tpu.memory_space<hbm>>
      %dma_wait3A_359 = arith.constant 0 : i32
      %dma_wait3A_360 = tpu.memref_slice %arg8[%mul3A_9, %dma_wait3A_359] : memref<2560x128xf32, #tpu.memory_space<vmem_shared>> -> memref<160x128xf32, #tpu.memory_space<vmem_shared>>
      tpu.wait_dma2 semaphore(%run_scoped3A : memref<!tpu.dma_semaphore, #tpu.memory_space<semaphore_mem>>) src(%dma_wait3A_360 : memref<160x128xf32, #tpu.memory_space<vmem_shared>>) dst(%dma_wait3A_358 : memref<160x128xf32, #tpu.memory_space<hbm>>)
      tpu.yield
    }) : () -> ()
    return
  }
}

#map = affine_map<(d0, d1) -> (0, 0, 0)>
#map1 = affine_map<(d0, d1) -> (0)>
module attributes {stable_mosaic.version = 14 : i64} {
  func.func @body(%arg0: i32, %arg1: i32, %arg2: memref<2x10240x128xf32, #tpu.memory_space<hbm>>, %arg3: memref<20480xf32, #tpu.memory_space<hbm>>, %arg4: memref<10000xi32, #tpu.memory_space<hbm>>, %arg5: memref<2x2560x128xf32, #tpu.memory_space<hbm>>, %arg6: memref<5120xf32, #tpu.memory_space<hbm>>, %arg7: memref<2560x128xf32, #tpu.memory_space<vmem_shared>>, %arg8: memref<2560xf32, #tpu.memory_space<vmem_shared>>, %arg9: memref<80x128xf32, #tpu.memory_space<vmem>>, %arg10: memref<80x128xf32, #tpu.memory_space<vmem>>, %arg11: memref<80x128xf32, #tpu.memory_space<vmem>>, %arg12: memref<80xf32, #tpu.memory_space<vmem>>, %arg13: memref<80xf32, #tpu.memory_space<vmem>>, %arg14: memref<80xi32, #tpu.memory_space<vmem>>, %arg15: memref<2560xf32, #tpu.memory_space<vmem>>, %arg16: memref<80xi32, #tpu.memory_space<vmem>>, %arg17: memref<!tpu.dma_semaphore, #tpu.memory_space<semaphore_mem>>) attributes {dimension_semantics = [#tpu.dimension_semantics<core_parallel>, #tpu.dimension_semantics<subcore_parallel>], iteration_bounds = array<i64: 2, 16>, scalar_prefetch = 0 : i64, scratch_operands = 11 : i64, tpu.core_type = #tpu.core_type<sc_vector_subcore>, window_params = [{transform_indices = #map}, {transform_indices = #map1}, {transform_indices = #map1}, {transform_indices = #map}, {transform_indices = #map1}]} {
    %mul3A = arith.constant 2 : i32
    %mul3A_0 = arith.muli %arg1, %mul3A : i32
    %add3A = arith.addi %mul3A_0, %arg0 : i32
    %broadcast_in_dim3A = arith.constant 0.000000e+00 : f32
    %broadcast_in_dim3A_1 = vector.broadcast %broadcast_in_dim3A : f32 to vector<16xf32>
    %scan3A = arith.constant 0 : i32
    %scan3A_2 = arith.constant 0 : i32
    %scan3A_3 = arith.constant 640 : i32
    %scan3A_4 = arith.addi %scan3A_2, %scan3A_3 : i32
    %scan3A_5 = arith.constant 1 : i32
    %scan3A_6 = scf.for %scan3A_73 = %scan3A_2 to %scan3A_4 step %scan3A_5 iter_args(%scan3A_74 = %scan3A) -> (i32)  : i32 {
      %jit3A = arith.constant 8 : i32
      %div3A = arith.divsi %scan3A_73, %jit3A : i32
      %sign3A = arith.constant 0 : i32
      %sign3A_75 = arith.cmpi sgt, %scan3A_73, %sign3A : i32
      %sign3A_76 = arith.extui %sign3A_75 : i1 to i32
      %sign3A_77 = arith.constant 0 : i32
      %sign3A_78 = arith.cmpi slt, %scan3A_73, %sign3A_77 : i32
      %sign3A_79 = arith.extui %sign3A_78 : i1 to i32
      %sign3A_80 = arith.subi %sign3A_76, %sign3A_79 : i32
      %sign3A_81 = arith.constant 0 : i32
      %sign3A_82 = arith.cmpi sgt, %jit3A, %sign3A_81 : i32
      %sign3A_83 = arith.extui %sign3A_82 : i1 to i32
      %sign3A_84 = arith.constant 0 : i32
      %sign3A_85 = arith.cmpi slt, %jit3A, %sign3A_84 : i32
      %sign3A_86 = arith.extui %sign3A_85 : i1 to i32
      %sign3A_87 = arith.subi %sign3A_83, %sign3A_86 : i32
      %ne3A = arith.cmpi ne, %sign3A_80, %sign3A_87 : i32
      %rem3A = arith.remsi %scan3A_73, %jit3A : i32
      %ne3A_88 = arith.constant 0 : i32
      %ne3A_89 = arith.cmpi ne, %rem3A, %ne3A_88 : i32
      %and3A = arith.andi %ne3A, %ne3A_89 : i1
      %sub3A = arith.constant 1 : i32
      %sub3A_90 = arith.subi %div3A, %sub3A : i32
      %select_n3A = arith.select %and3A, %sub3A_90, %div3A : i32
      %jit3A_91 = arith.constant 8 : i32
      %eq3A = arith.constant 0 : i32
      %eq3A_92 = arith.cmpi eq, %jit3A_91, %eq3A : i32
      %jit3A_93 = arith.constant 1 : i32
      %select_n3A_94 = arith.select %eq3A_92, %jit3A_93, %jit3A_91 : i32
      %rem3A_95 = arith.remsi %scan3A_73, %select_n3A_94 : i32
      %ne3A_96 = arith.constant 0 : i32
      %ne3A_97 = arith.cmpi ne, %rem3A_95, %ne3A_96 : i32
      %lt3A = arith.constant 0 : i32
      %lt3A_98 = arith.cmpi slt, %rem3A_95, %lt3A : i32
      %lt3A_99 = arith.constant 0 : i32
      %lt3A_100 = arith.cmpi slt, %select_n3A_94, %lt3A_99 : i32
      %ne3A_101 = arith.xori %lt3A_98, %lt3A_100 : i1
      %and3A_102 = arith.andi %ne3A_101, %ne3A_97 : i1
      %add3A_103 = arith.addi %rem3A_95, %select_n3A_94 : i32
      %select_n3A_104 = arith.select %and3A_102, %add3A_103, %rem3A_95 : i32
      %mul3A_105 = arith.constant 16 : i32
      %mul3A_106 = arith.muli %select_n3A_104, %mul3A_105 : i32
      %swap3A_107 = arith.index_cast %select_n3A : i32 to index
      %swap3A_108 = arith.index_cast %mul3A_106 : i32 to index
      %swap3A_109 = tpu.vector_load %arg11[%swap3A_107, %swap3A_108] {strides = array<i32>} : memref<80x128xf32, #tpu.memory_space<vmem>>, vector<16xf32>,
      tpu.vector_store %arg11[%swap3A_107, %swap3A_108], %broadcast_in_dim3A_1 {strides = array<i32>} : memref<80x128xf32, #tpu.memory_space<vmem>>, vector<16xf32>,
      %scan3A_110 = arith.constant 0 : i32
      scf.yield %scan3A_110 : i32
    }
    %scan3A_7 = arith.constant 640 : i32
    %mul3A_8 = arith.constant 160 : i32
    %mul3A_9 = arith.muli %arg1, %mul3A_8 : i32
    %add3A_10 = arith.constant 0 : i32
    %add3A_11 = arith.addi %mul3A_9, %add3A_10 : i32
    "tpu.region"() ({
      %run_scoped3A = tpu.sem_alloc : memref<!tpu.dma_semaphore, #tpu.memory_space<semaphore_mem>>
      %dma_start3A = arith.constant 0 : i32
      %dma_start3A_73 = tpu.memref_slice %arg7[%add3A_11, %dma_start3A] : memref<2560x128xf32, #tpu.memory_space<vmem_shared>> -> memref<80x128xf32, #tpu.memory_space<vmem_shared>>
      %dma_start3A_74 = arith.constant 0 : i32
      %dma_start3A_75 = tpu.memref_slice %arg7[%add3A_11, %dma_start3A_74] : memref<2560x128xf32, #tpu.memory_space<vmem_shared>> -> memref<80x128xf32, #tpu.memory_space<vmem_shared>>
      tpu.enqueue_dma source(%arg11 : memref<80x128xf32, #tpu.memory_space<vmem>>) target(%dma_start3A_75 : memref<80x128xf32, #tpu.memory_space<vmem_shared>>) target_semaphore(%run_scoped3A : memref<!tpu.dma_semaphore, #tpu.memory_space<semaphore_mem>>)
      %dma_wait3A = arith.constant 0 : i32
      %dma_wait3A_76 = tpu.memref_slice %arg7[%add3A_11, %dma_wait3A] : memref<2560x128xf32, #tpu.memory_space<vmem_shared>> -> memref<80x128xf32, #tpu.memory_space<vmem_shared>>
      %dma_wait3A_77 = arith.constant 0 : i32
      %dma_wait3A_78 = tpu.memref_slice %arg7[%add3A_11, %dma_wait3A_77] : memref<2560x128xf32, #tpu.memory_space<vmem_shared>> -> memref<80x128xf32, #tpu.memory_space<vmem_shared>>
      tpu.wait_dma2 semaphore(%run_scoped3A : memref<!tpu.dma_semaphore, #tpu.memory_space<semaphore_mem>>) src(%arg11 : memref<80x128xf32, #tpu.memory_space<vmem>>) dst(%dma_wait3A_78 : memref<80x128xf32, #tpu.memory_space<vmem_shared>>)
      tpu.yield
    }) : () -> ()
    %add3A_12 = arith.constant 80 : i32
    %add3A_13 = arith.addi %mul3A_9, %add3A_12 : i32
    "tpu.region"() ({
      %run_scoped3A = tpu.sem_alloc : memref<!tpu.dma_semaphore, #tpu.memory_space<semaphore_mem>>
      %dma_start3A = arith.constant 0 : i32
      %dma_start3A_73 = tpu.memref_slice %arg7[%add3A_13, %dma_start3A] : memref<2560x128xf32, #tpu.memory_space<vmem_shared>> -> memref<80x128xf32, #tpu.memory_space<vmem_shared>>
      %dma_start3A_74 = arith.constant 0 : i32
      %dma_start3A_75 = tpu.memref_slice %arg7[%add3A_13, %dma_start3A_74] : memref<2560x128xf32, #tpu.memory_space<vmem_shared>> -> memref<80x128xf32, #tpu.memory_space<vmem_shared>>
      tpu.enqueue_dma source(%arg11 : memref<80x128xf32, #tpu.memory_space<vmem>>) target(%dma_start3A_75 : memref<80x128xf32, #tpu.memory_space<vmem_shared>>) target_semaphore(%run_scoped3A : memref<!tpu.dma_semaphore, #tpu.memory_space<semaphore_mem>>)
      %dma_wait3A = arith.constant 0 : i32
      %dma_wait3A_76 = tpu.memref_slice %arg7[%add3A_13, %dma_wait3A] : memref<2560x128xf32, #tpu.memory_space<vmem_shared>> -> memref<80x128xf32, #tpu.memory_space<vmem_shared>>
      %dma_wait3A_77 = arith.constant 0 : i32
      %dma_wait3A_78 = tpu.memref_slice %arg7[%add3A_13, %dma_wait3A_77] : memref<2560x128xf32, #tpu.memory_space<vmem_shared>> -> memref<80x128xf32, #tpu.memory_space<vmem_shared>>
      tpu.wait_dma2 semaphore(%run_scoped3A : memref<!tpu.dma_semaphore, #tpu.memory_space<semaphore_mem>>) src(%arg11 : memref<80x128xf32, #tpu.memory_space<vmem>>) dst(%dma_wait3A_78 : memref<80x128xf32, #tpu.memory_space<vmem_shared>>)
      tpu.yield
    }) : () -> ()
    %broadcast_in_dim3A_14 = arith.constant 0.000000e+00 : f32
    %broadcast_in_dim3A_15 = vector.broadcast %broadcast_in_dim3A_14 : f32 to vector<16xf32>
    %scan3A_16 = arith.constant 0 : i32
    %scan3A_17 = arith.constant 0 : i32
    %scan3A_18 = arith.constant 160 : i32
    %scan3A_19 = arith.addi %scan3A_17, %scan3A_18 : i32
    %scan3A_20 = arith.constant 1 : i32
    %scan3A_21 = scf.for %scan3A_73 = %scan3A_17 to %scan3A_19 step %scan3A_20 iter_args(%scan3A_74 = %scan3A_16) -> (i32)  : i32 {
      %mul3A_75 = arith.constant 16 : i32
      %mul3A_76 = arith.muli %scan3A_73, %mul3A_75 : i32
      %swap3A_77 = arith.index_cast %mul3A_76 : i32 to index
      %swap3A_78 = tpu.vector_load %arg15[%swap3A_77] {strides = array<i32>} : memref<2560xf32, #tpu.memory_space<vmem>>, vector<16xf32>,
      tpu.vector_store %arg15[%swap3A_77], %broadcast_in_dim3A_15 {strides = array<i32>} : memref<2560xf32, #tpu.memory_space<vmem>>, vector<16xf32>,
      %scan3A_79 = arith.constant 0 : i32
      scf.yield %scan3A_79 : i32
    }
    %scan3A_22 = arith.constant 160 : i32
    %add3A_23 = arith.constant 0 : i32
    %add3A_24 = arith.addi %mul3A_9, %add3A_23 : i32
    "tpu.region"() ({
      %run_scoped3A = tpu.sem_alloc : memref<!tpu.dma_semaphore, #tpu.memory_space<semaphore_mem>>
      %dma_start3A = arith.constant 0 : i32
      %dma_start3A_73 = tpu.memref_slice %arg15[%dma_start3A] : memref<2560xf32, #tpu.memory_space<vmem>> -> memref<80xf32, #tpu.memory_space<vmem>>
      %dma_start3A_74 = tpu.memref_slice %arg8[%add3A_24] : memref<2560xf32, #tpu.memory_space<vmem_shared>> -> memref<80xf32, #tpu.memory_space<vmem_shared>>
      %dma_start3A_75 = tpu.memref_slice %arg8[%add3A_24] : memref<2560xf32, #tpu.memory_space<vmem_shared>> -> memref<80xf32, #tpu.memory_space<vmem_shared>>
      %dma_start3A_76 = arith.constant 0 : i32
      %dma_start3A_77 = tpu.memref_slice %arg15[%dma_start3A_76] : memref<2560xf32, #tpu.memory_space<vmem>> -> memref<80xf32, #tpu.memory_space<vmem>>
      tpu.enqueue_dma source(%dma_start3A_77 : memref<80xf32, #tpu.memory_space<vmem>>) target(%dma_start3A_75 : memref<80xf32, #tpu.memory_space<vmem_shared>>) target_semaphore(%run_scoped3A : memref<!tpu.dma_semaphore, #tpu.memory_space<semaphore_mem>>)
      %dma_wait3A = arith.constant 0 : i32
      %dma_wait3A_78 = tpu.memref_slice %arg15[%dma_wait3A] : memref<2560xf32, #tpu.memory_space<vmem>> -> memref<80xf32, #tpu.memory_space<vmem>>
      %dma_wait3A_79 = tpu.memref_slice %arg8[%add3A_24] : memref<2560xf32, #tpu.memory_space<vmem_shared>> -> memref<80xf32, #tpu.memory_space<vmem_shared>>
      %dma_wait3A_80 = tpu.memref_slice %arg8[%add3A_24] : memref<2560xf32, #tpu.memory_space<vmem_shared>> -> memref<80xf32, #tpu.memory_space<vmem_shared>>
      %dma_wait3A_81 = arith.constant 0 : i32
      %dma_wait3A_82 = tpu.memref_slice %arg15[%dma_wait3A_81] : memref<2560xf32, #tpu.memory_space<vmem>> -> memref<80xf32, #tpu.memory_space<vmem>>
      tpu.wait_dma2 semaphore(%run_scoped3A : memref<!tpu.dma_semaphore, #tpu.memory_space<semaphore_mem>>) src(%dma_wait3A_82 : memref<80xf32, #tpu.memory_space<vmem>>) dst(%dma_wait3A_80 : memref<80xf32, #tpu.memory_space<vmem_shared>>)
      tpu.yield
    }) : () -> ()
    %add3A_25 = arith.constant 80 : i32
    %add3A_26 = arith.addi %mul3A_9, %add3A_25 : i32
    "tpu.region"() ({
      %run_scoped3A = tpu.sem_alloc : memref<!tpu.dma_semaphore, #tpu.memory_space<semaphore_mem>>
      %dma_start3A = arith.constant 0 : i32
      %dma_start3A_73 = tpu.memref_slice %arg15[%dma_start3A] : memref<2560xf32, #tpu.memory_space<vmem>> -> memref<80xf32, #tpu.memory_space<vmem>>
      %dma_start3A_74 = tpu.memref_slice %arg8[%add3A_26] : memref<2560xf32, #tpu.memory_space<vmem_shared>> -> memref<80xf32, #tpu.memory_space<vmem_shared>>
      %dma_start3A_75 = tpu.memref_slice %arg8[%add3A_26] : memref<2560xf32, #tpu.memory_space<vmem_shared>> -> memref<80xf32, #tpu.memory_space<vmem_shared>>
      %dma_start3A_76 = arith.constant 0 : i32
      %dma_start3A_77 = tpu.memref_slice %arg15[%dma_start3A_76] : memref<2560xf32, #tpu.memory_space<vmem>> -> memref<80xf32, #tpu.memory_space<vmem>>
      tpu.enqueue_dma source(%dma_start3A_77 : memref<80xf32, #tpu.memory_space<vmem>>) target(%dma_start3A_75 : memref<80xf32, #tpu.memory_space<vmem_shared>>) target_semaphore(%run_scoped3A : memref<!tpu.dma_semaphore, #tpu.memory_space<semaphore_mem>>)
      %dma_wait3A = arith.constant 0 : i32
      %dma_wait3A_78 = tpu.memref_slice %arg15[%dma_wait3A] : memref<2560xf32, #tpu.memory_space<vmem>> -> memref<80xf32, #tpu.memory_space<vmem>>
      %dma_wait3A_79 = tpu.memref_slice %arg8[%add3A_26] : memref<2560xf32, #tpu.memory_space<vmem_shared>> -> memref<80xf32, #tpu.memory_space<vmem_shared>>
      %dma_wait3A_80 = tpu.memref_slice %arg8[%add3A_26] : memref<2560xf32, #tpu.memory_space<vmem_shared>> -> memref<80xf32, #tpu.memory_space<vmem_shared>>
      %dma_wait3A_81 = arith.constant 0 : i32
      %dma_wait3A_82 = tpu.memref_slice %arg15[%dma_wait3A_81] : memref<2560xf32, #tpu.memory_space<vmem>> -> memref<80xf32, #tpu.memory_space<vmem>>
      tpu.wait_dma2 semaphore(%run_scoped3A : memref<!tpu.dma_semaphore, #tpu.memory_space<semaphore_mem>>) src(%dma_wait3A_82 : memref<80xf32, #tpu.memory_space<vmem>>) dst(%dma_wait3A_80 : memref<80xf32, #tpu.memory_space<vmem_shared>>)
      tpu.yield
    }) : () -> ()
    %barrier3A = arith.constant 0 : index
    tpu.barrier barrier_id(%barrier3A)
    %broadcast_in_dim3A_27 = arith.constant 1.000000e+00 : f32
    %broadcast_in_dim3A_28 = vector.broadcast %broadcast_in_dim3A_27 : f32 to vector<16xf32>
    %broadcast_in_dim3A_29 = arith.constant 1.000000e+00 : f32
    %broadcast_in_dim3A_30 = vector.broadcast %broadcast_in_dim3A_29 : f32 to vector<16xf32>
    %scan3A_31 = arith.constant 0 : i32
    %scan3A_32 = arith.constant 0 : i32
    %scan3A_33 = arith.constant 4 : i32
    %scan3A_34 = arith.addi %scan3A_32, %scan3A_33 : i32
    %scan3A_35 = arith.constant 1 : i32
    %scan3A_36 = scf.for %scan3A_73 = %scan3A_32 to %scan3A_34 step %scan3A_35 iter_args(%scan3A_74 = %scan3A_31) -> (i32)  : i32 {
      %mul3A_75 = arith.constant 32 : i32
      %mul3A_76 = arith.muli %scan3A_73, %mul3A_75 : i32
      %add3A_77 = arith.addi %mul3A_76, %add3A : i32
      %lt3A = arith.constant 125 : i32
      %lt3A_78 = arith.cmpi slt, %add3A_77, %lt3A : i32
      %convert_element_type3A = arith.extui %lt3A_78 : i1 to i32
      %cond3A = arith.constant 0 : i32
      %cond3A_79 = arith.cmpi ne, %convert_element_type3A, %cond3A : i32
      scf.if %cond3A_79 {
        %mul3A_81 = arith.constant 80 : i32
        %mul3A_82 = arith.muli %add3A_77, %mul3A_81 : i32
        %run_scoped3A = arith.constant 0 : i32
        "tpu.region"() ({
          %run_scoped3A_102 = tpu.sem_alloc : memref<!tpu.dma_semaphore, #tpu.memory_space<semaphore_mem>>
          %dma_start3A = arith.constant 0 : i32
          %dma_start3A_103 = tpu.memref_slice %arg2[%run_scoped3A, %mul3A_82, %dma_start3A] : memref<2x10240x128xf32, #tpu.memory_space<hbm>> -> memref<1x80x128xf32, #tpu.memory_space<hbm>>
          %dma_start3A_104 = tpu.memref_squeeze %dma_start3A_103 : memref<1x80x128xf32, #tpu.memory_space<hbm>> -> memref<80x128xf32, #tpu.memory_space<hbm>>
          %dma_start3A_105 = arith.constant 0 : i32
          %dma_start3A_106 = tpu.memref_slice %arg2[%run_scoped3A, %mul3A_82, %dma_start3A_105] : memref<2x10240x128xf32, #tpu.memory_space<hbm>> -> memref<1x80x128xf32, #tpu.memory_space<hbm>>
          %dma_start3A_107 = tpu.memref_squeeze %dma_start3A_106 : memref<1x80x128xf32, #tpu.memory_space<hbm>> -> memref<80x128xf32, #tpu.memory_space<hbm>>
          tpu.enqueue_dma source(%dma_start3A_107 : memref<80x128xf32, #tpu.memory_space<hbm>>) target(%arg9 : memref<80x128xf32, #tpu.memory_space<vmem>>) target_semaphore(%run_scoped3A_102 : memref<!tpu.dma_semaphore, #tpu.memory_space<semaphore_mem>>)
          %dma_wait3A = arith.constant 0 : i32
          %dma_wait3A_108 = tpu.memref_slice %arg2[%run_scoped3A, %mul3A_82, %dma_wait3A] : memref<2x10240x128xf32, #tpu.memory_space<hbm>> -> memref<1x80x128xf32, #tpu.memory_space<hbm>>
          %dma_wait3A_109 = tpu.memref_squeeze %dma_wait3A_108 : memref<1x80x128xf32, #tpu.memory_space<hbm>> -> memref<80x128xf32, #tpu.memory_space<hbm>>
          %dma_wait3A_110 = arith.constant 0 : i32
          %dma_wait3A_111 = tpu.memref_slice %arg2[%run_scoped3A, %mul3A_82, %dma_wait3A_110] : memref<2x10240x128xf32, #tpu.memory_space<hbm>> -> memref<1x80x128xf32, #tpu.memory_space<hbm>>
          %dma_wait3A_112 = tpu.memref_squeeze %dma_wait3A_111 : memref<1x80x128xf32, #tpu.memory_space<hbm>> -> memref<80x128xf32, #tpu.memory_space<hbm>>
          tpu.wait_dma2 semaphore(%run_scoped3A_102 : memref<!tpu.dma_semaphore, #tpu.memory_space<semaphore_mem>>) src(%dma_wait3A_112 : memref<80x128xf32, #tpu.memory_space<hbm>>) dst(%arg9 : memref<80x128xf32, #tpu.memory_space<vmem>>)
          tpu.yield
        }) : () -> ()
        %run_scoped3A_83 = arith.constant 1 : i32
        "tpu.region"() ({
          %run_scoped3A_102 = tpu.sem_alloc : memref<!tpu.dma_semaphore, #tpu.memory_space<semaphore_mem>>
          %dma_start3A = arith.constant 0 : i32
          %dma_start3A_103 = tpu.memref_slice %arg2[%run_scoped3A_83, %mul3A_82, %dma_start3A] : memref<2x10240x128xf32, #tpu.memory_space<hbm>> -> memref<1x80x128xf32, #tpu.memory_space<hbm>>
          %dma_start3A_104 = tpu.memref_squeeze %dma_start3A_103 : memref<1x80x128xf32, #tpu.memory_space<hbm>> -> memref<80x128xf32, #tpu.memory_space<hbm>>
          %dma_start3A_105 = arith.constant 0 : i32
          %dma_start3A_106 = tpu.memref_slice %arg2[%run_scoped3A_83, %mul3A_82, %dma_start3A_105] : memref<2x10240x128xf32, #tpu.memory_space<hbm>> -> memref<1x80x128xf32, #tpu.memory_space<hbm>>
          %dma_start3A_107 = tpu.memref_squeeze %dma_start3A_106 : memref<1x80x128xf32, #tpu.memory_space<hbm>> -> memref<80x128xf32, #tpu.memory_space<hbm>>
          tpu.enqueue_dma source(%dma_start3A_107 : memref<80x128xf32, #tpu.memory_space<hbm>>) target(%arg10 : memref<80x128xf32, #tpu.memory_space<vmem>>) target_semaphore(%run_scoped3A_102 : memref<!tpu.dma_semaphore, #tpu.memory_space<semaphore_mem>>)
          %dma_wait3A = arith.constant 0 : i32
          %dma_wait3A_108 = tpu.memref_slice %arg2[%run_scoped3A_83, %mul3A_82, %dma_wait3A] : memref<2x10240x128xf32, #tpu.memory_space<hbm>> -> memref<1x80x128xf32, #tpu.memory_space<hbm>>
          %dma_wait3A_109 = tpu.memref_squeeze %dma_wait3A_108 : memref<1x80x128xf32, #tpu.memory_space<hbm>> -> memref<80x128xf32, #tpu.memory_space<hbm>>
          %dma_wait3A_110 = arith.constant 0 : i32
          %dma_wait3A_111 = tpu.memref_slice %arg2[%run_scoped3A_83, %mul3A_82, %dma_wait3A_110] : memref<2x10240x128xf32, #tpu.memory_space<hbm>> -> memref<1x80x128xf32, #tpu.memory_space<hbm>>
          %dma_wait3A_112 = tpu.memref_squeeze %dma_wait3A_111 : memref<1x80x128xf32, #tpu.memory_space<hbm>> -> memref<80x128xf32, #tpu.memory_space<hbm>>
          tpu.wait_dma2 semaphore(%run_scoped3A_102 : memref<!tpu.dma_semaphore, #tpu.memory_space<semaphore_mem>>) src(%dma_wait3A_112 : memref<80x128xf32, #tpu.memory_space<hbm>>) dst(%arg10 : memref<80x128xf32, #tpu.memory_space<vmem>>)
          tpu.yield
        }) : () -> ()
        "tpu.region"() ({
          %run_scoped3A_102 = tpu.sem_alloc : memref<!tpu.dma_semaphore, #tpu.memory_space<semaphore_mem>>
          %dma_start3A = tpu.memref_slice %arg3[%mul3A_82] : memref<20480xf32, #tpu.memory_space<hbm>> -> memref<80xf32, #tpu.memory_space<hbm>>
          %dma_start3A_103 = tpu.memref_slice %arg3[%mul3A_82] : memref<20480xf32, #tpu.memory_space<hbm>> -> memref<80xf32, #tpu.memory_space<hbm>>
          tpu.enqueue_dma source(%dma_start3A_103 : memref<80xf32, #tpu.memory_space<hbm>>) target(%arg12 : memref<80xf32, #tpu.memory_space<vmem>>) target_semaphore(%run_scoped3A_102 : memref<!tpu.dma_semaphore, #tpu.memory_space<semaphore_mem>>)
          %dma_wait3A = tpu.memref_slice %arg3[%mul3A_82] : memref<20480xf32, #tpu.memory_space<hbm>> -> memref<80xf32, #tpu.memory_space<hbm>>
          %dma_wait3A_104 = tpu.memref_slice %arg3[%mul3A_82] : memref<20480xf32, #tpu.memory_space<hbm>> -> memref<80xf32, #tpu.memory_space<hbm>>
          tpu.wait_dma2 semaphore(%run_scoped3A_102 : memref<!tpu.dma_semaphore, #tpu.memory_space<semaphore_mem>>) src(%dma_wait3A_104 : memref<80xf32, #tpu.memory_space<hbm>>) dst(%arg12 : memref<80xf32, #tpu.memory_space<vmem>>)
          tpu.yield
        }) : () -> ()
        %add3A_84 = arith.constant 10240 : i32
        %add3A_85 = arith.addi %add3A_84, %mul3A_82 : i32
        "tpu.region"() ({
          %run_scoped3A_102 = tpu.sem_alloc : memref<!tpu.dma_semaphore, #tpu.memory_space<semaphore_mem>>
          %dma_start3A = tpu.memref_slice %arg3[%add3A_85] : memref<20480xf32, #tpu.memory_space<hbm>> -> memref<80xf32, #tpu.memory_space<hbm>>
          %dma_start3A_103 = tpu.memref_slice %arg3[%add3A_85] : memref<20480xf32, #tpu.memory_space<hbm>> -> memref<80xf32, #tpu.memory_space<hbm>>
          tpu.enqueue_dma source(%dma_start3A_103 : memref<80xf32, #tpu.memory_space<hbm>>) target(%arg13 : memref<80xf32, #tpu.memory_space<vmem>>) target_semaphore(%run_scoped3A_102 : memref<!tpu.dma_semaphore, #tpu.memory_space<semaphore_mem>>)
          %dma_wait3A = tpu.memref_slice %arg3[%add3A_85] : memref<20480xf32, #tpu.memory_space<hbm>> -> memref<80xf32, #tpu.memory_space<hbm>>
          %dma_wait3A_104 = tpu.memref_slice %arg3[%add3A_85] : memref<20480xf32, #tpu.memory_space<hbm>> -> memref<80xf32, #tpu.memory_space<hbm>>
          tpu.wait_dma2 semaphore(%run_scoped3A_102 : memref<!tpu.dma_semaphore, #tpu.memory_space<semaphore_mem>>) src(%dma_wait3A_104 : memref<80xf32, #tpu.memory_space<hbm>>) dst(%arg13 : memref<80xf32, #tpu.memory_space<vmem>>)
          tpu.yield
        }) : () -> ()
        "tpu.region"() ({
          %run_scoped3A_102 = tpu.sem_alloc : memref<!tpu.dma_semaphore, #tpu.memory_space<semaphore_mem>>
          %dma_start3A = tpu.memref_slice %arg4[%mul3A_82] : memref<10000xi32, #tpu.memory_space<hbm>> -> memref<80xi32, #tpu.memory_space<hbm>>
          %dma_start3A_103 = tpu.memref_slice %arg4[%mul3A_82] : memref<10000xi32, #tpu.memory_space<hbm>> -> memref<80xi32, #tpu.memory_space<hbm>>
          tpu.enqueue_dma source(%dma_start3A_103 : memref<80xi32, #tpu.memory_space<hbm>>) target(%arg14 : memref<80xi32, #tpu.memory_space<vmem>>) target_semaphore(%run_scoped3A_102 : memref<!tpu.dma_semaphore, #tpu.memory_space<semaphore_mem>>)
          %dma_wait3A = tpu.memref_slice %arg4[%mul3A_82] : memref<10000xi32, #tpu.memory_space<hbm>> -> memref<80xi32, #tpu.memory_space<hbm>>
          %dma_wait3A_104 = tpu.memref_slice %arg4[%mul3A_82] : memref<10000xi32, #tpu.memory_space<hbm>> -> memref<80xi32, #tpu.memory_space<hbm>>
          tpu.wait_dma2 semaphore(%run_scoped3A_102 : memref<!tpu.dma_semaphore, #tpu.memory_space<semaphore_mem>>) src(%dma_wait3A_104 : memref<80xi32, #tpu.memory_space<hbm>>) dst(%arg14 : memref<80xi32, #tpu.memory_space<vmem>>)
          tpu.yield
        }) : () -> ()
        %scan3A_86 = arith.constant 0 : i32
        %scan3A_87 = arith.constant 0 : i32
        %scan3A_88 = arith.constant 80 : i32
        %scan3A_89 = arith.addi %scan3A_87, %scan3A_88 : i32
        %scan3A_90 = arith.constant 1 : i32
        %scan3A_91 = scf.for %scan3A_102 = %scan3A_87 to %scan3A_89 step %scan3A_90 iter_args(%scan3A_103 = %scan3A_86) -> (i32)  : i32 {
          %broadcast_in_dim3A_104 = vector.broadcast %scan3A_102 : i32 to vector<16xi32>
          %gather3A = tpu.vector_load_idx %arg12[%broadcast_in_dim3A_104] : memref<80xf32, #tpu.memory_space<vmem>>[vector<16xi32>], vector<16xf32>,
          %gather3A_105 = tpu.vector_load_idx %arg13[%broadcast_in_dim3A_104] : memref<80xf32, #tpu.memory_space<vmem>>[vector<16xi32>], vector<16xf32>,
          %add3A_106 = arith.addf %gather3A, %gather3A_105 : vector<16xf32>
          %max3A = arith.constant 1.000000e+00 : f32
          %max3A_107 = vector.broadcast %max3A : f32 to vector<16xf32>
          %max3A_108 = arith.maximumf %add3A_106, %max3A_107 : vector<16xf32>
          %div3A = arith.divf %broadcast_in_dim3A_30, %max3A_108 : vector<16xf32>
          %get3A_109 = arith.index_cast %scan3A_102 : i32 to index
          %get3A_110 = arith.constant 0 : index
          %get3A_111 = tpu.vector_load %arg9[%get3A_109, %get3A_110] {strides = array<i32>} : memref<80x128xf32, #tpu.memory_space<vmem>>, vector<16xf32>,
          %get3A_112 = arith.index_cast %scan3A_102 : i32 to index
          %get3A_113 = arith.constant 0 : index
          %get3A_114 = tpu.vector_load %arg10[%get3A_112, %get3A_113] {strides = array<i32>} : memref<80x128xf32, #tpu.memory_space<vmem>>, vector<16xf32>,
          %add3A_115 = arith.addf %get3A_111, %get3A_114 : vector<16xf32>
          %mul3A_116 = arith.mulf %add3A_115, %div3A : vector<16xf32>
          %max3A_117 = arith.constant 0.000000e+00 : f32
          %max3A_118 = vector.broadcast %max3A_117 : f32 to vector<16xf32>
          %max3A_119 = arith.maximumf %mul3A_116, %max3A_118 : vector<16xf32>
          %swap3A_120 = arith.index_cast %scan3A_102 : i32 to index
          %swap3A_121 = arith.constant 0 : index
          %swap3A_122 = tpu.vector_load %arg11[%swap3A_120, %swap3A_121] {strides = array<i32>} : memref<80x128xf32, #tpu.memory_space<vmem>>, vector<16xf32>,
          tpu.vector_store %arg11[%swap3A_120, %swap3A_121], %max3A_119 {strides = array<i32>} : memref<80x128xf32, #tpu.memory_space<vmem>>, vector<16xf32>,
          %get3A_123 = arith.index_cast %scan3A_102 : i32 to index
          %get3A_124 = arith.constant 16 : index
          %get3A_125 = tpu.vector_load %arg9[%get3A_123, %get3A_124] {strides = array<i32>} : memref<80x128xf32, #tpu.memory_space<vmem>>, vector<16xf32>,
          %get3A_126 = arith.index_cast %scan3A_102 : i32 to index
          %get3A_127 = arith.constant 16 : index
          %get3A_128 = tpu.vector_load %arg10[%get3A_126, %get3A_127] {strides = array<i32>} : memref<80x128xf32, #tpu.memory_space<vmem>>, vector<16xf32>,
          %add3A_129 = arith.addf %get3A_125, %get3A_128 : vector<16xf32>
          %mul3A_130 = arith.mulf %add3A_129, %div3A : vector<16xf32>
          %max3A_131 = arith.constant 0.000000e+00 : f32
          %max3A_132 = vector.broadcast %max3A_131 : f32 to vector<16xf32>
          %max3A_133 = arith.maximumf %mul3A_130, %max3A_132 : vector<16xf32>
          %swap3A_134 = arith.index_cast %scan3A_102 : i32 to index
          %swap3A_135 = arith.constant 16 : index
          %swap3A_136 = tpu.vector_load %arg11[%swap3A_134, %swap3A_135] {strides = array<i32>} : memref<80x128xf32, #tpu.memory_space<vmem>>, vector<16xf32>,
          tpu.vector_store %arg11[%swap3A_134, %swap3A_135], %max3A_133 {strides = array<i32>} : memref<80x128xf32, #tpu.memory_space<vmem>>, vector<16xf32>,
          %get3A_137 = arith.index_cast %scan3A_102 : i32 to index
          %get3A_138 = arith.constant 32 : index
          %get3A_139 = tpu.vector_load %arg9[%get3A_137, %get3A_138] {strides = array<i32>} : memref<80x128xf32, #tpu.memory_space<vmem>>, vector<16xf32>,
          %get3A_140 = arith.index_cast %scan3A_102 : i32 to index
          %get3A_141 = arith.constant 32 : index
          %get3A_142 = tpu.vector_load %arg10[%get3A_140, %get3A_141] {strides = array<i32>} : memref<80x128xf32, #tpu.memory_space<vmem>>, vector<16xf32>,
          %add3A_143 = arith.addf %get3A_139, %get3A_142 : vector<16xf32>
          %mul3A_144 = arith.mulf %add3A_143, %div3A : vector<16xf32>
          %max3A_145 = arith.constant 0.000000e+00 : f32
          %max3A_146 = vector.broadcast %max3A_145 : f32 to vector<16xf32>
          %max3A_147 = arith.maximumf %mul3A_144, %max3A_146 : vector<16xf32>
          %swap3A_148 = arith.index_cast %scan3A_102 : i32 to index
          %swap3A_149 = arith.constant 32 : index
          %swap3A_150 = tpu.vector_load %arg11[%swap3A_148, %swap3A_149] {strides = array<i32>} : memref<80x128xf32, #tpu.memory_space<vmem>>, vector<16xf32>,
          tpu.vector_store %arg11[%swap3A_148, %swap3A_149], %max3A_147 {strides = array<i32>} : memref<80x128xf32, #tpu.memory_space<vmem>>, vector<16xf32>,
          %get3A_151 = arith.index_cast %scan3A_102 : i32 to index
          %get3A_152 = arith.constant 48 : index
          %get3A_153 = tpu.vector_load %arg9[%get3A_151, %get3A_152] {strides = array<i32>} : memref<80x128xf32, #tpu.memory_space<vmem>>, vector<16xf32>,
          %get3A_154 = arith.index_cast %scan3A_102 : i32 to index
          %get3A_155 = arith.constant 48 : index
          %get3A_156 = tpu.vector_load %arg10[%get3A_154, %get3A_155] {strides = array<i32>} : memref<80x128xf32, #tpu.memory_space<vmem>>, vector<16xf32>,
          %add3A_157 = arith.addf %get3A_153, %get3A_156 : vector<16xf32>
          %mul3A_158 = arith.mulf %add3A_157, %div3A : vector<16xf32>
          %max3A_159 = arith.constant 0.000000e+00 : f32
          %max3A_160 = vector.broadcast %max3A_159 : f32 to vector<16xf32>
          %max3A_161 = arith.maximumf %mul3A_158, %max3A_160 : vector<16xf32>
          %swap3A_162 = arith.index_cast %scan3A_102 : i32 to index
          %swap3A_163 = arith.constant 48 : index
          %swap3A_164 = tpu.vector_load %arg11[%swap3A_162, %swap3A_163] {strides = array<i32>} : memref<80x128xf32, #tpu.memory_space<vmem>>, vector<16xf32>,
          tpu.vector_store %arg11[%swap3A_162, %swap3A_163], %max3A_161 {strides = array<i32>} : memref<80x128xf32, #tpu.memory_space<vmem>>, vector<16xf32>,
          %get3A_165 = arith.index_cast %scan3A_102 : i32 to index
          %get3A_166 = arith.constant 64 : index
          %get3A_167 = tpu.vector_load %arg9[%get3A_165, %get3A_166] {strides = array<i32>} : memref<80x128xf32, #tpu.memory_space<vmem>>, vector<16xf32>,
          %get3A_168 = arith.index_cast %scan3A_102 : i32 to index
          %get3A_169 = arith.constant 64 : index
          %get3A_170 = tpu.vector_load %arg10[%get3A_168, %get3A_169] {strides = array<i32>} : memref<80x128xf32, #tpu.memory_space<vmem>>, vector<16xf32>,
          %add3A_171 = arith.addf %get3A_167, %get3A_170 : vector<16xf32>
          %mul3A_172 = arith.mulf %add3A_171, %div3A : vector<16xf32>
          %max3A_173 = arith.constant 0.000000e+00 : f32
          %max3A_174 = vector.broadcast %max3A_173 : f32 to vector<16xf32>
          %max3A_175 = arith.maximumf %mul3A_172, %max3A_174 : vector<16xf32>
          %swap3A_176 = arith.index_cast %scan3A_102 : i32 to index
          %swap3A_177 = arith.constant 64 : index
          %swap3A_178 = tpu.vector_load %arg11[%swap3A_176, %swap3A_177] {strides = array<i32>} : memref<80x128xf32, #tpu.memory_space<vmem>>, vector<16xf32>,
          tpu.vector_store %arg11[%swap3A_176, %swap3A_177], %max3A_175 {strides = array<i32>} : memref<80x128xf32, #tpu.memory_space<vmem>>, vector<16xf32>,
          %get3A_179 = arith.index_cast %scan3A_102 : i32 to index
          %get3A_180 = arith.constant 80 : index
          %get3A_181 = tpu.vector_load %arg9[%get3A_179, %get3A_180] {strides = array<i32>} : memref<80x128xf32, #tpu.memory_space<vmem>>, vector<16xf32>,
          %get3A_182 = arith.index_cast %scan3A_102 : i32 to index
          %get3A_183 = arith.constant 80 : index
          %get3A_184 = tpu.vector_load %arg10[%get3A_182, %get3A_183] {strides = array<i32>} : memref<80x128xf32, #tpu.memory_space<vmem>>, vector<16xf32>,
          %add3A_185 = arith.addf %get3A_181, %get3A_184 : vector<16xf32>
          %mul3A_186 = arith.mulf %add3A_185, %div3A : vector<16xf32>
          %max3A_187 = arith.constant 0.000000e+00 : f32
          %max3A_188 = vector.broadcast %max3A_187 : f32 to vector<16xf32>
          %max3A_189 = arith.maximumf %mul3A_186, %max3A_188 : vector<16xf32>
          %swap3A_190 = arith.index_cast %scan3A_102 : i32 to index
          %swap3A_191 = arith.constant 80 : index
          %swap3A_192 = tpu.vector_load %arg11[%swap3A_190, %swap3A_191] {strides = array<i32>} : memref<80x128xf32, #tpu.memory_space<vmem>>, vector<16xf32>,
          tpu.vector_store %arg11[%swap3A_190, %swap3A_191], %max3A_189 {strides = array<i32>} : memref<80x128xf32, #tpu.memory_space<vmem>>, vector<16xf32>,
          %get3A_193 = arith.index_cast %scan3A_102 : i32 to index
          %get3A_194 = arith.constant 96 : index
          %get3A_195 = tpu.vector_load %arg9[%get3A_193, %get3A_194] {strides = array<i32>} : memref<80x128xf32, #tpu.memory_space<vmem>>, vector<16xf32>,
          %get3A_196 = arith.index_cast %scan3A_102 : i32 to index
          %get3A_197 = arith.constant 96 : index
          %get3A_198 = tpu.vector_load %arg10[%get3A_196, %get3A_197] {strides = array<i32>} : memref<80x128xf32, #tpu.memory_space<vmem>>, vector<16xf32>,
          %add3A_199 = arith.addf %get3A_195, %get3A_198 : vector<16xf32>
          %mul3A_200 = arith.mulf %add3A_199, %div3A : vector<16xf32>
          %max3A_201 = arith.constant 0.000000e+00 : f32
          %max3A_202 = vector.broadcast %max3A_201 : f32 to vector<16xf32>
          %max3A_203 = arith.maximumf %mul3A_200, %max3A_202 : vector<16xf32>
          %swap3A_204 = arith.index_cast %scan3A_102 : i32 to index
          %swap3A_205 = arith.constant 96 : index
          %swap3A_206 = tpu.vector_load %arg11[%swap3A_204, %swap3A_205] {strides = array<i32>} : memref<80x128xf32, #tpu.memory_space<vmem>>, vector<16xf32>,
          tpu.vector_store %arg11[%swap3A_204, %swap3A_205], %max3A_203 {strides = array<i32>} : memref<80x128xf32, #tpu.memory_space<vmem>>, vector<16xf32>,
          %get3A_207 = arith.index_cast %scan3A_102 : i32 to index
          %get3A_208 = arith.constant 112 : index
          %get3A_209 = tpu.vector_load %arg9[%get3A_207, %get3A_208] {strides = array<i32>} : memref<80x128xf32, #tpu.memory_space<vmem>>, vector<16xf32>,
          %get3A_210 = arith.index_cast %scan3A_102 : i32 to index
          %get3A_211 = arith.constant 112 : index
          %get3A_212 = tpu.vector_load %arg10[%get3A_210, %get3A_211] {strides = array<i32>} : memref<80x128xf32, #tpu.memory_space<vmem>>, vector<16xf32>,
          %add3A_213 = arith.addf %get3A_209, %get3A_212 : vector<16xf32>
          %mul3A_214 = arith.mulf %add3A_213, %div3A : vector<16xf32>
          %max3A_215 = arith.constant 0.000000e+00 : f32
          %max3A_216 = vector.broadcast %max3A_215 : f32 to vector<16xf32>
          %max3A_217 = arith.maximumf %mul3A_214, %max3A_216 : vector<16xf32>
          %swap3A_218 = arith.index_cast %scan3A_102 : i32 to index
          %swap3A_219 = arith.constant 112 : index
          %swap3A_220 = tpu.vector_load %arg11[%swap3A_218, %swap3A_219] {strides = array<i32>} : memref<80x128xf32, #tpu.memory_space<vmem>>, vector<16xf32>,
          tpu.vector_store %arg11[%swap3A_218, %swap3A_219], %max3A_217 {strides = array<i32>} : memref<80x128xf32, #tpu.memory_space<vmem>>, vector<16xf32>,
          %scan3A_221 = arith.constant 0 : i32
          scf.yield %scan3A_221 : i32
        }
        %scan3A_92 = arith.constant 80 : i32
        "tpu.region"() ({
          %run_scoped3A_102 = tpu.sem_alloc : memref<!tpu.dma_semaphore, #tpu.memory_space<semaphore_mem>>
          %dma_start3A = arith.constant 0 : i32
          %dma_start3A_103 = arith.constant 0 : i32
          %dma_start3A_104 = tpu.memref_slice %arg7[%dma_start3A, %dma_start3A_103] : memref<2560x128xf32, #tpu.memory_space<vmem_shared>> -> memref<2560x128xf32, #tpu.memory_space<vmem_shared>>
          tpu.enqueue_indirect_dma source(%arg11 : memref<80x128xf32, #tpu.memory_space<vmem>>) target(%dma_start3A_104 : memref<2560x128xf32, #tpu.memory_space<vmem_shared>>) offsets(%arg14 : memref<80xi32, #tpu.memory_space<vmem>>) semaphore(%run_scoped3A_102 : memref<!tpu.dma_semaphore, #tpu.memory_space<semaphore_mem>>) {add = true}
          %dma_wait3A = arith.constant 0 : i32
          %dma_wait3A_105 = arith.constant 0 : i32
          %dma_wait3A_106 = tpu.memref_slice %arg7[%dma_wait3A, %dma_wait3A_105] : memref<2560x128xf32, #tpu.memory_space<vmem_shared>> -> memref<2560x128xf32, #tpu.memory_space<vmem_shared>>
          tpu.wait_indirect_dma semaphore(%run_scoped3A_102 : memref<!tpu.dma_semaphore, #tpu.memory_space<semaphore_mem>>) src(%arg11 : memref<80x128xf32, #tpu.memory_space<vmem>>) dst(%dma_wait3A_106 : memref<2560x128xf32, #tpu.memory_space<vmem_shared>>)
          tpu.yield
        }) : () -> ()
        %get3A = arith.constant 0 : index
        %get3A_93 = tpu.vector_load %arg14[%get3A] {strides = array<i32>} : memref<80xi32, #tpu.memory_space<vmem>>, vector<16xi32>,
        tpu.vector_store_idx %arg15[%get3A_93], %broadcast_in_dim3A_28 {add = true} : memref<2560xf32, #tpu.memory_space<vmem>>[vector<16xi32>], vector<16xf32>,
        %get3A_94 = arith.constant 16 : index
        %get3A_95 = tpu.vector_load %arg14[%get3A_94] {strides = array<i32>} : memref<80xi32, #tpu.memory_space<vmem>>, vector<16xi32>,
        tpu.vector_store_idx %arg15[%get3A_95], %broadcast_in_dim3A_28 {add = true} : memref<2560xf32, #tpu.memory_space<vmem>>[vector<16xi32>], vector<16xf32>,
        %get3A_96 = arith.constant 32 : index
        %get3A_97 = tpu.vector_load %arg14[%get3A_96] {strides = array<i32>} : memref<80xi32, #tpu.memory_space<vmem>>, vector<16xi32>,
        tpu.vector_store_idx %arg15[%get3A_97], %broadcast_in_dim3A_28 {add = true} : memref<2560xf32, #tpu.memory_space<vmem>>[vector<16xi32>], vector<16xf32>,
        %get3A_98 = arith.constant 48 : index
        %get3A_99 = tpu.vector_load %arg14[%get3A_98] {strides = array<i32>} : memref<80xi32, #tpu.memory_space<vmem>>, vector<16xi32>,
        tpu.vector_store_idx %arg15[%get3A_99], %broadcast_in_dim3A_28 {add = true} : memref<2560xf32, #tpu.memory_space<vmem>>[vector<16xi32>], vector<16xf32>,
        %get3A_100 = arith.constant 64 : index
        %get3A_101 = tpu.vector_load %arg14[%get3A_100] {strides = array<i32>} : memref<80xi32, #tpu.memory_space<vmem>>, vector<16xi32>,
        tpu.vector_store_idx %arg15[%get3A_101], %broadcast_in_dim3A_28 {add = true} : memref<2560xf32, #tpu.memory_space<vmem>>[vector<16xi32>], vector<16xf32>,
      } else {
      }
      %scan3A_80 = arith.constant 0 : i32
      scf.yield %scan3A_80 : i32
    }
    %scan3A_37 = arith.constant 4 : i32
    %iota3A = tpu.iota {dimensions = array<i32: 0>} : vector<16xi32>
    %add3A_38 = arith.constant 0 : i32
    %add3A_39 = vector.broadcast %add3A_38 : i32 to vector<16xi32>
    %add3A_40 = arith.addi %iota3A, %add3A_39 : vector<16xi32>
    %swap3A = arith.constant 0 : index
    %swap3A_41 = tpu.vector_load %arg16[%swap3A] {strides = array<i32>} : memref<80xi32, #tpu.memory_space<vmem>>, vector<16xi32>,
    tpu.vector_store %arg16[%swap3A], %add3A_40 {strides = array<i32>} : memref<80xi32, #tpu.memory_space<vmem>>, vector<16xi32>,
    %add3A_42 = arith.constant 16 : i32
    %add3A_43 = vector.broadcast %add3A_42 : i32 to vector<16xi32>
    %add3A_44 = arith.addi %iota3A, %add3A_43 : vector<16xi32>
    %swap3A_45 = arith.constant 16 : index
    %swap3A_46 = tpu.vector_load %arg16[%swap3A_45] {strides = array<i32>} : memref<80xi32, #tpu.memory_space<vmem>>, vector<16xi32>,
    tpu.vector_store %arg16[%swap3A_45], %add3A_44 {strides = array<i32>} : memref<80xi32, #tpu.memory_space<vmem>>, vector<16xi32>,
    %add3A_47 = arith.constant 32 : i32
    %add3A_48 = vector.broadcast %add3A_47 : i32 to vector<16xi32>
    %add3A_49 = arith.addi %iota3A, %add3A_48 : vector<16xi32>
    %swap3A_50 = arith.constant 32 : index
    %swap3A_51 = tpu.vector_load %arg16[%swap3A_50] {strides = array<i32>} : memref<80xi32, #tpu.memory_space<vmem>>, vector<16xi32>,
    tpu.vector_store %arg16[%swap3A_50], %add3A_49 {strides = array<i32>} : memref<80xi32, #tpu.memory_space<vmem>>, vector<16xi32>,
    %add3A_52 = arith.constant 48 : i32
    %add3A_53 = vector.broadcast %add3A_52 : i32 to vector<16xi32>
    %add3A_54 = arith.addi %iota3A, %add3A_53 : vector<16xi32>
    %swap3A_55 = arith.constant 48 : index
    %swap3A_56 = tpu.vector_load %arg16[%swap3A_55] {strides = array<i32>} : memref<80xi32, #tpu.memory_space<vmem>>, vector<16xi32>,
    tpu.vector_store %arg16[%swap3A_55], %add3A_54 {strides = array<i32>} : memref<80xi32, #tpu.memory_space<vmem>>, vector<16xi32>,
    %add3A_57 = arith.constant 64 : i32
    %add3A_58 = vector.broadcast %add3A_57 : i32 to vector<16xi32>
    %add3A_59 = arith.addi %iota3A, %add3A_58 : vector<16xi32>
    %swap3A_60 = arith.constant 64 : index
    %swap3A_61 = tpu.vector_load %arg16[%swap3A_60] {strides = array<i32>} : memref<80xi32, #tpu.memory_space<vmem>>, vector<16xi32>,
    tpu.vector_store %arg16[%swap3A_60], %add3A_59 {strides = array<i32>} : memref<80xi32, #tpu.memory_space<vmem>>, vector<16xi32>,
    %scan3A_62 = arith.constant 0 : i32
    %scan3A_63 = arith.constant 0 : i32
    %scan3A_64 = arith.constant 32 : i32
    %scan3A_65 = arith.addi %scan3A_63, %scan3A_64 : i32
    %scan3A_66 = arith.constant 1 : i32
    %scan3A_67 = scf.for %scan3A_73 = %scan3A_63 to %scan3A_65 step %scan3A_66 iter_args(%scan3A_74 = %scan3A_62) -> (i32)  : i32 {
      %mul3A_75 = arith.constant 80 : i32
      %mul3A_76 = arith.muli %scan3A_73, %mul3A_75 : i32
      "tpu.region"() ({
        %run_scoped3A = tpu.sem_alloc : memref<!tpu.dma_semaphore, #tpu.memory_space<semaphore_mem>>
        %dma_start3A = tpu.memref_slice %arg15[%mul3A_76] : memref<2560xf32, #tpu.memory_space<vmem>> -> memref<80xf32, #tpu.memory_space<vmem>>
        %dma_start3A_85 = arith.constant 0 : i32
        %dma_start3A_86 = tpu.memref_slice %arg8[%dma_start3A_85] : memref<2560xf32, #tpu.memory_space<vmem_shared>> -> memref<2560xf32, #tpu.memory_space<vmem_shared>>
        tpu.enqueue_indirect_dma source(%dma_start3A : memref<80xf32, #tpu.memory_space<vmem>>) target(%dma_start3A_86 : memref<2560xf32, #tpu.memory_space<vmem_shared>>) offsets(%arg16 : memref<80xi32, #tpu.memory_space<vmem>>) semaphore(%run_scoped3A : memref<!tpu.dma_semaphore, #tpu.memory_space<semaphore_mem>>) {add = true}
        %dma_wait3A = tpu.memref_slice %arg15[%mul3A_76] : memref<2560xf32, #tpu.memory_space<vmem>> -> memref<80xf32, #tpu.memory_space<vmem>>
        %dma_wait3A_87 = arith.constant 0 : i32
        %dma_wait3A_88 = tpu.memref_slice %arg8[%dma_wait3A_87] : memref<2560xf32, #tpu.memory_space<vmem_shared>> -> memref<2560xf32, #tpu.memory_space<vmem_shared>>
        tpu.wait_indirect_dma semaphore(%run_scoped3A : memref<!tpu.dma_semaphore, #tpu.memory_space<semaphore_mem>>) src(%dma_wait3A : memref<80xf32, #tpu.memory_space<vmem>>) dst(%dma_wait3A_88 : memref<2560xf32, #tpu.memory_space<vmem_shared>>)
        tpu.yield
      }) : () -> ()
      %scan3A_77 = arith.constant 0 : i32
      %scan3A_78 = arith.constant 0 : i32
      %scan3A_79 = arith.constant 5 : i32
      %scan3A_80 = arith.addi %scan3A_78, %scan3A_79 : i32
      %scan3A_81 = arith.constant 1 : i32
      %scan3A_82 = scf.for %scan3A_85 = %scan3A_78 to %scan3A_80 step %scan3A_81 iter_args(%scan3A_86 = %scan3A_77) -> (i32)  : i32 {
        %mul3A_87 = arith.constant 16 : i32
        %mul3A_88 = arith.muli %scan3A_85, %mul3A_87 : i32
        %get3A = arith.index_cast %mul3A_88 : i32 to index
        %get3A_89 = tpu.vector_load %arg16[%get3A] {strides = array<i32>} : memref<80xi32, #tpu.memory_space<vmem>>, vector<16xi32>,
        %add3A_90 = arith.constant 80 : i32
        %add3A_91 = vector.broadcast %add3A_90 : i32 to vector<16xi32>
        %add3A_92 = arith.addi %get3A_89, %add3A_91 : vector<16xi32>
        %mul3A_93 = arith.constant 16 : i32
        %mul3A_94 = arith.muli %scan3A_85, %mul3A_93 : i32
        %swap3A_95 = arith.index_cast %mul3A_94 : i32 to index
        %swap3A_96 = tpu.vector_load %arg16[%swap3A_95] {strides = array<i32>} : memref<80xi32, #tpu.memory_space<vmem>>, vector<16xi32>,
        tpu.vector_store %arg16[%swap3A_95], %add3A_92 {strides = array<i32>} : memref<80xi32, #tpu.memory_space<vmem>>, vector<16xi32>,
        %scan3A_97 = arith.constant 0 : i32
        scf.yield %scan3A_97 : i32
      }
      %scan3A_83 = arith.constant 5 : i32
      %scan3A_84 = arith.constant 0 : i32
      scf.yield %scan3A_84 : i32
    }
    %scan3A_68 = arith.constant 32 : i32
    %barrier3A_69 = arith.constant 0 : index
    tpu.barrier barrier_id(%barrier3A_69)
    "tpu.region"() ({
      %run_scoped3A = tpu.sem_alloc : memref<!tpu.dma_semaphore, #tpu.memory_space<semaphore_mem>>
      %dma_start3A = arith.constant 0 : i32
      %dma_start3A_73 = tpu.memref_slice %arg5[%arg0, %mul3A_9, %dma_start3A] : memref<2x2560x128xf32, #tpu.memory_space<hbm>> -> memref<1x160x128xf32, #tpu.memory_space<hbm>>
      %dma_start3A_74 = tpu.memref_squeeze %dma_start3A_73 : memref<1x160x128xf32, #tpu.memory_space<hbm>> -> memref<160x128xf32, #tpu.memory_space<hbm>>
      %dma_start3A_75 = arith.constant 0 : i32
      %dma_start3A_76 = tpu.memref_slice %arg7[%mul3A_9, %dma_start3A_75] : memref<2560x128xf32, #tpu.memory_space<vmem_shared>> -> memref<160x128xf32, #tpu.memory_space<vmem_shared>>
      tpu.enqueue_dma source(%dma_start3A_76 : memref<160x128xf32, #tpu.memory_space<vmem_shared>>) target(%dma_start3A_74 : memref<160x128xf32, #tpu.memory_space<hbm>>) target_semaphore(%run_scoped3A : memref<!tpu.dma_semaphore, #tpu.memory_space<semaphore_mem>>)
      %dma_wait3A = arith.constant 0 : i32
      %dma_wait3A_77 = tpu.memref_slice %arg5[%arg0, %mul3A_9, %dma_wait3A] : memref<2x2560x128xf32, #tpu.memory_space<hbm>> -> memref<1x160x128xf32, #tpu.memory_space<hbm>>
      %dma_wait3A_78 = tpu.memref_squeeze %dma_wait3A_77 : memref<1x160x128xf32, #tpu.memory_space<hbm>> -> memref<160x128xf32, #tpu.memory_space<hbm>>
      %dma_wait3A_79 = arith.constant 0 : i32
      %dma_wait3A_80 = tpu.memref_slice %arg7[%mul3A_9, %dma_wait3A_79] : memref<2560x128xf32, #tpu.memory_space<vmem_shared>> -> memref<160x128xf32, #tpu.memory_space<vmem_shared>>
      tpu.wait_dma2 semaphore(%run_scoped3A : memref<!tpu.dma_semaphore, #tpu.memory_space<semaphore_mem>>) src(%dma_wait3A_80 : memref<160x128xf32, #tpu.memory_space<vmem_shared>>) dst(%dma_wait3A_78 : memref<160x128xf32, #tpu.memory_space<hbm>>)
      tpu.yield
    }) : () -> ()
    "tpu.region"() ({
      %run_scoped3A = tpu.sem_alloc : memref<!tpu.dma_semaphore, #tpu.memory_space<semaphore_mem>>
      %dma_start3A = arith.constant 0 : i32
      %dma_start3A_73 = tpu.memref_slice %arg15[%dma_start3A] : memref<2560xf32, #tpu.memory_space<vmem>> -> memref<160xf32, #tpu.memory_space<vmem>>
      %dma_start3A_74 = tpu.memref_slice %arg8[%mul3A_9] : memref<2560xf32, #tpu.memory_space<vmem_shared>> -> memref<160xf32, #tpu.memory_space<vmem_shared>>
      %dma_start3A_75 = arith.constant 0 : i32
      %dma_start3A_76 = tpu.memref_slice %arg15[%dma_start3A_75] : memref<2560xf32, #tpu.memory_space<vmem>> -> memref<160xf32, #tpu.memory_space<vmem>>
      %dma_start3A_77 = tpu.memref_slice %arg8[%mul3A_9] : memref<2560xf32, #tpu.memory_space<vmem_shared>> -> memref<160xf32, #tpu.memory_space<vmem_shared>>
      tpu.enqueue_dma source(%dma_start3A_77 : memref<160xf32, #tpu.memory_space<vmem_shared>>) target(%dma_start3A_76 : memref<160xf32, #tpu.memory_space<vmem>>) target_semaphore(%run_scoped3A : memref<!tpu.dma_semaphore, #tpu.memory_space<semaphore_mem>>)
      %dma_wait3A = arith.constant 0 : i32
      %dma_wait3A_78 = tpu.memref_slice %arg15[%dma_wait3A] : memref<2560xf32, #tpu.memory_space<vmem>> -> memref<160xf32, #tpu.memory_space<vmem>>
      %dma_wait3A_79 = tpu.memref_slice %arg8[%mul3A_9] : memref<2560xf32, #tpu.memory_space<vmem_shared>> -> memref<160xf32, #tpu.memory_space<vmem_shared>>
      %dma_wait3A_80 = arith.constant 0 : i32
      %dma_wait3A_81 = tpu.memref_slice %arg15[%dma_wait3A_80] : memref<2560xf32, #tpu.memory_space<vmem>> -> memref<160xf32, #tpu.memory_space<vmem>>
      %dma_wait3A_82 = tpu.memref_slice %arg8[%mul3A_9] : memref<2560xf32, #tpu.memory_space<vmem_shared>> -> memref<160xf32, #tpu.memory_space<vmem_shared>>
      tpu.wait_dma2 semaphore(%run_scoped3A : memref<!tpu.dma_semaphore, #tpu.memory_space<semaphore_mem>>) src(%dma_wait3A_82 : memref<160xf32, #tpu.memory_space<vmem_shared>>) dst(%dma_wait3A_81 : memref<160xf32, #tpu.memory_space<vmem>>)
      tpu.yield
    }) : () -> ()
    %mul3A_70 = arith.constant 2560 : i32
    %mul3A_71 = arith.muli %arg0, %mul3A_70 : i32
    %add3A_72 = arith.addi %mul3A_71, %mul3A_9 : i32
    "tpu.region"() ({
      %run_scoped3A = tpu.sem_alloc : memref<!tpu.dma_semaphore, #tpu.memory_space<semaphore_mem>>
      %dma_start3A = arith.constant 0 : i32
      %dma_start3A_73 = tpu.memref_slice %arg15[%dma_start3A] : memref<2560xf32, #tpu.memory_space<vmem>> -> memref<160xf32, #tpu.memory_space<vmem>>
      %dma_start3A_74 = tpu.memref_slice %arg6[%add3A_72] : memref<5120xf32, #tpu.memory_space<hbm>> -> memref<160xf32, #tpu.memory_space<hbm>>
      %dma_start3A_75 = tpu.memref_slice %arg6[%add3A_72] : memref<5120xf32, #tpu.memory_space<hbm>> -> memref<160xf32, #tpu.memory_space<hbm>>
      %dma_start3A_76 = arith.constant 0 : i32
      %dma_start3A_77 = tpu.memref_slice %arg15[%dma_start3A_76] : memref<2560xf32, #tpu.memory_space<vmem>> -> memref<160xf32, #tpu.memory_space<vmem>>
      tpu.enqueue_dma source(%dma_start3A_77 : memref<160xf32, #tpu.memory_space<vmem>>) target(%dma_start3A_75 : memref<160xf32, #tpu.memory_space<hbm>>) target_semaphore(%run_scoped3A : memref<!tpu.dma_semaphore, #tpu.memory_space<semaphore_mem>>)
      %dma_wait3A = arith.constant 0 : i32
      %dma_wait3A_78 = tpu.memref_slice %arg15[%dma_wait3A] : memref<2560xf32, #tpu.memory_space<vmem>> -> memref<160xf32, #tpu.memory_space<vmem>>
      %dma_wait3A_79 = tpu.memref_slice %arg6[%add3A_72] : memref<5120xf32, #tpu.memory_space<hbm>> -> memref<160xf32, #tpu.memory_space<hbm>>
      %dma_wait3A_80 = tpu.memref_slice %arg6[%add3A_72] : memref<5120xf32, #tpu.memory_space<hbm>> -> memref<160xf32, #tpu.memory_space<hbm>>
      %dma_wait3A_81 = arith.constant 0 : i32
      %dma_wait3A_82 = tpu.memref_slice %arg15[%dma_wait3A_81] : memref<2560xf32, #tpu.memory_space<vmem>> -> memref<160xf32, #tpu.memory_space<vmem>>
      tpu.wait_dma2 semaphore(%run_scoped3A : memref<!tpu.dma_semaphore, #tpu.memory_space<semaphore_mem>>) src(%dma_wait3A_82 : memref<160xf32, #tpu.memory_space<vmem>>) dst(%dma_wait3A_80 : memref<160xf32, #tpu.memory_space<hbm>>)
      tpu.yield
    }) : () -> ()
    return
  }
}

#map = affine_map<(d0, d1) -> (0, 0)>
#map1 = affine_map<(d0, d1) -> (0)>
#map2 = affine_map<(d0, d1) -> (0, 0, 0)>
module attributes {stable_mosaic.version = 14 : i64} {
  func.func @body(%arg0: i32, %arg1: i32, %arg2: memref<2560x128xf32, #tpu.memory_space<hbm>>, %arg3: memref<80000xi32, #tpu.memory_space<hbm>>, %arg4: memref<80000xi32, #tpu.memory_space<hbm>>, %arg5: memref<2x2560x128xf32, #tpu.memory_space<hbm>>, %arg6: memref<2560x128xf32, #tpu.memory_space<vmem_shared>>, %arg7: memref<80x128xf32, #tpu.memory_space<vmem>>, %arg8: memref<80xi32, #tpu.memory_space<vmem>>, %arg9: memref<80xi32, #tpu.memory_space<vmem>>, %arg10: memref<!tpu.dma_semaphore, #tpu.memory_space<semaphore_mem>>) attributes {dimension_semantics = [#tpu.dimension_semantics<core_parallel>, #tpu.dimension_semantics<subcore_parallel>], iteration_bounds = array<i64: 2, 16>, scalar_prefetch = 0 : i64, scratch_operands = 5 : i64, tpu.core_type = #tpu.core_type<sc_vector_subcore>, window_params = [{transform_indices = #map}, {transform_indices = #map1}, {transform_indices = #map1}, {transform_indices = #map2}]} {
    %mul3A = arith.constant 2 : i32
    %mul3A_0 = arith.muli %arg1, %mul3A : i32
    %add3A = arith.addi %mul3A_0, %arg0 : i32
    %broadcast_in_dim3A = arith.constant 0.000000e+00 : f32
    %broadcast_in_dim3A_1 = vector.broadcast %broadcast_in_dim3A : f32 to vector<16xf32>
    %scan3A = arith.constant 0 : i32
    %scan3A_2 = arith.constant 0 : i32
    %scan3A_3 = arith.constant 640 : i32
    %scan3A_4 = arith.addi %scan3A_2, %scan3A_3 : i32
    %scan3A_5 = arith.constant 1 : i32
    %scan3A_6 = scf.for %scan3A_24 = %scan3A_2 to %scan3A_4 step %scan3A_5 iter_args(%scan3A_25 = %scan3A) -> (i32)  : i32 {
      %jit3A = arith.constant 8 : i32
      %div3A = arith.divsi %scan3A_24, %jit3A : i32
      %sign3A = arith.constant 0 : i32
      %sign3A_26 = arith.cmpi sgt, %scan3A_24, %sign3A : i32
      %sign3A_27 = arith.extui %sign3A_26 : i1 to i32
      %sign3A_28 = arith.constant 0 : i32
      %sign3A_29 = arith.cmpi slt, %scan3A_24, %sign3A_28 : i32
      %sign3A_30 = arith.extui %sign3A_29 : i1 to i32
      %sign3A_31 = arith.subi %sign3A_27, %sign3A_30 : i32
      %sign3A_32 = arith.constant 0 : i32
      %sign3A_33 = arith.cmpi sgt, %jit3A, %sign3A_32 : i32
      %sign3A_34 = arith.extui %sign3A_33 : i1 to i32
      %sign3A_35 = arith.constant 0 : i32
      %sign3A_36 = arith.cmpi slt, %jit3A, %sign3A_35 : i32
      %sign3A_37 = arith.extui %sign3A_36 : i1 to i32
      %sign3A_38 = arith.subi %sign3A_34, %sign3A_37 : i32
      %ne3A = arith.cmpi ne, %sign3A_31, %sign3A_38 : i32
      %rem3A = arith.remsi %scan3A_24, %jit3A : i32
      %ne3A_39 = arith.constant 0 : i32
      %ne3A_40 = arith.cmpi ne, %rem3A, %ne3A_39 : i32
      %and3A = arith.andi %ne3A, %ne3A_40 : i1
      %sub3A = arith.constant 1 : i32
      %sub3A_41 = arith.subi %div3A, %sub3A : i32
      %select_n3A = arith.select %and3A, %sub3A_41, %div3A : i32
      %jit3A_42 = arith.constant 8 : i32
      %eq3A = arith.constant 0 : i32
      %eq3A_43 = arith.cmpi eq, %jit3A_42, %eq3A : i32
      %jit3A_44 = arith.constant 1 : i32
      %select_n3A_45 = arith.select %eq3A_43, %jit3A_44, %jit3A_42 : i32
      %rem3A_46 = arith.remsi %scan3A_24, %select_n3A_45 : i32
      %ne3A_47 = arith.constant 0 : i32
      %ne3A_48 = arith.cmpi ne, %rem3A_46, %ne3A_47 : i32
      %lt3A = arith.constant 0 : i32
      %lt3A_49 = arith.cmpi slt, %rem3A_46, %lt3A : i32
      %lt3A_50 = arith.constant 0 : i32
      %lt3A_51 = arith.cmpi slt, %select_n3A_45, %lt3A_50 : i32
      %ne3A_52 = arith.xori %lt3A_49, %lt3A_51 : i1
      %and3A_53 = arith.andi %ne3A_52, %ne3A_48 : i1
      %add3A_54 = arith.addi %rem3A_46, %select_n3A_45 : i32
      %select_n3A_55 = arith.select %and3A_53, %add3A_54, %rem3A_46 : i32
      %mul3A_56 = arith.constant 16 : i32
      %mul3A_57 = arith.muli %select_n3A_55, %mul3A_56 : i32
      %swap3A = arith.index_cast %select_n3A : i32 to index
      %swap3A_58 = arith.index_cast %mul3A_57 : i32 to index
      %swap3A_59 = tpu.vector_load %arg7[%swap3A, %swap3A_58] {strides = array<i32>} : memref<80x128xf32, #tpu.memory_space<vmem>>, vector<16xf32>,
      tpu.vector_store %arg7[%swap3A, %swap3A_58], %broadcast_in_dim3A_1 {strides = array<i32>} : memref<80x128xf32, #tpu.memory_space<vmem>>, vector<16xf32>,
      %scan3A_60 = arith.constant 0 : i32
      scf.yield %scan3A_60 : i32
    }
    %scan3A_7 = arith.constant 640 : i32
    %mul3A_8 = arith.constant 160 : i32
    %mul3A_9 = arith.muli %arg1, %mul3A_8 : i32
    %add3A_10 = arith.constant 0 : i32
    %add3A_11 = arith.addi %mul3A_9, %add3A_10 : i32
    "tpu.region"() ({
      %run_scoped3A = tpu.sem_alloc : memref<!tpu.dma_semaphore, #tpu.memory_space<semaphore_mem>>
      %dma_start3A = arith.constant 0 : i32
      %dma_start3A_24 = tpu.memref_slice %arg6[%add3A_11, %dma_start3A] : memref<2560x128xf32, #tpu.memory_space<vmem_shared>> -> memref<80x128xf32, #tpu.memory_space<vmem_shared>>
      %dma_start3A_25 = arith.constant 0 : i32
      %dma_start3A_26 = tpu.memref_slice %arg6[%add3A_11, %dma_start3A_25] : memref<2560x128xf32, #tpu.memory_space<vmem_shared>> -> memref<80x128xf32, #tpu.memory_space<vmem_shared>>
      tpu.enqueue_dma source(%arg7 : memref<80x128xf32, #tpu.memory_space<vmem>>) target(%dma_start3A_26 : memref<80x128xf32, #tpu.memory_space<vmem_shared>>) target_semaphore(%run_scoped3A : memref<!tpu.dma_semaphore, #tpu.memory_space<semaphore_mem>>)
      %dma_wait3A = arith.constant 0 : i32
      %dma_wait3A_27 = tpu.memref_slice %arg6[%add3A_11, %dma_wait3A] : memref<2560x128xf32, #tpu.memory_space<vmem_shared>> -> memref<80x128xf32, #tpu.memory_space<vmem_shared>>
      %dma_wait3A_28 = arith.constant 0 : i32
      %dma_wait3A_29 = tpu.memref_slice %arg6[%add3A_11, %dma_wait3A_28] : memref<2560x128xf32, #tpu.memory_space<vmem_shared>> -> memref<80x128xf32, #tpu.memory_space<vmem_shared>>
      tpu.wait_dma2 semaphore(%run_scoped3A : memref<!tpu.dma_semaphore, #tpu.memory_space<semaphore_mem>>) src(%arg7 : memref<80x128xf32, #tpu.memory_space<vmem>>) dst(%dma_wait3A_29 : memref<80x128xf32, #tpu.memory_space<vmem_shared>>)
      tpu.yield
    }) : () -> ()
    %add3A_12 = arith.constant 80 : i32
    %add3A_13 = arith.addi %mul3A_9, %add3A_12 : i32
    "tpu.region"() ({
      %run_scoped3A = tpu.sem_alloc : memref<!tpu.dma_semaphore, #tpu.memory_space<semaphore_mem>>
      %dma_start3A = arith.constant 0 : i32
      %dma_start3A_24 = tpu.memref_slice %arg6[%add3A_13, %dma_start3A] : memref<2560x128xf32, #tpu.memory_space<vmem_shared>> -> memref<80x128xf32, #tpu.memory_space<vmem_shared>>
      %dma_start3A_25 = arith.constant 0 : i32
      %dma_start3A_26 = tpu.memref_slice %arg6[%add3A_13, %dma_start3A_25] : memref<2560x128xf32, #tpu.memory_space<vmem_shared>> -> memref<80x128xf32, #tpu.memory_space<vmem_shared>>
      tpu.enqueue_dma source(%arg7 : memref<80x128xf32, #tpu.memory_space<vmem>>) target(%dma_start3A_26 : memref<80x128xf32, #tpu.memory_space<vmem_shared>>) target_semaphore(%run_scoped3A : memref<!tpu.dma_semaphore, #tpu.memory_space<semaphore_mem>>)
      %dma_wait3A = arith.constant 0 : i32
      %dma_wait3A_27 = tpu.memref_slice %arg6[%add3A_13, %dma_wait3A] : memref<2560x128xf32, #tpu.memory_space<vmem_shared>> -> memref<80x128xf32, #tpu.memory_space<vmem_shared>>
      %dma_wait3A_28 = arith.constant 0 : i32
      %dma_wait3A_29 = tpu.memref_slice %arg6[%add3A_13, %dma_wait3A_28] : memref<2560x128xf32, #tpu.memory_space<vmem_shared>> -> memref<80x128xf32, #tpu.memory_space<vmem_shared>>
      tpu.wait_dma2 semaphore(%run_scoped3A : memref<!tpu.dma_semaphore, #tpu.memory_space<semaphore_mem>>) src(%arg7 : memref<80x128xf32, #tpu.memory_space<vmem>>) dst(%dma_wait3A_29 : memref<80x128xf32, #tpu.memory_space<vmem_shared>>)
      tpu.yield
    }) : () -> ()
    %barrier3A = arith.constant 0 : index
    tpu.barrier barrier_id(%barrier3A)
    %broadcast_in_dim3A_14 = arith.constant 1.000000e+00 : f32
    %broadcast_in_dim3A_15 = vector.broadcast %broadcast_in_dim3A_14 : f32 to vector<16xf32>
    %scan3A_16 = arith.constant 0 : i32
    %scan3A_17 = arith.constant 0 : i32
    %scan3A_18 = arith.constant 32 : i32
    %scan3A_19 = arith.addi %scan3A_17, %scan3A_18 : i32
    %scan3A_20 = arith.constant 1 : i32
    %scan3A_21 = scf.for %scan3A_24 = %scan3A_17 to %scan3A_19 step %scan3A_20 iter_args(%scan3A_25 = %scan3A_16) -> (i32)  : i32 {
      %mul3A_26 = arith.constant 32 : i32
      %mul3A_27 = arith.muli %scan3A_24, %mul3A_26 : i32
      %add3A_28 = arith.addi %mul3A_27, %add3A : i32
      %lt3A = arith.constant 1000 : i32
      %lt3A_29 = arith.cmpi slt, %add3A_28, %lt3A : i32
      %convert_element_type3A = arith.extui %lt3A_29 : i1 to i32
      %cond3A = arith.constant 0 : i32
      %cond3A_30 = arith.cmpi ne, %convert_element_type3A, %cond3A : i32
      scf.if %cond3A_30 {
        %mul3A_32 = arith.constant 80 : i32
        %mul3A_33 = arith.muli %add3A_28, %mul3A_32 : i32
        "tpu.region"() ({
          %run_scoped3A = tpu.sem_alloc : memref<!tpu.dma_semaphore, #tpu.memory_space<semaphore_mem>>
          %dma_start3A_38 = tpu.memref_slice %arg4[%mul3A_33] : memref<80000xi32, #tpu.memory_space<hbm>> -> memref<80xi32, #tpu.memory_space<hbm>>
          %dma_start3A_39 = tpu.memref_slice %arg4[%mul3A_33] : memref<80000xi32, #tpu.memory_space<hbm>> -> memref<80xi32, #tpu.memory_space<hbm>>
          tpu.enqueue_dma source(%dma_start3A_39 : memref<80xi32, #tpu.memory_space<hbm>>) target(%arg8 : memref<80xi32, #tpu.memory_space<vmem>>) target_semaphore(%run_scoped3A : memref<!tpu.dma_semaphore, #tpu.memory_space<semaphore_mem>>)
          %dma_wait3A_40 = tpu.memref_slice %arg4[%mul3A_33] : memref<80000xi32, #tpu.memory_space<hbm>> -> memref<80xi32, #tpu.memory_space<hbm>>
          %dma_wait3A_41 = tpu.memref_slice %arg4[%mul3A_33] : memref<80000xi32, #tpu.memory_space<hbm>> -> memref<80xi32, #tpu.memory_space<hbm>>
          tpu.wait_dma2 semaphore(%run_scoped3A : memref<!tpu.dma_semaphore, #tpu.memory_space<semaphore_mem>>) src(%dma_wait3A_41 : memref<80xi32, #tpu.memory_space<hbm>>) dst(%arg8 : memref<80xi32, #tpu.memory_space<vmem>>)
          tpu.yield
        }) : () -> ()
        "tpu.region"() ({
          %run_scoped3A = tpu.sem_alloc : memref<!tpu.dma_semaphore, #tpu.memory_space<semaphore_mem>>
          %dma_start3A_38 = tpu.memref_slice %arg3[%mul3A_33] : memref<80000xi32, #tpu.memory_space<hbm>> -> memref<80xi32, #tpu.memory_space<hbm>>
          %dma_start3A_39 = tpu.memref_slice %arg3[%mul3A_33] : memref<80000xi32, #tpu.memory_space<hbm>> -> memref<80xi32, #tpu.memory_space<hbm>>
          tpu.enqueue_dma source(%dma_start3A_39 : memref<80xi32, #tpu.memory_space<hbm>>) target(%arg9 : memref<80xi32, #tpu.memory_space<vmem>>) target_semaphore(%run_scoped3A : memref<!tpu.dma_semaphore, #tpu.memory_space<semaphore_mem>>)
          %dma_wait3A_40 = tpu.memref_slice %arg3[%mul3A_33] : memref<80000xi32, #tpu.memory_space<hbm>> -> memref<80xi32, #tpu.memory_space<hbm>>
          %dma_wait3A_41 = tpu.memref_slice %arg3[%mul3A_33] : memref<80000xi32, #tpu.memory_space<hbm>> -> memref<80xi32, #tpu.memory_space<hbm>>
          tpu.wait_dma2 semaphore(%run_scoped3A : memref<!tpu.dma_semaphore, #tpu.memory_space<semaphore_mem>>) src(%dma_wait3A_41 : memref<80xi32, #tpu.memory_space<hbm>>) dst(%arg9 : memref<80xi32, #tpu.memory_space<vmem>>)
          tpu.yield
        }) : () -> ()
        %dma_start3A = arith.constant 0 : i32
        %dma_start3A_34 = arith.constant 0 : i32
        %dma_start3A_35 = tpu.memref_slice %arg2[%dma_start3A, %dma_start3A_34] : memref<2560x128xf32, #tpu.memory_space<hbm>> -> memref<2560x128xf32, #tpu.memory_space<hbm>>
        tpu.enqueue_indirect_dma source(%dma_start3A_35 : memref<2560x128xf32, #tpu.memory_space<hbm>>) target(%arg7 : memref<80x128xf32, #tpu.memory_space<vmem>>) offsets(%arg9 : memref<80xi32, #tpu.memory_space<vmem>>) semaphore(%arg10 : memref<!tpu.dma_semaphore, #tpu.memory_space<semaphore_mem>>)
        %dma_wait3A = arith.constant 0 : i32
        %dma_wait3A_36 = arith.constant 0 : i32
        %dma_wait3A_37 = tpu.memref_slice %arg2[%dma_wait3A, %dma_wait3A_36] : memref<2560x128xf32, #tpu.memory_space<hbm>> -> memref<2560x128xf32, #tpu.memory_space<hbm>>
        tpu.wait_indirect_dma semaphore(%arg10 : memref<!tpu.dma_semaphore, #tpu.memory_space<semaphore_mem>>) src(%dma_wait3A_37 : memref<2560x128xf32, #tpu.memory_space<hbm>>) dst(%arg7 : memref<80x128xf32, #tpu.memory_space<vmem>>)
        "tpu.region"() ({
          %run_scoped3A = tpu.sem_alloc : memref<!tpu.dma_semaphore, #tpu.memory_space<semaphore_mem>>
          %dma_start3A_38 = arith.constant 0 : i32
          %dma_start3A_39 = arith.constant 0 : i32
          %dma_start3A_40 = tpu.memref_slice %arg6[%dma_start3A_38, %dma_start3A_39] : memref<2560x128xf32, #tpu.memory_space<vmem_shared>> -> memref<2560x128xf32, #tpu.memory_space<vmem_shared>>
          tpu.enqueue_indirect_dma source(%arg7 : memref<80x128xf32, #tpu.memory_space<vmem>>) target(%dma_start3A_40 : memref<2560x128xf32, #tpu.memory_space<vmem_shared>>) offsets(%arg8 : memref<80xi32, #tpu.memory_space<vmem>>) semaphore(%run_scoped3A : memref<!tpu.dma_semaphore, #tpu.memory_space<semaphore_mem>>) {add = true}
          %dma_wait3A_41 = arith.constant 0 : i32
          %dma_wait3A_42 = arith.constant 0 : i32
          %dma_wait3A_43 = tpu.memref_slice %arg6[%dma_wait3A_41, %dma_wait3A_42] : memref<2560x128xf32, #tpu.memory_space<vmem_shared>> -> memref<2560x128xf32, #tpu.memory_space<vmem_shared>>
          tpu.wait_indirect_dma semaphore(%run_scoped3A : memref<!tpu.dma_semaphore, #tpu.memory_space<semaphore_mem>>) src(%arg7 : memref<80x128xf32, #tpu.memory_space<vmem>>) dst(%dma_wait3A_43 : memref<2560x128xf32, #tpu.memory_space<vmem_shared>>)
          tpu.yield
        }) : () -> ()
      } else {
      }
      %scan3A_31 = arith.constant 0 : i32
      scf.yield %scan3A_31 : i32
    }
    %scan3A_22 = arith.constant 32 : i32
    %barrier3A_23 = arith.constant 0 : index
    tpu.barrier barrier_id(%barrier3A_23)
    "tpu.region"() ({
      %run_scoped3A = tpu.sem_alloc : memref<!tpu.dma_semaphore, #tpu.memory_space<semaphore_mem>>
      %dma_start3A = arith.constant 0 : i32
      %dma_start3A_24 = tpu.memref_slice %arg5[%arg0, %mul3A_9, %dma_start3A] : memref<2x2560x128xf32, #tpu.memory_space<hbm>> -> memref<1x160x128xf32, #tpu.memory_space<hbm>>
      %dma_start3A_25 = tpu.memref_squeeze %dma_start3A_24 : memref<1x160x128xf32, #tpu.memory_space<hbm>> -> memref<160x128xf32, #tpu.memory_space<hbm>>
      %dma_start3A_26 = arith.constant 0 : i32
      %dma_start3A_27 = tpu.memref_slice %arg6[%mul3A_9, %dma_start3A_26] : memref<2560x128xf32, #tpu.memory_space<vmem_shared>> -> memref<160x128xf32, #tpu.memory_space<vmem_shared>>
      tpu.enqueue_dma source(%dma_start3A_27 : memref<160x128xf32, #tpu.memory_space<vmem_shared>>) target(%dma_start3A_25 : memref<160x128xf32, #tpu.memory_space<hbm>>) target_semaphore(%run_scoped3A : memref<!tpu.dma_semaphore, #tpu.memory_space<semaphore_mem>>)
      %dma_wait3A = arith.constant 0 : i32
      %dma_wait3A_28 = tpu.memref_slice %arg5[%arg0, %mul3A_9, %dma_wait3A] : memref<2x2560x128xf32, #tpu.memory_space<hbm>> -> memref<1x160x128xf32, #tpu.memory_space<hbm>>
      %dma_wait3A_29 = tpu.memref_squeeze %dma_wait3A_28 : memref<1x160x128xf32, #tpu.memory_space<hbm>> -> memref<160x128xf32, #tpu.memory_space<hbm>>
      %dma_wait3A_30 = arith.constant 0 : i32
      %dma_wait3A_31 = tpu.memref_slice %arg6[%mul3A_9, %dma_wait3A_30] : memref<2560x128xf32, #tpu.memory_space<vmem_shared>> -> memref<160x128xf32, #tpu.memory_space<vmem_shared>>
      tpu.wait_dma2 semaphore(%run_scoped3A : memref<!tpu.dma_semaphore, #tpu.memory_space<semaphore_mem>>) src(%dma_wait3A_31 : memref<160x128xf32, #tpu.memory_space<vmem_shared>>) dst(%dma_wait3A_29 : memref<160x128xf32, #tpu.memory_space<hbm>>)
      tpu.yield
    }) : () -> ()
    return
  }
}

#map = affine_map<(d0, d1) -> (0, 0)>
#map1 = affine_map<(d0, d1) -> (0)>
#map2 = affine_map<(d0, d1) -> (0, 0, 0)>
module attributes {stable_mosaic.version = 14 : i64} {
  func.func @body(%arg0: i32, %arg1: i32, %arg2: memref<2560x128xf32, #tpu.memory_space<hbm>>, %arg3: memref<80000xi32, #tpu.memory_space<hbm>>, %arg4: memref<80000xi32, #tpu.memory_space<hbm>>, %arg5: memref<2x2560x128xf32, #tpu.memory_space<hbm>>, %arg6: memref<2560x128xf32, #tpu.memory_space<vmem_shared>>, %arg7: memref<80x128xf32, #tpu.memory_space<vmem>>, %arg8: memref<80xi32, #tpu.memory_space<vmem>>, %arg9: memref<80xi32, #tpu.memory_space<vmem>>, %arg10: memref<!tpu.dma_semaphore, #tpu.memory_space<semaphore_mem>>) attributes {dimension_semantics = [#tpu.dimension_semantics<core_parallel>, #tpu.dimension_semantics<subcore_parallel>], iteration_bounds = array<i64: 2, 16>, scalar_prefetch = 0 : i64, scratch_operands = 5 : i64, tpu.core_type = #tpu.core_type<sc_vector_subcore>, window_params = [{transform_indices = #map}, {transform_indices = #map1}, {transform_indices = #map1}, {transform_indices = #map2}]} {
    %mul3A = arith.constant 2 : i32
    %mul3A_0 = arith.muli %arg1, %mul3A : i32
    %add3A = arith.addi %mul3A_0, %arg0 : i32
    %broadcast_in_dim3A = arith.constant 0.000000e+00 : f32
    %broadcast_in_dim3A_1 = vector.broadcast %broadcast_in_dim3A : f32 to vector<16xf32>
    %scan3A = arith.constant 0 : i32
    %scan3A_2 = arith.constant 0 : i32
    %scan3A_3 = arith.constant 640 : i32
    %scan3A_4 = arith.addi %scan3A_2, %scan3A_3 : i32
    %scan3A_5 = arith.constant 1 : i32
    %scan3A_6 = scf.for %scan3A_24 = %scan3A_2 to %scan3A_4 step %scan3A_5 iter_args(%scan3A_25 = %scan3A) -> (i32)  : i32 {
      %jit3A = arith.constant 8 : i32
      %div3A = arith.divsi %scan3A_24, %jit3A : i32
      %sign3A = arith.constant 0 : i32
      %sign3A_26 = arith.cmpi sgt, %scan3A_24, %sign3A : i32
      %sign3A_27 = arith.extui %sign3A_26 : i1 to i32
      %sign3A_28 = arith.constant 0 : i32
      %sign3A_29 = arith.cmpi slt, %scan3A_24, %sign3A_28 : i32
      %sign3A_30 = arith.extui %sign3A_29 : i1 to i32
      %sign3A_31 = arith.subi %sign3A_27, %sign3A_30 : i32
      %sign3A_32 = arith.constant 0 : i32
      %sign3A_33 = arith.cmpi sgt, %jit3A, %sign3A_32 : i32
      %sign3A_34 = arith.extui %sign3A_33 : i1 to i32
      %sign3A_35 = arith.constant 0 : i32
      %sign3A_36 = arith.cmpi slt, %jit3A, %sign3A_35 : i32
      %sign3A_37 = arith.extui %sign3A_36 : i1 to i32
      %sign3A_38 = arith.subi %sign3A_34, %sign3A_37 : i32
      %ne3A = arith.cmpi ne, %sign3A_31, %sign3A_38 : i32
      %rem3A = arith.remsi %scan3A_24, %jit3A : i32
      %ne3A_39 = arith.constant 0 : i32
      %ne3A_40 = arith.cmpi ne, %rem3A, %ne3A_39 : i32
      %and3A = arith.andi %ne3A, %ne3A_40 : i1
      %sub3A = arith.constant 1 : i32
      %sub3A_41 = arith.subi %div3A, %sub3A : i32
      %select_n3A = arith.select %and3A, %sub3A_41, %div3A : i32
      %jit3A_42 = arith.constant 8 : i32
      %eq3A = arith.constant 0 : i32
      %eq3A_43 = arith.cmpi eq, %jit3A_42, %eq3A : i32
      %jit3A_44 = arith.constant 1 : i32
      %select_n3A_45 = arith.select %eq3A_43, %jit3A_44, %jit3A_42 : i32
      %rem3A_46 = arith.remsi %scan3A_24, %select_n3A_45 : i32
      %ne3A_47 = arith.constant 0 : i32
      %ne3A_48 = arith.cmpi ne, %rem3A_46, %ne3A_47 : i32
      %lt3A = arith.constant 0 : i32
      %lt3A_49 = arith.cmpi slt, %rem3A_46, %lt3A : i32
      %lt3A_50 = arith.constant 0 : i32
      %lt3A_51 = arith.cmpi slt, %select_n3A_45, %lt3A_50 : i32
      %ne3A_52 = arith.xori %lt3A_49, %lt3A_51 : i1
      %and3A_53 = arith.andi %ne3A_52, %ne3A_48 : i1
      %add3A_54 = arith.addi %rem3A_46, %select_n3A_45 : i32
      %select_n3A_55 = arith.select %and3A_53, %add3A_54, %rem3A_46 : i32
      %mul3A_56 = arith.constant 16 : i32
      %mul3A_57 = arith.muli %select_n3A_55, %mul3A_56 : i32
      %swap3A = arith.index_cast %select_n3A : i32 to index
      %swap3A_58 = arith.index_cast %mul3A_57 : i32 to index
      %swap3A_59 = tpu.vector_load %arg7[%swap3A, %swap3A_58] {strides = array<i32>} : memref<80x128xf32, #tpu.memory_space<vmem>>, vector<16xf32>,
      tpu.vector_store %arg7[%swap3A, %swap3A_58], %broadcast_in_dim3A_1 {strides = array<i32>} : memref<80x128xf32, #tpu.memory_space<vmem>>, vector<16xf32>,
      %scan3A_60 = arith.constant 0 : i32
      scf.yield %scan3A_60 : i32
    }
    %scan3A_7 = arith.constant 640 : i32
    %mul3A_8 = arith.constant 160 : i32
    %mul3A_9 = arith.muli %arg1, %mul3A_8 : i32
    %add3A_10 = arith.constant 0 : i32
    %add3A_11 = arith.addi %mul3A_9, %add3A_10 : i32
    "tpu.region"() ({
      %run_scoped3A = tpu.sem_alloc : memref<!tpu.dma_semaphore, #tpu.memory_space<semaphore_mem>>
      %dma_start3A = arith.constant 0 : i32
      %dma_start3A_24 = tpu.memref_slice %arg6[%add3A_11, %dma_start3A] : memref<2560x128xf32, #tpu.memory_space<vmem_shared>> -> memref<80x128xf32, #tpu.memory_space<vmem_shared>>
      %dma_start3A_25 = arith.constant 0 : i32
      %dma_start3A_26 = tpu.memref_slice %arg6[%add3A_11, %dma_start3A_25] : memref<2560x128xf32, #tpu.memory_space<vmem_shared>> -> memref<80x128xf32, #tpu.memory_space<vmem_shared>>
      tpu.enqueue_dma source(%arg7 : memref<80x128xf32, #tpu.memory_space<vmem>>) target(%dma_start3A_26 : memref<80x128xf32, #tpu.memory_space<vmem_shared>>) target_semaphore(%run_scoped3A : memref<!tpu.dma_semaphore, #tpu.memory_space<semaphore_mem>>)
      %dma_wait3A = arith.constant 0 : i32
      %dma_wait3A_27 = tpu.memref_slice %arg6[%add3A_11, %dma_wait3A] : memref<2560x128xf32, #tpu.memory_space<vmem_shared>> -> memref<80x128xf32, #tpu.memory_space<vmem_shared>>
      %dma_wait3A_28 = arith.constant 0 : i32
      %dma_wait3A_29 = tpu.memref_slice %arg6[%add3A_11, %dma_wait3A_28] : memref<2560x128xf32, #tpu.memory_space<vmem_shared>> -> memref<80x128xf32, #tpu.memory_space<vmem_shared>>
      tpu.wait_dma2 semaphore(%run_scoped3A : memref<!tpu.dma_semaphore, #tpu.memory_space<semaphore_mem>>) src(%arg7 : memref<80x128xf32, #tpu.memory_space<vmem>>) dst(%dma_wait3A_29 : memref<80x128xf32, #tpu.memory_space<vmem_shared>>)
      tpu.yield
    }) : () -> ()
    %add3A_12 = arith.constant 80 : i32
    %add3A_13 = arith.addi %mul3A_9, %add3A_12 : i32
    "tpu.region"() ({
      %run_scoped3A = tpu.sem_alloc : memref<!tpu.dma_semaphore, #tpu.memory_space<semaphore_mem>>
      %dma_start3A = arith.constant 0 : i32
      %dma_start3A_24 = tpu.memref_slice %arg6[%add3A_13, %dma_start3A] : memref<2560x128xf32, #tpu.memory_space<vmem_shared>> -> memref<80x128xf32, #tpu.memory_space<vmem_shared>>
      %dma_start3A_25 = arith.constant 0 : i32
      %dma_start3A_26 = tpu.memref_slice %arg6[%add3A_13, %dma_start3A_25] : memref<2560x128xf32, #tpu.memory_space<vmem_shared>> -> memref<80x128xf32, #tpu.memory_space<vmem_shared>>
      tpu.enqueue_dma source(%arg7 : memref<80x128xf32, #tpu.memory_space<vmem>>) target(%dma_start3A_26 : memref<80x128xf32, #tpu.memory_space<vmem_shared>>) target_semaphore(%run_scoped3A : memref<!tpu.dma_semaphore, #tpu.memory_space<semaphore_mem>>)
      %dma_wait3A = arith.constant 0 : i32
      %dma_wait3A_27 = tpu.memref_slice %arg6[%add3A_13, %dma_wait3A] : memref<2560x128xf32, #tpu.memory_space<vmem_shared>> -> memref<80x128xf32, #tpu.memory_space<vmem_shared>>
      %dma_wait3A_28 = arith.constant 0 : i32
      %dma_wait3A_29 = tpu.memref_slice %arg6[%add3A_13, %dma_wait3A_28] : memref<2560x128xf32, #tpu.memory_space<vmem_shared>> -> memref<80x128xf32, #tpu.memory_space<vmem_shared>>
      tpu.wait_dma2 semaphore(%run_scoped3A : memref<!tpu.dma_semaphore, #tpu.memory_space<semaphore_mem>>) src(%arg7 : memref<80x128xf32, #tpu.memory_space<vmem>>) dst(%dma_wait3A_29 : memref<80x128xf32, #tpu.memory_space<vmem_shared>>)
      tpu.yield
    }) : () -> ()
    %barrier3A = arith.constant 0 : index
    tpu.barrier barrier_id(%barrier3A)
    %broadcast_in_dim3A_14 = arith.constant 1.000000e+00 : f32
    %broadcast_in_dim3A_15 = vector.broadcast %broadcast_in_dim3A_14 : f32 to vector<16xf32>
    %scan3A_16 = arith.constant 0 : i32
    %scan3A_17 = arith.constant 0 : i32
    %scan3A_18 = arith.constant 32 : i32
    %scan3A_19 = arith.addi %scan3A_17, %scan3A_18 : i32
    %scan3A_20 = arith.constant 1 : i32
    %scan3A_21 = scf.for %scan3A_24 = %scan3A_17 to %scan3A_19 step %scan3A_20 iter_args(%scan3A_25 = %scan3A_16) -> (i32)  : i32 {
      %mul3A_26 = arith.constant 32 : i32
      %mul3A_27 = arith.muli %scan3A_24, %mul3A_26 : i32
      %add3A_28 = arith.addi %mul3A_27, %add3A : i32
      %lt3A = arith.constant 1000 : i32
      %lt3A_29 = arith.cmpi slt, %add3A_28, %lt3A : i32
      %convert_element_type3A = arith.extui %lt3A_29 : i1 to i32
      %cond3A = arith.constant 0 : i32
      %cond3A_30 = arith.cmpi ne, %convert_element_type3A, %cond3A : i32
      scf.if %cond3A_30 {
        %mul3A_32 = arith.constant 80 : i32
        %mul3A_33 = arith.muli %add3A_28, %mul3A_32 : i32
        "tpu.region"() ({
          %run_scoped3A = tpu.sem_alloc : memref<!tpu.dma_semaphore, #tpu.memory_space<semaphore_mem>>
          %dma_start3A_38 = tpu.memref_slice %arg4[%mul3A_33] : memref<80000xi32, #tpu.memory_space<hbm>> -> memref<80xi32, #tpu.memory_space<hbm>>
          %dma_start3A_39 = tpu.memref_slice %arg4[%mul3A_33] : memref<80000xi32, #tpu.memory_space<hbm>> -> memref<80xi32, #tpu.memory_space<hbm>>
          tpu.enqueue_dma source(%dma_start3A_39 : memref<80xi32, #tpu.memory_space<hbm>>) target(%arg8 : memref<80xi32, #tpu.memory_space<vmem>>) target_semaphore(%run_scoped3A : memref<!tpu.dma_semaphore, #tpu.memory_space<semaphore_mem>>)
          %dma_wait3A_40 = tpu.memref_slice %arg4[%mul3A_33] : memref<80000xi32, #tpu.memory_space<hbm>> -> memref<80xi32, #tpu.memory_space<hbm>>
          %dma_wait3A_41 = tpu.memref_slice %arg4[%mul3A_33] : memref<80000xi32, #tpu.memory_space<hbm>> -> memref<80xi32, #tpu.memory_space<hbm>>
          tpu.wait_dma2 semaphore(%run_scoped3A : memref<!tpu.dma_semaphore, #tpu.memory_space<semaphore_mem>>) src(%dma_wait3A_41 : memref<80xi32, #tpu.memory_space<hbm>>) dst(%arg8 : memref<80xi32, #tpu.memory_space<vmem>>)
          tpu.yield
        }) : () -> ()
        "tpu.region"() ({
          %run_scoped3A = tpu.sem_alloc : memref<!tpu.dma_semaphore, #tpu.memory_space<semaphore_mem>>
          %dma_start3A_38 = tpu.memref_slice %arg3[%mul3A_33] : memref<80000xi32, #tpu.memory_space<hbm>> -> memref<80xi32, #tpu.memory_space<hbm>>
          %dma_start3A_39 = tpu.memref_slice %arg3[%mul3A_33] : memref<80000xi32, #tpu.memory_space<hbm>> -> memref<80xi32, #tpu.memory_space<hbm>>
          tpu.enqueue_dma source(%dma_start3A_39 : memref<80xi32, #tpu.memory_space<hbm>>) target(%arg9 : memref<80xi32, #tpu.memory_space<vmem>>) target_semaphore(%run_scoped3A : memref<!tpu.dma_semaphore, #tpu.memory_space<semaphore_mem>>)
          %dma_wait3A_40 = tpu.memref_slice %arg3[%mul3A_33] : memref<80000xi32, #tpu.memory_space<hbm>> -> memref<80xi32, #tpu.memory_space<hbm>>
          %dma_wait3A_41 = tpu.memref_slice %arg3[%mul3A_33] : memref<80000xi32, #tpu.memory_space<hbm>> -> memref<80xi32, #tpu.memory_space<hbm>>
          tpu.wait_dma2 semaphore(%run_scoped3A : memref<!tpu.dma_semaphore, #tpu.memory_space<semaphore_mem>>) src(%dma_wait3A_41 : memref<80xi32, #tpu.memory_space<hbm>>) dst(%arg9 : memref<80xi32, #tpu.memory_space<vmem>>)
          tpu.yield
        }) : () -> ()
        %dma_start3A = arith.constant 0 : i32
        %dma_start3A_34 = arith.constant 0 : i32
        %dma_start3A_35 = tpu.memref_slice %arg2[%dma_start3A, %dma_start3A_34] : memref<2560x128xf32, #tpu.memory_space<hbm>> -> memref<2560x128xf32, #tpu.memory_space<hbm>>
        tpu.enqueue_indirect_dma source(%dma_start3A_35 : memref<2560x128xf32, #tpu.memory_space<hbm>>) target(%arg7 : memref<80x128xf32, #tpu.memory_space<vmem>>) offsets(%arg9 : memref<80xi32, #tpu.memory_space<vmem>>) semaphore(%arg10 : memref<!tpu.dma_semaphore, #tpu.memory_space<semaphore_mem>>)
        %dma_wait3A = arith.constant 0 : i32
        %dma_wait3A_36 = arith.constant 0 : i32
        %dma_wait3A_37 = tpu.memref_slice %arg2[%dma_wait3A, %dma_wait3A_36] : memref<2560x128xf32, #tpu.memory_space<hbm>> -> memref<2560x128xf32, #tpu.memory_space<hbm>>
        tpu.wait_indirect_dma semaphore(%arg10 : memref<!tpu.dma_semaphore, #tpu.memory_space<semaphore_mem>>) src(%dma_wait3A_37 : memref<2560x128xf32, #tpu.memory_space<hbm>>) dst(%arg7 : memref<80x128xf32, #tpu.memory_space<vmem>>)
        "tpu.region"() ({
          %run_scoped3A = tpu.sem_alloc : memref<!tpu.dma_semaphore, #tpu.memory_space<semaphore_mem>>
          %dma_start3A_38 = arith.constant 0 : i32
          %dma_start3A_39 = arith.constant 0 : i32
          %dma_start3A_40 = tpu.memref_slice %arg6[%dma_start3A_38, %dma_start3A_39] : memref<2560x128xf32, #tpu.memory_space<vmem_shared>> -> memref<2560x128xf32, #tpu.memory_space<vmem_shared>>
          tpu.enqueue_indirect_dma source(%arg7 : memref<80x128xf32, #tpu.memory_space<vmem>>) target(%dma_start3A_40 : memref<2560x128xf32, #tpu.memory_space<vmem_shared>>) offsets(%arg8 : memref<80xi32, #tpu.memory_space<vmem>>) semaphore(%run_scoped3A : memref<!tpu.dma_semaphore, #tpu.memory_space<semaphore_mem>>) {add = true}
          %dma_wait3A_41 = arith.constant 0 : i32
          %dma_wait3A_42 = arith.constant 0 : i32
          %dma_wait3A_43 = tpu.memref_slice %arg6[%dma_wait3A_41, %dma_wait3A_42] : memref<2560x128xf32, #tpu.memory_space<vmem_shared>> -> memref<2560x128xf32, #tpu.memory_space<vmem_shared>>
          tpu.wait_indirect_dma semaphore(%run_scoped3A : memref<!tpu.dma_semaphore, #tpu.memory_space<semaphore_mem>>) src(%arg7 : memref<80x128xf32, #tpu.memory_space<vmem>>) dst(%dma_wait3A_43 : memref<2560x128xf32, #tpu.memory_space<vmem_shared>>)
          tpu.yield
        }) : () -> ()
      } else {
      }
      %scan3A_31 = arith.constant 0 : i32
      scf.yield %scan3A_31 : i32
    }
    %scan3A_22 = arith.constant 32 : i32
    %barrier3A_23 = arith.constant 0 : index
    tpu.barrier barrier_id(%barrier3A_23)
    "tpu.region"() ({
      %run_scoped3A = tpu.sem_alloc : memref<!tpu.dma_semaphore, #tpu.memory_space<semaphore_mem>>
      %dma_start3A = arith.constant 0 : i32
      %dma_start3A_24 = tpu.memref_slice %arg5[%arg0, %mul3A_9, %dma_start3A] : memref<2x2560x128xf32, #tpu.memory_space<hbm>> -> memref<1x160x128xf32, #tpu.memory_space<hbm>>
      %dma_start3A_25 = tpu.memref_squeeze %dma_start3A_24 : memref<1x160x128xf32, #tpu.memory_space<hbm>> -> memref<160x128xf32, #tpu.memory_space<hbm>>
      %dma_start3A_26 = arith.constant 0 : i32
      %dma_start3A_27 = tpu.memref_slice %arg6[%mul3A_9, %dma_start3A_26] : memref<2560x128xf32, #tpu.memory_space<vmem_shared>> -> memref<160x128xf32, #tpu.memory_space<vmem_shared>>
      tpu.enqueue_dma source(%dma_start3A_27 : memref<160x128xf32, #tpu.memory_space<vmem_shared>>) target(%dma_start3A_25 : memref<160x128xf32, #tpu.memory_space<hbm>>) target_semaphore(%run_scoped3A : memref<!tpu.dma_semaphore, #tpu.memory_space<semaphore_mem>>)
      %dma_wait3A = arith.constant 0 : i32
      %dma_wait3A_28 = tpu.memref_slice %arg5[%arg0, %mul3A_9, %dma_wait3A] : memref<2x2560x128xf32, #tpu.memory_space<hbm>> -> memref<1x160x128xf32, #tpu.memory_space<hbm>>
      %dma_wait3A_29 = tpu.memref_squeeze %dma_wait3A_28 : memref<1x160x128xf32, #tpu.memory_space<hbm>> -> memref<160x128xf32, #tpu.memory_space<hbm>>
      %dma_wait3A_30 = arith.constant 0 : i32
      %dma_wait3A_31 = tpu.memref_slice %arg6[%mul3A_9, %dma_wait3A_30] : memref<2560x128xf32, #tpu.memory_space<vmem_shared>> -> memref<160x128xf32, #tpu.memory_space<vmem_shared>>
      tpu.wait_dma2 semaphore(%run_scoped3A : memref<!tpu.dma_semaphore, #tpu.memory_space<semaphore_mem>>) src(%dma_wait3A_31 : memref<160x128xf32, #tpu.memory_space<vmem_shared>>) dst(%dma_wait3A_29 : memref<160x128xf32, #tpu.memory_space<hbm>>)
      tpu.yield
    }) : () -> ()
    return
  }
}

#map = affine_map<(d0, d1) -> (0, 0)>
#map1 = affine_map<(d0, d1) -> (0)>
module attributes {stable_mosaic.version = 14 : i64} {
  func.func @body(%arg0: i32, %arg1: i32, %arg2: memref<2560x128xf32, #tpu.memory_space<hbm>>, %arg3: memref<10000xi32, #tpu.memory_space<hbm>>, %arg4: memref<10000x128xf32, #tpu.memory_space<hbm>>, %arg5: memref<80xi32, #tpu.memory_space<vmem>>, %arg6: memref<80x128xf32, #tpu.memory_space<vmem>>, %arg7: memref<!tpu.dma_semaphore, #tpu.memory_space<semaphore_mem>>) attributes {dimension_semantics = [#tpu.dimension_semantics<core_parallel>, #tpu.dimension_semantics<subcore_parallel>], iteration_bounds = array<i64: 2, 16>, scalar_prefetch = 0 : i64, scratch_operands = 3 : i64, tpu.core_type = #tpu.core_type<sc_vector_subcore>, window_params = [{transform_indices = #map}, {transform_indices = #map1}, {transform_indices = #map}]} {
    %mul3A = arith.constant 2 : i32
    %mul3A_0 = arith.muli %arg1, %mul3A : i32
    %add3A = arith.addi %mul3A_0, %arg0 : i32
    %scan3A = arith.constant 0 : i32
    %scan3A_1 = arith.constant 0 : i32
    %scan3A_2 = arith.constant 4 : i32
    %scan3A_3 = arith.addi %scan3A_1, %scan3A_2 : i32
    %scan3A_4 = arith.constant 1 : i32
    %scan3A_5 = scf.for %scan3A_7 = %scan3A_1 to %scan3A_3 step %scan3A_4 iter_args(%scan3A_8 = %scan3A) -> (i32)  : i32 {
      %mul3A_9 = arith.constant 32 : i32
      %mul3A_10 = arith.muli %scan3A_7, %mul3A_9 : i32
      %add3A_11 = arith.addi %mul3A_10, %add3A : i32
      %lt3A = arith.constant 125 : i32
      %lt3A_12 = arith.cmpi slt, %add3A_11, %lt3A : i32
      %convert_element_type3A = arith.extui %lt3A_12 : i1 to i32
      %cond3A = arith.constant 0 : i32
      %cond3A_13 = arith.cmpi ne, %convert_element_type3A, %cond3A : i32
      scf.if %cond3A_13 {
        %mul3A_15 = arith.constant 80 : i32
        %mul3A_16 = arith.muli %add3A_11, %mul3A_15 : i32
        "tpu.region"() ({
          %run_scoped3A = tpu.sem_alloc : memref<!tpu.dma_semaphore, #tpu.memory_space<semaphore_mem>>
          %dma_start3A_21 = tpu.memref_slice %arg3[%mul3A_16] : memref<10000xi32, #tpu.memory_space<hbm>> -> memref<80xi32, #tpu.memory_space<hbm>>
          %dma_start3A_22 = tpu.memref_slice %arg3[%mul3A_16] : memref<10000xi32, #tpu.memory_space<hbm>> -> memref<80xi32, #tpu.memory_space<hbm>>
          tpu.enqueue_dma source(%dma_start3A_22 : memref<80xi32, #tpu.memory_space<hbm>>) target(%arg5 : memref<80xi32, #tpu.memory_space<vmem>>) target_semaphore(%run_scoped3A : memref<!tpu.dma_semaphore, #tpu.memory_space<semaphore_mem>>)
          %dma_wait3A_23 = tpu.memref_slice %arg3[%mul3A_16] : memref<10000xi32, #tpu.memory_space<hbm>> -> memref<80xi32, #tpu.memory_space<hbm>>
          %dma_wait3A_24 = tpu.memref_slice %arg3[%mul3A_16] : memref<10000xi32, #tpu.memory_space<hbm>> -> memref<80xi32, #tpu.memory_space<hbm>>
          tpu.wait_dma2 semaphore(%run_scoped3A : memref<!tpu.dma_semaphore, #tpu.memory_space<semaphore_mem>>) src(%dma_wait3A_24 : memref<80xi32, #tpu.memory_space<hbm>>) dst(%arg5 : memref<80xi32, #tpu.memory_space<vmem>>)
          tpu.yield
        }) : () -> ()
        %dma_start3A = arith.constant 0 : i32
        %dma_start3A_17 = arith.constant 0 : i32
        %dma_start3A_18 = tpu.memref_slice %arg2[%dma_start3A, %dma_start3A_17] : memref<2560x128xf32, #tpu.memory_space<hbm>> -> memref<2560x128xf32, #tpu.memory_space<hbm>>
        tpu.enqueue_indirect_dma source(%dma_start3A_18 : memref<2560x128xf32, #tpu.memory_space<hbm>>) target(%arg6 : memref<80x128xf32, #tpu.memory_space<vmem>>) offsets(%arg5 : memref<80xi32, #tpu.memory_space<vmem>>) semaphore(%arg7 : memref<!tpu.dma_semaphore, #tpu.memory_space<semaphore_mem>>)
        %dma_wait3A = arith.constant 0 : i32
        %dma_wait3A_19 = arith.constant 0 : i32
        %dma_wait3A_20 = tpu.memref_slice %arg2[%dma_wait3A, %dma_wait3A_19] : memref<2560x128xf32, #tpu.memory_space<hbm>> -> memref<2560x128xf32, #tpu.memory_space<hbm>>
        tpu.wait_indirect_dma semaphore(%arg7 : memref<!tpu.dma_semaphore, #tpu.memory_space<semaphore_mem>>) src(%dma_wait3A_20 : memref<2560x128xf32, #tpu.memory_space<hbm>>) dst(%arg6 : memref<80x128xf32, #tpu.memory_space<vmem>>)
        "tpu.region"() ({
          %run_scoped3A = tpu.sem_alloc : memref<!tpu.dma_semaphore, #tpu.memory_space<semaphore_mem>>
          %dma_start3A_21 = arith.constant 0 : i32
          %dma_start3A_22 = tpu.memref_slice %arg4[%mul3A_16, %dma_start3A_21] : memref<10000x128xf32, #tpu.memory_space<hbm>> -> memref<80x128xf32, #tpu.memory_space<hbm>>
          %dma_start3A_23 = arith.constant 0 : i32
          %dma_start3A_24 = tpu.memref_slice %arg4[%mul3A_16, %dma_start3A_23] : memref<10000x128xf32, #tpu.memory_space<hbm>> -> memref<80x128xf32, #tpu.memory_space<hbm>>
          tpu.enqueue_dma source(%arg6 : memref<80x128xf32, #tpu.memory_space<vmem>>) target(%dma_start3A_24 : memref<80x128xf32, #tpu.memory_space<hbm>>) target_semaphore(%run_scoped3A : memref<!tpu.dma_semaphore, #tpu.memory_space<semaphore_mem>>)
          %dma_wait3A_25 = arith.constant 0 : i32
          %dma_wait3A_26 = tpu.memref_slice %arg4[%mul3A_16, %dma_wait3A_25] : memref<10000x128xf32, #tpu.memory_space<hbm>> -> memref<80x128xf32, #tpu.memory_space<hbm>>
          %dma_wait3A_27 = arith.constant 0 : i32
          %dma_wait3A_28 = tpu.memref_slice %arg4[%mul3A_16, %dma_wait3A_27] : memref<10000x128xf32, #tpu.memory_space<hbm>> -> memref<80x128xf32, #tpu.memory_space<hbm>>
          tpu.wait_dma2 semaphore(%run_scoped3A : memref<!tpu.dma_semaphore, #tpu.memory_space<semaphore_mem>>) src(%arg6 : memref<80x128xf32, #tpu.memory_space<vmem>>) dst(%dma_wait3A_28 : memref<80x128xf32, #tpu.memory_space<hbm>>)
          tpu.yield
        }) : () -> ()
      } else {
      }
      %scan3A_14 = arith.constant 0 : i32
      scf.yield %scan3A_14 : i32
    }
    %scan3A_6 = arith.constant 4 : i32
    return
  }
}

module attributes {stable_mosaic.version = 14 : i64} {
  func.func @body(%arg0: memref<10000x128xf32, #tpu.memory_space<vmem>>, %arg1: memref<128x128xf32, #tpu.memory_space<vmem>>, %arg2: memref<10000x128xf32, #tpu.memory_space<vmem>>) attributes {dimension_semantics = [], scalar_prefetch = 0 : i64, scratch_operands = 0 : i64, tpu.core_type = #tpu.core_type<tc>} {
    %get3A = arith.constant 0 : index
    %get3A_0 = arith.constant 0 : index
    %get3A_1 = vector.load %arg0[%get3A, %get3A_0] : memref<10000x128xf32, #tpu.memory_space<vmem>>, vector<10000x128xf32>
    %get3A_2 = arith.constant 0 : index
    %get3A_3 = arith.constant 0 : index
    %get3A_4 = vector.load %arg1[%get3A_2, %get3A_3] : memref<128x128xf32, #tpu.memory_space<vmem>>, vector<128x128xf32>
    %dot_general3A = arith.constant dense<0.000000e+00> : vector<10000x128xf32>
    %dot_general3A_5 = tpu.matmul %get3A_1, %get3A_4, %dot_general3A {dimension_numbers = #tpu.dot_dimension_numbers<[1], [0], [0], [1], [0, 0, 1, 1], [], []>, transpose_lhs_hint = false} : vector<10000x128xf32>, vector<128x128xf32>, vector<10000x128xf32> -> vector<10000x128xf32>
    %swap3A = arith.constant 0 : index
    %swap3A_6 = arith.constant 0 : index
    %swap3A_7 = vector.load %arg2[%swap3A, %swap3A_6] : memref<10000x128xf32, #tpu.memory_space<vmem>>, vector<10000x128xf32>
    tpu.vector_store %arg2[%swap3A, %swap3A_6], %dot_general3A_5 {strides = array<i32>} : memref<10000x128xf32, #tpu.memory_space<vmem>>, vector<10000x128xf32>,
    return
  }
}

module attributes {stable_mosaic.version = 14 : i64} {
  func.func @body(%arg0: memref<2x2560x128xf32, #tpu.memory_space<vmem>>, %arg1: memref<2x2560x1xf32, #tpu.memory_space<vmem>>, %arg2: memref<128x128xf32, #tpu.memory_space<vmem>>, %arg3: memref<2560x128xf32, #tpu.memory_space<vmem>>, %arg4: memref<2560x128xf32, #tpu.memory_space<vmem>>) attributes {dimension_semantics = [], scalar_prefetch = 0 : i64, scratch_operands = 0 : i64, tpu.core_type = #tpu.core_type<tc>} {
    %get3A = arith.constant 0 : index
    %get3A_0 = arith.constant 0 : index
    %get3A_1 = arith.constant 0 : index
    %get3A_2 = vector.load %arg0[%get3A, %get3A_0, %get3A_1] : memref<2x2560x128xf32, #tpu.memory_space<vmem>>, vector<1x2560x128xf32>
    %get3A_3 = vector.shape_cast %get3A_2 : vector<1x2560x128xf32> to vector<2560x128xf32>
    %get3A_4 = arith.constant 1 : index
    %get3A_5 = arith.constant 0 : index
    %get3A_6 = arith.constant 0 : index
    %get3A_7 = vector.load %arg0[%get3A_4, %get3A_5, %get3A_6] : memref<2x2560x128xf32, #tpu.memory_space<vmem>>, vector<1x2560x128xf32>
    %get3A_8 = vector.shape_cast %get3A_7 : vector<1x2560x128xf32> to vector<2560x128xf32>
    %add3A = arith.addf %get3A_3, %get3A_8 : vector<2560x128xf32>
    %get3A_9 = arith.constant 0 : index
    %get3A_10 = arith.constant 0 : index
    %get3A_11 = arith.constant 0 : index
    %get3A_12 = vector.load %arg1[%get3A_9, %get3A_10, %get3A_11] : memref<2x2560x1xf32, #tpu.memory_space<vmem>>, vector<1x2560x1xf32>
    %get3A_13 = vector.shape_cast %get3A_12 : vector<1x2560x1xf32> to vector<2560x1xf32>
    %get3A_14 = arith.constant 1 : index
    %get3A_15 = arith.constant 0 : index
    %get3A_16 = arith.constant 0 : index
    %get3A_17 = vector.load %arg1[%get3A_14, %get3A_15, %get3A_16] : memref<2x2560x1xf32, #tpu.memory_space<vmem>>, vector<1x2560x1xf32>
    %get3A_18 = vector.shape_cast %get3A_17 : vector<1x2560x1xf32> to vector<2560x1xf32>
    %add3A_19 = arith.addf %get3A_13, %get3A_18 : vector<2560x1xf32>
    %max3A = arith.constant 1.000000e+00 : f32
    %max3A_20 = vector.broadcast %max3A : f32 to vector<2560x1xf32>
    %max3A_21 = arith.maximumf %add3A_19, %max3A_20 : vector<2560x1xf32>
    %div3A = vector.broadcast %max3A_21 : vector<2560x1xf32> to vector<2560x128xf32>
    %div3A_22 = arith.divf %add3A, %div3A : vector<2560x128xf32>
    %swap3A = arith.constant 0 : index
    %swap3A_23 = arith.constant 0 : index
    %swap3A_24 = vector.load %arg3[%swap3A, %swap3A_23] : memref<2560x128xf32, #tpu.memory_space<vmem>>, vector<2560x128xf32>
    tpu.vector_store %arg3[%swap3A, %swap3A_23], %div3A_22 {strides = array<i32>} : memref<2560x128xf32, #tpu.memory_space<vmem>>, vector<2560x128xf32>,
    %get3A_25 = arith.constant 0 : index
    %get3A_26 = arith.constant 0 : index
    %get3A_27 = vector.load %arg2[%get3A_25, %get3A_26] : memref<128x128xf32, #tpu.memory_space<vmem>>, vector<128x128xf32>
    %dot_general3A = arith.constant dense<0.000000e+00> : vector<2560x128xf32>
    %dot_general3A_28 = tpu.matmul %div3A_22, %get3A_27, %dot_general3A {dimension_numbers = #tpu.dot_dimension_numbers<[1], [0], [0], [1], [0, 0, 1, 1], [], []>, transpose_lhs_hint = false} : vector<2560x128xf32>, vector<128x128xf32>, vector<2560x128xf32> -> vector<2560x128xf32>
    %swap3A_29 = arith.constant 0 : index
    %swap3A_30 = arith.constant 0 : index
    %swap3A_31 = vector.load %arg4[%swap3A_29, %swap3A_30] : memref<2560x128xf32, #tpu.memory_space<vmem>>, vector<2560x128xf32>
    tpu.vector_store %arg4[%swap3A_29, %swap3A_30], %dot_general3A_28 {strides = array<i32>} : memref<2560x128xf32, #tpu.memory_space<vmem>>, vector<2560x128xf32>,
    return
  }
}

module attributes {stable_mosaic.version = 14 : i64} {
  func.func @body(%arg0: memref<2x2560x128xf32, #tpu.memory_space<vmem>>, %arg1: memref<2x2560x1xf32, #tpu.memory_space<vmem>>, %arg2: memref<128x128xf32, #tpu.memory_space<vmem>>, %arg3: memref<2560x128xf32, #tpu.memory_space<vmem>>, %arg4: memref<2560x128xf32, #tpu.memory_space<vmem>>) attributes {dimension_semantics = [], scalar_prefetch = 0 : i64, scratch_operands = 0 : i64, tpu.core_type = #tpu.core_type<tc>} {
    %get3A = arith.constant 0 : index
    %get3A_0 = arith.constant 0 : index
    %get3A_1 = arith.constant 0 : index
    %get3A_2 = vector.load %arg0[%get3A, %get3A_0, %get3A_1] : memref<2x2560x128xf32, #tpu.memory_space<vmem>>, vector<1x2560x128xf32>
    %get3A_3 = vector.shape_cast %get3A_2 : vector<1x2560x128xf32> to vector<2560x128xf32>
    %get3A_4 = arith.constant 1 : index
    %get3A_5 = arith.constant 0 : index
    %get3A_6 = arith.constant 0 : index
    %get3A_7 = vector.load %arg0[%get3A_4, %get3A_5, %get3A_6] : memref<2x2560x128xf32, #tpu.memory_space<vmem>>, vector<1x2560x128xf32>
    %get3A_8 = vector.shape_cast %get3A_7 : vector<1x2560x128xf32> to vector<2560x128xf32>
    %add3A = arith.addf %get3A_3, %get3A_8 : vector<2560x128xf32>
    %get3A_9 = arith.constant 0 : index
    %get3A_10 = arith.constant 0 : index
    %get3A_11 = arith.constant 0 : index
    %get3A_12 = vector.load %arg1[%get3A_9, %get3A_10, %get3A_11] : memref<2x2560x1xf32, #tpu.memory_space<vmem>>, vector<1x2560x1xf32>
    %get3A_13 = vector.shape_cast %get3A_12 : vector<1x2560x1xf32> to vector<2560x1xf32>
    %get3A_14 = arith.constant 1 : index
    %get3A_15 = arith.constant 0 : index
    %get3A_16 = arith.constant 0 : index
    %get3A_17 = vector.load %arg1[%get3A_14, %get3A_15, %get3A_16] : memref<2x2560x1xf32, #tpu.memory_space<vmem>>, vector<1x2560x1xf32>
    %get3A_18 = vector.shape_cast %get3A_17 : vector<1x2560x1xf32> to vector<2560x1xf32>
    %add3A_19 = arith.addf %get3A_13, %get3A_18 : vector<2560x1xf32>
    %max3A = arith.constant 1.000000e+00 : f32
    %max3A_20 = vector.broadcast %max3A : f32 to vector<2560x1xf32>
    %max3A_21 = arith.maximumf %add3A_19, %max3A_20 : vector<2560x1xf32>
    %div3A = vector.broadcast %max3A_21 : vector<2560x1xf32> to vector<2560x128xf32>
    %div3A_22 = arith.divf %add3A, %div3A : vector<2560x128xf32>
    %max3A_23 = arith.constant 0.000000e+00 : f32
    %max3A_24 = vector.broadcast %max3A_23 : f32 to vector<2560x128xf32>
    %max3A_25 = arith.maximumf %div3A_22, %max3A_24 : vector<2560x128xf32>
    %swap3A = arith.constant 0 : index
    %swap3A_26 = arith.constant 0 : index
    %swap3A_27 = vector.load %arg3[%swap3A, %swap3A_26] : memref<2560x128xf32, #tpu.memory_space<vmem>>, vector<2560x128xf32>
    tpu.vector_store %arg3[%swap3A, %swap3A_26], %max3A_25 {strides = array<i32>} : memref<2560x128xf32, #tpu.memory_space<vmem>>, vector<2560x128xf32>,
    %get3A_28 = arith.constant 0 : index
    %get3A_29 = arith.constant 0 : index
    %get3A_30 = vector.load %arg2[%get3A_28, %get3A_29] : memref<128x128xf32, #tpu.memory_space<vmem>>, vector<128x128xf32>
    %dot_general3A = arith.constant dense<0.000000e+00> : vector<2560x128xf32>
    %dot_general3A_31 = tpu.matmul %max3A_25, %get3A_30, %dot_general3A {dimension_numbers = #tpu.dot_dimension_numbers<[1], [0], [0], [1], [0, 0, 1, 1], [], []>, transpose_lhs_hint = false} : vector<2560x128xf32>, vector<128x128xf32>, vector<2560x128xf32> -> vector<2560x128xf32>
    %swap3A_32 = arith.constant 0 : index
    %swap3A_33 = arith.constant 0 : index
    %swap3A_34 = vector.load %arg4[%swap3A_32, %swap3A_33] : memref<2560x128xf32, #tpu.memory_space<vmem>>, vector<2560x128xf32>
    tpu.vector_store %arg4[%swap3A_32, %swap3A_33], %dot_general3A_31 {strides = array<i32>} : memref<2560x128xf32, #tpu.memory_space<vmem>>, vector<2560x128xf32>,
    return
  }
}

module attributes {stable_mosaic.version = 14 : i64} {
  func.func @body(%arg0: memref<2x2560x128xf32, #tpu.memory_space<vmem>>, %arg1: memref<2x2560x1xf32, #tpu.memory_space<vmem>>, %arg2: memref<128x128xf32, #tpu.memory_space<vmem>>, %arg3: memref<2560x128xf32, #tpu.memory_space<vmem>>, %arg4: memref<2560x128xf32, #tpu.memory_space<vmem>>) attributes {dimension_semantics = [], scalar_prefetch = 0 : i64, scratch_operands = 0 : i64, tpu.core_type = #tpu.core_type<tc>} {
    %get3A = arith.constant 0 : index
    %get3A_0 = arith.constant 0 : index
    %get3A_1 = arith.constant 0 : index
    %get3A_2 = vector.load %arg0[%get3A, %get3A_0, %get3A_1] : memref<2x2560x128xf32, #tpu.memory_space<vmem>>, vector<1x2560x128xf32>
    %get3A_3 = vector.shape_cast %get3A_2 : vector<1x2560x128xf32> to vector<2560x128xf32>
    %get3A_4 = arith.constant 1 : index
    %get3A_5 = arith.constant 0 : index
    %get3A_6 = arith.constant 0 : index
    %get3A_7 = vector.load %arg0[%get3A_4, %get3A_5, %get3A_6] : memref<2x2560x128xf32, #tpu.memory_space<vmem>>, vector<1x2560x128xf32>
    %get3A_8 = vector.shape_cast %get3A_7 : vector<1x2560x128xf32> to vector<2560x128xf32>
    %add3A = arith.addf %get3A_3, %get3A_8 : vector<2560x128xf32>
    %get3A_9 = arith.constant 0 : index
    %get3A_10 = arith.constant 0 : index
    %get3A_11 = arith.constant 0 : index
    %get3A_12 = vector.load %arg1[%get3A_9, %get3A_10, %get3A_11] : memref<2x2560x1xf32, #tpu.memory_space<vmem>>, vector<1x2560x1xf32>
    %get3A_13 = vector.shape_cast %get3A_12 : vector<1x2560x1xf32> to vector<2560x1xf32>
    %get3A_14 = arith.constant 1 : index
    %get3A_15 = arith.constant 0 : index
    %get3A_16 = arith.constant 0 : index
    %get3A_17 = vector.load %arg1[%get3A_14, %get3A_15, %get3A_16] : memref<2x2560x1xf32, #tpu.memory_space<vmem>>, vector<1x2560x1xf32>
    %get3A_18 = vector.shape_cast %get3A_17 : vector<1x2560x1xf32> to vector<2560x1xf32>
    %add3A_19 = arith.addf %get3A_13, %get3A_18 : vector<2560x1xf32>
    %max3A = arith.constant 1.000000e+00 : f32
    %max3A_20 = vector.broadcast %max3A : f32 to vector<2560x1xf32>
    %max3A_21 = arith.maximumf %add3A_19, %max3A_20 : vector<2560x1xf32>
    %div3A = vector.broadcast %max3A_21 : vector<2560x1xf32> to vector<2560x128xf32>
    %div3A_22 = arith.divf %add3A, %div3A : vector<2560x128xf32>
    %max3A_23 = arith.constant 0.000000e+00 : f32
    %max3A_24 = vector.broadcast %max3A_23 : f32 to vector<2560x128xf32>
    %max3A_25 = arith.maximumf %div3A_22, %max3A_24 : vector<2560x128xf32>
    %swap3A = arith.constant 0 : index
    %swap3A_26 = arith.constant 0 : index
    %swap3A_27 = vector.load %arg3[%swap3A, %swap3A_26] : memref<2560x128xf32, #tpu.memory_space<vmem>>, vector<2560x128xf32>
    tpu.vector_store %arg3[%swap3A, %swap3A_26], %max3A_25 {strides = array<i32>} : memref<2560x128xf32, #tpu.memory_space<vmem>>, vector<2560x128xf32>,
    %get3A_28 = arith.constant 0 : index
    %get3A_29 = arith.constant 0 : index
    %get3A_30 = vector.load %arg2[%get3A_28, %get3A_29] : memref<128x128xf32, #tpu.memory_space<vmem>>, vector<128x128xf32>
    %dot_general3A = arith.constant dense<0.000000e+00> : vector<2560x128xf32>
    %dot_general3A_31 = tpu.matmul %max3A_25, %get3A_30, %dot_general3A {dimension_numbers = #tpu.dot_dimension_numbers<[1], [0], [0], [1], [0, 0, 1, 1], [], []>, transpose_lhs_hint = false} : vector<2560x128xf32>, vector<128x128xf32>, vector<2560x128xf32> -> vector<2560x128xf32>
    %swap3A_32 = arith.constant 0 : index
    %swap3A_33 = arith.constant 0 : index
    %swap3A_34 = vector.load %arg4[%swap3A_32, %swap3A_33] : memref<2560x128xf32, #tpu.memory_space<vmem>>, vector<2560x128xf32>
    tpu.vector_store %arg4[%swap3A_32, %swap3A_33], %dot_general3A_31 {strides = array<i32>} : memref<2560x128xf32, #tpu.memory_space<vmem>>, vector<2560x128xf32>,
    return
  }
}

module attributes {stable_mosaic.version = 14 : i64} {
  func.func @body(%arg0: memref<2x2560x128xf32, #tpu.memory_space<vmem>>, %arg1: memref<2x2560x1xf32, #tpu.memory_space<vmem>>, %arg2: memref<2560x128xf32, #tpu.memory_space<vmem>>, %arg3: memref<256x128xf32, #tpu.memory_space<vmem>>, %arg4: memref<128x64xf32, #tpu.memory_space<vmem>>, %arg5: memref<2560x128xf32, #tpu.memory_space<vmem>>, %arg6: memref<2560x128xf32, #tpu.memory_space<vmem>>) attributes {dimension_semantics = [], scalar_prefetch = 0 : i64, scratch_operands = 0 : i64, tpu.core_type = #tpu.core_type<tc>} {
    %get3A = arith.constant 0 : index
    %get3A_0 = arith.constant 0 : index
    %get3A_1 = arith.constant 0 : index
    %get3A_2 = vector.load %arg1[%get3A, %get3A_0, %get3A_1] : memref<2x2560x1xf32, #tpu.memory_space<vmem>>, vector<1x2560x1xf32>
    %get3A_3 = vector.shape_cast %get3A_2 : vector<1x2560x1xf32> to vector<2560x1xf32>
    %get3A_4 = arith.constant 1 : index
    %get3A_5 = arith.constant 0 : index
    %get3A_6 = arith.constant 0 : index
    %get3A_7 = vector.load %arg1[%get3A_4, %get3A_5, %get3A_6] : memref<2x2560x1xf32, #tpu.memory_space<vmem>>, vector<1x2560x1xf32>
    %get3A_8 = vector.shape_cast %get3A_7 : vector<1x2560x1xf32> to vector<2560x1xf32>
    %add3A = arith.addf %get3A_3, %get3A_8 : vector<2560x1xf32>
    %max3A = arith.constant 1.000000e+00 : f32
    %max3A_9 = vector.broadcast %max3A : f32 to vector<2560x1xf32>
    %max3A_10 = arith.maximumf %add3A, %max3A_9 : vector<2560x1xf32>
    %get3A_11 = arith.constant 0 : index
    %get3A_12 = arith.constant 0 : index
    %get3A_13 = arith.constant 0 : index
    %get3A_14 = vector.load %arg0[%get3A_11, %get3A_12, %get3A_13] : memref<2x2560x128xf32, #tpu.memory_space<vmem>>, vector<1x2560x128xf32>
    %get3A_15 = vector.shape_cast %get3A_14 : vector<1x2560x128xf32> to vector<2560x128xf32>
    %get3A_16 = arith.constant 1 : index
    %get3A_17 = arith.constant 0 : index
    %get3A_18 = arith.constant 0 : index
    %get3A_19 = vector.load %arg0[%get3A_16, %get3A_17, %get3A_18] : memref<2x2560x128xf32, #tpu.memory_space<vmem>>, vector<1x2560x128xf32>
    %get3A_20 = vector.shape_cast %get3A_19 : vector<1x2560x128xf32> to vector<2560x128xf32>
    %add3A_21 = arith.addf %get3A_15, %get3A_20 : vector<2560x128xf32>
    %div3A = vector.broadcast %max3A_10 : vector<2560x1xf32> to vector<2560x128xf32>
    %div3A_22 = arith.divf %add3A_21, %div3A : vector<2560x128xf32>
    %get3A_23 = arith.constant 0 : index
    %get3A_24 = arith.constant 0 : index
    %get3A_25 = vector.load %arg2[%get3A_23, %get3A_24] : memref<2560x128xf32, #tpu.memory_space<vmem>>, vector<2560x128xf32>
    %add3A_26 = arith.addf %div3A_22, %get3A_25 : vector<2560x128xf32>
    %max3A_27 = arith.constant 0.000000e+00 : f32
    %max3A_28 = vector.broadcast %max3A_27 : f32 to vector<2560x128xf32>
    %max3A_29 = arith.maximumf %add3A_26, %max3A_28 : vector<2560x128xf32>
    %get3A_30 = arith.constant 0 : index
    %get3A_31 = arith.constant 0 : index
    %get3A_32 = vector.load %arg3[%get3A_30, %get3A_31] : memref<256x128xf32, #tpu.memory_space<vmem>>, vector<128x128xf32>
    %dot_general3A = arith.constant dense<0.000000e+00> : vector<2560x128xf32>
    %dot_general3A_33 = tpu.matmul %get3A_25, %get3A_32, %dot_general3A {dimension_numbers = #tpu.dot_dimension_numbers<[1], [0], [0], [1], [0, 0, 1, 1], [], []>, transpose_lhs_hint = false} : vector<2560x128xf32>, vector<128x128xf32>, vector<2560x128xf32> -> vector<2560x128xf32>
    %get3A_34 = arith.constant 128 : index
    %get3A_35 = arith.constant 0 : index
    %get3A_36 = vector.load %arg3[%get3A_34, %get3A_35] : memref<256x128xf32, #tpu.memory_space<vmem>>, vector<128x128xf32>
    %dot_general3A_37 = arith.constant dense<0.000000e+00> : vector<2560x128xf32>
    %dot_general3A_38 = tpu.matmul %max3A_29, %get3A_36, %dot_general3A_37 {dimension_numbers = #tpu.dot_dimension_numbers<[1], [0], [0], [1], [0, 0, 1, 1], [], []>, transpose_lhs_hint = false} : vector<2560x128xf32>, vector<128x128xf32>, vector<2560x128xf32> -> vector<2560x128xf32>
    %add3A_39 = arith.addf %dot_general3A_33, %dot_general3A_38 : vector<2560x128xf32>
    %swap3A = arith.constant 0 : index
    %swap3A_40 = arith.constant 0 : index
    %swap3A_41 = vector.load %arg5[%swap3A, %swap3A_40] : memref<2560x128xf32, #tpu.memory_space<vmem>>, vector<2560x128xf32>
    tpu.vector_store %arg5[%swap3A, %swap3A_40], %add3A_39 {strides = array<i32>} : memref<2560x128xf32, #tpu.memory_space<vmem>>, vector<2560x128xf32>,
    %get3A_42 = arith.constant 0 : index
    %get3A_43 = arith.constant 0 : index
    %get3A_44 = vector.load %arg4[%get3A_42, %get3A_43] : memref<128x64xf32, #tpu.memory_space<vmem>>, vector<128x64xf32>
    %dot_general3A_45 = arith.constant dense<0.000000e+00> : vector<2560x64xf32>
    %dot_general3A_46 = tpu.matmul %get3A_25, %get3A_44, %dot_general3A_45 {dimension_numbers = #tpu.dot_dimension_numbers<[1], [0], [0], [1], [0, 0, 1, 1], [], []>, transpose_lhs_hint = false} : vector<2560x128xf32>, vector<128x64xf32>, vector<2560x64xf32> -> vector<2560x64xf32>
    %get3A_47 = arith.constant 0 : index
    %get3A_48 = arith.constant 0 : index
    %get3A_49 = vector.load %arg4[%get3A_47, %get3A_48] : memref<128x64xf32, #tpu.memory_space<vmem>>, vector<128x64xf32>
    %dot_general3A_50 = arith.constant dense<0.000000e+00> : vector<2560x64xf32>
    %dot_general3A_51 = tpu.matmul %max3A_29, %get3A_49, %dot_general3A_50 {dimension_numbers = #tpu.dot_dimension_numbers<[1], [0], [0], [1], [0, 0, 1, 1], [], []>, transpose_lhs_hint = false} : vector<2560x128xf32>, vector<128x64xf32>, vector<2560x64xf32> -> vector<2560x64xf32>
    %concatenate3A = tpu.concatenate %dot_general3A_46, %dot_general3A_51 in 1 : vector<2560x64xf32>, vector<2560x64xf32> -> vector<2560x128xf32>
    %swap3A_52 = arith.constant 0 : index
    %swap3A_53 = arith.constant 0 : index
    %swap3A_54 = vector.load %arg6[%swap3A_52, %swap3A_53] : memref<2560x128xf32, #tpu.memory_space<vmem>>, vector<2560x128xf32>
    tpu.vector_store %arg6[%swap3A_52, %swap3A_53], %concatenate3A {strides = array<i32>} : memref<2560x128xf32, #tpu.memory_space<vmem>>, vector<2560x128xf32>,
    return
  }
}

module attributes {stable_mosaic.version = 14 : i64} {
  func.func @body(%arg0: memref<2x2560x128xf32, #tpu.memory_space<vmem>>, %arg1: memref<2x2560x1xf32, #tpu.memory_space<vmem>>, %arg2: memref<2560x128xf32, #tpu.memory_space<vmem>>, %arg3: memref<128x128xf32, #tpu.memory_space<vmem>>, %arg4: memref<2560x128xf32, #tpu.memory_space<vmem>>) attributes {dimension_semantics = [], scalar_prefetch = 0 : i64, scratch_operands = 0 : i64, tpu.core_type = #tpu.core_type<tc>} {
    %get3A = arith.constant 0 : index
    %get3A_0 = arith.constant 0 : index
    %get3A_1 = arith.constant 0 : index
    %get3A_2 = vector.load %arg1[%get3A, %get3A_0, %get3A_1] : memref<2x2560x1xf32, #tpu.memory_space<vmem>>, vector<1x2560x1xf32>
    %get3A_3 = vector.shape_cast %get3A_2 : vector<1x2560x1xf32> to vector<2560x1xf32>
    %get3A_4 = arith.constant 1 : index
    %get3A_5 = arith.constant 0 : index
    %get3A_6 = arith.constant 0 : index
    %get3A_7 = vector.load %arg1[%get3A_4, %get3A_5, %get3A_6] : memref<2x2560x1xf32, #tpu.memory_space<vmem>>, vector<1x2560x1xf32>
    %get3A_8 = vector.shape_cast %get3A_7 : vector<1x2560x1xf32> to vector<2560x1xf32>
    %add3A = arith.addf %get3A_3, %get3A_8 : vector<2560x1xf32>
    %max3A = arith.constant 1.000000e+00 : f32
    %max3A_9 = vector.broadcast %max3A : f32 to vector<2560x1xf32>
    %max3A_10 = arith.maximumf %add3A, %max3A_9 : vector<2560x1xf32>
    %get3A_11 = arith.constant 0 : index
    %get3A_12 = arith.constant 0 : index
    %get3A_13 = arith.constant 0 : index
    %get3A_14 = vector.load %arg0[%get3A_11, %get3A_12, %get3A_13] : memref<2x2560x128xf32, #tpu.memory_space<vmem>>, vector<1x2560x128xf32>
    %get3A_15 = vector.shape_cast %get3A_14 : vector<1x2560x128xf32> to vector<2560x128xf32>
    %get3A_16 = arith.constant 1 : index
    %get3A_17 = arith.constant 0 : index
    %get3A_18 = arith.constant 0 : index
    %get3A_19 = vector.load %arg0[%get3A_16, %get3A_17, %get3A_18] : memref<2x2560x128xf32, #tpu.memory_space<vmem>>, vector<1x2560x128xf32>
    %get3A_20 = vector.shape_cast %get3A_19 : vector<1x2560x128xf32> to vector<2560x128xf32>
    %add3A_21 = arith.addf %get3A_15, %get3A_20 : vector<2560x128xf32>
    %div3A = vector.broadcast %max3A_10 : vector<2560x1xf32> to vector<2560x128xf32>
    %div3A_22 = arith.divf %add3A_21, %div3A : vector<2560x128xf32>
    %max3A_23 = arith.constant 0.000000e+00 : f32
    %max3A_24 = vector.broadcast %max3A_23 : f32 to vector<2560x128xf32>
    %max3A_25 = arith.maximumf %div3A_22, %max3A_24 : vector<2560x128xf32>
    %get3A_26 = arith.constant 0 : index
    %get3A_27 = arith.constant 0 : index
    %get3A_28 = vector.load %arg2[%get3A_26, %get3A_27] : memref<2560x128xf32, #tpu.memory_space<vmem>>, vector<2560x128xf32>
    %add3A_29 = arith.addf %max3A_25, %get3A_28 : vector<2560x128xf32>
    %get3A_30 = arith.constant 0 : index
    %get3A_31 = arith.constant 0 : index
    %get3A_32 = vector.load %arg3[%get3A_30, %get3A_31] : memref<128x128xf32, #tpu.memory_space<vmem>>, vector<128x128xf32>
    %dot_general3A = arith.constant dense<0.000000e+00> : vector<2560x128xf32>
    %dot_general3A_33 = tpu.matmul %add3A_29, %get3A_32, %dot_general3A {dimension_numbers = #tpu.dot_dimension_numbers<[1], [0], [0], [1], [0, 0, 1, 1], [], []>, transpose_lhs_hint = false} : vector<2560x128xf32>, vector<128x128xf32>, vector<2560x128xf32> -> vector<2560x128xf32>
    %max3A_34 = arith.constant 0.000000e+00 : f32
    %max3A_35 = vector.broadcast %max3A_34 : f32 to vector<2560x128xf32>
    %max3A_36 = arith.maximumf %dot_general3A_33, %max3A_35 : vector<2560x128xf32>
    %swap3A = arith.constant 0 : index
    %swap3A_37 = arith.constant 0 : index
    %swap3A_38 = vector.load %arg4[%swap3A, %swap3A_37] : memref<2560x128xf32, #tpu.memory_space<vmem>>, vector<2560x128xf32>
    tpu.vector_store %arg4[%swap3A, %swap3A_37], %max3A_36 {strides = array<i32>} : memref<2560x128xf32, #tpu.memory_space<vmem>>, vector<2560x128xf32>,
    return
  }
}

</mosaic_0001>

<sc_bundles>
// kernel: kernel.15.cloned.1.call-start
scs
__scs_entry_jumppad:
0x0: {  	(pc) =	sbr.rel $0x88, $3  }
0x1: {  	(tag) =	ssettag $0x0;
	lr =	simm.s32 $0x1  }
0x2: {  	[smem:$0x3F97] =	sst lr;
	_ =	strace $0xD0000000  }
0x3: {  	_ = 	snop  }
0x4: {  	_ = 	snop  }
0x5: {  	_ = 	snop  }
0x6: {  	_ = 	snop  }
0x7: {  	_ = 	snop  }
__scs_overlays_trampoline_lowered:
0x8: {  	[smem:$0x3FA6] =	sst s0  }
0x9: {  	[smem:$0x3FA7] =	sst s1  }
0xa: {  	[smem:$0x3FA8] =	sst s2  }
0xb: {  	[smem:$0x3FA9] =	sst s3  }
0xc: {  	[smem:$0x3FAA] =	sst s4  }
0xd: {  	[smem:$0x3FAB] =	sst s5  }
0xe: {  	[smem:$0x3FAC] =	sst s6  }
0xf: {  	[smem:$0x3FAD] =	sst s7  }
0x10: {  	[smem:$0x3FAE] =	sst s8  }
0x11: {  	[smem:$0x3FAF] =	sst s9;
	s0 =	simm.s32 @!p0 $0x0  }
0x12: {  	s1 =	sld [smem:$0x3F95];
	s0 =	simm.s32 @p0 $0x1  }
0x13: {  	[smem:$0x3FB0] =	sst s0;
	s0 =	simm.s32 @!p1 $0x0  }
0x14: {  	s2 =	sld [smem:$0x3F94];
	s0 =	simm.s32 @p1 $0x1  }
0x15: {  	[smem:$0x3FB1] =	sst s0;
	s0 =	simm.s32 @!p2 $0x0  }
0x16: {  	s3 =	sld [smem:$0x3FDB];
	s0 =	simm.s32 @p2 $0x1  }
0x17: {  	s4 =	simm.s32 $0x1BF5;
	[smem:$0x3FB3] =	sst s0  }
0x18: {  	s0 =	sld [smem:$0x3F96];
	_ =	swait.ge [sflag:s4], $0x0  }
0x19: {  	s7 =	sld [smem:$0x3F97]  }
0x1a: {  	s8 =	sadd.s32 $0xFFFFE003, lr  }
0x1b: {  	s9 =	sadd.s32 $0xFFFFFEF7, lr;
	s5 =	simm.s32 $0xFFFFFFFF;
	p2 =	slt.u32 s8, $0xFFFFF086  }
0x1c: {  	p1 =	slt.u32 s9, $0xF7A;
	s5 =	simm.s32 @!p2 $0x0  }
0x1d: {  	s5 =	simm.s32 @p1 $0x1;
	p0 =	seq.s32 s7, s2  }
0x1e: {  	s7 =	smul.u32 @!p0 $0xF7A, s2;
	p2 =	seq.s32 @!p0 s5, $0x0  }
0x1f: {  	s9 =	smul.u32 $0xF7A, s1;
	s8 =	simm.s32 @!p0 $0x1BF5;
	p2 =	por !p2, p0  }
0x20: {  	[sflag:s8] =	ssyncset.s32 @!p0 $0xFFFFF086;
	s6 =	sadd.s32 @!p0 s3, s7;
	s7 =	simm.s32 @!p0 $0x108  }
0x21: {  	s3 =	sadd.s32 s3, s9;
	s6 =	sadd.s32 @!p0 $0x88, s6;
	s7 =	simm.s32 @p2 $0x1082  }
0x22: {  	[simem:s7], [sflag:s8] =	dma.local @!p0 [hbm:s6], $0xF7A  }
0x23: {  	s9 =	sor.u32 $0xD0000000, s2;
	s6 =	simm.s32 $0x108;
	_ =	swait.ge @!p0 [sflag:s8], $0x0  }
0x24: {  	s3 =	sadd.s32 $0x88, s3;
	s6 =	simm.s32 @!p1 $0x1082;
	[sflag:s4] =	ssyncset.s32 $0xFFFFF086  }
0x25: {  	[simem:s6], [sflag:s4] =	dma.local [hbm:s3], $0xF7A  }
0x26: {  	[smem:$0x3F97] =	sst s1;
	(tag) =	ssettag s2;
	_ =	strace s9  }
0x27: {  	s1 =	sld [smem:$0x3FA7]  }
0x28: {  	s2 =	sld [smem:$0x3FA8]  }
0x29: {  	s4 =	sld [smem:$0x3FAA]  }
0x2a: {  	p0 =	seq.s32 s5, $0x0;
	s5 =	sld [smem:$0x3FAB]  }
0x2b: {  	s6 =	sld [smem:$0x3FAC]  }
0x2c: {  	s7 =	sld [smem:$0x3FAD]  }
0x2d: {  	s3 =	simm.s32 $0x108;
	s8 =	sld [smem:$0x3FAE]  }
0x2e: {  	s3 =	simm.s32 @!p0 $0x1082;
	s9 =	sld [smem:$0x3FAF]  }
0x2f: {  	lr =	sadd.s32 s0, s3;
	s0 =	sld [smem:$0x3FA6]  }
0x30: {  	s3 =	sld [smem:$0x3FA9]  }
0x31: {  	[smem:$0x3FB2] =	sst s10  }
0x32: {  	s10 =	sld [smem:$0x3FB0];
	_ =	sdelay $0x3  }
0x33: {  	p0 =	seq.s32 s10, $0x1;
	s10 =	sld [smem:$0x3FB2];
	_ =	sdelay $0x3  }
0x34: {  	[smem:$0x3FB2] =	sst s10  }
0x35: {  	s10 =	sld [smem:$0x3FB1];
	_ =	sdelay $0x3  }
0x36: {  	p1 =	seq.s32 s10, $0x1;
	s10 =	sld [smem:$0x3FB2];
	_ =	sdelay $0x3  }
0x37: {  	[smem:$0x3FB2] =	sst s10  }
0x38: {  	s10 =	sld [smem:$0x3FB3]  }
0x39: {  	_ = 	snop;
	(pc) =	sbr.ind lr, $3  }
0x3a: {  	_ = 	snop  }
0x3b: {  	_ = 	snop  }
0x3c: {  	p2 =	seq.s32 s10, $0x1;
	s10 =	sld [smem:$0x3FB2]  }
0x3d: {  	_ =	shalt  }
0x3e: {  	_ =	shalt  }
0x3f: {  	_ =	shalt  }
0x40: {  	_ =	shalt  }
0x41: {  	_ =	shalt  }
0x42: {  	_ =	shalt  }
0x43: {  	_ =	shalt  }
0x44: {  	_ =	shalt  }
0x45: {  	_ =	shalt  }
0x46: {  	_ =	shalt  }
0x47: {  	_ =	shalt  }
0x48: {  	_ =	shalt  }
0x49: {  	_ =	shalt  }
0x4a: {  	_ =	shalt  }
0x4b: {  	_ =	shalt  }
0x4c: {  	_ =	shalt  }
0x4d: {  	_ =	shalt  }
0x4e: {  	_ =	shalt  }
0x4f: {  	_ =	shalt  }
0x50: {  	_ =	shalt  }
0x51: {  	_ =	shalt  }
0x52: {  	_ =	shalt  }
0x53: {  	_ =	shalt  }
0x54: {  	_ =	shalt  }
0x55: {  	_ =	shalt  }
0x56: {  	_ =	shalt  }
0x57: {  	_ =	shalt  }
0x58: {  	_ =	shalt  }
0x59: {  	_ =	shalt  }
0x5a: {  	_ =	shalt  }
0x5b: {  	_ =	shalt  }
0x5c: {  	_ =	shalt  }
0x5d: {  	_ =	shalt  }
0x5e: {  	_ =	shalt  }
0x5f: {  	_ =	shalt  }
0x60: {  	_ =	shalt  }
0x61: {  	_ =	shalt  }
0x62: {  	_ =	shalt  }
0x63: {  	_ =	shalt  }
0x64: {  	_ =	shalt  }
0x65: {  	_ =	shalt  }
0x66: {  	_ =	shalt  }
0x67: {  	_ =	shalt  }
0x68: {  	_ =	shalt  }
0x69: {  	_ =	shalt  }
0x6a: {  	_ =	shalt  }
0x6b: {  	_ =	shalt  }
0x6c: {  	_ =	shalt  }
0x6d: {  	_ =	shalt  }
0x6e: {  	_ =	shalt  }
0x6f: {  	_ =	shalt  }
0x70: {  	_ =	shalt  }
0x71: {  	_ =	shalt  }
0x72: {  	_ =	shalt  }
0x73: {  	_ =	shalt  }
0x74: {  	_ =	shalt  }
0x75: {  	_ =	shalt  }
0x76: {  	_ =	shalt  }
0x77: {  	_ =	shalt  }
0x78: {  	_ =	shalt  }
0x79: {  	_ =	shalt  }
0x7a: {  	_ =	shalt  }
0x7b: {  	_ =	shalt  }
0x7c: {  	_ =	shalt  }
0x7d: {  	_ =	shalt  }
0x7e: {  	_ =	shalt  }
0x7f: {  	_ =	shalt  }
0x80: {  	_ =	shalt  }
0x81: {  	_ =	shalt  }
0x82: {  	_ =	shalt  }
0x83: {  	_ =	shalt  }
0x84: {  	_ =	shalt  }
0x85: {  	_ =	shalt  }
0x86: {  	_ =	shalt  }
0x87: {  	_ =	shalt  }
.Lfunc_end0:
.L_simem_size_0:
called_computation_lowered:
.L_overlay_start_0:
0x88: {  	s2 =	sld [smem:$0x3FD9]  }
0x89: {  	s3 =	sld [smem:$0x3FFE];
	_ =	sdelay $0x1  }
0x8a: {  	s1 =	srdreg.scid  }
0x8b: {  	s0 =	sand.u32 $0x1, s1  }
0x8c: {  	s17 =	sshll.u32 s0, $0xA;
	s2 =	sadd.s32 s3, s2  }
0x8d: {  	s2 =	sadd.s32 s2, s17  }
0x8e: {  	[smem:$0x3FBE] =	sst s2  }
0x8f: {  	_ = 	snop  }
0x90: {  	s2 =	sld [smem:$0x3FD0];
	(tm) =	ssettm $0x1  }
0x91: {  	s18 =	sld [smem:$0x3FFB];
	_ =	sdelay $0x3  }
0x92: {  	_ =	strace s18  }
0x93: {  	s3 =	sld [smem:$0x3FFC];
	_ =	sdelay $0x3  }
0x94: {  	_ =	strace s3  }
0x95: {  	s3 =	sld [smem:$0x3FFD];
	_ =	sdelay $0x3  }
0x96: {  	_ =	strace s3  }
0x97: {  	_ =	strace $0x8FFFFFFF  }
0x98: {  	s19 =	sld [smem:$0x3FDB];
	_ =	sdelay $0x1  }
0x99: {  	s4 =	simm.s32 $_scs_section_size  }
0x9a: {  	s5 =	simm.s32 $_size__tile_overlayer_lowered;
	s6 =	simm.s32 $_tile_overlayer_lowered  }
0x9b: {  	s22 =	simm.s32 $0x1BFF;
	s21 =	sshll.u32 s6, $0x1;
	s3 =	sadd.s32 s4, s19  }
0x9c: {  	s7 =	simm.s32 $0x0;
	s20 =	sshll.u32 s5, $0x1;
	s5 =	sadd.s32 s21, s3  }
0x9d: {  	[timem:s7], [sflag:s22] =	dma.local [hbm:s5], s20  }
0x9e: {  	_ =	swait.ge [sflag:s22], s20  }
0x9f: {  	s4 =	ssub.s32 $0x0, s20;
	[sflag:s22] =	ssyncset.done $0x0  }
0xa0: {  	[sflag:s22] =	ssyncadd.s32 s4;
	_ =	sdelay $0x1  }
0xa1: {  	s23 =	simm.s32 $0x1B8B  }
0xa2: {  	_ =	swait.ge [sflag:s23], $0x1  }
0xa3: {  	[sflag:s23] =	ssyncset.done $0x0  }
0xa4: {  	s25 =	simm.s32 $0x1B8E;
	s24 =	sld [smem:$0x3FFE];
	[sflag:s23] =	ssyncadd.s32 $0xFFFFFFFF  }
0xa5: {  	s26 =	simm.s32 $execute0_lowered;
	[smem:$0x3FD2] =	sst s25  }
0xa6: {  	s5 =	sshll.u32 s26, $0x1;
	_ =	strace $0x80000046;
	[dreg:$0x1] =	wrdreg $0xFFFFFFFF  }
0xa7: {  	s28 =	simm.s32 $_size_execute0_lowered;
	s3 =	sadd.s32 s3, s5;
	[dreg:$0x0] =	wrdreg $0x0  }
0xa8: {  	s5 =	sshll.u32 s28, $0x1;
	[dreg:$0x2] =	wrdreg s3  }
0xa9: {  	[dreg:$0x3] =	wrdreg s5  }
0xaa: {  	[dreg:$0x4] =	wrdreg $0xC0  }
0xab: {  	_ =	task [dreg:s7], $0x5FFFF  }
0xac: {  	[dreg:$0x1] =	wrdreg $0xFFFFFFFF  }
0xad: {  	[dreg:$0x0] =	wrdreg $0x60  }
0xae: {  	[dreg:$0x2] =	wrdreg s2  }
0xaf: {  	[dreg:$0x3] =	wrdreg s24  }
0xb0: {  	[dreg:$0x4] =	wrdreg $0x0  }
0xb1: {  	[dreg:$0x5] =	wrdreg $0x9  }
0xb2: {  	_ =	task.clear_ibuf [dreg:s7], $0x6FFFF;
	_ =	strace $0x90000046  }
0xb3: {  	s29 =	simm.s32 $0x9;
	_ =	strace $0x80000048  }
0xb4: {  	_ =	swait.ge [sflag:s29], $0x1  }
0xb5: {  	[sflag:s29] =	ssyncadd.s32 $0xFFFFFFFF  }
0xb6: {  	_ =	strace $0x90000048  }
0xb7: {  	_ =	sfence  }
0xb8: {  	s30 =	sld [smem:$0x0];
	_ =	sdelay $0x2  }
0xb9: {  	s31 =	sshll.u32 s1, $0xD;
	s1 =	sshrl.u32 s1, $0x2  }
0xba: {  	s3 =	sand.u32 $0x4000, s31;
	s1 =	sadd.s32 s1, s30  }
0xbb: {  	s0 =	sor.u32 s3, s0;
	s1 =	sshll.u32 s1, $0x11  }
0xbc: {  	s0 =	sor.u32 s1, s0  }
0xbd: {  	s0 =	sadd.s32 $0x8F2B, s0  }
0xbe: {  	[sflag:s0] =	ssyncadd.remote.s32 $0x1  }
0xbf: {  	_ =	sfence.sel $0xFFFF  }
0xc0: {  	[dreg:$0x0] =	wrdreg $0xFFFFFFFF;
	(pc) =	sbr.abs _section_cstart, $3  }
0xc1: {  	[dreg:$0x1] =	wrdreg $0xFFFFFFFF  }
0xc2: {  	_ =	task.clear_ibuf [dreg:s7], $0x2FFFF;
	_ =	strace $0x9FFFFFFF  }
0xc3: {  	(tm) =	ssettm $0x7FFFFFFF  }
tec
execute0_lowered:
.L_overlay_start_1:
0x0: {  	(tag) =	ssettag $0x1  }
0x1: {  	s12 =	stileid.u32  }
0x2: {  	s1 =	rddreg [dreg:$0x0];
	s6 =	smul.u32 $0x14000, s12  }
0x3: {  	s0 =	srdreg.scid;
	s7 =	smul.u32 $0x280, s12  }
0x4: {  	s2 =	rddreg [dreg:$0x1];
	s9 =	smul.u32 $0x14, s12  }
0x5: {  	s4 =	simm.s32 $0x0;
	s0 =	sand.u32 $0x1, s0;
	s20 =	smul.u32 $0x50000, s12  }
0x6: {  	[smem:$0x7FF] =	sst s4;
	s5 =	smul.u32 $0x140000, s0  }
0x7: {  	s3 =	rddreg [dreg:$0x2];
	s8 =	smul.u32 $0x2800, s0;
	_ =	strace $0x80000047  }
0x8: {  	s11 =	ssub.s32 $0x2, s0;
	s25 =	sshll.u32 s0, $0x4;
	s26 =	smul.u32 $0x28000, s0  }
0x9: {  	s0 =	smul.u32 $0xA, s0;
	s9 =	sadd.s32 s9, s2;
	s22 =	sshrl.u32 s20, $0x2  }
0xa: {  	s23 =	sshrl.u32 s11, $0x1;
	s5 =	sadd.s32 s6, s5;
	s19 =	sadd.s32 s7, s8  }
0xb: {  	s8 =	ssub.s32 s11, s23;
	s11 =	sor.u32 s12, s25;
	s7 =	sor.u32 s7, s26  }
0xc: {  	s0 =	sadd.s32 s0, s9;
	s9 =	simm.s32 $0x2;
	s12 =	simm.s32 $0x50  }
0xd: {  	s5 =	sshrl.u32 s5, $0x3;
	s21 =	sshrl.u32 s19, $0x3;
	s11 =	smul.u32 $0x500, s11  }
0xe: {  	s19 =	sadd.s32 $0x2800, s7;
	s10 =	sadd.s32 s5, s2;
	s5 =	sadd.s32 s22, s3  }
0xf: {  	s20 =	sshrl.u32 s7, $0x3;
	s23 =	sadd.s32 $0x7800, s7;
	s24 =	sadd.s32 $0x2800, s5  }
0x10: {  	s6 =	sadd.s32 s21, s2;
	s13 =	sadd.s32 $0x5000, s5;
	[dreg:$0x4] =	wrdreg s24  }
0x11: {  	s2 =	sadd.s32 $0x18000, s2;
	s14 =	sadd.s32 $0x7800, s5;
	[dreg:$0x5] =	wrdreg s13  }
0x12: {  	s21 =	sadd.s32 $0x5000, s7;
	s15 =	sadd.s32 $0xA000, s5;
	[dreg:$0x6] =	wrdreg s14  }
0x13: {  	s7 =	sadd.s32 $0x14000, s7;
	s16 =	sadd.s32 $0xC800, s5;
	[dreg:$0x7] =	wrdreg s15  }
0x14: {  	s17 =	sadd.s32 $0xF000, s5;
	s18 =	sadd.s32 $0x11800, s5;
	[dreg:$0x8] =	wrdreg s16  }
0x15: {  	s11 =	sadd.s32 s2, s11;
	s22 =	sshrl.u32 s21, $0x3;
	[dreg:$0x9] =	wrdreg s17  }
0x16: {  	s7 =	sshrl.u32 s7, $0x3;
	s26 =	sadd.s32 $0x72000, s6;
	[dreg:$0xa] =	wrdreg s18  }
0x17: {  	[dreg:$0xb] =	wrdreg s11;
	s11 =	sshrl.u32 s19, $0x3;
	s14 =	sadd.s32 s2, s20  }
0x18: {  	[dreg:$0x12] =	wrdreg s26;
	s13 =	simm.s32 $0x1;
	s15 =	simm.s32 $0x16900  }
0x19: {  	s16 =	simm.s32 $0x0;
	s11 =	sadd.s32 s2, s11;
	s24 =	sadd.s32 $0x1400, s14  }
0x1a: {  	s25 =	sadd.s32 $0x1900, s14;
	s26 =	sadd.s32 $0x1E00, s14;
	s28 =	sadd.s32 $0x2300, s14  }
0x1b: {  	s29 =	sadd.s32 $0x2D00, s14;
	s30 =	sadd.s32 $0x3200, s14;
	[dreg:$0xc] =	wrdreg s11  }
0x1c: {  	s31 =	sadd.s32 $0x3700, s14;
	s6 =	sadd.s32 $0x4600, s14;
	[dreg:$0xf] =	wrdreg s24  }
0x1d: {  	s11 =	sadd.s32 s2, s22;
	[dreg:$0x11] =	wrdreg s25;
	s22 =	sadd.s32 $0x22000, s10  }
0x1e: {  	s24 =	sadd.s32 $0x4400, s0;
	s25 =	sadd.s32 $0xE200, s0;
	s0 =	sadd.s32 $0x4100, s14  }
0x1f: {  	s10 =	simm.s32 $0x16800;
	[dreg:$0xd] =	wrdreg s11;
	s11 =	sshrl.u32 s23, $0x3  }
0x20: {  	s23 =	smax.u32 s8, $0x1;
	s8 =	simm.s32 $0x14000;
	s11 =	sadd.s32 s2, s11  }
0x21: {  	s2 =	sadd.s32 s2, s7;
	s7 =	sadd.s32 $0x4B00, s14;
	[dreg:$0xe] =	wrdreg s11  }
0x22: {  	v0 =	vimm.f32 $0.0e+00;
	v1 =	vimm.f32 $1.000000000e+00;
	[dreg:$0x10] =	wrdreg s2;
	s2 =	sadd.s32 $0x3C00, s14;
	s11 =	simm.s32 $0x16880  }
.LBB2_1:
0x23: {  	s17 =	sand.u32 $0xFE00, s4  }
0x24: {  	s18 =	sand.u32 $0x70, s4;
	s19 =	sshrl.u32 s17, $0x2  }
0x25: {  	s17 =	simm.s32 $0x40;
	s19 =	sor.u32 s18, s19;
	s18 =	simm.s32 $0x0  }
.LBB2_2:
0x26: {  	p0 =	sne.s32 s17, $0x9FC0  }
0x27: {  	[tilespmem:s19+$0x14000] =	vst v0;
	s18 =	sadd.s32 $0x10, s18;
	s19 =	smov.u32 s17;
	s17 =	sadd.s32 $0x40, s17  }
.Ltmp0:
0x28: {  	(pc) =	sbr.rel @p0 .LBB2_2-.Ltmp0, $4  }
0x29: {  	_ = 	snop  }
0x2a: {  	s19 =	sand.u32 $0xFE00, s19  }
0x2b: {  	s20 =	sand.u32 $0x70, s18;
	s19 =	sshrl.u32 s19, $0x2  }
0x2c: {  	s19 =	sor.u32 s20, s19  }
0x2d: {  	[tilespmem:s19+$0x14000] =	vst v0  }
0x2e: {  	[spmem:s5] =	stream.linear.scatter [tilespmem:s8], [sflag:$0x2], $0x2800, $0x38;
	[tilespmem:$0x1B900] =	vst v63  }
0x2f: {  	_ =	swait.ge [sflag:s9], $0x2800  }
0x30: {  	[sflag:s9] =	ssyncset.done $0x0  }
0x31: {  	s17 =	rddreg [dreg:$0x4];
	[sflag:s9] =	ssyncadd.s32 $0xFFFFD800  }
0x32: {  	[spmem:s17] =	stream.linear.scatter [tilespmem:s8], [sflag:$0x2], $0x2800, $0x38;
	[tilespmem:$0x1B900] =	vst v63  }
0x33: {  	_ =	swait.ge [sflag:s9], $0x2800  }
0x34: {  	[sflag:s9] =	ssyncset.done $0x0  }
0x35: {  	s20 =	rddreg [dreg:$0x5];
	[sflag:s9] =	ssyncadd.s32 $0xFFFFD800  }
0x36: {  	[spmem:s20] =	stream.linear.scatter [tilespmem:s8], [sflag:$0x2], $0x2800, $0x38;
	[tilespmem:$0x1B900] =	vst v63  }
0x37: {  	_ =	swait.ge [sflag:s9], $0x2800  }
0x38: {  	[sflag:s9] =	ssyncset.done $0x0  }
0x39: {  	s21 =	rddreg [dreg:$0x6];
	[sflag:s9] =	ssyncadd.s32 $0xFFFFD800  }
0x3a: {  	[spmem:s21] =	stream.linear.scatter [tilespmem:s8], [sflag:$0x2], $0x2800, $0x38;
	[tilespmem:$0x1B900] =	vst v63  }
0x3b: {  	_ =	swait.ge [sflag:s9], $0x2800  }
0x3c: {  	[sflag:s9] =	ssyncset.done $0x0  }
0x3d: {  	s18 =	rddreg [dreg:$0x7];
	[sflag:s9] =	ssyncadd.s32 $0xFFFFD800  }
0x3e: {  	[spmem:s18] =	stream.linear.scatter [tilespmem:s8], [sflag:$0x2], $0x2800, $0x38;
	[tilespmem:$0x1B900] =	vst v63  }
0x3f: {  	_ =	swait.ge [sflag:s9], $0x2800  }
0x40: {  	[sflag:s9] =	ssyncset.done $0x0  }
0x41: {  	s19 =	rddreg [dreg:$0x8];
	[sflag:s9] =	ssyncadd.s32 $0xFFFFD800  }
0x42: {  	[spmem:s19] =	stream.linear.scatter [tilespmem:s8], [sflag:$0x2], $0x2800, $0x38;
	[tilespmem:$0x1B900] =	vst v63  }
0x43: {  	_ =	swait.ge [sflag:s9], $0x2800  }
0x44: {  	[sflag:s9] =	ssyncset.done $0x0  }
0x45: {  	s20 =	rddreg [dreg:$0x9];
	[sflag:s9] =	ssyncadd.s32 $0xFFFFD800  }
0x46: {  	[spmem:s20] =	stream.linear.scatter [tilespmem:s8], [sflag:$0x2], $0x2800, $0x38;
	[tilespmem:$0x1B900] =	vst v63  }
0x47: {  	_ =	swait.ge [sflag:s9], $0x2800  }
0x48: {  	[sflag:s9] =	ssyncset.done $0x0  }
0x49: {  	s21 =	rddreg [dreg:$0xa];
	[sflag:s9] =	ssyncadd.s32 $0xFFFFD800  }
0x4a: {  	[spmem:s21] =	stream.linear.scatter [tilespmem:s8], [sflag:$0x2], $0x2800, $0x38;
	[tilespmem:$0x1B900] =	vst v63  }
0x4b: {  	_ =	swait.ge [sflag:s9], $0x2800  }
0x4c: {  	[sflag:s9] =	ssyncset.done $0x0  }
0x4d: {  	s17 =	simm.s32 $0x40;
	s18 =	simm.s32 $0x0;
	[sflag:s9] =	ssyncadd.s32 $0xFFFFD800  }
.LBB2_4:
0x4e: {  	p0 =	sne.s32 s17, $0x9FC0;
	[tilespmem:s18+$0x16900] =	vst v0;
	s18 =	smov.u32 s17;
	s17 =	sadd.s32 $0x40, s17  }
.Ltmp1:
0x4f: {  	(pc) =	sbr.rel @p0 .LBB2_4-.Ltmp1, $2  }
0x50: {  	_ =	sdelay $0x2  }
0x51: {  	s18 =	sshra.s32 s18, $0x2  }
0x52: {  	[tilespmem:s18+$0x16900] =	vst v0  }
0x53: {  	s17 =	simm.s32 $0x0;
	[bflag:$0x0] =	sbarrier.arrive $0xFFFF  }
.LBB2_6:
0x54: {  	s18 =	sadd.s32 s17, s24  }
0x55: {  	[tilespmem:s10], [sflag:$0x2] =	stream.linear.gather [hbm4b:s18+s4], $0x50, $0x38;
	[tilespmem:$0x1B900] =	vst v63  }
0x56: {  	_ =	swait.ge [sflag:s9], $0x50  }
0x57: {  	[sflag:s9] =	ssyncset.done $0x0  }
0x58: {  	s21 =	sadd.s32 s17, s25;
	[sflag:s9] =	ssyncadd.s32 $0xFFFFFFB0  }
0x59: {  	[tilespmem:s11], [sflag:$0x2] =	stream.linear.gather [hbm4b:s21+s4], $0x50, $0x38;
	[tilespmem:$0x1B900] =	vst v63  }
0x5a: {  	_ =	swait.ge [sflag:s9], $0x50  }
0x5b: {  	[sflag:s9] =	ssyncset.done $0x0  }
0x5c: {  	[sflag:s9] =	ssyncadd.s32 $0xFFFFFFB0  }
0x5d: {  	[tilespmem:s8], [sflag:$0x1] =	stream.indirect.gather [hbm4b:s1+s12], $0x80, s11, s12, $0xb8;
	[tilespmem:$0x1B900] =	vst v63  }
0x5e: {  	_ =	swait.ge [sflag:s13], $0x2800  }
0x5f: {  	[sflag:s13] =	ssyncset.done $0x0  }
0x60: {  	[sflag:s13] =	ssyncadd.s32 $0xFFFFD800  }
0x61: {  	[spmem:s3] =	stream.indirect.scatter.add.f32 [tilespmem:s8], [sflag:$0x2], $0x80, s10, s12, $0xb8;
	[tilespmem:$0x1B900] =	vst v63  }
0x62: {  	_ =	swait.ge [sflag:s9], $0x2800  }
0x63: {  	[sflag:s9] =	ssyncset.done $0x0  }
0x64: {  	[sflag:s9] =	ssyncadd.s32 $0xFFFFD800  }
0x65: {  	v2 =	vld [tilespmem:$0x16800];
	_ =	sdelay $0x7  }
0x66: {  	[tilespmem:v2+s15+$0x0] =	vst.idx.add.f32.msk $0xffff, v1  }
0x67: {  	v2 =	vld [tilespmem:$0x16810];
	_ =	sdelay $0x7  }
0x68: {  	[tilespmem:v2+s15+$0x0] =	vst.idx.add.f32.msk $0xffff, v1  }
0x69: {  	v2 =	vld [tilespmem:$0x16820];
	_ =	sdelay $0x7  }
0x6a: {  	[tilespmem:v2+s15+$0x0] =	vst.idx.add.f32.msk $0xffff, v1  }
0x6b: {  	v2 =	vld [tilespmem:$0x16830];
	_ =	sdelay $0x7  }
0x6c: {  	[tilespmem:v2+s15+$0x0] =	vst.idx.add.f32.msk $0xffff, v1  }
0x6d: {  	v2 =	vld [tilespmem:$0x16840];
	_ =	sdelay $0x2  }
0x6e: {  	p0 =	sne.s32 s17, $0x9B00  }
.Ltmp2:
0x6f: {  	_ = 	snop;
	(pc) =	sbr.rel @p0 .LBB2_6-.Ltmp2, $2  }
0x70: {  	_ =	sdelay $0x2  }
0x71: {  	s17 =	sadd.s32 $0x140, s17;
	[tilespmem:v2+s15+$0x0] =	vst.idx.add.f32.msk $0xffff, v1  }
0x72: {  	s18 =	simm.s32 $0x0;
	s17 =	simm.s32 $0x16900;
	s19 =	rddreg [dreg:$0xb]  }
0x73: {  	[hbm4b:s19+s18] =	stream.linear.scatter [tilespmem:s17], [sflag:$0x2], $0x2800, $0x38;
	[tilespmem:$0x1B900] =	vst v63  }
0x74: {  	_ =	swait.ge [sflag:s9], $0x2800  }
0x75: {  	[sflag:s9] =	ssyncset.done $0x0  }
0x76: {  	[sflag:s9] =	ssyncadd.s32 $0xFFFFD800  }
0x77: {  	s19 =	simm.s32 $0x19100;
	[bflag:$0x0] =	sbarrier.arrive $0xFFFF  }
0x78: {  	[tilespmem:s19], [sflag:$0x1] =	stream.linear.gather [hbm4b:s14+s18], $0x280, $0x38;
	[tilespmem:$0x1B900] =	vst v63  }
0x79: {  	s21 =	simm.s32 $0x19380;
	s20 =	rddreg [dreg:$0xc]  }
0x7a: {  	[tilespmem:s21], [sflag:$0x1] =	stream.linear.gather [hbm4b:s20+s18], $0x280, $0x38;
	[tilespmem:$0x1B900] =	vst v63  }
0x7b: {  	s20 =	rddreg [dreg:$0xd];
	s21 =	simm.s32 $0x19600  }
0x7c: {  	[tilespmem:s21], [sflag:$0x1] =	stream.linear.gather [hbm4b:s20+s18], $0x280, $0x38;
	[tilespmem:$0x1B900] =	vst v63  }
0x7d: {  	s20 =	rddreg [dreg:$0xe];
	s21 =	simm.s32 $0x19880  }
0x7e: {  	[tilespmem:s21], [sflag:$0x1] =	stream.linear.gather [hbm4b:s20+s18], $0x280, $0x38;
	[tilespmem:$0x1B900] =	vst v63  }
0x7f: {  	s20 =	rddreg [dreg:$0xf];
	s21 =	simm.s32 $0x19B00  }
0x80: {  	[tilespmem:s21], [sflag:$0x1] =	stream.linear.gather [hbm4b:s20+s18], $0x280, $0x38;
	[tilespmem:$0x1B900] =	vst v63  }
0x81: {  	s20 =	rddreg [dreg:$0x11];
	s21 =	simm.s32 $0x19D80  }
0x82: {  	[tilespmem:s21], [sflag:$0x1] =	stream.linear.gather [hbm4b:s20+s18], $0x280, $0x38;
	[tilespmem:$0x1B900] =	vst v63  }
0x83: {  	s21 =	simm.s32 $0x1A000  }
0x84: {  	[tilespmem:s21], [sflag:$0x1] =	stream.linear.gather [hbm4b:s26+s18], $0x280, $0x38;
	[tilespmem:$0x1B900] =	vst v63  }
0x85: {  	s21 =	simm.s32 $0x1A280  }
0x86: {  	[tilespmem:s21], [sflag:$0x1] =	stream.linear.gather [hbm4b:s28+s18], $0x280, $0x38;
	[tilespmem:$0x1B900] =	vst v63  }
0x87: {  	s20 =	rddreg [dreg:$0x10];
	s21 =	simm.s32 $0x1A500  }
0x88: {  	[tilespmem:s21], [sflag:$0x1] =	stream.linear.gather [hbm4b:s20+s18], $0x280, $0x38;
	[tilespmem:$0x1B900] =	vst v63  }
0x89: {  	s21 =	simm.s32 $0x1A780  }
0x8a: {  	[tilespmem:s21], [sflag:$0x1] =	stream.linear.gather [hbm4b:s29+s18], $0x280, $0x38;
	[tilespmem:$0x1B900] =	vst v63  }
0x8b: {  	s21 =	simm.s32 $0x1AA00  }
0x8c: {  	[tilespmem:s21], [sflag:$0x1] =	stream.linear.gather [hbm4b:s30+s18], $0x280, $0x38;
	[tilespmem:$0x1B900] =	vst v63  }
0x8d: {  	s21 =	simm.s32 $0x1AC80  }
0x8e: {  	[tilespmem:s21], [sflag:$0x1] =	stream.linear.gather [hbm4b:s31+s18], $0x280, $0x38;
	[tilespmem:$0x1B900] =	vst v63  }
0x8f: {  	s21 =	simm.s32 $0x1AF00  }
0x90: {  	[tilespmem:s21], [sflag:$0x1] =	stream.linear.gather [hbm4b:s2+s18], $0x280, $0x38;
	[tilespmem:$0x1B900] =	vst v63  }
0x91: {  	s21 =	simm.s32 $0x1B180  }
0x92: {  	[tilespmem:s21], [sflag:$0x1] =	stream.linear.gather [hbm4b:s0+s18], $0x280, $0x38;
	[tilespmem:$0x1B900] =	vst v63  }
0x93: {  	s21 =	simm.s32 $0x1B400  }
0x94: {  	[tilespmem:s21], [sflag:$0x1] =	stream.linear.gather [hbm4b:s6+s18], $0x280, $0x38;
	[tilespmem:$0x1B900] =	vst v63  }
0x95: {  	s21 =	simm.s32 $0x1B680  }
0x96: {  	[tilespmem:s21], [sflag:$0x1] =	stream.linear.gather [hbm4b:s7+s18], $0x280, $0x38;
	[tilespmem:$0x1B900] =	vst v63  }
0x97: {  	_ =	swait.ge [sflag:s13], $0x280  }
0x98: {  	[sflag:s13] =	ssyncset.done $0x0  }
0x99: {  	[sflag:s13] =	ssyncadd.s32 $0xFFFFFD80  }
0x9a: {  	_ =	swait.ge [sflag:s13], $0x280  }
0x9b: {  	[sflag:s13] =	ssyncset.done $0x0  }
0x9c: {  	[sflag:s13] =	ssyncadd.s32 $0xFFFFFD80  }
0x9d: {  	_ =	swait.ge [sflag:s13], $0x280  }
0x9e: {  	[sflag:s13] =	ssyncset.done $0x0  }
0x9f: {  	[sflag:s13] =	ssyncadd.s32 $0xFFFFFD80  }
0xa0: {  	_ =	swait.ge [sflag:s13], $0x280  }
0xa1: {  	[sflag:s13] =	ssyncset.done $0x0  }
0xa2: {  	[sflag:s13] =	ssyncadd.s32 $0xFFFFFD80  }
0xa3: {  	_ =	swait.ge [sflag:s13], $0x280  }
0xa4: {  	[sflag:s13] =	ssyncset.done $0x0  }
0xa5: {  	[sflag:s13] =	ssyncadd.s32 $0xFFFFFD80  }
0xa6: {  	_ =	swait.ge [sflag:s13], $0x280  }
0xa7: {  	[sflag:s13] =	ssyncset.done $0x0  }
0xa8: {  	[sflag:s13] =	ssyncadd.s32 $0xFFFFFD80  }
0xa9: {  	_ =	swait.ge [sflag:s13], $0x280  }
0xaa: {  	[sflag:s13] =	ssyncset.done $0x0  }
0xab: {  	[sflag:s13] =	ssyncadd.s32 $0xFFFFFD80  }
0xac: {  	_ =	swait.ge [sflag:s13], $0x280  }
0xad: {  	[sflag:s13] =	ssyncset.done $0x0  }
0xae: {  	[sflag:s13] =	ssyncadd.s32 $0xFFFFFD80  }
0xaf: {  	_ =	swait.ge [sflag:s13], $0x280  }
0xb0: {  	[sflag:s13] =	ssyncset.done $0x0  }
0xb1: {  	[sflag:s13] =	ssyncadd.s32 $0xFFFFFD80  }
0xb2: {  	_ =	swait.ge [sflag:s13], $0x280  }
0xb3: {  	[sflag:s13] =	ssyncset.done $0x0  }
0xb4: {  	[sflag:s13] =	ssyncadd.s32 $0xFFFFFD80  }
0xb5: {  	_ =	swait.ge [sflag:s13], $0x280  }
0xb6: {  	[sflag:s13] =	ssyncset.done $0x0  }
0xb7: {  	[sflag:s13] =	ssyncadd.s32 $0xFFFFFD80  }
0xb8: {  	_ =	swait.ge [sflag:s13], $0x280  }
0xb9: {  	[sflag:s13] =	ssyncset.done $0x0  }
0xba: {  	[sflag:s13] =	ssyncadd.s32 $0xFFFFFD80  }
0xbb: {  	_ =	swait.ge [sflag:s13], $0x280  }
0xbc: {  	[sflag:s13] =	ssyncset.done $0x0  }
0xbd: {  	[sflag:s13] =	ssyncadd.s32 $0xFFFFFD80  }
0xbe: {  	_ =	swait.ge [sflag:s13], $0x280  }
0xbf: {  	[sflag:s13] =	ssyncset.done $0x0  }
0xc0: {  	[sflag:s13] =	ssyncadd.s32 $0xFFFFFD80  }
0xc1: {  	_ =	swait.ge [sflag:s13], $0x280  }
0xc2: {  	[sflag:s13] =	ssyncset.done $0x0  }
0xc3: {  	[sflag:s13] =	ssyncadd.s32 $0xFFFFFD80  }
0xc4: {  	_ =	swait.ge [sflag:s13], $0x280  }
0xc5: {  	[sflag:s13] =	ssyncset.done $0x0  }
0xc6: {  	s18 =	sand.u32 $0x3F0, s18;
	[sflag:s13] =	ssyncadd.s32 $0xFFFFFD80  }
0xc7: {  	v2 =	vld [tilespmem:s18+$0x19380]  }
0xc8: {  	v3 =	vld [tilespmem:s19+$0x0];
	_ =	sdelay $0x1  }
0xc9: {  	v4 =	vld [tilespmem:s18+$0x19600];
	_ =	sdelay $0x1  }
0xca: {  	v5 =	vld [tilespmem:s18+$0x19880]  }
0xcb: {  	v2 =	vadd.f32 v2, v3  }
0xcc: {  	v3 =	vld [tilespmem:s18+$0x19B00]  }
0xcd: {  	v2 =	vadd.f32 v4, v2  }
0xce: {  	v56 =	vld [tilespmem:s18+$0x19D80]  }
0xcf: {  	v2 =	vadd.f32 v5, v2  }
0xd0: {  	v57 =	vld [tilespmem:s18+$0x1A000]  }
0xd1: {  	v2 =	vadd.f32 v3, v2  }
0xd2: {  	v3 =	vld [tilespmem:s18+$0x1A280]  }
0xd3: {  	v2 =	vadd.f32 v56, v2  }
0xd4: {  	v58 =	vld [tilespmem:s18+$0x1A500]  }
0xd5: {  	v2 =	vadd.f32 v57, v2  }
0xd6: {  	v59 =	vld [tilespmem:s18+$0x1A780]  }
0xd7: {  	v2 =	vadd.f32 v3, v2  }
0xd8: {  	v3 =	vld [tilespmem:s18+$0x1AA00]  }
0xd9: {  	v2 =	vadd.f32 v58, v2  }
0xda: {  	v60 =	vld [tilespmem:s18+$0x1AC80]  }
0xdb: {  	v2 =	vadd.f32 v59, v2  }
0xdc: {  	v61 =	vld [tilespmem:s18+$0x1AF00]  }
0xdd: {  	v2 =	vadd.f32 v3, v2  }
0xde: {  	v3 =	vld [tilespmem:s18+$0x1B180]  }
0xdf: {  	v2 =	vadd.f32 v60, v2  }
0xe0: {  	v62 =	vld [tilespmem:s18+$0x1B400]  }
0xe1: {  	v2 =	vadd.f32 v61, v2  }
0xe2: {  	v63 =	vld [tilespmem:s18+$0x1B680]  }
0xe3: {  	v2 =	vadd.f32 v3, v2;
	_ =	sdelay $0x1  }
0xe4: {  	v2 =	vadd.f32 v62, v2;
	_ =	sdelay $0x1  }
0xe5: {  	v2 =	vadd.f32 v63, v2  }
0xe6: {  	s21 =	simm.s32 $0x10  }
0xe7: {  	s18 =	sand.u32 $0x3F0, s21;
	[tilespmem:s17+$0x0] =	vst v2  }
0xe8: {  	s20 =	simm.s32 $0x20;
	s19 =	simm.s32 $0x19110;
	v2 =	vld [tilespmem:s18+$0x19380]  }
.LBB2_8:
0xe9: {  	p0 =	sne.s32 s20, $0x270;
	v3 =	vld [tilespmem:s19+$0x0];
	_ =	sdelay $0x1  }
0xea: {  	v4 =	vld [tilespmem:s18+$0x19600];
	_ =	sdelay $0x1  }
0xeb: {  	v5 =	vld [tilespmem:s18+$0x19880]  }
0xec: {  	v2 =	vadd.f32 v2, v3  }
0xed: {  	v3 =	vld [tilespmem:s18+$0x19B00]  }
0xee: {  	v2 =	vadd.f32 v4, v2  }
0xef: {  	v4 =	vld [tilespmem:s18+$0x19D80]  }
0xf0: {  	v2 =	vadd.f32 v5, v2  }
0xf1: {  	v5 =	vld [tilespmem:s18+$0x1A000]  }
0xf2: {  	v2 =	vadd.f32 v3, v2  }
0xf3: {  	v3 =	vld [tilespmem:s18+$0x1A280]  }
0xf4: {  	v2 =	vadd.f32 v4, v2  }
0xf5: {  	v4 =	vld [tilespmem:s18+$0x1A500]  }
0xf6: {  	v2 =	vadd.f32 v5, v2  }
0xf7: {  	v5 =	vld [tilespmem:s18+$0x1A780]  }
0xf8: {  	v2 =	vadd.f32 v3, v2  }
0xf9: {  	v3 =	vld [tilespmem:s18+$0x1AA00]  }
0xfa: {  	v2 =	vadd.f32 v4, v2  }
0xfb: {  	v4 =	vld [tilespmem:s18+$0x1AC80]  }
0xfc: {  	v2 =	vadd.f32 v5, v2  }
0xfd: {  	v5 =	vld [tilespmem:s18+$0x1AF00]  }
0xfe: {  	v2 =	vadd.f32 v3, v2  }
0xff: {  	v3 =	vld [tilespmem:s18+$0x1B180]  }
0x100: {  	v2 =	vadd.f32 v4, v2  }
0x101: {  	v4 =	vld [tilespmem:s18+$0x1B400]  }
0x102: {  	v2 =	vadd.f32 v5, v2  }
0x103: {  	v5 =	vld [tilespmem:s18+$0x1B680]  }
0x104: {  	v2 =	vadd.f32 v3, v2;
	_ =	sdelay $0x1  }
0x105: {  	v2 =	vadd.f32 v4, v2  }
.Ltmp3:
0x106: {  	(pc) =	sbr.rel @p0 .LBB2_8-.Ltmp3, $4  }
0x107: {  	v2 =	vadd.f32 v5, v2  }
0x108: {  	s17 =	sadd.s32 $0x10, s17  }
0x109: {  	s18 =	sand.u32 $0x3F0, s20;
	[tilespmem:s17+$0x0] =	vst v2  }
0x10a: {  	s19 =	sadd.s32 $0x10, s19;
	s20 =	sadd.s32 $0x10, s20;
	v2 =	vld [tilespmem:s18+$0x19380]  }
0x10b: {  	v3 =	vld [tilespmem:s19+$0x0];
	_ =	sdelay $0x1  }
0x10c: {  	v4 =	vld [tilespmem:s18+$0x19600];
	_ =	sdelay $0x1  }
0x10d: {  	v5 =	vld [tilespmem:s18+$0x19880]  }
0x10e: {  	v2 =	vadd.f32 v2, v3  }
0x10f: {  	v3 =	vld [tilespmem:s18+$0x19B00]  }
0x110: {  	v2 =	vadd.f32 v4, v2  }
0x111: {  	v56 =	vld [tilespmem:s18+$0x19D80]  }
0x112: {  	v2 =	vadd.f32 v5, v2  }
0x113: {  	v57 =	vld [tilespmem:s18+$0x1A000]  }
0x114: {  	v2 =	vadd.f32 v3, v2  }
0x115: {  	v3 =	vld [tilespmem:s18+$0x1A280]  }
0x116: {  	v2 =	vadd.f32 v56, v2  }
0x117: {  	v58 =	vld [tilespmem:s18+$0x1A500]  }
0x118: {  	v2 =	vadd.f32 v57, v2  }
0x119: {  	v59 =	vld [tilespmem:s18+$0x1A780]  }
0x11a: {  	v2 =	vadd.f32 v3, v2  }
0x11b: {  	v3 =	vld [tilespmem:s18+$0x1AA00]  }
0x11c: {  	v2 =	vadd.f32 v58, v2  }
0x11d: {  	v60 =	vld [tilespmem:s18+$0x1AC80]  }
0x11e: {  	v2 =	vadd.f32 v59, v2  }
0x11f: {  	v61 =	vld [tilespmem:s18+$0x1AF00]  }
0x120: {  	v2 =	vadd.f32 v3, v2  }
0x121: {  	v3 =	vld [tilespmem:s18+$0x1B180]  }
0x122: {  	v2 =	vadd.f32 v60, v2  }
0x123: {  	v62 =	vld [tilespmem:s18+$0x1B400]  }
0x124: {  	v2 =	vadd.f32 v61, v2  }
0x125: {  	v63 =	vld [tilespmem:s18+$0x1B680]  }
0x126: {  	v2 =	vadd.f32 v3, v2;
	_ =	sdelay $0x1  }
0x127: {  	v2 =	vadd.f32 v62, v2;
	_ =	sdelay $0x1  }
0x128: {  	v2 =	vadd.f32 v63, v2  }
0x129: {  	s17 =	sadd.s32 $0x10, s17  }
0x12a: {  	s19 =	rddreg [dreg:$0x12];
	[tilespmem:s17+$0x0] =	vst v2  }
0x12b: {  	[hbm4b:s19+s4] =	stream.linear.scatter [tilespmem:s15], [sflag:$0x2], $0x280, $0x38;
	[tilespmem:$0x1B900] =	vst v63  }
0x12c: {  	s20 =	stileid.u32;
	_ =	swait.ge [sflag:s9], $0x280  }
0x12d: {  	s21 =	sshrl.u32 s5, $0x3;
	s16 =	sadd.s32 $0x1, s16;
	[sflag:s9] =	ssyncset.done $0x0  }
0x12e: {  	p0 =	sne.s32 s16, s23;
	s17 =	sshll.u32 s20, $0x6;
	[sflag:s9] =	ssyncadd.s32 $0xFFFFFD80  }
.Ltmp4:
0x12f: {  	s17 =	sor.u32 $0x1C02, s17;
	[bflag:$0x0] =	sbarrier.arrive $0xFFFF;
	(pc) =	sbr.rel @p0 .LBB2_1-.Ltmp4, $4  }
0x130: {  	[hbm:s22], [sflag:s17] =	dma.local [spmem:s21], $0x2800  }
0x131: {  	_ =	swait.ge [sflag:s9], $0x2800  }
0x132: {  	[sflag:s9] =	ssyncset.done $0x0  }
0x133: {  	[sflag:s9] =	ssyncadd.s32 $0xFFFFD800  }
0x134: {  	_ =	sfence.sel $0x180000  }
0x135: {  	[bflag:$0x0] =	sbarrier.arrive $0xFFFF  }
0x136: {  	_ =	strace $0x90000047  }
0x137: {  	s0 =	stileid.u32;
	[bflag:$0x2] =	sbarrier.arrive $0xFFFF  }
0x138: {  	p0 =	sne.s32 s0, $0x0;
	s0 =	rddreg [dreg:$0x3]  }
0x139: {  	s0 =	sadd.s32 @!p0 $0x100000, s0  }
0x13a: {  	[sflag:s0] =	ssyncadd.tile.s32 @!p0 $0x1;
	_ =	shalt  }
.Lfunc_end2:
_tile_overlayer_lowered:
.L_overlay_start_2:
0x13b: {  	(tag) =	ssettag $0x2  }
0x13c: {  	s0 =	rddreg [dreg:$0x0];
	s2 =	stileid.u32  }
0x13d: {  	s1 =	rddreg [dreg:$0x1];
	p0 =	sne.s32 s2, $0x0  }
0x13e: {  	s3 =	rddreg [dreg:$0x2];
	[bflag:$0x3] =	sbarrier.arrive $0xFFFF;
	s2 =	simm.s32 @!p0 $0x1C02  }
0x13f: {  	[timem:s3], [sflag:s2] =	dma.local @!p0 [hbm:s0], s1  }
0x140: {  	s0 =	simm.s32 @!p0 $0x2  }
0x141: {  	_ =	swait.ge @!p0 [sflag:s0], s1  }
0x142: {  	s1 =	ssub.s32 @!p0 $0x0, s1;
	[sflag:s0] =	ssyncset.done @!p0 $0x0  }
0x143: {  	[sflag:s0] =	ssyncadd.s32 @!p0 s1  }
0x144: {  	[bflag:$0x3] =	sbarrier.arrive $0xFFFF  }
0x145: {  	_ =	shalt  }

// kernel: kernel.18.cloned.1.call-start
scs
__scs_entry_jumppad:
0x0: {  	(pc) =	sbr.rel $0x88, $3  }
0x1: {  	(tag) =	ssettag $0x0;
	lr =	simm.s32 $0x1  }
0x2: {  	[smem:$0x3F97] =	sst lr;
	_ =	strace $0xD0000000  }
0x3: {  	_ = 	snop  }
0x4: {  	_ = 	snop  }
0x5: {  	_ = 	snop  }
0x6: {  	_ = 	snop  }
0x7: {  	_ = 	snop  }
__scs_overlays_trampoline_lowered:
0x8: {  	[smem:$0x3FA6] =	sst s0  }
0x9: {  	[smem:$0x3FA7] =	sst s1  }
0xa: {  	[smem:$0x3FA8] =	sst s2  }
0xb: {  	[smem:$0x3FA9] =	sst s3  }
0xc: {  	[smem:$0x3FAA] =	sst s4  }
0xd: {  	[smem:$0x3FAB] =	sst s5  }
0xe: {  	[smem:$0x3FAC] =	sst s6  }
0xf: {  	[smem:$0x3FAD] =	sst s7  }
0x10: {  	[smem:$0x3FAE] =	sst s8  }
0x11: {  	[smem:$0x3FAF] =	sst s9;
	s0 =	simm.s32 @!p0 $0x0  }
0x12: {  	s1 =	sld [smem:$0x3F95];
	s0 =	simm.s32 @p0 $0x1  }
0x13: {  	[smem:$0x3FB0] =	sst s0;
	s0 =	simm.s32 @!p1 $0x0  }
0x14: {  	s2 =	sld [smem:$0x3F94];
	s0 =	simm.s32 @p1 $0x1  }
0x15: {  	[smem:$0x3FB1] =	sst s0;
	s0 =	simm.s32 @!p2 $0x0  }
0x16: {  	s3 =	sld [smem:$0x3FDB];
	s0 =	simm.s32 @p2 $0x1  }
0x17: {  	s4 =	simm.s32 $0x1BF5;
	[smem:$0x3FB3] =	sst s0  }
0x18: {  	s0 =	sld [smem:$0x3F96];
	_ =	swait.ge [sflag:s4], $0x0  }
0x19: {  	s7 =	sld [smem:$0x3F97]  }
0x1a: {  	s8 =	sadd.s32 $0xFFFFE003, lr  }
0x1b: {  	s9 =	sadd.s32 $0xFFFFFEF7, lr;
	s5 =	simm.s32 $0xFFFFFFFF;
	p2 =	slt.u32 s8, $0xFFFFF086  }
0x1c: {  	p1 =	slt.u32 s9, $0xF7A;
	s5 =	simm.s32 @!p2 $0x0  }
0x1d: {  	s5 =	simm.s32 @p1 $0x1;
	p0 =	seq.s32 s7, s2  }
0x1e: {  	s7 =	smul.u32 @!p0 $0xF7A, s2;
	p2 =	seq.s32 @!p0 s5, $0x0  }
0x1f: {  	s9 =	smul.u32 $0xF7A, s1;
	s8 =	simm.s32 @!p0 $0x1BF5;
	p2 =	por !p2, p0  }
0x20: {  	[sflag:s8] =	ssyncset.s32 @!p0 $0xFFFFF086;
	s6 =	sadd.s32 @!p0 s3, s7;
	s7 =	simm.s32 @!p0 $0x108  }
0x21: {  	s3 =	sadd.s32 s3, s9;
	s6 =	sadd.s32 @!p0 $0x88, s6;
	s7 =	simm.s32 @p2 $0x1082  }
0x22: {  	[simem:s7], [sflag:s8] =	dma.local @!p0 [hbm:s6], $0xF7A  }
0x23: {  	s9 =	sor.u32 $0xD0000000, s2;
	s6 =	simm.s32 $0x108;
	_ =	swait.ge @!p0 [sflag:s8], $0x0  }
0x24: {  	s3 =	sadd.s32 $0x88, s3;
	s6 =	simm.s32 @!p1 $0x1082;
	[sflag:s4] =	ssyncset.s32 $0xFFFFF086  }
0x25: {  	[simem:s6], [sflag:s4] =	dma.local [hbm:s3], $0xF7A  }
0x26: {  	[smem:$0x3F97] =	sst s1;
	(tag) =	ssettag s2;
	_ =	strace s9  }
0x27: {  	s1 =	sld [smem:$0x3FA7]  }
0x28: {  	s2 =	sld [smem:$0x3FA8]  }
0x29: {  	s4 =	sld [smem:$0x3FAA]  }
0x2a: {  	p0 =	seq.s32 s5, $0x0;
	s5 =	sld [smem:$0x3FAB]  }
0x2b: {  	s6 =	sld [smem:$0x3FAC]  }
0x2c: {  	s7 =	sld [smem:$0x3FAD]  }
0x2d: {  	s3 =	simm.s32 $0x108;
	s8 =	sld [smem:$0x3FAE]  }
0x2e: {  	s3 =	simm.s32 @!p0 $0x1082;
	s9 =	sld [smem:$0x3FAF]  }
0x2f: {  	lr =	sadd.s32 s0, s3;
	s0 =	sld [smem:$0x3FA6]  }
0x30: {  	s3 =	sld [smem:$0x3FA9]  }
0x31: {  	[smem:$0x3FB2] =	sst s10  }
0x32: {  	s10 =	sld [smem:$0x3FB0];
	_ =	sdelay $0x3  }
0x33: {  	p0 =	seq.s32 s10, $0x1;
	s10 =	sld [smem:$0x3FB2];
	_ =	sdelay $0x3  }
0x34: {  	[smem:$0x3FB2] =	sst s10  }
0x35: {  	s10 =	sld [smem:$0x3FB1];
	_ =	sdelay $0x3  }
0x36: {  	p1 =	seq.s32 s10, $0x1;
	s10 =	sld [smem:$0x3FB2];
	_ =	sdelay $0x3  }
0x37: {  	[smem:$0x3FB2] =	sst s10  }
0x38: {  	s10 =	sld [smem:$0x3FB3]  }
0x39: {  	_ = 	snop;
	(pc) =	sbr.ind lr, $3  }
0x3a: {  	_ = 	snop  }
0x3b: {  	_ = 	snop  }
0x3c: {  	p2 =	seq.s32 s10, $0x1;
	s10 =	sld [smem:$0x3FB2]  }
0x3d: {  	_ =	shalt  }
0x3e: {  	_ =	shalt  }
0x3f: {  	_ =	shalt  }
0x40: {  	_ =	shalt  }
0x41: {  	_ =	shalt  }
0x42: {  	_ =	shalt  }
0x43: {  	_ =	shalt  }
0x44: {  	_ =	shalt  }
0x45: {  	_ =	shalt  }
0x46: {  	_ =	shalt  }
0x47: {  	_ =	shalt  }
0x48: {  	_ =	shalt  }
0x49: {  	_ =	shalt  }
0x4a: {  	_ =	shalt  }
0x4b: {  	_ =	shalt  }
0x4c: {  	_ =	shalt  }
0x4d: {  	_ =	shalt  }
0x4e: {  	_ =	shalt  }
0x4f: {  	_ =	shalt  }
0x50: {  	_ =	shalt  }
0x51: {  	_ =	shalt  }
0x52: {  	_ =	shalt  }
0x53: {  	_ =	shalt  }
0x54: {  	_ =	shalt  }
0x55: {  	_ =	shalt  }
0x56: {  	_ =	shalt  }
0x57: {  	_ =	shalt  }
0x58: {  	_ =	shalt  }
0x59: {  	_ =	shalt  }
0x5a: {  	_ =	shalt  }
0x5b: {  	_ =	shalt  }
0x5c: {  	_ =	shalt  }
0x5d: {  	_ =	shalt  }
0x5e: {  	_ =	shalt  }
0x5f: {  	_ =	shalt  }
0x60: {  	_ =	shalt  }
0x61: {  	_ =	shalt  }
0x62: {  	_ =	shalt  }
0x63: {  	_ =	shalt  }
0x64: {  	_ =	shalt  }
0x65: {  	_ =	shalt  }
0x66: {  	_ =	shalt  }
0x67: {  	_ =	shalt  }
0x68: {  	_ =	shalt  }
0x69: {  	_ =	shalt  }
0x6a: {  	_ =	shalt  }
0x6b: {  	_ =	shalt  }
0x6c: {  	_ =	shalt  }
0x6d: {  	_ =	shalt  }
0x6e: {  	_ =	shalt  }
0x6f: {  	_ =	shalt  }
0x70: {  	_ =	shalt  }
0x71: {  	_ =	shalt  }
0x72: {  	_ =	shalt  }
0x73: {  	_ =	shalt  }
0x74: {  	_ =	shalt  }
0x75: {  	_ =	shalt  }
0x76: {  	_ =	shalt  }
0x77: {  	_ =	shalt  }
0x78: {  	_ =	shalt  }
0x79: {  	_ =	shalt  }
0x7a: {  	_ =	shalt  }
0x7b: {  	_ =	shalt  }
0x7c: {  	_ =	shalt  }
0x7d: {  	_ =	shalt  }
0x7e: {  	_ =	shalt  }
0x7f: {  	_ =	shalt  }
0x80: {  	_ =	shalt  }
0x81: {  	_ =	shalt  }
0x82: {  	_ =	shalt  }
0x83: {  	_ =	shalt  }
0x84: {  	_ =	shalt  }
0x85: {  	_ =	shalt  }
0x86: {  	_ =	shalt  }
0x87: {  	_ =	shalt  }
.Lfunc_end0:
.L_simem_size_0:
called_computation.1_lowered:
.L_overlay_start_0:
0x88: {  	s2 =	sld [smem:$0x3FD9]  }
0x89: {  	s3 =	sld [smem:$0x3FFE];
	_ =	sdelay $0x1  }
0x8a: {  	s1 =	srdreg.scid  }
0x8b: {  	s0 =	sand.u32 $0x1, s1  }
0x8c: {  	s17 =	sshll.u32 s0, $0xA;
	s2 =	sadd.s32 s3, s2  }
0x8d: {  	s2 =	sadd.s32 s2, s17  }
0x8e: {  	[smem:$0x3FBE] =	sst s2  }
0x8f: {  	_ = 	snop  }
0x90: {  	s2 =	sld [smem:$0x3FC6]  }
0x91: {  	s18 =	sld [smem:$0x3FD0];
	(tm) =	ssettm $0x1  }
0x92: {  	s4 =	sld [smem:$0x3FFB];
	_ =	sdelay $0x3  }
0x93: {  	_ =	strace s4  }
0x94: {  	s4 =	sld [smem:$0x3FFC];
	_ =	sdelay $0x3  }
0x95: {  	_ =	strace s4  }
0x96: {  	s4 =	sld [smem:$0x3FFD];
	_ =	sdelay $0x3  }
0x97: {  	_ =	strace s4  }
0x98: {  	_ =	strace $0x8FFFFFFF  }
0x99: {  	s19 =	sld [smem:$0x3FDB];
	_ =	sdelay $0x1  }
0x9a: {  	s5 =	simm.s32 $_scs_section_size  }
0x9b: {  	s6 =	simm.s32 $_size__tile_overlayer_lowered;
	s7 =	simm.s32 $_tile_overlayer_lowered  }
0x9c: {  	s22 =	simm.s32 $0x1BFF;
	s21 =	sshll.u32 s7, $0x1;
	s4 =	sadd.s32 s5, s19  }
0x9d: {  	s8 =	simm.s32 $0x0;
	s20 =	sshll.u32 s6, $0x1;
	s6 =	sadd.s32 s21, s4  }
0x9e: {  	[timem:s8], [sflag:s22] =	dma.local [hbm:s6], s20  }
0x9f: {  	_ =	swait.ge [sflag:s22], s20  }
0xa0: {  	s5 =	ssub.s32 $0x0, s20;
	[sflag:s22] =	ssyncset.done $0x0  }
0xa1: {  	[sflag:s22] =	ssyncadd.s32 s5;
	_ =	sdelay $0x1  }
0xa2: {  	s23 =	simm.s32 $0x1B8B  }
0xa3: {  	_ =	swait.ge [sflag:s23], $0x1  }
0xa4: {  	[sflag:s23] =	ssyncset.done $0x0  }
0xa5: {  	s25 =	simm.s32 $0x1B8E;
	s24 =	sld [smem:$0x3FFE];
	[sflag:s23] =	ssyncadd.s32 $0xFFFFFFFF  }
0xa6: {  	s26 =	simm.s32 $execute0_lowered;
	[smem:$0x3FD2] =	sst s25  }
0xa7: {  	s6 =	sshll.u32 s26, $0x1;
	_ =	strace $0x80000049;
	[dreg:$0x1] =	wrdreg $0xFFFFFFFF  }
0xa8: {  	s28 =	simm.s32 $_size_execute0_lowered;
	s4 =	sadd.s32 s4, s6;
	[dreg:$0x0] =	wrdreg $0x0  }
0xa9: {  	s6 =	sshll.u32 s28, $0x1;
	[dreg:$0x2] =	wrdreg s4  }
0xaa: {  	[dreg:$0x3] =	wrdreg s6  }
0xab: {  	[dreg:$0x4] =	wrdreg $0xC0  }
0xac: {  	_ =	task [dreg:s8], $0x5FFFF  }
0xad: {  	[dreg:$0x1] =	wrdreg $0xFFFFFFFF  }
0xae: {  	[dreg:$0x0] =	wrdreg $0x60  }
0xaf: {  	[dreg:$0x2] =	wrdreg s24  }
0xb0: {  	[dreg:$0x3] =	wrdreg s2  }
0xb1: {  	[dreg:$0x4] =	wrdreg s18  }
0xb2: {  	[dreg:$0x5] =	wrdreg $0x0  }
0xb3: {  	[dreg:$0x6] =	wrdreg $0x50000  }
0xb4: {  	[dreg:$0x7] =	wrdreg $0x9  }
0xb5: {  	_ =	task.clear_ibuf [dreg:s8], $0x8FFFF;
	_ =	strace $0x90000049  }
0xb6: {  	s29 =	simm.s32 $0x9;
	_ =	strace $0x8000004B  }
0xb7: {  	_ =	swait.ge [sflag:s29], $0x1  }
0xb8: {  	[sflag:s29] =	ssyncadd.s32 $0xFFFFFFFF  }
0xb9: {  	_ =	strace $0x9000004B  }
0xba: {  	_ =	sfence  }
0xbb: {  	s30 =	sld [smem:$0x0];
	_ =	sdelay $0x2  }
0xbc: {  	s31 =	sshll.u32 s1, $0xD;
	s1 =	sshrl.u32 s1, $0x2  }
0xbd: {  	s3 =	sand.u32 $0x4000, s31;
	s1 =	sadd.s32 s1, s30  }
0xbe: {  	s0 =	sor.u32 s3, s0;
	s1 =	sshll.u32 s1, $0x11  }
0xbf: {  	s0 =	sor.u32 s1, s0  }
0xc0: {  	s0 =	sadd.s32 $0x8F2B, s0  }
0xc1: {  	[sflag:s0] =	ssyncadd.remote.s32 $0x1  }
0xc2: {  	_ =	sfence.sel $0xFFFF  }
0xc3: {  	[dreg:$0x0] =	wrdreg $0xFFFFFFFF;
	(pc) =	sbr.abs _section_cstart, $3  }
0xc4: {  	[dreg:$0x1] =	wrdreg $0xFFFFFFFF  }
0xc5: {  	_ =	task.clear_ibuf [dreg:s8], $0x2FFFF;
	_ =	strace $0x9FFFFFFF  }
0xc6: {  	(tm) =	ssettm $0x7FFFFFFF  }
0xc7: {  	_ =	shalt  }
tec
execute0_lowered:
.L_overlay_start_1:
0x0: {  	(tag) =	ssettag $0x1  }
0x1: {  	s0 =	rddreg [dreg:$0x0]  }
0x2: {  	s1 =	rddreg [dreg:$0x1]  }
0x3: {  	s2 =	rddreg [dreg:$0x2]  }
0x4: {  	s3 =	rddreg [dreg:$0x3]  }
0x5: {  	s4 =	rddreg [dreg:$0x4]  }
0x6: {  	s6 =	srdreg.scid;
	s15 =	stileid.u32;
	s5 =	simm.s32 $0x0  }
0x7: {  	s17 =	simm.s32 $0xA0A0;
	s18 =	simm.s32 $0x1;
	s19 =	simm.s32 $0xCA20  }
0x8: {  	s20 =	simm.s32 $0x50A0;
	s21 =	simm.s32 $0x78A0;
	s22 =	simm.s32 $0xC8A0  }
0x9: {  	s23 =	simm.s32 $0xC920;
	s28 =	simm.s32 $0x0;
	s11 =	smul.u32 $0xA0, s15  }
0xa: {  	s6 =	sand.u32 $0x1, s6;
	[smem:$0x7FF] =	sst s5;
	s12 =	smul.u32 $0x14000, s15  }
0xb: {  	s7 =	sadd.s32 $0x22000, s0;
	s8 =	sadd.s32 $0x72000, s0;
	s24 =	smul.u32 $0x5000, s15  }
0xc: {  	s9 =	smul.u32 $0xA00, s6;
	_ =	strace $0x8000004A;
	s10 =	ssub.s32 $0x2, s6  }
0xd: {  	s14 =	smul.u32 $0x50000, s6;
	s13 =	sshrl.u32 s10, $0x1;
	s25 =	sshrl.u32 s12, $0x2  }
0xe: {  	s26 =	sadd.s32 $0x50, s11;
	s9 =	sadd.s32 s11, s9;
	s16 =	ssub.s32 s10, s13  }
0xf: {  	s10 =	sadd.s32 s25, s3;
	s29 =	sshll.u32 s26, $0x7;
	s13 =	sadd.s32 s24, s14  }
0x10: {  	s31 =	sadd.s32 s26, s4;
	s24 =	simm.s32 $0xC9A0;
	s25 =	simm.s32 $0x50  }
0x11: {  	s26 =	simm.s32 $0xD420;
	s9 =	sshrl.u32 s9, $0x3;
	s12 =	sadd.s32 s29, s3  }
0x12: {  	v0 =	vlaneseq.u32;
	s30 =	sshrl.u32 s13, $0x3;
	[dreg:$0x7] =	wrdreg s31;
	s16 =	smax.u32 s16, $0x1  }
0x13: {  	v1 =	vimm.f32 $0.0e+00;
	v2 =	vimm.f32 $1.000000000e+00;
	v3 =	vor.u32 $0x10, v0;
	s0 =	sadd.s32 s9, s0;
	s9 =	sshll.u32 s15, $0x1;
	[dreg:$0x6] =	wrdreg s12  }
0x14: {  	v4 =	vor.u32 $0x20, v0;
	v5 =	vor.u32 $0x30, v0;
	v6 =	vor.u32 $0x40, v0;
	s12 =	sadd.s32 s11, s4;
	s14 =	sadd.s32 s2, s30;
	s15 =	sadd.s32 $0x4400, s0  }
.LBB2_1:
0x15: {  	s0 =	sand.u32 $0xFE00, s5  }
0x16: {  	s2 =	sand.u32 $0x70, s5;
	s11 =	sshrl.u32 s0, $0x2  }
0x17: {  	s0 =	simm.s32 $0x40;
	s11 =	sor.u32 s2, s11;
	s2 =	simm.s32 $0x0  }
.LBB2_2:
0x18: {  	p0 =	sne.s32 s0, $0x9FC0  }
0x19: {  	[tilespmem:s11+$0xA0A0] =	vst v1;
	s2 =	sadd.s32 $0x10, s2;
	s11 =	smov.u32 s0;
	s0 =	sadd.s32 $0x40, s0  }
.Ltmp0:
0x1a: {  	(pc) =	sbr.rel @p0 .LBB2_2-.Ltmp0, $4  }
0x1b: {  	_ = 	snop  }
0x1c: {  	s11 =	sand.u32 $0xFE00, s11  }
0x1d: {  	s29 =	sand.u32 $0x70, s2;
	s11 =	sshrl.u32 s11, $0x2  }
0x1e: {  	s11 =	sor.u32 s29, s11  }
0x1f: {  	[tilespmem:s11+$0xA0A0] =	vst v1  }
0x20: {  	[spmem:s10] =	stream.linear.scatter [tilespmem:s17], [sflag:$0x1], $0x2800, $0x38;
	[tilespmem:$0xD4A0] =	vst v63  }
0x21: {  	_ =	swait.ge [sflag:s18], $0x2800  }
0x22: {  	[sflag:s18] =	ssyncset.done $0x0  }
0x23: {  	s0 =	rddreg [dreg:$0x6];
	[sflag:s18] =	ssyncadd.s32 $0xFFFFD800  }
0x24: {  	[spmem:s0] =	stream.linear.scatter [tilespmem:s17], [sflag:$0x1], $0x2800, $0x38;
	[tilespmem:$0xD4A0] =	vst v63  }
0x25: {  	_ =	swait.ge [sflag:s18], $0x2800  }
0x26: {  	[sflag:s18] =	ssyncset.done $0x0  }
0x27: {  	s2 =	simm.s32 $0x0;
	s0 =	simm.s32 $0x40;
	[sflag:s18] =	ssyncadd.s32 $0xFFFFD800  }
.LBB2_4:
0x28: {  	p0 =	sne.s32 s0, $0x27C0;
	[tilespmem:s2+$0xCA20] =	vst v1;
	s2 =	smov.u32 s0;
	s0 =	sadd.s32 $0x40, s0  }
.Ltmp1:
0x29: {  	(pc) =	sbr.rel @p0 .LBB2_4-.Ltmp1, $2  }
0x2a: {  	_ =	sdelay $0x2  }
0x2b: {  	s2 =	sshra.s32 s2, $0x2  }
0x2c: {  	[tilespmem:s2+$0xCA20] =	vst v1  }
0x2d: {  	[spmem:s12] =	stream.linear.scatter [tilespmem:s19], [sflag:$0x1], $0x50, $0x38;
	[tilespmem:$0xD4A0] =	vst v63  }
0x2e: {  	_ =	swait.ge [sflag:s18], $0x50  }
0x2f: {  	[sflag:s18] =	ssyncset.done $0x0  }
0x30: {  	s0 =	rddreg [dreg:$0x7];
	[sflag:s18] =	ssyncadd.s32 $0xFFFFFFB0  }
0x31: {  	[spmem:s0] =	stream.linear.scatter [tilespmem:s19], [sflag:$0x1], $0x50, $0x38;
	[tilespmem:$0xD4A0] =	vst v63  }
.Ltmp2:
0x32: {  	_ =	swait.ge [sflag:s18], $0x50;
	(pc) =	sbr.rel .LBB2_6-.Ltmp2, $4  }
0x33: {  	[sflag:s18] =	ssyncset.done $0x0  }
0x34: {  	[sflag:s18] =	ssyncadd.s32 $0xFFFFFFB0  }
0x35: {  	[bflag:$0x0] =	sbarrier.arrive $0xFFFF  }
0x36: {  	s29 =	simm.s32 $0x0  }
.LBB2_10:
0x37: {  	s29 =	sadd.s32 $0x1, s29  }
0x38: {  	p0 =	sne.s32 s29, $0x4  }
.Ltmp3:
0x39: {  	_ = 	snop;
	(pc) =	sbr.rel @!p0 .LBB2_11-.Ltmp3, $1  }
0x3a: {  	_ =	sdelay $0x3  }
.LBB2_6:
0x3b: {  	s0 =	sshll.u32 s29, $0x5  }
0x3c: {  	s0 =	sor.u32 s0, s9  }
0x3d: {  	s0 =	sor.u32 s6, s0  }
0x3e: {  	p0 =	sgt.u32 s0, $0x7C  }
.Ltmp4:
0x3f: {  	_ = 	snop;
	(pc) =	sbr.rel @p0 .LBB2_10-.Ltmp4, $1  }
0x40: {  	_ =	sdelay $0x3  }
0x41: {  	s2 =	smul.u32 $0x2800, s0;
	_ =	sdelay $0x1  }
0x42: {  	s2 =	sshrl.u32 s2, $0x3  }
0x43: {  	s11 =	simm.s32 $0x0;
	s2 =	sadd.s32 s7, s2  }
0x44: {  	[tilespmem:s20], [sflag:$0x1] =	stream.linear.gather [hbm4b:s2+s11], $0x2800, $0x38;
	[tilespmem:$0xD4A0] =	vst v63  }
0x45: {  	_ =	swait.ge [sflag:s18], $0x2800  }
0x46: {  	[sflag:s18] =	ssyncset.done $0x0  }
0x47: {  	s13 =	smul.u32 $0x50, s0;
	s2 =	sadd.s32 $0x28000, s2;
	[sflag:s18] =	ssyncadd.s32 $0xFFFFD800  }
0x48: {  	[tilespmem:s21], [sflag:$0x1] =	stream.linear.gather [hbm4b:s2+s11], $0x2800, $0x38;
	[tilespmem:$0xD4A0] =	vst v63  }
0x49: {  	_ =	swait.ge [sflag:s18], $0x2800  }
0x4a: {  	s0 =	sshrl.u32 s13, $0x3;
	[sflag:s18] =	ssyncset.done $0x0  }
0x4b: {  	s13 =	sadd.s32 s8, s0;
	[sflag:s18] =	ssyncadd.s32 $0xFFFFD800  }
0x4c: {  	[tilespmem:s22], [sflag:$0x1] =	stream.linear.gather [hbm4b:s13+s11], $0x50, $0x38;
	[tilespmem:$0xD4A0] =	vst v63  }
0x4d: {  	_ =	swait.ge [sflag:s18], $0x50  }
0x4e: {  	[sflag:s18] =	ssyncset.done $0x0  }
0x4f: {  	s2 =	sadd.s32 $0x500, s13;
	[sflag:s18] =	ssyncadd.s32 $0xFFFFFFB0  }
0x50: {  	[tilespmem:s23], [sflag:$0x1] =	stream.linear.gather [hbm4b:s2+s11], $0x50, $0x38;
	[tilespmem:$0xD4A0] =	vst v63  }
0x51: {  	_ =	swait.ge [sflag:s18], $0x50  }
0x52: {  	[sflag:s18] =	ssyncset.done $0x0  }
0x53: {  	v7 =	vmov s11;
	s0 =	sadd.s32 s1, s0;
	[sflag:s18] =	ssyncadd.s32 $0xFFFFFFB0  }
0x54: {  	[tilespmem:s24], [sflag:$0x1] =	stream.linear.gather [hbm4b:s0+s11], $0x50, $0x38;
	[tilespmem:$0xD4A0] =	vst v63  }
0x55: {  	_ =	swait.ge [sflag:s18], $0x50  }
0x56: {  	[sflag:s18] =	ssyncset.done $0x0  }
0x57: {  	[sflag:s18] =	ssyncadd.s32 $0xFFFFFFB0  }
0x58: {  	v8 =	vld.idx.msk [tilespmem:v7+s22+$0x0], $0xffff  }
0x59: {  	v7 =	vld.idx.msk [tilespmem:v7+s23+$0x0], $0xffff;
	_ =	sdelay $0x4  }
0x5a: {  	v7 =	vadd.f32 v7, v8;
	_ =	sdelay $0x1  }
0x5b: {  	v7 =	vmax.f32 v7, $1.000000000e+00  }
0x5c: {  	(erf) = vrcp.f32 v7  }
0x5d: {  	s31 =	simm.s32 $0x50E0  }
0x5e: {  	s30 =	simm.s32 $0x78E0;
	v8 =	vld [tilespmem:s31+$0xFFFFFFC0]  }
0x5f: {  	v7 =	vld [tilespmem:s30+$0xFFFFFFC0];
	_ =	sdelay $0x4  }
0x60: {  	v8 =	vadd.f32 v7, v8  }
0x61: {  	v7 =	vpop (erf)  }
0x62: {  	v8 =	vmul.f32 v7, v8;
	_ =	sdelay $0x1  }
0x63: {  	s0 =	simm.s32 $0xA0E0;
	v8 =	vmax.f32 v8, $0.0e+00  }
0x64: {  	[tilespmem:s0+$0xFFFFFFC0] =	vst v8  }
0x65: {  	v8 =	vld [tilespmem:s31+$0xFFFFFFD0]  }
0x66: {  	v9 =	vld [tilespmem:s30+$0xFFFFFFD0];
	_ =	sdelay $0x4  }
0x67: {  	v8 =	vadd.f32 v9, v8;
	_ =	sdelay $0x1  }
0x68: {  	v8 =	vmul.f32 v8, v7;
	_ =	sdelay $0x1  }
0x69: {  	v8 =	vmax.f32 v8, $0.0e+00  }
0x6a: {  	[tilespmem:s0+$0xFFFFFFD0] =	vst v8  }
0x6b: {  	v8 =	vld [tilespmem:s31+$0xFFFFFFE0]  }
0x6c: {  	v9 =	vld [tilespmem:s30+$0xFFFFFFE0];
	_ =	sdelay $0x4  }
0x6d: {  	v8 =	vadd.f32 v9, v8;
	_ =	sdelay $0x1  }
0x6e: {  	v8 =	vmul.f32 v8, v7;
	_ =	sdelay $0x1  }
0x6f: {  	v8 =	vmax.f32 v8, $0.0e+00  }
0x70: {  	[tilespmem:s0+$0xFFFFFFE0] =	vst v8  }
0x71: {  	v8 =	vld [tilespmem:s31+$0xFFFFFFF0]  }
0x72: {  	v9 =	vld [tilespmem:s30+$0xFFFFFFF0];
	_ =	sdelay $0x4  }
0x73: {  	v8 =	vadd.f32 v9, v8;
	_ =	sdelay $0x1  }
0x74: {  	v8 =	vmul.f32 v8, v7;
	_ =	sdelay $0x1  }
0x75: {  	v8 =	vmax.f32 v8, $0.0e+00  }
0x76: {  	[tilespmem:s0+$0xFFFFFFF0] =	vst v8  }
0x77: {  	v8 =	vld [tilespmem:s31+$0x0]  }
0x78: {  	v9 =	vld [tilespmem:s30+$0x0];
	_ =	sdelay $0x4  }
0x79: {  	v8 =	vadd.f32 v9, v8;
	_ =	sdelay $0x1  }
0x7a: {  	v8 =	vmul.f32 v8, v7;
	_ =	sdelay $0x1  }
0x7b: {  	v8 =	vmax.f32 v8, $0.0e+00  }
0x7c: {  	[tilespmem:s0+$0x0] =	vst v8  }
0x7d: {  	v8 =	vld [tilespmem:s31+$0x10]  }
0x7e: {  	v9 =	vld [tilespmem:s30+$0x10];
	_ =	sdelay $0x4  }
0x7f: {  	v8 =	vadd.f32 v9, v8;
	_ =	sdelay $0x1  }
0x80: {  	v8 =	vmul.f32 v8, v7;
	_ =	sdelay $0x1  }
0x81: {  	v8 =	vmax.f32 v8, $0.0e+00  }
0x82: {  	[tilespmem:s0+$0x10] =	vst v8  }
0x83: {  	v8 =	vld [tilespmem:s31+$0x20]  }
0x84: {  	v9 =	vld [tilespmem:s30+$0x20];
	_ =	sdelay $0x4  }
0x85: {  	v8 =	vadd.f32 v9, v8;
	_ =	sdelay $0x1  }
0x86: {  	v8 =	vmul.f32 v8, v7;
	_ =	sdelay $0x1  }
0x87: {  	v8 =	vmax.f32 v8, $0.0e+00  }
0x88: {  	[tilespmem:s0+$0x20] =	vst v8  }
0x89: {  	v8 =	vld [tilespmem:s31+$0x30]  }
0x8a: {  	s2 =	simm.s32 $0xA0E0;
	s11 =	simm.s32 $0x1;
	v9 =	vld [tilespmem:s30+$0x30]  }
.LBB2_8:
0x8b: {  	_ = 	snop  }
0x8c: {  	s30 =	sadd.s32 $0x80, s30;
	s0 =	sadd.s32 $0x80, s0;
	s31 =	sadd.s32 $0x80, s31  }
0x8d: {  	p0 =	sne.s32 s11, $0x4F;
	s13 =	smov.u32 s11;
	s11 =	sadd.s32 $0x1, s11  }
0x8e: {  	_ = 	snop  }
0x8f: {  	v8 =	vadd.f32 v9, v8  }
0x90: {  	v9 =	vmov s13  }
0x91: {  	v7 =	vmul.f32 v8, v7;
	_ =	sdelay $0x1  }
0x92: {  	v7 =	vmax.f32 v7, $0.0e+00  }
0x93: {  	[tilespmem:s2+$0x30] =	vst v7;
	s2 =	smov.u32 s0  }
0x94: {  	v7 =	vld.idx.msk [tilespmem:v9+s22+$0x0], $0xffff  }
0x95: {  	v8 =	vld.idx.msk [tilespmem:v9+s23+$0x0], $0xffff;
	_ =	sdelay $0x5  }
0x96: {  	v7 =	vadd.f32 v8, v7;
	_ =	sdelay $0x1  }
0x97: {  	v7 =	vmax.f32 v7, $1.000000000e+00  }
0x98: {  	(erf) = vrcp.f32 v7  }
0x99: {  	v7 =	vld [tilespmem:s30+$0xFFFFFFC0]  }
0x9a: {  	v8 =	vld [tilespmem:s31+$0xFFFFFFC0];
	_ =	sdelay $0x4  }
0x9b: {  	v8 =	vadd.f32 v7, v8;
	_ =	sdelay $0x1  }
0x9c: {  	v7 =	vpop (erf)  }
0x9d: {  	v8 =	vmul.f32 v7, v8;
	_ =	sdelay $0x1  }
0x9e: {  	v8 =	vmax.f32 v8, $0.0e+00  }
0x9f: {  	[tilespmem:s0+$0xFFFFFFC0] =	vst v8  }
0xa0: {  	v8 =	vld [tilespmem:s31+$0xFFFFFFD0]  }
0xa1: {  	v9 =	vld [tilespmem:s30+$0xFFFFFFD0];
	_ =	sdelay $0x4  }
0xa2: {  	v8 =	vadd.f32 v9, v8;
	_ =	sdelay $0x1  }
0xa3: {  	v8 =	vmul.f32 v8, v7;
	_ =	sdelay $0x1  }
0xa4: {  	v8 =	vmax.f32 v8, $0.0e+00  }
0xa5: {  	[tilespmem:s0+$0xFFFFFFD0] =	vst v8  }
0xa6: {  	v8 =	vld [tilespmem:s31+$0xFFFFFFE0]  }
0xa7: {  	v9 =	vld [tilespmem:s30+$0xFFFFFFE0];
	_ =	sdelay $0x4  }
0xa8: {  	v8 =	vadd.f32 v9, v8;
	_ =	sdelay $0x1  }
0xa9: {  	v8 =	vmul.f32 v8, v7;
	_ =	sdelay $0x1  }
0xaa: {  	v8 =	vmax.f32 v8, $0.0e+00  }
0xab: {  	[tilespmem:s0+$0xFFFFFFE0] =	vst v8  }
0xac: {  	v8 =	vld [tilespmem:s31+$0xFFFFFFF0]  }
0xad: {  	v9 =	vld [tilespmem:s30+$0xFFFFFFF0];
	_ =	sdelay $0x4  }
0xae: {  	v8 =	vadd.f32 v9, v8;
	_ =	sdelay $0x1  }
0xaf: {  	v8 =	vmul.f32 v8, v7;
	_ =	sdelay $0x1  }
0xb0: {  	v8 =	vmax.f32 v8, $0.0e+00  }
0xb1: {  	[tilespmem:s0+$0xFFFFFFF0] =	vst v8  }
0xb2: {  	v8 =	vld [tilespmem:s31+$0x0]  }
0xb3: {  	v9 =	vld [tilespmem:s30+$0x0];
	_ =	sdelay $0x4  }
0xb4: {  	v8 =	vadd.f32 v9, v8;
	_ =	sdelay $0x1  }
0xb5: {  	v8 =	vmul.f32 v8, v7;
	_ =	sdelay $0x1  }
0xb6: {  	v8 =	vmax.f32 v8, $0.0e+00  }
0xb7: {  	[tilespmem:s0+$0x0] =	vst v8  }
0xb8: {  	v8 =	vld [tilespmem:s31+$0x10]  }
0xb9: {  	v9 =	vld [tilespmem:s30+$0x10];
	_ =	sdelay $0x4  }
0xba: {  	v8 =	vadd.f32 v9, v8;
	_ =	sdelay $0x1  }
0xbb: {  	v8 =	vmul.f32 v8, v7;
	_ =	sdelay $0x1  }
0xbc: {  	v8 =	vmax.f32 v8, $0.0e+00  }
0xbd: {  	[tilespmem:s0+$0x10] =	vst v8  }
0xbe: {  	v8 =	vld [tilespmem:s31+$0x20]  }
0xbf: {  	v9 =	vld [tilespmem:s30+$0x20];
	_ =	sdelay $0x4  }
0xc0: {  	v8 =	vadd.f32 v9, v8;
	_ =	sdelay $0x1  }
0xc1: {  	v8 =	vmul.f32 v8, v7  }
.Ltmp5:
0xc2: {  	(pc) =	sbr.rel @p0 .LBB2_8-.Ltmp5, $4  }
0xc3: {  	v8 =	vmax.f32 v8, $0.0e+00  }
0xc4: {  	[tilespmem:s0+$0x20] =	vst v8  }
0xc5: {  	v8 =	vld [tilespmem:s31+$0x30]  }
0xc6: {  	v9 =	vld [tilespmem:s30+$0x30]  }
0xc7: {  	_ =	sdelay $0x3  }
0xc8: {  	v8 =	vadd.f32 v9, v8;
	_ =	sdelay $0x1  }
0xc9: {  	v7 =	vmul.f32 v8, v7;
	_ =	sdelay $0x1  }
0xca: {  	v7 =	vmax.f32 v7, $0.0e+00  }
0xcb: {  	[tilespmem:s2+$0x30] =	vst v7  }
0xcc: {  	[spmem:s3] =	stream.indirect.scatter.add.f32 [tilespmem:s17], [sflag:$0x1], $0x80, s24, s25, $0xb8;
	[tilespmem:$0xD4A0] =	vst v63  }
0xcd: {  	_ =	swait.ge [sflag:s18], $0x2800  }
0xce: {  	[sflag:s18] =	ssyncset.done $0x0  }
0xcf: {  	[sflag:s18] =	ssyncadd.s32 $0xFFFFD800  }
0xd0: {  	v7 =	vld [tilespmem:$0xC9A0];
	_ =	sdelay $0x7  }
0xd1: {  	[tilespmem:v7+s19+$0x0] =	vst.idx.add.f32.msk $0xffff, v2  }
0xd2: {  	v7 =	vld [tilespmem:$0xC9B0];
	_ =	sdelay $0x7  }
0xd3: {  	[tilespmem:v7+s19+$0x0] =	vst.idx.add.f32.msk $0xffff, v2  }
0xd4: {  	v7 =	vld [tilespmem:$0xC9C0];
	_ =	sdelay $0x7  }
0xd5: {  	[tilespmem:v7+s19+$0x0] =	vst.idx.add.f32.msk $0xffff, v2  }
0xd6: {  	v7 =	vld [tilespmem:$0xC9D0];
	_ =	sdelay $0x7  }
0xd7: {  	[tilespmem:v7+s19+$0x0] =	vst.idx.add.f32.msk $0xffff, v2  }
0xd8: {  	v7 =	vld [tilespmem:$0xC9E0];
	_ =	sdelay $0x3  }
.Ltmp6:
0xd9: {  	_ = 	snop;
	(pc) =	sbr.rel .LBB2_10-.Ltmp6, $2  }
0xda: {  	_ =	sdelay $0x2  }
0xdb: {  	[tilespmem:v7+s19+$0x0] =	vst.idx.add.f32.msk $0xffff, v2  }
.LBB2_11:
0xdc: {  	[tilespmem:$0xD420] =	vst v0  }
0xdd: {  	[tilespmem:$0xD430] =	vst v3  }
0xde: {  	[tilespmem:$0xD440] =	vst v4  }
0xdf: {  	[tilespmem:$0xD450] =	vst v5  }
0xe0: {  	[tilespmem:$0xD460] =	vst v6;
	s0 =	simm.s32 $0xCA20  }
0xe1: {  	[spmem:s4] =	stream.indirect.scatter.add.f32 [tilespmem:s0], [sflag:$0x1], $0x1, s26, s25, $0xb8;
	[tilespmem:$0xD4A0] =	vst v63  }
0xe2: {  	_ =	swait.ge [sflag:s18], $0x50  }
0xe3: {  	[sflag:s18] =	ssyncset.done $0x0  }
0xe4: {  	[sflag:s18] =	ssyncadd.s32 $0xFFFFFFB0  }
0xe5: {  	v9 =	vld [tilespmem:$0xD460]  }
0xe6: {  	v10 =	vld [tilespmem:$0xD440]  }
0xe7: {  	v8 =	vld [tilespmem:$0xD420]  }
0xe8: {  	s0 =	simm.s32 $0x140;
	v7 =	vld [tilespmem:$0xD430]  }
.LBB2_12:
0xe9: {  	p0 =	sne.s32 s0, $0x26C0;
	v11 =	vld [tilespmem:$0xD450];
	s2 =	smov.u32 s0;
	s0 =	sadd.s32 $0x140, s0  }
0xea: {  	v9 =	vadd.s32 $0x50, v9  }
0xeb: {  	v10 =	vadd.s32 $0x50, v10;
	[tilespmem:$0xD460] =	vst v9  }
0xec: {  	s2 =	sshra.s32 s2, $0x2;
	v8 =	vadd.s32 $0x50, v8;
	[tilespmem:$0xD440] =	vst v10  }
0xed: {  	s2 =	sadd.s32 $0xCA20, s2;
	[tilespmem:$0xD420] =	vst v8;
	v7 =	vadd.s32 $0x50, v7  }
0xee: {  	[tilespmem:$0xD430] =	vst v7;
	v7 =	vadd.s32 $0x50, v11  }
0xef: {  	[tilespmem:$0xD450] =	vst v7  }
0xf0: {  	[spmem:s4] =	stream.indirect.scatter.add.f32 [tilespmem:s2], [sflag:$0x1], $0x1, s26, s25, $0xb8;
	[tilespmem:$0xD4A0] =	vst v63  }
0xf1: {  	_ =	swait.ge [sflag:s18], $0x50  }
0xf2: {  	[sflag:s18] =	ssyncset.done $0x0  }
.Ltmp7:
0xf3: {  	[sflag:s18] =	ssyncadd.s32 $0xFFFFFFB0;
	(pc) =	sbr.rel @p0 .LBB2_12-.Ltmp7, $4  }
0xf4: {  	v9 =	vld [tilespmem:$0xD460]  }
0xf5: {  	v10 =	vld [tilespmem:$0xD440]  }
0xf6: {  	v8 =	vld [tilespmem:$0xD420]  }
0xf7: {  	v7 =	vld [tilespmem:$0xD430]  }
0xf8: {  	v11 =	vld [tilespmem:$0xD450]  }
0xf9: {  	v9 =	vadd.s32 $0x50, v9  }
0xfa: {  	v10 =	vadd.s32 $0x50, v10;
	[tilespmem:$0xD460] =	vst v9  }
0xfb: {  	v8 =	vadd.s32 $0x50, v8;
	[tilespmem:$0xD440] =	vst v10  }
0xfc: {  	[tilespmem:$0xD420] =	vst v8;
	v7 =	vadd.s32 $0x50, v7  }
0xfd: {  	s0 =	stileid.u32;
	[tilespmem:$0xD430] =	vst v7;
	v7 =	vadd.s32 $0x50, v11  }
0xfe: {  	s0 =	sshll.u32 s0, $0x6;
	[tilespmem:$0xD450] =	vst v7  }
0xff: {  	s2 =	sshrl.u32 s10, $0x3;
	s0 =	sor.u32 $0x1C01, s0;
	[bflag:$0x0] =	sbarrier.arrive $0xFFFF  }
0x100: {  	[hbm:s14], [sflag:s0] =	dma.local [spmem:s2], $0xA00  }
0x101: {  	_ =	swait.ge [sflag:s18], $0xA00  }
0x102: {  	[sflag:s18] =	ssyncset.done $0x0  }
0x103: {  	[sflag:s18] =	ssyncadd.s32 $0xFFFFF600  }
0x104: {  	[tilespmem:s19], [sflag:$0x1] =	stream.linear.gather [spmem:s12], $0xA0, $0x38;
	[tilespmem:$0xD4A0] =	vst v63  }
0x105: {  	s28 =	sadd.s32 $0x1, s28;
	_ =	swait.ge [sflag:s18], $0xA0  }
0x106: {  	p0 =	sne.s32 s28, s16;
	[sflag:s18] =	ssyncset.done $0x0  }
.Ltmp8:
0x107: {  	[sflag:s18] =	ssyncadd.s32 $0xFFFFFF60;
	(pc) =	sbr.rel @p0 .LBB2_1-.Ltmp8, $4  }
0x108: {  	[hbm4b:s15+s5] =	stream.linear.scatter [tilespmem:s19], [sflag:$0x1], $0xA0, $0x38;
	[tilespmem:$0xD4A0] =	vst v63  }
0x109: {  	_ =	swait.ge [sflag:s18], $0xA0  }
0x10a: {  	[sflag:s18] =	ssyncset.done $0x0  }
0x10b: {  	[sflag:s18] =	ssyncadd.s32 $0xFFFFFF60  }
0x10c: {  	_ =	sfence.sel $0x180000  }
0x10d: {  	[bflag:$0x0] =	sbarrier.arrive $0xFFFF  }
0x10e: {  	_ =	strace $0x9000004A  }
0x10f: {  	s0 =	stileid.u32;
	[bflag:$0x2] =	sbarrier.arrive $0xFFFF  }
0x110: {  	p0 =	sne.s32 s0, $0x0;
	s0 =	rddreg [dreg:$0x5]  }
0x111: {  	s0 =	sadd.s32 @!p0 $0x100000, s0  }
0x112: {  	[sflag:s0] =	ssyncadd.tile.s32 @!p0 $0x1;
	_ =	shalt  }
.Lfunc_end2:
_tile_overlayer_lowered:
.L_overlay_start_2:
0x113: {  	(tag) =	ssettag $0x2  }
0x114: {  	s0 =	rddreg [dreg:$0x0];
	s2 =	stileid.u32  }
0x115: {  	s1 =	rddreg [dreg:$0x1];
	p0 =	sne.s32 s2, $0x0  }
0x116: {  	s3 =	rddreg [dreg:$0x2];
	[bflag:$0x3] =	sbarrier.arrive $0xFFFF;
	s2 =	simm.s32 @!p0 $0x1C01  }
0x117: {  	[timem:s3], [sflag:s2] =	dma.local @!p0 [hbm:s0], s1  }
0x118: {  	s0 =	simm.s32 @!p0 $0x1  }
0x119: {  	_ =	swait.ge @!p0 [sflag:s0], s1  }
0x11a: {  	s1 =	ssub.s32 @!p0 $0x0, s1;
	[sflag:s0] =	ssyncset.done @!p0 $0x0  }
0x11b: {  	[sflag:s0] =	ssyncadd.s32 @!p0 s1  }
0x11c: {  	[bflag:$0x3] =	sbarrier.arrive $0xFFFF  }
0x11d: {  	_ =	shalt  }

// kernel: kernel.21.cloned.1.call-start
scs
__scs_entry_jumppad:
0x0: {  	(pc) =	sbr.rel $0x88, $3  }
0x1: {  	(tag) =	ssettag $0x0;
	lr =	simm.s32 $0x1  }
0x2: {  	[smem:$0x3F97] =	sst lr;
	_ =	strace $0xD0000000  }
0x3: {  	_ = 	snop  }
0x4: {  	_ = 	snop  }
0x5: {  	_ = 	snop  }
0x6: {  	_ = 	snop  }
0x7: {  	_ = 	snop  }
__scs_overlays_trampoline_lowered:
0x8: {  	[smem:$0x3FA6] =	sst s0  }
0x9: {  	[smem:$0x3FA7] =	sst s1  }
0xa: {  	[smem:$0x3FA8] =	sst s2  }
0xb: {  	[smem:$0x3FA9] =	sst s3  }
0xc: {  	[smem:$0x3FAA] =	sst s4  }
0xd: {  	[smem:$0x3FAB] =	sst s5  }
0xe: {  	[smem:$0x3FAC] =	sst s6  }
0xf: {  	[smem:$0x3FAD] =	sst s7  }
0x10: {  	[smem:$0x3FAE] =	sst s8  }
0x11: {  	[smem:$0x3FAF] =	sst s9;
	s0 =	simm.s32 @!p0 $0x0  }
0x12: {  	s1 =	sld [smem:$0x3F95];
	s0 =	simm.s32 @p0 $0x1  }
0x13: {  	[smem:$0x3FB0] =	sst s0;
	s0 =	simm.s32 @!p1 $0x0  }
0x14: {  	s2 =	sld [smem:$0x3F94];
	s0 =	simm.s32 @p1 $0x1  }
0x15: {  	[smem:$0x3FB1] =	sst s0;
	s0 =	simm.s32 @!p2 $0x0  }
0x16: {  	s3 =	sld [smem:$0x3FDB];
	s0 =	simm.s32 @p2 $0x1  }
0x17: {  	s4 =	simm.s32 $0x1BF5;
	[smem:$0x3FB3] =	sst s0  }
0x18: {  	s0 =	sld [smem:$0x3F96];
	_ =	swait.ge [sflag:s4], $0x0  }
0x19: {  	s7 =	sld [smem:$0x3F97]  }
0x1a: {  	s8 =	sadd.s32 $0xFFFFE003, lr  }
0x1b: {  	s9 =	sadd.s32 $0xFFFFFEF7, lr;
	s5 =	simm.s32 $0xFFFFFFFF;
	p2 =	slt.u32 s8, $0xFFFFF086  }
0x1c: {  	p1 =	slt.u32 s9, $0xF7A;
	s5 =	simm.s32 @!p2 $0x0  }
0x1d: {  	s5 =	simm.s32 @p1 $0x1;
	p0 =	seq.s32 s7, s2  }
0x1e: {  	s7 =	smul.u32 @!p0 $0xF7A, s2;
	p2 =	seq.s32 @!p0 s5, $0x0  }
0x1f: {  	s9 =	smul.u32 $0xF7A, s1;
	s8 =	simm.s32 @!p0 $0x1BF5;
	p2 =	por !p2, p0  }
0x20: {  	[sflag:s8] =	ssyncset.s32 @!p0 $0xFFFFF086;
	s6 =	sadd.s32 @!p0 s3, s7;
	s7 =	simm.s32 @!p0 $0x108  }
0x21: {  	s3 =	sadd.s32 s3, s9;
	s6 =	sadd.s32 @!p0 $0x88, s6;
	s7 =	simm.s32 @p2 $0x1082  }
0x22: {  	[simem:s7], [sflag:s8] =	dma.local @!p0 [hbm:s6], $0xF7A  }
0x23: {  	s9 =	sor.u32 $0xD0000000, s2;
	s6 =	simm.s32 $0x108;
	_ =	swait.ge @!p0 [sflag:s8], $0x0  }
0x24: {  	s3 =	sadd.s32 $0x88, s3;
	s6 =	simm.s32 @!p1 $0x1082;
	[sflag:s4] =	ssyncset.s32 $0xFFFFF086  }
0x25: {  	[simem:s6], [sflag:s4] =	dma.local [hbm:s3], $0xF7A  }
0x26: {  	[smem:$0x3F97] =	sst s1;
	(tag) =	ssettag s2;
	_ =	strace s9  }
0x27: {  	s1 =	sld [smem:$0x3FA7]  }
0x28: {  	s2 =	sld [smem:$0x3FA8]  }
0x29: {  	s4 =	sld [smem:$0x3FAA]  }
0x2a: {  	p0 =	seq.s32 s5, $0x0;
	s5 =	sld [smem:$0x3FAB]  }
0x2b: {  	s6 =	sld [smem:$0x3FAC]  }
0x2c: {  	s7 =	sld [smem:$0x3FAD]  }
0x2d: {  	s3 =	simm.s32 $0x108;
	s8 =	sld [smem:$0x3FAE]  }
0x2e: {  	s3 =	simm.s32 @!p0 $0x1082;
	s9 =	sld [smem:$0x3FAF]  }
0x2f: {  	lr =	sadd.s32 s0, s3;
	s0 =	sld [smem:$0x3FA6]  }
0x30: {  	s3 =	sld [smem:$0x3FA9]  }
0x31: {  	[smem:$0x3FB2] =	sst s10  }
0x32: {  	s10 =	sld [smem:$0x3FB0];
	_ =	sdelay $0x3  }
0x33: {  	p0 =	seq.s32 s10, $0x1;
	s10 =	sld [smem:$0x3FB2];
	_ =	sdelay $0x3  }
0x34: {  	[smem:$0x3FB2] =	sst s10  }
0x35: {  	s10 =	sld [smem:$0x3FB1];
	_ =	sdelay $0x3  }
0x36: {  	p1 =	seq.s32 s10, $0x1;
	s10 =	sld [smem:$0x3FB2];
	_ =	sdelay $0x3  }
0x37: {  	[smem:$0x3FB2] =	sst s10  }
0x38: {  	s10 =	sld [smem:$0x3FB3]  }
0x39: {  	_ = 	snop;
	(pc) =	sbr.ind lr, $3  }
0x3a: {  	_ = 	snop  }
0x3b: {  	_ = 	snop  }
0x3c: {  	p2 =	seq.s32 s10, $0x1;
	s10 =	sld [smem:$0x3FB2]  }
0x3d: {  	_ =	shalt  }
0x3e: {  	_ =	shalt  }
0x3f: {  	_ =	shalt  }
0x40: {  	_ =	shalt  }
0x41: {  	_ =	shalt  }
0x42: {  	_ =	shalt  }
0x43: {  	_ =	shalt  }
0x44: {  	_ =	shalt  }
0x45: {  	_ =	shalt  }
0x46: {  	_ =	shalt  }
0x47: {  	_ =	shalt  }
0x48: {  	_ =	shalt  }
0x49: {  	_ =	shalt  }
0x4a: {  	_ =	shalt  }
0x4b: {  	_ =	shalt  }
0x4c: {  	_ =	shalt  }
0x4d: {  	_ =	shalt  }
0x4e: {  	_ =	shalt  }
0x4f: {  	_ =	shalt  }
0x50: {  	_ =	shalt  }
0x51: {  	_ =	shalt  }
0x52: {  	_ =	shalt  }
0x53: {  	_ =	shalt  }
0x54: {  	_ =	shalt  }
0x55: {  	_ =	shalt  }
0x56: {  	_ =	shalt  }
0x57: {  	_ =	shalt  }
0x58: {  	_ =	shalt  }
0x59: {  	_ =	shalt  }
0x5a: {  	_ =	shalt  }
0x5b: {  	_ =	shalt  }
0x5c: {  	_ =	shalt  }
0x5d: {  	_ =	shalt  }
0x5e: {  	_ =	shalt  }
0x5f: {  	_ =	shalt  }
0x60: {  	_ =	shalt  }
0x61: {  	_ =	shalt  }
0x62: {  	_ =	shalt  }
0x63: {  	_ =	shalt  }
0x64: {  	_ =	shalt  }
0x65: {  	_ =	shalt  }
0x66: {  	_ =	shalt  }
0x67: {  	_ =	shalt  }
0x68: {  	_ =	shalt  }
0x69: {  	_ =	shalt  }
0x6a: {  	_ =	shalt  }
0x6b: {  	_ =	shalt  }
0x6c: {  	_ =	shalt  }
0x6d: {  	_ =	shalt  }
0x6e: {  	_ =	shalt  }
0x6f: {  	_ =	shalt  }
0x70: {  	_ =	shalt  }
0x71: {  	_ =	shalt  }
0x72: {  	_ =	shalt  }
0x73: {  	_ =	shalt  }
0x74: {  	_ =	shalt  }
0x75: {  	_ =	shalt  }
0x76: {  	_ =	shalt  }
0x77: {  	_ =	shalt  }
0x78: {  	_ =	shalt  }
0x79: {  	_ =	shalt  }
0x7a: {  	_ =	shalt  }
0x7b: {  	_ =	shalt  }
0x7c: {  	_ =	shalt  }
0x7d: {  	_ =	shalt  }
0x7e: {  	_ =	shalt  }
0x7f: {  	_ =	shalt  }
0x80: {  	_ =	shalt  }
0x81: {  	_ =	shalt  }
0x82: {  	_ =	shalt  }
0x83: {  	_ =	shalt  }
0x84: {  	_ =	shalt  }
0x85: {  	_ =	shalt  }
0x86: {  	_ =	shalt  }
0x87: {  	_ =	shalt  }
.Lfunc_end0:
.L_simem_size_0:
called_computation.2_lowered:
.L_overlay_start_0:
0x88: {  	s2 =	sld [smem:$0x3FD9]  }
0x89: {  	s3 =	sld [smem:$0x3FFE];
	_ =	sdelay $0x1  }
0x8a: {  	s1 =	srdreg.scid  }
0x8b: {  	s0 =	sand.u32 $0x1, s1  }
0x8c: {  	s17 =	sshll.u32 s0, $0xA;
	s2 =	sadd.s32 s3, s2  }
0x8d: {  	s2 =	sadd.s32 s2, s17  }
0x8e: {  	[smem:$0x3FBE] =	sst s2  }
0x8f: {  	_ = 	snop  }
0x90: {  	s2 =	sld [smem:$0x3FD0];
	(tm) =	ssettm $0x1  }
0x91: {  	s18 =	sld [smem:$0x3FFB];
	_ =	sdelay $0x3  }
0x92: {  	_ =	strace s18  }
0x93: {  	s3 =	sld [smem:$0x3FFC];
	_ =	sdelay $0x3  }
0x94: {  	_ =	strace s3  }
0x95: {  	s3 =	sld [smem:$0x3FFD];
	_ =	sdelay $0x3  }
0x96: {  	_ =	strace s3  }
0x97: {  	_ =	strace $0x8FFFFFFF  }
0x98: {  	s19 =	sld [smem:$0x3FDB];
	_ =	sdelay $0x1  }
0x99: {  	s4 =	simm.s32 $_scs_section_size  }
0x9a: {  	s5 =	simm.s32 $_size__tile_overlayer_lowered;
	s6 =	simm.s32 $_tile_overlayer_lowered  }
0x9b: {  	s22 =	simm.s32 $0x1BFF;
	s21 =	sshll.u32 s6, $0x1;
	s3 =	sadd.s32 s4, s19  }
0x9c: {  	s7 =	simm.s32 $0x0;
	s20 =	sshll.u32 s5, $0x1;
	s5 =	sadd.s32 s21, s3  }
0x9d: {  	[timem:s7], [sflag:s22] =	dma.local [hbm:s5], s20  }
0x9e: {  	_ =	swait.ge [sflag:s22], s20  }
0x9f: {  	s4 =	ssub.s32 $0x0, s20;
	[sflag:s22] =	ssyncset.done $0x0  }
0xa0: {  	[sflag:s22] =	ssyncadd.s32 s4;
	_ =	sdelay $0x1  }
0xa1: {  	s23 =	simm.s32 $0x1B8B  }
0xa2: {  	_ =	swait.ge [sflag:s23], $0x1  }
0xa3: {  	[sflag:s23] =	ssyncset.done $0x0  }
0xa4: {  	s25 =	simm.s32 $0x1B8E;
	s24 =	sld [smem:$0x3FFE];
	[sflag:s23] =	ssyncadd.s32 $0xFFFFFFFF  }
0xa5: {  	s26 =	simm.s32 $execute0_lowered;
	[smem:$0x3FD2] =	sst s25  }
0xa6: {  	s5 =	sshll.u32 s26, $0x1;
	_ =	strace $0x8000004C;
	[dreg:$0x1] =	wrdreg $0xFFFFFFFF  }
0xa7: {  	s28 =	simm.s32 $_size_execute0_lowered;
	s3 =	sadd.s32 s3, s5;
	[dreg:$0x0] =	wrdreg $0x0  }
0xa8: {  	s5 =	sshll.u32 s28, $0x1;
	[dreg:$0x2] =	wrdreg s3  }
0xa9: {  	[dreg:$0x3] =	wrdreg s5  }
0xaa: {  	[dreg:$0x4] =	wrdreg $0xC0  }
0xab: {  	_ =	task [dreg:s7], $0x5FFFF  }
0xac: {  	[dreg:$0x1] =	wrdreg $0xFFFFFFFF  }
0xad: {  	[dreg:$0x0] =	wrdreg $0x60  }
0xae: {  	[dreg:$0x2] =	wrdreg s24  }
0xaf: {  	[dreg:$0x3] =	wrdreg s2  }
0xb0: {  	[dreg:$0x4] =	wrdreg $0x0  }
0xb1: {  	[dreg:$0x5] =	wrdreg $0x9  }
0xb2: {  	_ =	task.clear_ibuf [dreg:s7], $0x6FFFF;
	_ =	strace $0x9000004C  }
0xb3: {  	s29 =	simm.s32 $0x9;
	_ =	strace $0x8000004E  }
0xb4: {  	_ =	swait.ge [sflag:s29], $0x1  }
0xb5: {  	[sflag:s29] =	ssyncadd.s32 $0xFFFFFFFF  }
0xb6: {  	_ =	strace $0x9000004E  }
0xb7: {  	_ =	sfence  }
0xb8: {  	s30 =	sld [smem:$0x0];
	_ =	sdelay $0x2  }
0xb9: {  	s31 =	sshll.u32 s1, $0xD;
	s1 =	sshrl.u32 s1, $0x2  }
0xba: {  	s3 =	sand.u32 $0x4000, s31;
	s1 =	sadd.s32 s1, s30  }
0xbb: {  	s0 =	sor.u32 s3, s0;
	s1 =	sshll.u32 s1, $0x11  }
0xbc: {  	s0 =	sor.u32 s1, s0  }
0xbd: {  	s0 =	sadd.s32 $0x8F2B, s0  }
0xbe: {  	[sflag:s0] =	ssyncadd.remote.s32 $0x1  }
0xbf: {  	_ =	sfence.sel $0xFFFF  }
0xc0: {  	[dreg:$0x0] =	wrdreg $0xFFFFFFFF;
	(pc) =	sbr.abs _section_cstart, $3  }
0xc1: {  	[dreg:$0x1] =	wrdreg $0xFFFFFFFF  }
0xc2: {  	_ =	task.clear_ibuf [dreg:s7], $0x2FFFF;
	_ =	strace $0x9FFFFFFF  }
0xc3: {  	(tm) =	ssettm $0x7FFFFFFF  }
tec
execute0_lowered:
.L_overlay_start_1:
0x0: {  	(tag) =	ssettag $0x1  }
0x1: {  	s0 =	rddreg [dreg:$0x0]  }
0x2: {  	s1 =	rddreg [dreg:$0x1];
	s14 =	stileid.u32  }
0x3: {  	s3 =	srdreg.scid;
	s7 =	smul.u32 $0xA0, s14  }
0x4: {  	s2 =	rddreg [dreg:$0x2];
	s31 =	simm.s32 $0x5000;
	s5 =	smul.u32 $0x14, s14  }
0x5: {  	s6 =	sand.u32 $0x1, s3;
	s3 =	simm.s32 $0x0;
	s9 =	smul.u32 $0x14000, s14  }
0x6: {  	s16 =	sshll.u32 s14, $0x1;
	s4 =	smul.u32 $0xA00, s6;
	[smem:$0x7FF] =	sst s3  }
0x7: {  	s26 =	ssub.s32 $0x2, s6;
	s12 =	sshll.u32 s6, $0x4;
	s13 =	smul.u32 $0xA000, s6  }
0x8: {  	_ =	strace $0x8000004D;
	s10 =	sadd.s32 s5, s0;
	s11 =	sshrl.u32 s26, $0x1  }
0x9: {  	s9 =	sshrl.u32 s9, $0x2;
	s12 =	sor.u32 s14, s12;
	[dreg:$0x4] =	wrdreg s16  }
0xa: {  	s8 =	sadd.s32 s7, s4;
	s4 =	sadd.s32 $0x9800, s0;
	s11 =	ssub.s32 s26, s11  }
0xb: {  	s5 =	sadd.s32 s9, s2;
	s15 =	smul.u32 $0x140, s12;
	s7 =	sor.u32 s7, s13  }
0xc: {  	s25 =	sshrl.u32 s8, $0x3;
	s17 =	sadd.s32 $0x2800, s5;
	s18 =	sshrl.u32 s7, $0x3  }
0xd: {  	s19 =	sadd.s32 $0xA00, s7;
	s13 =	sadd.s32 $0x1400, s7;
	s21 =	sadd.s32 $0x1E00, s7  }
0xe: {  	s7 =	sadd.s32 $0x5000, s7;
	s8 =	sadd.s32 s25, s0;
	s0 =	sadd.s32 $0x13800, s0  }
0xf: {  	[dreg:$0x5] =	wrdreg s17;
	s12 =	sshrl.u32 s19, $0x3;
	s20 =	sshrl.u32 s13, $0x3  }
0x10: {  	s22 =	sshrl.u32 s21, $0x3;
	s17 =	smul.u32 $0x50000, s6;
	s9 =	sadd.s32 s0, s15  }
0x11: {  	s6 =	smul.u32 $0xA, s6;
	s12 =	sadd.s32 s0, s12;
	[dreg:$0x6] =	wrdreg s9  }
0x12: {  	s7 =	sshrl.u32 s7, $0x3;
	s9 =	sadd.s32 s0, s18;
	[dreg:$0x7] =	wrdreg s12  }
0x13: {  	s12 =	sadd.s32 s0, s20;
	s18 =	smul.u32 $0x5000, s14;
	s26 =	sadd.s32 s6, s10  }
0x14: {  	[dreg:$0x8] =	wrdreg s12;
	s12 =	sadd.s32 s0, s22;
	s23 =	sadd.s32 $0x500, s9  }
0x15: {  	s24 =	sadd.s32 $0x640, s9;
	s15 =	sadd.s32 $0x780, s9;
	s16 =	sadd.s32 $0x8C0, s9  }
0x16: {  	s19 =	sadd.s32 $0xC80, s9;
	s21 =	sadd.s32 $0xDC0, s9;
	[dreg:$0x9] =	wrdreg s12  }
0x17: {  	s22 =	sadd.s32 $0x4400, s8;
	s28 =	sadd.s32 $0x1040, s9;
	[dreg:$0xa] =	wrdreg s23  }
0x18: {  	s29 =	sadd.s32 $0x1180, s9;
	s30 =	sadd.s32 $0x12C0, s9;
	[dreg:$0xb] =	wrdreg s24  }
0x19: {  	s18 =	sadd.s32 s18, s17;
	s17 =	sadd.s32 s0, s7;
	s23 =	smax.u32 s11, $0x1  }
0x1a: {  	s24 =	sadd.s32 $0x4800, s26;
	s0 =	simm.s32 $0x1;
	s25 =	sshrl.u32 s18, $0x3  }
0x1b: {  	s7 =	simm.s32 $0x0;
	s18 =	sadd.s32 $0xB40, s9;
	s20 =	sadd.s32 s1, s25  }
0x1c: {  	v0 =	vimm.f32 $0.0e+00;
	s25 =	sadd.s32 $0x7000, s26;
	s26 =	sadd.s32 $0xF00, s9;
	s1 =	simm.s32 $0x2  }
.LBB2_1:
0x1d: {  	s6 =	sand.u32 $0xFE00, s3  }
0x1e: {  	s8 =	sand.u32 $0x70, s3;
	s10 =	sshrl.u32 s6, $0x2  }
0x1f: {  	s6 =	simm.s32 $0x40;
	s10 =	sor.u32 s8, s10;
	s8 =	simm.s32 $0x0  }
.LBB2_2:
0x20: {  	p0 =	sne.s32 s6, $0x9FC0  }
0x21: {  	[tilespmem:s10+$0x5000] =	vst v0;
	s8 =	sadd.s32 $0x10, s8;
	s10 =	smov.u32 s6;
	s6 =	sadd.s32 $0x40, s6  }
.Ltmp0:
0x22: {  	(pc) =	sbr.rel @p0 .LBB2_2-.Ltmp0, $4  }
0x23: {  	_ = 	snop  }
0x24: {  	s10 =	sand.u32 $0xFE00, s10  }
0x25: {  	s11 =	sand.u32 $0x70, s8;
	s10 =	sshrl.u32 s10, $0x2  }
0x26: {  	s10 =	sor.u32 s11, s10  }
0x27: {  	[tilespmem:s10+$0x5000] =	vst v0  }
0x28: {  	[spmem:s5] =	stream.linear.scatter [tilespmem:s31], [sflag:$0x2], $0x2800, $0x38;
	[tilespmem:$0x8D00] =	vst v63  }
0x29: {  	_ =	swait.ge [sflag:s1], $0x2800  }
0x2a: {  	[sflag:s1] =	ssyncset.done $0x0  }
0x2b: {  	s6 =	rddreg [dreg:$0x5];
	[sflag:s1] =	ssyncadd.s32 $0xFFFFD800  }
0x2c: {  	[spmem:s6] =	stream.linear.scatter [tilespmem:s31], [sflag:$0x2], $0x2800, $0x38;
	[tilespmem:$0x8D00] =	vst v63  }
0x2d: {  	_ =	swait.ge [sflag:s1], $0x2800  }
0x2e: {  	[sflag:s1] =	ssyncset.done $0x0  }
0x2f: {  	s8 =	simm.s32 $0x0;
	s6 =	simm.s32 $0x40;
	[sflag:s1] =	ssyncadd.s32 $0xFFFFD800  }
.LBB2_4:
0x30: {  	p0 =	sne.s32 s6, $0x27C0;
	[tilespmem:s8+$0x7900] =	vst v0;
	s8 =	smov.u32 s6;
	s6 =	sadd.s32 $0x40, s6  }
.Ltmp1:
0x31: {  	(pc) =	sbr.rel @p0 .LBB2_4-.Ltmp1, $2  }
0x32: {  	_ =	sdelay $0x2  }
0x33: {  	s8 =	sshra.s32 s8, $0x2  }
0x34: {  	[tilespmem:s8+$0x7900] =	vst v0  }
0x35: {  	[bflag:$0x0] =	sbarrier.arrive $0xFFFF  }
0x36: {  	s6 =	simm.s32 $0x0;
	s8 =	rddreg [dreg:$0x4]  }
.LBB2_6:
0x37: {  	p0 =	sgt.u32 s8, $0x3E7  }
0x38: {  	s10 =	sadd.s32 @!p0 s6, s24;
	s11 =	simm.s32 @!p0 $0x0;
	s12 =	simm.s32 @!p0 $0x7800  }
0x39: {  	[tilespmem:s12], [sflag:$0x2] =	stream.linear.gather @!p0 [hbm4b:s10+s11], $0x50, $0x38;
	[tilespmem:$0x8D00] =	vst v63  }
0x3a: {  	s10 =	simm.s32 @!p0 $0x2  }
0x3b: {  	_ =	swait.ge @!p0 [sflag:s10], $0x50  }
0x3c: {  	[sflag:s10] =	ssyncset.done @!p0 $0x0  }
0x3d: {  	s13 =	sadd.s32 @!p0 s6, s25;
	s14 =	simm.s32 @!p0 $0x7880;
	[sflag:s10] =	ssyncadd.s32 @!p0 $0xFFFFFFB0  }
0x3e: {  	[tilespmem:s14], [sflag:$0x2] =	stream.linear.gather @!p0 [hbm4b:s13+s11], $0x50, $0x38;
	[tilespmem:$0x8D00] =	vst v63  }
0x3f: {  	_ =	swait.ge @!p0 [sflag:s10], $0x50  }
0x40: {  	[sflag:s10] =	ssyncset.done @!p0 $0x0  }
0x41: {  	s11 =	simm.s32 @!p0 $0x50;
	s13 =	simm.s32 @!p0 $0x5000;
	[sflag:s10] =	ssyncadd.s32 @!p0 $0xFFFFFFB0  }
0x42: {  	[tilespmem:s13], [sflag:$0x1] =	stream.indirect.gather @!p0 [hbm4b:s4+s11], $0x80, s14, s11, $0xb8;
	[tilespmem:$0x8D00] =	vst v63  }
0x43: {  	s14 =	simm.s32 @!p0 $0x1  }
0x44: {  	_ =	swait.ge @!p0 [sflag:s14], $0x2800  }
0x45: {  	[sflag:s14] =	ssyncset.done @!p0 $0x0  }
0x46: {  	[sflag:s14] =	ssyncadd.s32 @!p0 $0xFFFFD800  }
0x47: {  	[spmem:s2] =	stream.indirect.scatter.add.f32 @!p0 [tilespmem:s13], [sflag:$0x2], $0x80, s12, s11, $0xb8;
	[tilespmem:$0x8D00] =	vst v63  }
0x48: {  	_ =	swait.ge @!p0 [sflag:s10], $0x2800  }
0x49: {  	[sflag:s10] =	ssyncset.done @!p0 $0x0  }
0x4a: {  	[sflag:s10] =	ssyncadd.s32 @!p0 $0xFFFFD800  }
0x4b: {  	v1 =	vld @!p0 [tilespmem:$0x7800];
	_ =	sdelay $0x6  }
0x4c: {  	v2 =	vimm.f32 @!p0 $1.000000000e+00;
	s10 =	simm.s32 @!p0 $0x7900  }
0x4d: {  	[tilespmem:v1+s10+$0x0] =	vst.idx.add.f32.msk @!p0 $0xffff, v2  }
0x4e: {  	v1 =	vld @!p0 [tilespmem:$0x7810];
	_ =	sdelay $0x7  }
0x4f: {  	[tilespmem:v1+s10+$0x0] =	vst.idx.add.f32.msk @!p0 $0xffff, v2  }
0x50: {  	v1 =	vld @!p0 [tilespmem:$0x7820];
	_ =	sdelay $0x7  }
0x51: {  	[tilespmem:v1+s10+$0x0] =	vst.idx.add.f32.msk @!p0 $0xffff, v2  }
0x52: {  	v1 =	vld @!p0 [tilespmem:$0x7830];
	_ =	sdelay $0x7  }
0x53: {  	[tilespmem:v1+s10+$0x0] =	vst.idx.add.f32.msk @!p0 $0xffff, v2  }
0x54: {  	v1 =	vld @!p0 [tilespmem:$0x7840];
	_ =	sdelay $0x1  }
0x55: {  	s6 =	sadd.s32 $0x140, s6  }
0x56: {  	p1 =	sne.s32 s6, $0x2800  }
.Ltmp2:
0x57: {  	_ = 	snop;
	(pc) =	sbr.rel @p1 .LBB2_6-.Ltmp2, $2  }
0x58: {  	_ =	sdelay $0x2  }
0x59: {  	s8 =	sadd.s32 $0x20, s8;
	[tilespmem:v1+s10+$0x0] =	vst.idx.add.f32.msk @!p0 $0xffff, v2  }
0x5a: {  	s10 =	simm.s32 $0x0;
	s8 =	simm.s32 $0x7900;
	s6 =	rddreg [dreg:$0x6]  }
0x5b: {  	[hbm4b:s6+s10] =	stream.linear.scatter [tilespmem:s8], [sflag:$0x2], $0xA00, $0x38;
	[tilespmem:$0x8D00] =	vst v63  }
0x5c: {  	_ =	swait.ge [sflag:s1], $0xA00  }
0x5d: {  	[sflag:s1] =	ssyncset.done $0x0  }
0x5e: {  	[sflag:s1] =	ssyncadd.s32 $0xFFFFF600  }
0x5f: {  	s11 =	simm.s32 $0x8300;
	[bflag:$0x0] =	sbarrier.arrive $0xFFFF  }
0x60: {  	[tilespmem:s11], [sflag:$0x1] =	stream.linear.gather [hbm4b:s9+s10], $0xA0, $0x38;
	[tilespmem:$0x8D00] =	vst v63  }
0x61: {  	s12 =	rddreg [dreg:$0x7];
	s11 =	simm.s32 $0x83A0  }
0x62: {  	[tilespmem:s11], [sflag:$0x1] =	stream.linear.gather [hbm4b:s12+s10], $0xA0, $0x38;
	[tilespmem:$0x8D00] =	vst v63  }
0x63: {  	s14 =	simm.s32 $0x8440;
	s13 =	rddreg [dreg:$0x8]  }
0x64: {  	[tilespmem:s14], [sflag:$0x1] =	stream.linear.gather [hbm4b:s13+s10], $0xA0, $0x38;
	[tilespmem:$0x8D00] =	vst v63  }
0x65: {  	s11 =	rddreg [dreg:$0x9];
	s12 =	simm.s32 $0x84E0  }
0x66: {  	[tilespmem:s12], [sflag:$0x1] =	stream.linear.gather [hbm4b:s11+s10], $0xA0, $0x38;
	[tilespmem:$0x8D00] =	vst v63  }
0x67: {  	s13 =	rddreg [dreg:$0xa];
	s14 =	simm.s32 $0x8580  }
0x68: {  	[tilespmem:s14], [sflag:$0x1] =	stream.linear.gather [hbm4b:s13+s10], $0xA0, $0x38;
	[tilespmem:$0x8D00] =	vst v63  }
0x69: {  	s11 =	rddreg [dreg:$0xb];
	s12 =	simm.s32 $0x8620  }
0x6a: {  	[tilespmem:s12], [sflag:$0x1] =	stream.linear.gather [hbm4b:s11+s10], $0xA0, $0x38;
	[tilespmem:$0x8D00] =	vst v63  }
0x6b: {  	s13 =	simm.s32 $0x86C0  }
0x6c: {  	[tilespmem:s13], [sflag:$0x1] =	stream.linear.gather [hbm4b:s15+s10], $0xA0, $0x38;
	[tilespmem:$0x8D00] =	vst v63  }
0x6d: {  	s14 =	simm.s32 $0x8760  }
0x6e: {  	[tilespmem:s14], [sflag:$0x1] =	stream.linear.gather [hbm4b:s16+s10], $0xA0, $0x38;
	[tilespmem:$0x8D00] =	vst v63  }
0x6f: {  	s11 =	simm.s32 $0x8800  }
0x70: {  	[tilespmem:s11], [sflag:$0x1] =	stream.linear.gather [hbm4b:s17+s10], $0xA0, $0x38;
	[tilespmem:$0x8D00] =	vst v63  }
0x71: {  	s6 =	simm.s32 $0x88A0  }
0x72: {  	[tilespmem:s6], [sflag:$0x1] =	stream.linear.gather [hbm4b:s18+s10], $0xA0, $0x38;
	[tilespmem:$0x8D00] =	vst v63  }
0x73: {  	s12 =	simm.s32 $0x8940  }
0x74: {  	[tilespmem:s12], [sflag:$0x1] =	stream.linear.gather [hbm4b:s19+s10], $0xA0, $0x38;
	[tilespmem:$0x8D00] =	vst v63  }
0x75: {  	s13 =	simm.s32 $0x89E0  }
0x76: {  	[tilespmem:s13], [sflag:$0x1] =	stream.linear.gather [hbm4b:s21+s10], $0xA0, $0x38;
	[tilespmem:$0x8D00] =	vst v63  }
0x77: {  	s14 =	simm.s32 $0x8A80  }
0x78: {  	[tilespmem:s14], [sflag:$0x1] =	stream.linear.gather [hbm4b:s26+s10], $0xA0, $0x38;
	[tilespmem:$0x8D00] =	vst v63  }
0x79: {  	s12 =	simm.s32 $0x8B20  }
0x7a: {  	[tilespmem:s12], [sflag:$0x1] =	stream.linear.gather [hbm4b:s28+s10], $0xA0, $0x38;
	[tilespmem:$0x8D00] =	vst v63  }
0x7b: {  	s13 =	simm.s32 $0x8BC0  }
0x7c: {  	[tilespmem:s13], [sflag:$0x1] =	stream.linear.gather [hbm4b:s29+s10], $0xA0, $0x38;
	[tilespmem:$0x8D00] =	vst v63  }
0x7d: {  	s14 =	simm.s32 $0x8C60  }
0x7e: {  	[tilespmem:s14], [sflag:$0x1] =	stream.linear.gather [hbm4b:s30+s10], $0xA0, $0x38;
	[tilespmem:$0x8D00] =	vst v63  }
0x7f: {  	_ =	swait.ge [sflag:s0], $0xA0  }
0x80: {  	[sflag:s0] =	ssyncset.done $0x0  }
0x81: {  	[sflag:s0] =	ssyncadd.s32 $0xFFFFFF60  }
0x82: {  	_ =	swait.ge [sflag:s0], $0xA0  }
0x83: {  	[sflag:s0] =	ssyncset.done $0x0  }
0x84: {  	[sflag:s0] =	ssyncadd.s32 $0xFFFFFF60  }
0x85: {  	_ =	swait.ge [sflag:s0], $0xA0  }
0x86: {  	[sflag:s0] =	ssyncset.done $0x0  }
0x87: {  	[sflag:s0] =	ssyncadd.s32 $0xFFFFFF60  }
0x88: {  	_ =	swait.ge [sflag:s0], $0xA0  }
0x89: {  	[sflag:s0] =	ssyncset.done $0x0  }
0x8a: {  	[sflag:s0] =	ssyncadd.s32 $0xFFFFFF60  }
0x8b: {  	_ =	swait.ge [sflag:s0], $0xA0  }
0x8c: {  	[sflag:s0] =	ssyncset.done $0x0  }
0x8d: {  	[sflag:s0] =	ssyncadd.s32 $0xFFFFFF60  }
0x8e: {  	_ =	swait.ge [sflag:s0], $0xA0  }
0x8f: {  	[sflag:s0] =	ssyncset.done $0x0  }
0x90: {  	[sflag:s0] =	ssyncadd.s32 $0xFFFFFF60  }
0x91: {  	_ =	swait.ge [sflag:s0], $0xA0  }
0x92: {  	[sflag:s0] =	ssyncset.done $0x0  }
0x93: {  	[sflag:s0] =	ssyncadd.s32 $0xFFFFFF60  }
0x94: {  	_ =	swait.ge [sflag:s0], $0xA0  }
0x95: {  	[sflag:s0] =	ssyncset.done $0x0  }
0x96: {  	[sflag:s0] =	ssyncadd.s32 $0xFFFFFF60  }
0x97: {  	_ =	swait.ge [sflag:s0], $0xA0  }
0x98: {  	[sflag:s0] =	ssyncset.done $0x0  }
0x99: {  	[sflag:s0] =	ssyncadd.s32 $0xFFFFFF60  }
0x9a: {  	_ =	swait.ge [sflag:s0], $0xA0  }
0x9b: {  	[sflag:s0] =	ssyncset.done $0x0  }
0x9c: {  	[sflag:s0] =	ssyncadd.s32 $0xFFFFFF60  }
0x9d: {  	_ =	swait.ge [sflag:s0], $0xA0  }
0x9e: {  	[sflag:s0] =	ssyncset.done $0x0  }
0x9f: {  	[sflag:s0] =	ssyncadd.s32 $0xFFFFFF60  }
0xa0: {  	_ =	swait.ge [sflag:s0], $0xA0  }
0xa1: {  	[sflag:s0] =	ssyncset.done $0x0  }
0xa2: {  	[sflag:s0] =	ssyncadd.s32 $0xFFFFFF60  }
0xa3: {  	_ =	swait.ge [sflag:s0], $0xA0  }
0xa4: {  	[sflag:s0] =	ssyncset.done $0x0  }
0xa5: {  	[sflag:s0] =	ssyncadd.s32 $0xFFFFFF60  }
0xa6: {  	_ =	swait.ge [sflag:s0], $0xA0  }
0xa7: {  	[sflag:s0] =	ssyncset.done $0x0  }
0xa8: {  	[sflag:s0] =	ssyncadd.s32 $0xFFFFFF60  }
0xa9: {  	_ =	swait.ge [sflag:s0], $0xA0  }
0xaa: {  	[sflag:s0] =	ssyncset.done $0x0  }
0xab: {  	[sflag:s0] =	ssyncadd.s32 $0xFFFFFF60  }
0xac: {  	_ =	swait.ge [sflag:s0], $0xA0  }
0xad: {  	[sflag:s0] =	ssyncset.done $0x0  }
0xae: {  	[sflag:s0] =	ssyncadd.s32 $0xFFFFFF60  }
0xaf: {  	v1 =	vld [tilespmem:s6+$0xFFFFFB00]  }
0xb0: {  	v2 =	vld [tilespmem:s6+$0xFFFFFA60];
	_ =	sdelay $0x1  }
0xb1: {  	v3 =	vld [tilespmem:s6+$0xFFFFFBA0];
	_ =	sdelay $0x1  }
0xb2: {  	v4 =	vld [tilespmem:s6+$0xFFFFFC40]  }
0xb3: {  	s10 =	sand.u32 $0xF0, s10;
	v1 =	vadd.f32 v1, v2  }
0xb4: {  	v2 =	vld [tilespmem:s10+$0x8580]  }
0xb5: {  	v1 =	vadd.f32 v3, v1  }
0xb6: {  	v3 =	vld [tilespmem:s6+$0xFFFFFD80]  }
0xb7: {  	v1 =	vadd.f32 v4, v1  }
0xb8: {  	v60 =	vld [tilespmem:s6+$0xFFFFFE20]  }
0xb9: {  	v1 =	vadd.f32 v2, v1  }
0xba: {  	v2 =	vld [tilespmem:s6+$0xFFFFFEC0]  }
0xbb: {  	v1 =	vadd.f32 v3, v1  }
0xbc: {  	v3 =	vld [tilespmem:s10+$0x8800]  }
0xbd: {  	v1 =	vadd.f32 v60, v1  }
0xbe: {  	v61 =	vld [tilespmem:s6+$0x0]  }
0xbf: {  	v1 =	vadd.f32 v2, v1  }
0xc0: {  	v2 =	vld [tilespmem:s6+$0xA0]  }
0xc1: {  	v1 =	vadd.f32 v3, v1  }
0xc2: {  	v3 =	vld [tilespmem:s6+$0x140]  }
0xc3: {  	v1 =	vadd.f32 v61, v1  }
0xc4: {  	v62 =	vld [tilespmem:s10+$0x8A80]  }
0xc5: {  	v1 =	vadd.f32 v2, v1  }
0xc6: {  	v2 =	vld [tilespmem:s6+$0x280]  }
0xc7: {  	v1 =	vadd.f32 v3, v1  }
0xc8: {  	v3 =	vld [tilespmem:s6+$0x320]  }
0xc9: {  	v1 =	vadd.f32 v62, v1  }
0xca: {  	v63 =	vld [tilespmem:s6+$0x3C0]  }
0xcb: {  	v1 =	vadd.f32 v2, v1;
	_ =	sdelay $0x1  }
0xcc: {  	v1 =	vadd.f32 v3, v1;
	_ =	sdelay $0x1  }
0xcd: {  	v1 =	vadd.f32 v63, v1;
	_ =	sdelay $0x1  }
0xce: {  	s6 =	simm.s32 $0x88B0;
	[tilespmem:s8+$0x0] =	vst v1  }
0xcf: {  	v1 =	vld [tilespmem:s6+$0xFFFFFB00]  }
0xd0: {  	s11 =	simm.s32 $0x20;
	s10 =	simm.s32 $0x10;
	v2 =	vld [tilespmem:s6+$0xFFFFFA60]  }
.LBB2_8:
0xd1: {  	p0 =	sne.s32 s11, $0x90  }
0xd2: {  	v3 =	vld [tilespmem:s6+$0xFFFFFBA0];
	_ =	sdelay $0x1  }
0xd3: {  	v4 =	vld [tilespmem:s6+$0xFFFFFC40]  }
0xd4: {  	s12 =	sand.u32 $0xF0, s10;
	s10 =	smov.u32 s11;
	v1 =	vadd.f32 v1, v2  }
0xd5: {  	v2 =	vld [tilespmem:s12+$0x8580]  }
0xd6: {  	v1 =	vadd.f32 v3, v1  }
0xd7: {  	v3 =	vld [tilespmem:s6+$0xFFFFFD80]  }
0xd8: {  	v1 =	vadd.f32 v4, v1  }
0xd9: {  	v4 =	vld [tilespmem:s6+$0xFFFFFE20]  }
0xda: {  	v1 =	vadd.f32 v2, v1  }
0xdb: {  	v2 =	vld [tilespmem:s6+$0xFFFFFEC0]  }
0xdc: {  	v1 =	vadd.f32 v3, v1  }
0xdd: {  	v3 =	vld [tilespmem:s12+$0x8800]  }
0xde: {  	v1 =	vadd.f32 v4, v1  }
0xdf: {  	v4 =	vld [tilespmem:s6+$0x0]  }
0xe0: {  	v1 =	vadd.f32 v2, v1  }
0xe1: {  	v2 =	vld [tilespmem:s6+$0xA0]  }
0xe2: {  	v1 =	vadd.f32 v3, v1  }
0xe3: {  	v3 =	vld [tilespmem:s6+$0x140]  }
0xe4: {  	v1 =	vadd.f32 v4, v1  }
0xe5: {  	v4 =	vld [tilespmem:s12+$0x8A80]  }
0xe6: {  	v1 =	vadd.f32 v2, v1  }
0xe7: {  	v2 =	vld [tilespmem:s6+$0x280]  }
0xe8: {  	v1 =	vadd.f32 v3, v1  }
0xe9: {  	v3 =	vld [tilespmem:s6+$0x320]  }
0xea: {  	v1 =	vadd.f32 v4, v1  }
0xeb: {  	v4 =	vld [tilespmem:s6+$0x3C0]  }
0xec: {  	v1 =	vadd.f32 v2, v1;
	_ =	sdelay $0x1  }
0xed: {  	v1 =	vadd.f32 v3, v1;
	_ =	sdelay $0x1  }
.Ltmp3:
0xee: {  	v1 =	vadd.f32 v4, v1;
	(pc) =	sbr.rel @p0 .LBB2_8-.Ltmp3, $4  }
0xef: {  	s8 =	sadd.s32 $0x10, s8  }
0xf0: {  	s6 =	sadd.s32 $0x10, s6;
	[tilespmem:s8+$0x0] =	vst v1  }
0xf1: {  	v1 =	vld [tilespmem:s6+$0xFFFFFB00]  }
0xf2: {  	s11 =	sadd.s32 $0x10, s11;
	v2 =	vld [tilespmem:s6+$0xFFFFFA60]  }
0xf3: {  	_ = 	snop  }
0xf4: {  	v3 =	vld [tilespmem:s6+$0xFFFFFBA0];
	_ =	sdelay $0x1  }
0xf5: {  	v4 =	vld [tilespmem:s6+$0xFFFFFC40]  }
0xf6: {  	s10 =	sand.u32 $0xF0, s10;
	v1 =	vadd.f32 v1, v2  }
0xf7: {  	v2 =	vld [tilespmem:s10+$0x8580]  }
0xf8: {  	v1 =	vadd.f32 v3, v1  }
0xf9: {  	v3 =	vld [tilespmem:s6+$0xFFFFFD80]  }
0xfa: {  	v1 =	vadd.f32 v4, v1  }
0xfb: {  	v60 =	vld [tilespmem:s6+$0xFFFFFE20]  }
0xfc: {  	v1 =	vadd.f32 v2, v1  }
0xfd: {  	v2 =	vld [tilespmem:s6+$0xFFFFFEC0]  }
0xfe: {  	v1 =	vadd.f32 v3, v1  }
0xff: {  	v3 =	vld [tilespmem:s10+$0x8800]  }
0x100: {  	v1 =	vadd.f32 v60, v1  }
0x101: {  	v61 =	vld [tilespmem:s6+$0x0]  }
0x102: {  	v1 =	vadd.f32 v2, v1  }
0x103: {  	v2 =	vld [tilespmem:s6+$0xA0]  }
0x104: {  	v1 =	vadd.f32 v3, v1  }
0x105: {  	v3 =	vld [tilespmem:s6+$0x140]  }
0x106: {  	v1 =	vadd.f32 v61, v1  }
0x107: {  	v62 =	vld [tilespmem:s10+$0x8A80]  }
0x108: {  	v1 =	vadd.f32 v2, v1  }
0x109: {  	v2 =	vld [tilespmem:s6+$0x280]  }
0x10a: {  	v1 =	vadd.f32 v3, v1  }
0x10b: {  	v3 =	vld [tilespmem:s6+$0x320]  }
0x10c: {  	v1 =	vadd.f32 v62, v1  }
0x10d: {  	v63 =	vld [tilespmem:s6+$0x3C0]  }
0x10e: {  	v1 =	vadd.f32 v2, v1;
	_ =	sdelay $0x1  }
0x10f: {  	v1 =	vadd.f32 v3, v1;
	_ =	sdelay $0x1  }
0x110: {  	v1 =	vadd.f32 v63, v1  }
0x111: {  	s11 =	sadd.s32 $0x10, s8  }
0x112: {  	s12 =	simm.s32 $0x7900;
	[tilespmem:s11+$0x0] =	vst v1  }
0x113: {  	[hbm4b:s22+s3] =	stream.linear.scatter [tilespmem:s12], [sflag:$0x2], $0xA0, $0x38;
	[tilespmem:$0x8D00] =	vst v63  }
0x114: {  	s13 =	stileid.u32;
	_ =	swait.ge [sflag:s1], $0xA0  }
0x115: {  	s14 =	sshrl.u32 s5, $0x3;
	s7 =	sadd.s32 $0x1, s7;
	[sflag:s1] =	ssyncset.done $0x0  }
0x116: {  	p0 =	sne.s32 s7, s23;
	s6 =	sshll.u32 s13, $0x6;
	[sflag:s1] =	ssyncadd.s32 $0xFFFFFF60  }
.Ltmp4:
0x117: {  	s6 =	sor.u32 $0x1C02, s6;
	[bflag:$0x0] =	sbarrier.arrive $0xFFFF;
	(pc) =	sbr.rel @p0 .LBB2_1-.Ltmp4, $4  }
0x118: {  	[hbm:s20], [sflag:s6] =	dma.local [spmem:s14], $0xA00  }
0x119: {  	_ =	swait.ge [sflag:s1], $0xA00  }
0x11a: {  	[sflag:s1] =	ssyncset.done $0x0  }
0x11b: {  	[sflag:s1] =	ssyncadd.s32 $0xFFFFF600  }
0x11c: {  	_ =	sfence.sel $0x180000  }
0x11d: {  	[bflag:$0x0] =	sbarrier.arrive $0xFFFF  }
0x11e: {  	_ =	strace $0x9000004D  }
0x11f: {  	s0 =	stileid.u32;
	[bflag:$0x2] =	sbarrier.arrive $0xFFFF  }
0x120: {  	p0 =	sne.s32 s0, $0x0;
	s0 =	rddreg [dreg:$0x3]  }
0x121: {  	s0 =	sadd.s32 @!p0 $0x100000, s0  }
0x122: {  	[sflag:s0] =	ssyncadd.tile.s32 @!p0 $0x1;
	_ =	shalt  }
.Lfunc_end2:
_tile_overlayer_lowered:
.L_overlay_start_2:
0x123: {  	(tag) =	ssettag $0x2  }
0x124: {  	s0 =	rddreg [dreg:$0x0];
	s2 =	stileid.u32  }
0x125: {  	s1 =	rddreg [dreg:$0x1];
	p0 =	sne.s32 s2, $0x0  }
0x126: {  	s3 =	rddreg [dreg:$0x2];
	[bflag:$0x3] =	sbarrier.arrive $0xFFFF;
	s2 =	simm.s32 @!p0 $0x1C02  }
0x127: {  	[timem:s3], [sflag:s2] =	dma.local @!p0 [hbm:s0], s1  }
0x128: {  	s0 =	simm.s32 @!p0 $0x2  }
0x129: {  	_ =	swait.ge @!p0 [sflag:s0], s1  }
0x12a: {  	s1 =	ssub.s32 @!p0 $0x0, s1;
	[sflag:s0] =	ssyncset.done @!p0 $0x0  }
0x12b: {  	[sflag:s0] =	ssyncadd.s32 @!p0 s1  }
0x12c: {  	[bflag:$0x3] =	sbarrier.arrive $0xFFFF  }
0x12d: {  	_ =	shalt  }

// kernel: kernel.24.cloned.1.call-start
scs
__scs_entry_jumppad:
0x0: {  	(pc) =	sbr.rel $0x88, $3  }
0x1: {  	(tag) =	ssettag $0x0;
	lr =	simm.s32 $0x1  }
0x2: {  	[smem:$0x3F97] =	sst lr;
	_ =	strace $0xD0000000  }
0x3: {  	_ = 	snop  }
0x4: {  	_ = 	snop  }
0x5: {  	_ = 	snop  }
0x6: {  	_ = 	snop  }
0x7: {  	_ = 	snop  }
__scs_overlays_trampoline_lowered:
0x8: {  	[smem:$0x3FA6] =	sst s0  }
0x9: {  	[smem:$0x3FA7] =	sst s1  }
0xa: {  	[smem:$0x3FA8] =	sst s2  }
0xb: {  	[smem:$0x3FA9] =	sst s3  }
0xc: {  	[smem:$0x3FAA] =	sst s4  }
0xd: {  	[smem:$0x3FAB] =	sst s5  }
0xe: {  	[smem:$0x3FAC] =	sst s6  }
0xf: {  	[smem:$0x3FAD] =	sst s7  }
0x10: {  	[smem:$0x3FAE] =	sst s8  }
0x11: {  	[smem:$0x3FAF] =	sst s9;
	s0 =	simm.s32 @!p0 $0x0  }
0x12: {  	s1 =	sld [smem:$0x3F95];
	s0 =	simm.s32 @p0 $0x1  }
0x13: {  	[smem:$0x3FB0] =	sst s0;
	s0 =	simm.s32 @!p1 $0x0  }
0x14: {  	s2 =	sld [smem:$0x3F94];
	s0 =	simm.s32 @p1 $0x1  }
0x15: {  	[smem:$0x3FB1] =	sst s0;
	s0 =	simm.s32 @!p2 $0x0  }
0x16: {  	s3 =	sld [smem:$0x3FDB];
	s0 =	simm.s32 @p2 $0x1  }
0x17: {  	s4 =	simm.s32 $0x1BF5;
	[smem:$0x3FB3] =	sst s0  }
0x18: {  	s0 =	sld [smem:$0x3F96];
	_ =	swait.ge [sflag:s4], $0x0  }
0x19: {  	s7 =	sld [smem:$0x3F97]  }
0x1a: {  	s8 =	sadd.s32 $0xFFFFE003, lr  }
0x1b: {  	s9 =	sadd.s32 $0xFFFFFEF7, lr;
	s5 =	simm.s32 $0xFFFFFFFF;
	p2 =	slt.u32 s8, $0xFFFFF086  }
0x1c: {  	p1 =	slt.u32 s9, $0xF7A;
	s5 =	simm.s32 @!p2 $0x0  }
0x1d: {  	s5 =	simm.s32 @p1 $0x1;
	p0 =	seq.s32 s7, s2  }
0x1e: {  	s7 =	smul.u32 @!p0 $0xF7A, s2;
	p2 =	seq.s32 @!p0 s5, $0x0  }
0x1f: {  	s9 =	smul.u32 $0xF7A, s1;
	s8 =	simm.s32 @!p0 $0x1BF5;
	p2 =	por !p2, p0  }
0x20: {  	[sflag:s8] =	ssyncset.s32 @!p0 $0xFFFFF086;
	s6 =	sadd.s32 @!p0 s3, s7;
	s7 =	simm.s32 @!p0 $0x108  }
0x21: {  	s3 =	sadd.s32 s3, s9;
	s6 =	sadd.s32 @!p0 $0x88, s6;
	s7 =	simm.s32 @p2 $0x1082  }
0x22: {  	[simem:s7], [sflag:s8] =	dma.local @!p0 [hbm:s6], $0xF7A  }
0x23: {  	s9 =	sor.u32 $0xD0000000, s2;
	s6 =	simm.s32 $0x108;
	_ =	swait.ge @!p0 [sflag:s8], $0x0  }
0x24: {  	s3 =	sadd.s32 $0x88, s3;
	s6 =	simm.s32 @!p1 $0x1082;
	[sflag:s4] =	ssyncset.s32 $0xFFFFF086  }
0x25: {  	[simem:s6], [sflag:s4] =	dma.local [hbm:s3], $0xF7A  }
0x26: {  	[smem:$0x3F97] =	sst s1;
	(tag) =	ssettag s2;
	_ =	strace s9  }
0x27: {  	s1 =	sld [smem:$0x3FA7]  }
0x28: {  	s2 =	sld [smem:$0x3FA8]  }
0x29: {  	s4 =	sld [smem:$0x3FAA]  }
0x2a: {  	p0 =	seq.s32 s5, $0x0;
	s5 =	sld [smem:$0x3FAB]  }
0x2b: {  	s6 =	sld [smem:$0x3FAC]  }
0x2c: {  	s7 =	sld [smem:$0x3FAD]  }
0x2d: {  	s3 =	simm.s32 $0x108;
	s8 =	sld [smem:$0x3FAE]  }
0x2e: {  	s3 =	simm.s32 @!p0 $0x1082;
	s9 =	sld [smem:$0x3FAF]  }
0x2f: {  	lr =	sadd.s32 s0, s3;
	s0 =	sld [smem:$0x3FA6]  }
0x30: {  	s3 =	sld [smem:$0x3FA9]  }
0x31: {  	[smem:$0x3FB2] =	sst s10  }
0x32: {  	s10 =	sld [smem:$0x3FB0];
	_ =	sdelay $0x3  }
0x33: {  	p0 =	seq.s32 s10, $0x1;
	s10 =	sld [smem:$0x3FB2];
	_ =	sdelay $0x3  }
0x34: {  	[smem:$0x3FB2] =	sst s10  }
0x35: {  	s10 =	sld [smem:$0x3FB1];
	_ =	sdelay $0x3  }
0x36: {  	p1 =	seq.s32 s10, $0x1;
	s10 =	sld [smem:$0x3FB2];
	_ =	sdelay $0x3  }
0x37: {  	[smem:$0x3FB2] =	sst s10  }
0x38: {  	s10 =	sld [smem:$0x3FB3]  }
0x39: {  	_ = 	snop;
	(pc) =	sbr.ind lr, $3  }
0x3a: {  	_ = 	snop  }
0x3b: {  	_ = 	snop  }
0x3c: {  	p2 =	seq.s32 s10, $0x1;
	s10 =	sld [smem:$0x3FB2]  }
0x3d: {  	_ =	shalt  }
0x3e: {  	_ =	shalt  }
0x3f: {  	_ =	shalt  }
0x40: {  	_ =	shalt  }
0x41: {  	_ =	shalt  }
0x42: {  	_ =	shalt  }
0x43: {  	_ =	shalt  }
0x44: {  	_ =	shalt  }
0x45: {  	_ =	shalt  }
0x46: {  	_ =	shalt  }
0x47: {  	_ =	shalt  }
0x48: {  	_ =	shalt  }
0x49: {  	_ =	shalt  }
0x4a: {  	_ =	shalt  }
0x4b: {  	_ =	shalt  }
0x4c: {  	_ =	shalt  }
0x4d: {  	_ =	shalt  }
0x4e: {  	_ =	shalt  }
0x4f: {  	_ =	shalt  }
0x50: {  	_ =	shalt  }
0x51: {  	_ =	shalt  }
0x52: {  	_ =	shalt  }
0x53: {  	_ =	shalt  }
0x54: {  	_ =	shalt  }
0x55: {  	_ =	shalt  }
0x56: {  	_ =	shalt  }
0x57: {  	_ =	shalt  }
0x58: {  	_ =	shalt  }
0x59: {  	_ =	shalt  }
0x5a: {  	_ =	shalt  }
0x5b: {  	_ =	shalt  }
0x5c: {  	_ =	shalt  }
0x5d: {  	_ =	shalt  }
0x5e: {  	_ =	shalt  }
0x5f: {  	_ =	shalt  }
0x60: {  	_ =	shalt  }
0x61: {  	_ =	shalt  }
0x62: {  	_ =	shalt  }
0x63: {  	_ =	shalt  }
0x64: {  	_ =	shalt  }
0x65: {  	_ =	shalt  }
0x66: {  	_ =	shalt  }
0x67: {  	_ =	shalt  }
0x68: {  	_ =	shalt  }
0x69: {  	_ =	shalt  }
0x6a: {  	_ =	shalt  }
0x6b: {  	_ =	shalt  }
0x6c: {  	_ =	shalt  }
0x6d: {  	_ =	shalt  }
0x6e: {  	_ =	shalt  }
0x6f: {  	_ =	shalt  }
0x70: {  	_ =	shalt  }
0x71: {  	_ =	shalt  }
0x72: {  	_ =	shalt  }
0x73: {  	_ =	shalt  }
0x74: {  	_ =	shalt  }
0x75: {  	_ =	shalt  }
0x76: {  	_ =	shalt  }
0x77: {  	_ =	shalt  }
0x78: {  	_ =	shalt  }
0x79: {  	_ =	shalt  }
0x7a: {  	_ =	shalt  }
0x7b: {  	_ =	shalt  }
0x7c: {  	_ =	shalt  }
0x7d: {  	_ =	shalt  }
0x7e: {  	_ =	shalt  }
0x7f: {  	_ =	shalt  }
0x80: {  	_ =	shalt  }
0x81: {  	_ =	shalt  }
0x82: {  	_ =	shalt  }
0x83: {  	_ =	shalt  }
0x84: {  	_ =	shalt  }
0x85: {  	_ =	shalt  }
0x86: {  	_ =	shalt  }
0x87: {  	_ =	shalt  }
.Lfunc_end0:
.L_simem_size_0:
called_computation.3_lowered:
.L_overlay_start_0:
0x88: {  	s2 =	sld [smem:$0x3FD9]  }
0x89: {  	s3 =	sld [smem:$0x3FFE];
	_ =	sdelay $0x1  }
0x8a: {  	s1 =	srdreg.scid  }
0x8b: {  	s0 =	sand.u32 $0x1, s1  }
0x8c: {  	s17 =	sshll.u32 s0, $0xA;
	s2 =	sadd.s32 s3, s2  }
0x8d: {  	s2 =	sadd.s32 s2, s17  }
0x8e: {  	[smem:$0x3FBE] =	sst s2  }
0x8f: {  	_ = 	snop  }
0x90: {  	s2 =	sld [smem:$0x3FD0];
	(tm) =	ssettm $0x1  }
0x91: {  	s18 =	sld [smem:$0x3FFB];
	_ =	sdelay $0x3  }
0x92: {  	_ =	strace s18  }
0x93: {  	s3 =	sld [smem:$0x3FFC];
	_ =	sdelay $0x3  }
0x94: {  	_ =	strace s3  }
0x95: {  	s3 =	sld [smem:$0x3FFD];
	_ =	sdelay $0x3  }
0x96: {  	_ =	strace s3  }
0x97: {  	_ =	strace $0x8FFFFFFF  }
0x98: {  	s19 =	sld [smem:$0x3FDB];
	_ =	sdelay $0x1  }
0x99: {  	s4 =	simm.s32 $_scs_section_size  }
0x9a: {  	s5 =	simm.s32 $_size__tile_overlayer_lowered;
	s6 =	simm.s32 $_tile_overlayer_lowered  }
0x9b: {  	s22 =	simm.s32 $0x1BFF;
	s21 =	sshll.u32 s6, $0x1;
	s3 =	sadd.s32 s4, s19  }
0x9c: {  	s7 =	simm.s32 $0x0;
	s20 =	sshll.u32 s5, $0x1;
	s5 =	sadd.s32 s21, s3  }
0x9d: {  	[timem:s7], [sflag:s22] =	dma.local [hbm:s5], s20  }
0x9e: {  	_ =	swait.ge [sflag:s22], s20  }
0x9f: {  	s4 =	ssub.s32 $0x0, s20;
	[sflag:s22] =	ssyncset.done $0x0  }
0xa0: {  	[sflag:s22] =	ssyncadd.s32 s4;
	_ =	sdelay $0x1  }
0xa1: {  	s23 =	simm.s32 $0x1B8B  }
0xa2: {  	_ =	swait.ge [sflag:s23], $0x1  }
0xa3: {  	[sflag:s23] =	ssyncset.done $0x0  }
0xa4: {  	s25 =	simm.s32 $0x1B8E;
	s24 =	sld [smem:$0x3FFE];
	[sflag:s23] =	ssyncadd.s32 $0xFFFFFFFF  }
0xa5: {  	s26 =	simm.s32 $execute0_lowered;
	[smem:$0x3FD2] =	sst s25  }
0xa6: {  	s5 =	sshll.u32 s26, $0x1;
	_ =	strace $0x8000004F;
	[dreg:$0x1] =	wrdreg $0xFFFFFFFF  }
0xa7: {  	s28 =	simm.s32 $_size_execute0_lowered;
	s3 =	sadd.s32 s3, s5;
	[dreg:$0x0] =	wrdreg $0x0  }
0xa8: {  	s5 =	sshll.u32 s28, $0x1;
	[dreg:$0x2] =	wrdreg s3  }
0xa9: {  	[dreg:$0x3] =	wrdreg s5  }
0xaa: {  	[dreg:$0x4] =	wrdreg $0xC0  }
0xab: {  	_ =	task [dreg:s7], $0x5FFFF  }
0xac: {  	[dreg:$0x1] =	wrdreg $0xFFFFFFFF  }
0xad: {  	[dreg:$0x0] =	wrdreg $0x60  }
0xae: {  	[dreg:$0x2] =	wrdreg s24  }
0xaf: {  	[dreg:$0x3] =	wrdreg s2  }
0xb0: {  	[dreg:$0x4] =	wrdreg $0x0  }
0xb1: {  	[dreg:$0x5] =	wrdreg $0x9  }
0xb2: {  	_ =	task.clear_ibuf [dreg:s7], $0x6FFFF;
	_ =	strace $0x9000004F  }
0xb3: {  	s29 =	simm.s32 $0x9;
	_ =	strace $0x80000051  }
0xb4: {  	_ =	swait.ge [sflag:s29], $0x1  }
0xb5: {  	[sflag:s29] =	ssyncadd.s32 $0xFFFFFFFF  }
0xb6: {  	_ =	strace $0x90000051  }
0xb7: {  	_ =	sfence  }
0xb8: {  	s30 =	sld [smem:$0x0];
	_ =	sdelay $0x2  }
0xb9: {  	s31 =	sshll.u32 s1, $0xD;
	s1 =	sshrl.u32 s1, $0x2  }
0xba: {  	s3 =	sand.u32 $0x4000, s31;
	s1 =	sadd.s32 s1, s30  }
0xbb: {  	s0 =	sor.u32 s3, s0;
	s1 =	sshll.u32 s1, $0x11  }
0xbc: {  	s0 =	sor.u32 s1, s0  }
0xbd: {  	s0 =	sadd.s32 $0x8F2B, s0  }
0xbe: {  	[sflag:s0] =	ssyncadd.remote.s32 $0x1  }
0xbf: {  	_ =	sfence.sel $0xFFFF  }
0xc0: {  	[dreg:$0x0] =	wrdreg $0xFFFFFFFF;
	(pc) =	sbr.abs _section_cstart, $3  }
0xc1: {  	[dreg:$0x1] =	wrdreg $0xFFFFFFFF  }
0xc2: {  	_ =	task.clear_ibuf [dreg:s7], $0x2FFFF;
	_ =	strace $0x9FFFFFFF  }
0xc3: {  	(tm) =	ssettm $0x7FFFFFFF  }
tec
execute0_lowered:
.L_overlay_start_1:
0x0: {  	(tag) =	ssettag $0x1  }
0x1: {  	s5 =	rddreg [dreg:$0x0]  }
0x2: {  	s8 =	rddreg [dreg:$0x1]  }
0x3: {  	s2 =	rddreg [dreg:$0x2]  }
0x4: {  	s0 =	rddreg [dreg:$0x3];
	s1 =	stileid.u32  }
0x5: {  	s4 =	srdreg.scid;
	s6 =	smul.u32 $0x14, s1  }
0x6: {  	s3 =	simm.s32 $0x0;
	s7 =	sand.u32 $0x1, s4;
	s9 =	smul.u32 $0x14000, s1  }
0x7: {  	[smem:$0x7FF] =	sst s3;
	s13 =	smul.u32 $0x5000, s1;
	s4 =	sadd.s32 $0x9800, s5  }
0x8: {  	s10 =	ssub.s32 $0x2, s7;
	s11 =	smul.u32 $0x50000, s7;
	_ =	strace $0x80000050  }
0x9: {  	s31 =	smul.u32 $0xA, s7;
	s12 =	sshrl.u32 s10, $0x1;
	s14 =	sadd.s32 s6, s5  }
0xa: {  	s29 =	sshrl.u32 s9, $0x2;
	s5 =	sshll.u32 s1, $0x1;
	s10 =	ssub.s32 s10, s12  }
0xb: {  	s30 =	sadd.s32 s13, s11;
	s6 =	sadd.s32 s29, s2;
	s11 =	sadd.s32 s31, s14  }
0xc: {  	s12 =	simm.s32 $0x5000;
	s13 =	simm.s32 $0x2;
	s9 =	sshrl.u32 s30, $0x3  }
0xd: {  	s14 =	simm.s32 $0x0;
	s7 =	sadd.s32 $0x2800, s6;
	s8 =	sadd.s32 s8, s9  }
0xe: {  	v0 =	vimm.f32 $0.0e+00;
	s9 =	smax.u32 s10, $0x1;
	s10 =	sadd.s32 $0x4800, s11;
	s11 =	sadd.s32 $0x7000, s11  }
.LBB2_1:
0xf: {  	s15 =	sand.u32 $0xFE00, s3  }
0x10: {  	s16 =	sand.u32 $0x70, s3;
	s17 =	sshrl.u32 s15, $0x2  }
0x11: {  	s15 =	simm.s32 $0x40;
	s17 =	sor.u32 s16, s17;
	s16 =	simm.s32 $0x0  }
.LBB2_2:
0x12: {  	p0 =	sne.s32 s15, $0x9FC0  }
0x13: {  	[tilespmem:s17+$0x5000] =	vst v0;
	s16 =	sadd.s32 $0x10, s16;
	s17 =	smov.u32 s15;
	s15 =	sadd.s32 $0x40, s15  }
.Ltmp0:
0x14: {  	(pc) =	sbr.rel @p0 .LBB2_2-.Ltmp0, $4  }
0x15: {  	_ = 	snop  }
0x16: {  	s17 =	sand.u32 $0xFE00, s17  }
0x17: {  	s18 =	sand.u32 $0x70, s16;
	s17 =	sshrl.u32 s17, $0x2  }
0x18: {  	s17 =	sor.u32 s18, s17  }
0x19: {  	[tilespmem:s17+$0x5000] =	vst v0  }
0x1a: {  	[spmem:s6] =	stream.linear.scatter [tilespmem:s12], [sflag:$0x2], $0x2800, $0x38;
	[tilespmem:$0x7900] =	vst v63  }
0x1b: {  	_ =	swait.ge [sflag:s13], $0x2800  }
0x1c: {  	[sflag:s13] =	ssyncset.done $0x0  }
0x1d: {  	[sflag:s13] =	ssyncadd.s32 $0xFFFFD800  }
0x1e: {  	[spmem:s7] =	stream.linear.scatter [tilespmem:s12], [sflag:$0x2], $0x2800, $0x38;
	[tilespmem:$0x7900] =	vst v63  }
0x1f: {  	_ =	swait.ge [sflag:s13], $0x2800  }
0x20: {  	p0 =	sgt.u32 s5, $0x3E7;
	[sflag:s13] =	ssyncset.done $0x0  }
0x21: {  	s15 =	sadd.s32 @!p0 $0x0, s10;
	s16 =	simm.s32 @!p0 $0x0;
	[sflag:s13] =	ssyncadd.s32 $0xFFFFD800  }
0x22: {  	s17 =	simm.s32 @!p0 $0x7800;
	s18 =	simm.s32 @!p0 $0x3;
	[bflag:$0x0] =	sbarrier.arrive $0xFFFF  }
0x23: {  	[tilespmem:s17], [sflag:$0x3] =	stream.linear.gather @!p0 [hbm4b:s15+s16], $0x50, $0x38;
	[tilespmem:$0x7900] =	vst v63  }
0x24: {  	_ =	swait.ge @!p0 [sflag:s18], $0x50  }
0x25: {  	[sflag:s18] =	ssyncset.done @!p0 $0x0  }
0x26: {  	s19 =	simm.s32 @!p0 $0x7880;
	s15 =	sadd.s32 @!p0 $0x0, s11;
	[sflag:s18] =	ssyncadd.s32 @!p0 $0xFFFFFFB0  }
0x27: {  	[tilespmem:s19], [sflag:$0x3] =	stream.linear.gather @!p0 [hbm4b:s15+s16], $0x50, $0x38;
	[tilespmem:$0x7900] =	vst v63  }
0x28: {  	_ =	swait.ge @!p0 [sflag:s18], $0x50;
	p0 =	por p0, p0  }
0x29: {  	[sflag:s18] =	ssyncset.done @!p0 $0x0;
	s15 =	simm.s32 @!p0 $0x50  }
0x2a: {  	s16 =	simm.s32 @!p0 $0x5000;
	[sflag:s18] =	ssyncadd.s32 @!p0 $0xFFFFFFB0;
	s18 =	simm.s32 @!p0 $0x1  }
0x2b: {  	[tilespmem:s16], [sflag:$0x1] =	stream.indirect.gather @!p0 [hbm4b:s4+s15], $0x80, s19, s15, $0xb8;
	[tilespmem:$0x7900] =	vst v63  }
0x2c: {  	_ =	swait.ge @!p0 [sflag:s18], $0x2800  }
0x2d: {  	[sflag:s18] =	ssyncset.done @!p0 $0x0  }
0x2e: {  	[sflag:s18] =	ssyncadd.s32 @!p0 $0xFFFFD800  }
0x2f: {  	[spmem:s2] =	stream.indirect.scatter.add.f32 @!p0 [tilespmem:s16], [sflag:$0x2], $0x80, s17, s15, $0xb8;
	[tilespmem:$0x7900] =	vst v63  }
0x30: {  	s18 =	simm.s32 @!p0 $0x2;
	s15 =	simm.s32 $0x140;
	s16 =	sadd.s32 $0x20, s5  }
0x31: {  	s17 =	simm.s32 $0x280;
	p1 =	sgt.u32 s16, $0x3E7;
	_ =	swait.ge @!p0 [sflag:s18], $0x2800  }
.LBB2_4:
0x32: {  	s19 =	sadd.s32 @!p1 s15, s10;
	s20 =	simm.s32 @!p1 $0x0;
	[sflag:s18] =	ssyncset.done @!p0 $0x0  }
0x33: {  	s21 =	simm.s32 @!p1 $0x7800;
	s22 =	simm.s32 @!p1 $0x3;
	[sflag:s18] =	ssyncadd.s32 @!p0 $0xFFFFD800  }
0x34: {  	[tilespmem:s21], [sflag:$0x3] =	stream.linear.gather @!p1 [hbm4b:s19+s20], $0x50, $0x38;
	[tilespmem:$0x7900] =	vst v63  }
0x35: {  	s18 =	smov.u32 s17;
	s17 =	sadd.s32 $0x140, s17;
	_ =	swait.ge @!p1 [sflag:s22], $0x50  }
0x36: {  	s23 =	simm.s32 @!p1 $0x7880;
	s19 =	sadd.s32 @!p1 s15, s11;
	[sflag:s22] =	ssyncset.done @!p1 $0x0  }
0x37: {  	p2 =	sne.s32 s17, $0x2800;
	s15 =	smov.u32 s18;
	[sflag:s22] =	ssyncadd.s32 @!p1 $0xFFFFFFB0  }
0x38: {  	[tilespmem:s23], [sflag:$0x3] =	stream.linear.gather @!p1 [hbm4b:s19+s20], $0x50, $0x38;
	[tilespmem:$0x7900] =	vst v63  }
0x39: {  	p0 =	por p1, p1;
	_ =	swait.ge @!p1 [sflag:s22], $0x50  }
0x3a: {  	s19 =	simm.s32 @!p0 $0x50;
	s20 =	simm.s32 @!p0 $0x5000;
	[sflag:s22] =	ssyncset.done @!p0 $0x0  }
0x3b: {  	s18 =	simm.s32 @!p0 $0x1;
	[sflag:s22] =	ssyncadd.s32 @!p0 $0xFFFFFFB0  }
0x3c: {  	[tilespmem:s20], [sflag:$0x1] =	stream.indirect.gather @!p0 [hbm4b:s4+s19], $0x80, s23, s19, $0xb8;
	[tilespmem:$0x7900] =	vst v63  }
.Ltmp1:
0x3d: {  	_ =	swait.ge @!p0 [sflag:s18], $0x2800;
	(pc) =	sbr.rel @p2 .LBB2_4-.Ltmp1, $4  }
0x3e: {  	[sflag:s18] =	ssyncset.done @!p0 $0x0  }
0x3f: {  	s16 =	sadd.s32 $0x20, s16;
	[sflag:s18] =	ssyncadd.s32 @!p0 $0xFFFFD800;
	s18 =	simm.s32 @!p0 $0x2  }
0x40: {  	[spmem:s2] =	stream.indirect.scatter.add.f32 @!p0 [tilespmem:s20], [sflag:$0x2], $0x80, s21, s19, $0xb8;
	[tilespmem:$0x7900] =	vst v63  }
0x41: {  	p1 =	sgt.u32 s16, $0x3E7;
	_ =	swait.ge @!p0 [sflag:s18], $0x2800  }
0x42: {  	s16 =	sadd.s32 @!p1 s15, s10;
	s17 =	simm.s32 @!p1 $0x0;
	[sflag:s18] =	ssyncset.done @!p0 $0x0  }
0x43: {  	s19 =	simm.s32 @!p1 $0x7800;
	s20 =	simm.s32 @!p1 $0x3;
	[sflag:s18] =	ssyncadd.s32 @!p0 $0xFFFFD800  }
0x44: {  	[tilespmem:s19], [sflag:$0x3] =	stream.linear.gather @!p1 [hbm4b:s16+s17], $0x50, $0x38;
	[tilespmem:$0x7900] =	vst v63  }
0x45: {  	_ =	swait.ge @!p1 [sflag:s20], $0x50  }
0x46: {  	[sflag:s20] =	ssyncset.done @!p1 $0x0  }
0x47: {  	s15 =	sadd.s32 @!p1 s15, s11;
	s16 =	simm.s32 @!p1 $0x7880;
	[sflag:s20] =	ssyncadd.s32 @!p1 $0xFFFFFFB0  }
0x48: {  	[tilespmem:s16], [sflag:$0x3] =	stream.linear.gather @!p1 [hbm4b:s15+s17], $0x50, $0x38;
	[tilespmem:$0x7900] =	vst v63  }
0x49: {  	p0 =	por p1, p1;
	_ =	swait.ge @!p1 [sflag:s20], $0x50  }
0x4a: {  	s18 =	simm.s32 @!p0 $0x1;
	[sflag:s20] =	ssyncset.done @!p0 $0x0  }
0x4b: {  	s15 =	simm.s32 @!p0 $0x50;
	s17 =	simm.s32 @!p0 $0x5000;
	[sflag:s20] =	ssyncadd.s32 @!p0 $0xFFFFFFB0  }
0x4c: {  	[tilespmem:s17], [sflag:$0x1] =	stream.indirect.gather @!p0 [hbm4b:s4+s15], $0x80, s16, s15, $0xb8;
	[tilespmem:$0x7900] =	vst v63  }
0x4d: {  	_ =	swait.ge @!p0 [sflag:s18], $0x2800  }
0x4e: {  	[sflag:s18] =	ssyncset.done @!p0 $0x0  }
0x4f: {  	s16 =	simm.s32 @!p0 $0x2;
	[sflag:s18] =	ssyncadd.s32 @!p0 $0xFFFFD800  }
0x50: {  	[spmem:s2] =	stream.indirect.scatter.add.f32 @!p0 [tilespmem:s17], [sflag:$0x2], $0x80, s19, s15, $0xb8;
	[tilespmem:$0x7900] =	vst v63  }
0x51: {  	_ =	swait.ge @!p0 [sflag:s16], $0x2800  }
0x52: {  	s30 =	sshll.u32 s1, $0x6;
	s14 =	sadd.s32 $0x1, s14;
	[sflag:s16] =	ssyncset.done @!p0 $0x0  }
0x53: {  	s31 =	sshrl.u32 s6, $0x3;
	[sflag:s16] =	ssyncadd.s32 @!p0 $0xFFFFD800;
	p0 =	sne.s32 s14, s9  }
.Ltmp2:
0x54: {  	s15 =	sor.u32 $0x1C02, s30;
	[bflag:$0x0] =	sbarrier.arrive $0xFFFF;
	(pc) =	sbr.rel @p0 .LBB2_1-.Ltmp2, $4  }
0x55: {  	[hbm:s8], [sflag:s15] =	dma.local [spmem:s31], $0xA00  }
0x56: {  	_ =	swait.ge [sflag:s13], $0xA00  }
0x57: {  	[sflag:s13] =	ssyncset.done $0x0  }
0x58: {  	[sflag:s13] =	ssyncadd.s32 $0xFFFFF600  }
0x59: {  	_ =	sfence.sel $0x180000  }
0x5a: {  	[bflag:$0x0] =	sbarrier.arrive $0xFFFF  }
0x5b: {  	p0 =	sne.s32 s1, $0x0;
	_ =	strace $0x90000050  }
0x5c: {  	s0 =	sadd.s32 @!p0 $0x100000, s0;
	[bflag:$0x2] =	sbarrier.arrive $0xFFFF  }
0x5d: {  	[sflag:s0] =	ssyncadd.tile.s32 @!p0 $0x1;
	_ =	shalt  }
.Lfunc_end2:
_tile_overlayer_lowered:
.L_overlay_start_2:
0x5e: {  	(tag) =	ssettag $0x2  }
0x5f: {  	s0 =	rddreg [dreg:$0x0];
	s2 =	stileid.u32  }
0x60: {  	s1 =	rddreg [dreg:$0x1];
	p0 =	sne.s32 s2, $0x0  }
0x61: {  	s3 =	rddreg [dreg:$0x2];
	[bflag:$0x3] =	sbarrier.arrive $0xFFFF;
	s2 =	simm.s32 @!p0 $0x1C02  }
0x62: {  	[timem:s3], [sflag:s2] =	dma.local @!p0 [hbm:s0], s1  }
0x63: {  	s0 =	simm.s32 @!p0 $0x2  }
0x64: {  	_ =	swait.ge @!p0 [sflag:s0], s1  }
0x65: {  	s1 =	ssub.s32 @!p0 $0x0, s1;
	[sflag:s0] =	ssyncset.done @!p0 $0x0  }
0x66: {  	[sflag:s0] =	ssyncadd.s32 @!p0 s1  }
0x67: {  	[bflag:$0x3] =	sbarrier.arrive $0xFFFF  }
0x68: {  	_ =	shalt  }

// kernel: kernel.27.cloned.1.call-start
scs
__scs_entry_jumppad:
0x0: {  	(pc) =	sbr.rel $0x88, $3  }
0x1: {  	(tag) =	ssettag $0x0;
	lr =	simm.s32 $0x1  }
0x2: {  	[smem:$0x3F97] =	sst lr;
	_ =	strace $0xD0000000  }
0x3: {  	_ = 	snop  }
0x4: {  	_ = 	snop  }
0x5: {  	_ = 	snop  }
0x6: {  	_ = 	snop  }
0x7: {  	_ = 	snop  }
__scs_overlays_trampoline_lowered:
0x8: {  	[smem:$0x3FA6] =	sst s0  }
0x9: {  	[smem:$0x3FA7] =	sst s1  }
0xa: {  	[smem:$0x3FA8] =	sst s2  }
0xb: {  	[smem:$0x3FA9] =	sst s3  }
0xc: {  	[smem:$0x3FAA] =	sst s4  }
0xd: {  	[smem:$0x3FAB] =	sst s5  }
0xe: {  	[smem:$0x3FAC] =	sst s6  }
0xf: {  	[smem:$0x3FAD] =	sst s7  }
0x10: {  	[smem:$0x3FAE] =	sst s8  }
0x11: {  	[smem:$0x3FAF] =	sst s9;
	s0 =	simm.s32 @!p0 $0x0  }
0x12: {  	s1 =	sld [smem:$0x3F95];
	s0 =	simm.s32 @p0 $0x1  }
0x13: {  	[smem:$0x3FB0] =	sst s0;
	s0 =	simm.s32 @!p1 $0x0  }
0x14: {  	s2 =	sld [smem:$0x3F94];
	s0 =	simm.s32 @p1 $0x1  }
0x15: {  	[smem:$0x3FB1] =	sst s0;
	s0 =	simm.s32 @!p2 $0x0  }
0x16: {  	s3 =	sld [smem:$0x3FDB];
	s0 =	simm.s32 @p2 $0x1  }
0x17: {  	s4 =	simm.s32 $0x1BF5;
	[smem:$0x3FB3] =	sst s0  }
0x18: {  	s0 =	sld [smem:$0x3F96];
	_ =	swait.ge [sflag:s4], $0x0  }
0x19: {  	s7 =	sld [smem:$0x3F97]  }
0x1a: {  	s8 =	sadd.s32 $0xFFFFE003, lr  }
0x1b: {  	s9 =	sadd.s32 $0xFFFFFEF7, lr;
	s5 =	simm.s32 $0xFFFFFFFF;
	p2 =	slt.u32 s8, $0xFFFFF086  }
0x1c: {  	p1 =	slt.u32 s9, $0xF7A;
	s5 =	simm.s32 @!p2 $0x0  }
0x1d: {  	s5 =	simm.s32 @p1 $0x1;
	p0 =	seq.s32 s7, s2  }
0x1e: {  	s7 =	smul.u32 @!p0 $0xF7A, s2;
	p2 =	seq.s32 @!p0 s5, $0x0  }
0x1f: {  	s9 =	smul.u32 $0xF7A, s1;
	s8 =	simm.s32 @!p0 $0x1BF5;
	p2 =	por !p2, p0  }
0x20: {  	[sflag:s8] =	ssyncset.s32 @!p0 $0xFFFFF086;
	s6 =	sadd.s32 @!p0 s3, s7;
	s7 =	simm.s32 @!p0 $0x108  }
0x21: {  	s3 =	sadd.s32 s3, s9;
	s6 =	sadd.s32 @!p0 $0x88, s6;
	s7 =	simm.s32 @p2 $0x1082  }
0x22: {  	[simem:s7], [sflag:s8] =	dma.local @!p0 [hbm:s6], $0xF7A  }
0x23: {  	s9 =	sor.u32 $0xD0000000, s2;
	s6 =	simm.s32 $0x108;
	_ =	swait.ge @!p0 [sflag:s8], $0x0  }
0x24: {  	s3 =	sadd.s32 $0x88, s3;
	s6 =	simm.s32 @!p1 $0x1082;
	[sflag:s4] =	ssyncset.s32 $0xFFFFF086  }
0x25: {  	[simem:s6], [sflag:s4] =	dma.local [hbm:s3], $0xF7A  }
0x26: {  	[smem:$0x3F97] =	sst s1;
	(tag) =	ssettag s2;
	_ =	strace s9  }
0x27: {  	s1 =	sld [smem:$0x3FA7]  }
0x28: {  	s2 =	sld [smem:$0x3FA8]  }
0x29: {  	s4 =	sld [smem:$0x3FAA]  }
0x2a: {  	p0 =	seq.s32 s5, $0x0;
	s5 =	sld [smem:$0x3FAB]  }
0x2b: {  	s6 =	sld [smem:$0x3FAC]  }
0x2c: {  	s7 =	sld [smem:$0x3FAD]  }
0x2d: {  	s3 =	simm.s32 $0x108;
	s8 =	sld [smem:$0x3FAE]  }
0x2e: {  	s3 =	simm.s32 @!p0 $0x1082;
	s9 =	sld [smem:$0x3FAF]  }
0x2f: {  	lr =	sadd.s32 s0, s3;
	s0 =	sld [smem:$0x3FA6]  }
0x30: {  	s3 =	sld [smem:$0x3FA9]  }
0x31: {  	[smem:$0x3FB2] =	sst s10  }
0x32: {  	s10 =	sld [smem:$0x3FB0];
	_ =	sdelay $0x3  }
0x33: {  	p0 =	seq.s32 s10, $0x1;
	s10 =	sld [smem:$0x3FB2];
	_ =	sdelay $0x3  }
0x34: {  	[smem:$0x3FB2] =	sst s10  }
0x35: {  	s10 =	sld [smem:$0x3FB1];
	_ =	sdelay $0x3  }
0x36: {  	p1 =	seq.s32 s10, $0x1;
	s10 =	sld [smem:$0x3FB2];
	_ =	sdelay $0x3  }
0x37: {  	[smem:$0x3FB2] =	sst s10  }
0x38: {  	s10 =	sld [smem:$0x3FB3]  }
0x39: {  	_ = 	snop;
	(pc) =	sbr.ind lr, $3  }
0x3a: {  	_ = 	snop  }
0x3b: {  	_ = 	snop  }
0x3c: {  	p2 =	seq.s32 s10, $0x1;
	s10 =	sld [smem:$0x3FB2]  }
0x3d: {  	_ =	shalt  }
0x3e: {  	_ =	shalt  }
0x3f: {  	_ =	shalt  }
0x40: {  	_ =	shalt  }
0x41: {  	_ =	shalt  }
0x42: {  	_ =	shalt  }
0x43: {  	_ =	shalt  }
0x44: {  	_ =	shalt  }
0x45: {  	_ =	shalt  }
0x46: {  	_ =	shalt  }
0x47: {  	_ =	shalt  }
0x48: {  	_ =	shalt  }
0x49: {  	_ =	shalt  }
0x4a: {  	_ =	shalt  }
0x4b: {  	_ =	shalt  }
0x4c: {  	_ =	shalt  }
0x4d: {  	_ =	shalt  }
0x4e: {  	_ =	shalt  }
0x4f: {  	_ =	shalt  }
0x50: {  	_ =	shalt  }
0x51: {  	_ =	shalt  }
0x52: {  	_ =	shalt  }
0x53: {  	_ =	shalt  }
0x54: {  	_ =	shalt  }
0x55: {  	_ =	shalt  }
0x56: {  	_ =	shalt  }
0x57: {  	_ =	shalt  }
0x58: {  	_ =	shalt  }
0x59: {  	_ =	shalt  }
0x5a: {  	_ =	shalt  }
0x5b: {  	_ =	shalt  }
0x5c: {  	_ =	shalt  }
0x5d: {  	_ =	shalt  }
0x5e: {  	_ =	shalt  }
0x5f: {  	_ =	shalt  }
0x60: {  	_ =	shalt  }
0x61: {  	_ =	shalt  }
0x62: {  	_ =	shalt  }
0x63: {  	_ =	shalt  }
0x64: {  	_ =	shalt  }
0x65: {  	_ =	shalt  }
0x66: {  	_ =	shalt  }
0x67: {  	_ =	shalt  }
0x68: {  	_ =	shalt  }
0x69: {  	_ =	shalt  }
0x6a: {  	_ =	shalt  }
0x6b: {  	_ =	shalt  }
0x6c: {  	_ =	shalt  }
0x6d: {  	_ =	shalt  }
0x6e: {  	_ =	shalt  }
0x6f: {  	_ =	shalt  }
0x70: {  	_ =	shalt  }
0x71: {  	_ =	shalt  }
0x72: {  	_ =	shalt  }
0x73: {  	_ =	shalt  }
0x74: {  	_ =	shalt  }
0x75: {  	_ =	shalt  }
0x76: {  	_ =	shalt  }
0x77: {  	_ =	shalt  }
0x78: {  	_ =	shalt  }
0x79: {  	_ =	shalt  }
0x7a: {  	_ =	shalt  }
0x7b: {  	_ =	shalt  }
0x7c: {  	_ =	shalt  }
0x7d: {  	_ =	shalt  }
0x7e: {  	_ =	shalt  }
0x7f: {  	_ =	shalt  }
0x80: {  	_ =	shalt  }
0x81: {  	_ =	shalt  }
0x82: {  	_ =	shalt  }
0x83: {  	_ =	shalt  }
0x84: {  	_ =	shalt  }
0x85: {  	_ =	shalt  }
0x86: {  	_ =	shalt  }
0x87: {  	_ =	shalt  }
.Lfunc_end0:
.L_simem_size_0:
called_computation.4_lowered:
.L_overlay_start_0:
0x88: {  	s2 =	sld [smem:$0x3FD9]  }
0x89: {  	s3 =	sld [smem:$0x3FFE];
	_ =	sdelay $0x1  }
0x8a: {  	s1 =	srdreg.scid  }
0x8b: {  	s0 =	sand.u32 $0x1, s1  }
0x8c: {  	s17 =	sshll.u32 s0, $0xA;
	s2 =	sadd.s32 s3, s2  }
0x8d: {  	s2 =	sadd.s32 s2, s17  }
0x8e: {  	[smem:$0x3FBE] =	sst s2  }
0x8f: {  	_ = 	snop  }
0x90: {  	s2 =	sld [smem:$0x3FD0];
	(tm) =	ssettm $0x1  }
0x91: {  	s18 =	sld [smem:$0x3FFB];
	_ =	sdelay $0x3  }
0x92: {  	_ =	strace s18  }
0x93: {  	s3 =	sld [smem:$0x3FFC];
	_ =	sdelay $0x3  }
0x94: {  	_ =	strace s3  }
0x95: {  	s3 =	sld [smem:$0x3FFD];
	_ =	sdelay $0x3  }
0x96: {  	_ =	strace s3  }
0x97: {  	_ =	strace $0x8FFFFFFF  }
0x98: {  	s19 =	sld [smem:$0x3FDB];
	_ =	sdelay $0x1  }
0x99: {  	s4 =	simm.s32 $_scs_section_size  }
0x9a: {  	s5 =	simm.s32 $_size__tile_overlayer_lowered;
	s6 =	simm.s32 $_tile_overlayer_lowered  }
0x9b: {  	s22 =	simm.s32 $0x1BFF;
	s21 =	sshll.u32 s6, $0x1;
	s3 =	sadd.s32 s4, s19  }
0x9c: {  	s7 =	simm.s32 $0x0;
	s20 =	sshll.u32 s5, $0x1;
	s5 =	sadd.s32 s21, s3  }
0x9d: {  	[timem:s7], [sflag:s22] =	dma.local [hbm:s5], s20  }
0x9e: {  	_ =	swait.ge [sflag:s22], s20  }
0x9f: {  	s4 =	ssub.s32 $0x0, s20;
	[sflag:s22] =	ssyncset.done $0x0  }
0xa0: {  	[sflag:s22] =	ssyncadd.s32 s4;
	_ =	sdelay $0x1  }
0xa1: {  	s23 =	simm.s32 $0x1B8B  }
0xa2: {  	_ =	swait.ge [sflag:s23], $0x1  }
0xa3: {  	[sflag:s23] =	ssyncset.done $0x0  }
0xa4: {  	s25 =	simm.s32 $0x1B8E;
	s24 =	sld [smem:$0x3FFE];
	[sflag:s23] =	ssyncadd.s32 $0xFFFFFFFF  }
0xa5: {  	s26 =	simm.s32 $execute0_lowered;
	[smem:$0x3FD2] =	sst s25  }
0xa6: {  	s5 =	sshll.u32 s26, $0x1;
	_ =	strace $0x80000052;
	[dreg:$0x1] =	wrdreg $0xFFFFFFFF  }
0xa7: {  	s28 =	simm.s32 $_size_execute0_lowered;
	s3 =	sadd.s32 s3, s5;
	[dreg:$0x0] =	wrdreg $0x0  }
0xa8: {  	s5 =	sshll.u32 s28, $0x1;
	[dreg:$0x2] =	wrdreg s3  }
0xa9: {  	[dreg:$0x3] =	wrdreg s5  }
0xaa: {  	[dreg:$0x4] =	wrdreg $0xC0  }
0xab: {  	_ =	task [dreg:s7], $0x5FFFF  }
0xac: {  	[dreg:$0x1] =	wrdreg $0xFFFFFFFF  }
0xad: {  	[dreg:$0x0] =	wrdreg $0x60  }
0xae: {  	[dreg:$0x2] =	wrdreg s24  }
0xaf: {  	[dreg:$0x3] =	wrdreg s2  }
0xb0: {  	[dreg:$0x4] =	wrdreg $0x0  }
0xb1: {  	[dreg:$0x5] =	wrdreg $0x9  }
0xb2: {  	_ =	task.clear_ibuf [dreg:s7], $0x6FFFF;
	_ =	strace $0x90000052  }
0xb3: {  	s29 =	simm.s32 $0x9;
	_ =	strace $0x80000054  }
0xb4: {  	_ =	swait.ge [sflag:s29], $0x1  }
0xb5: {  	[sflag:s29] =	ssyncadd.s32 $0xFFFFFFFF  }
0xb6: {  	_ =	strace $0x90000054  }
0xb7: {  	_ =	sfence  }
0xb8: {  	s30 =	sld [smem:$0x0];
	_ =	sdelay $0x2  }
0xb9: {  	s31 =	sshll.u32 s1, $0xD;
	s1 =	sshrl.u32 s1, $0x2  }
0xba: {  	s3 =	sand.u32 $0x4000, s31;
	s1 =	sadd.s32 s1, s30  }
0xbb: {  	s0 =	sor.u32 s3, s0;
	s1 =	sshll.u32 s1, $0x11  }
0xbc: {  	s0 =	sor.u32 s1, s0  }
0xbd: {  	s0 =	sadd.s32 $0x8F2B, s0  }
0xbe: {  	[sflag:s0] =	ssyncadd.remote.s32 $0x1  }
0xbf: {  	_ =	sfence.sel $0xFFFF  }
0xc0: {  	[dreg:$0x0] =	wrdreg $0xFFFFFFFF;
	(pc) =	sbr.abs _section_cstart, $3  }
0xc1: {  	[dreg:$0x1] =	wrdreg $0xFFFFFFFF  }
0xc2: {  	_ =	task.clear_ibuf [dreg:s7], $0x2FFFF;
	_ =	strace $0x9FFFFFFF  }
0xc3: {  	(tm) =	ssettm $0x7FFFFFFF  }
tec
execute0_lowered:
.L_overlay_start_1:
0x0: {  	(tag) =	ssettag $0x1  }
0x1: {  	s5 =	rddreg [dreg:$0x0]  }
0x2: {  	s8 =	rddreg [dreg:$0x1]  }
0x3: {  	s2 =	rddreg [dreg:$0x2]  }
0x4: {  	s0 =	rddreg [dreg:$0x3];
	s1 =	stileid.u32  }
0x5: {  	s4 =	srdreg.scid;
	s6 =	smul.u32 $0x14, s1  }
0x6: {  	s3 =	simm.s32 $0x0;
	s7 =	sand.u32 $0x1, s4;
	s9 =	smul.u32 $0x14000, s1  }
0x7: {  	[smem:$0x7FF] =	sst s3;
	s13 =	smul.u32 $0x5000, s1;
	s4 =	sadd.s32 $0x9800, s5  }
0x8: {  	s10 =	ssub.s32 $0x2, s7;
	s11 =	smul.u32 $0x50000, s7;
	_ =	strace $0x80000053  }
0x9: {  	s31 =	smul.u32 $0xA, s7;
	s12 =	sshrl.u32 s10, $0x1;
	s14 =	sadd.s32 s6, s5  }
0xa: {  	s29 =	sshrl.u32 s9, $0x2;
	s5 =	sshll.u32 s1, $0x1;
	s10 =	ssub.s32 s10, s12  }
0xb: {  	s30 =	sadd.s32 s13, s11;
	s6 =	sadd.s32 s29, s2;
	s11 =	sadd.s32 s31, s14  }
0xc: {  	s12 =	simm.s32 $0x5000;
	s13 =	simm.s32 $0x2;
	s9 =	sshrl.u32 s30, $0x3  }
0xd: {  	s14 =	simm.s32 $0x0;
	s7 =	sadd.s32 $0x2800, s6;
	s8 =	sadd.s32 s8, s9  }
0xe: {  	v0 =	vimm.f32 $0.0e+00;
	s9 =	smax.u32 s10, $0x1;
	s10 =	sadd.s32 $0x4800, s11;
	s11 =	sadd.s32 $0x7000, s11  }
.LBB2_1:
0xf: {  	s15 =	sand.u32 $0xFE00, s3  }
0x10: {  	s16 =	sand.u32 $0x70, s3;
	s17 =	sshrl.u32 s15, $0x2  }
0x11: {  	s15 =	simm.s32 $0x40;
	s17 =	sor.u32 s16, s17;
	s16 =	simm.s32 $0x0  }
.LBB2_2:
0x12: {  	p0 =	sne.s32 s15, $0x9FC0  }
0x13: {  	[tilespmem:s17+$0x5000] =	vst v0;
	s16 =	sadd.s32 $0x10, s16;
	s17 =	smov.u32 s15;
	s15 =	sadd.s32 $0x40, s15  }
.Ltmp0:
0x14: {  	(pc) =	sbr.rel @p0 .LBB2_2-.Ltmp0, $4  }
0x15: {  	_ = 	snop  }
0x16: {  	s17 =	sand.u32 $0xFE00, s17  }
0x17: {  	s18 =	sand.u32 $0x70, s16;
	s17 =	sshrl.u32 s17, $0x2  }
0x18: {  	s17 =	sor.u32 s18, s17  }
0x19: {  	[tilespmem:s17+$0x5000] =	vst v0  }
0x1a: {  	[spmem:s6] =	stream.linear.scatter [tilespmem:s12], [sflag:$0x2], $0x2800, $0x38;
	[tilespmem:$0x7900] =	vst v63  }
0x1b: {  	_ =	swait.ge [sflag:s13], $0x2800  }
0x1c: {  	[sflag:s13] =	ssyncset.done $0x0  }
0x1d: {  	[sflag:s13] =	ssyncadd.s32 $0xFFFFD800  }
0x1e: {  	[spmem:s7] =	stream.linear.scatter [tilespmem:s12], [sflag:$0x2], $0x2800, $0x38;
	[tilespmem:$0x7900] =	vst v63  }
0x1f: {  	_ =	swait.ge [sflag:s13], $0x2800  }
0x20: {  	p0 =	sgt.u32 s5, $0x3E7;
	[sflag:s13] =	ssyncset.done $0x0  }
0x21: {  	s15 =	sadd.s32 @!p0 $0x0, s10;
	s16 =	simm.s32 @!p0 $0x0;
	[sflag:s13] =	ssyncadd.s32 $0xFFFFD800  }
0x22: {  	s17 =	simm.s32 @!p0 $0x7800;
	s18 =	simm.s32 @!p0 $0x3;
	[bflag:$0x0] =	sbarrier.arrive $0xFFFF  }
0x23: {  	[tilespmem:s17], [sflag:$0x3] =	stream.linear.gather @!p0 [hbm4b:s15+s16], $0x50, $0x38;
	[tilespmem:$0x7900] =	vst v63  }
0x24: {  	_ =	swait.ge @!p0 [sflag:s18], $0x50  }
0x25: {  	[sflag:s18] =	ssyncset.done @!p0 $0x0  }
0x26: {  	s19 =	simm.s32 @!p0 $0x7880;
	s15 =	sadd.s32 @!p0 $0x0, s11;
	[sflag:s18] =	ssyncadd.s32 @!p0 $0xFFFFFFB0  }
0x27: {  	[tilespmem:s19], [sflag:$0x3] =	stream.linear.gather @!p0 [hbm4b:s15+s16], $0x50, $0x38;
	[tilespmem:$0x7900] =	vst v63  }
0x28: {  	_ =	swait.ge @!p0 [sflag:s18], $0x50;
	p0 =	por p0, p0  }
0x29: {  	[sflag:s18] =	ssyncset.done @!p0 $0x0;
	s15 =	simm.s32 @!p0 $0x50  }
0x2a: {  	s16 =	simm.s32 @!p0 $0x5000;
	[sflag:s18] =	ssyncadd.s32 @!p0 $0xFFFFFFB0;
	s18 =	simm.s32 @!p0 $0x1  }
0x2b: {  	[tilespmem:s16], [sflag:$0x1] =	stream.indirect.gather @!p0 [hbm4b:s4+s15], $0x80, s19, s15, $0xb8;
	[tilespmem:$0x7900] =	vst v63  }
0x2c: {  	_ =	swait.ge @!p0 [sflag:s18], $0x2800  }
0x2d: {  	[sflag:s18] =	ssyncset.done @!p0 $0x0  }
0x2e: {  	[sflag:s18] =	ssyncadd.s32 @!p0 $0xFFFFD800  }
0x2f: {  	[spmem:s2] =	stream.indirect.scatter.add.f32 @!p0 [tilespmem:s16], [sflag:$0x2], $0x80, s17, s15, $0xb8;
	[tilespmem:$0x7900] =	vst v63  }
0x30: {  	s18 =	simm.s32 @!p0 $0x2;
	s15 =	simm.s32 $0x140;
	s16 =	sadd.s32 $0x20, s5  }
0x31: {  	s17 =	simm.s32 $0x280;
	p1 =	sgt.u32 s16, $0x3E7;
	_ =	swait.ge @!p0 [sflag:s18], $0x2800  }
.LBB2_4:
0x32: {  	s19 =	sadd.s32 @!p1 s15, s10;
	s20 =	simm.s32 @!p1 $0x0;
	[sflag:s18] =	ssyncset.done @!p0 $0x0  }
0x33: {  	s21 =	simm.s32 @!p1 $0x7800;
	s22 =	simm.s32 @!p1 $0x3;
	[sflag:s18] =	ssyncadd.s32 @!p0 $0xFFFFD800  }
0x34: {  	[tilespmem:s21], [sflag:$0x3] =	stream.linear.gather @!p1 [hbm4b:s19+s20], $0x50, $0x38;
	[tilespmem:$0x7900] =	vst v63  }
0x35: {  	s18 =	smov.u32 s17;
	s17 =	sadd.s32 $0x140, s17;
	_ =	swait.ge @!p1 [sflag:s22], $0x50  }
0x36: {  	s23 =	simm.s32 @!p1 $0x7880;
	s19 =	sadd.s32 @!p1 s15, s11;
	[sflag:s22] =	ssyncset.done @!p1 $0x0  }
0x37: {  	p2 =	sne.s32 s17, $0x2800;
	s15 =	smov.u32 s18;
	[sflag:s22] =	ssyncadd.s32 @!p1 $0xFFFFFFB0  }
0x38: {  	[tilespmem:s23], [sflag:$0x3] =	stream.linear.gather @!p1 [hbm4b:s19+s20], $0x50, $0x38;
	[tilespmem:$0x7900] =	vst v63  }
0x39: {  	p0 =	por p1, p1;
	_ =	swait.ge @!p1 [sflag:s22], $0x50  }
0x3a: {  	s19 =	simm.s32 @!p0 $0x50;
	s20 =	simm.s32 @!p0 $0x5000;
	[sflag:s22] =	ssyncset.done @!p0 $0x0  }
0x3b: {  	s18 =	simm.s32 @!p0 $0x1;
	[sflag:s22] =	ssyncadd.s32 @!p0 $0xFFFFFFB0  }
0x3c: {  	[tilespmem:s20], [sflag:$0x1] =	stream.indirect.gather @!p0 [hbm4b:s4+s19], $0x80, s23, s19, $0xb8;
	[tilespmem:$0x7900] =	vst v63  }
.Ltmp1:
0x3d: {  	_ =	swait.ge @!p0 [sflag:s18], $0x2800;
	(pc) =	sbr.rel @p2 .LBB2_4-.Ltmp1, $4  }
0x3e: {  	[sflag:s18] =	ssyncset.done @!p0 $0x0  }
0x3f: {  	s16 =	sadd.s32 $0x20, s16;
	[sflag:s18] =	ssyncadd.s32 @!p0 $0xFFFFD800;
	s18 =	simm.s32 @!p0 $0x2  }
0x40: {  	[spmem:s2] =	stream.indirect.scatter.add.f32 @!p0 [tilespmem:s20], [sflag:$0x2], $0x80, s21, s19, $0xb8;
	[tilespmem:$0x7900] =	vst v63  }
0x41: {  	p1 =	sgt.u32 s16, $0x3E7;
	_ =	swait.ge @!p0 [sflag:s18], $0x2800  }
0x42: {  	s16 =	sadd.s32 @!p1 s15, s10;
	s17 =	simm.s32 @!p1 $0x0;
	[sflag:s18] =	ssyncset.done @!p0 $0x0  }
0x43: {  	s19 =	simm.s32 @!p1 $0x7800;
	s20 =	simm.s32 @!p1 $0x3;
	[sflag:s18] =	ssyncadd.s32 @!p0 $0xFFFFD800  }
0x44: {  	[tilespmem:s19], [sflag:$0x3] =	stream.linear.gather @!p1 [hbm4b:s16+s17], $0x50, $0x38;
	[tilespmem:$0x7900] =	vst v63  }
0x45: {  	_ =	swait.ge @!p1 [sflag:s20], $0x50  }
0x46: {  	[sflag:s20] =	ssyncset.done @!p1 $0x0  }
0x47: {  	s15 =	sadd.s32 @!p1 s15, s11;
	s16 =	simm.s32 @!p1 $0x7880;
	[sflag:s20] =	ssyncadd.s32 @!p1 $0xFFFFFFB0  }
0x48: {  	[tilespmem:s16], [sflag:$0x3] =	stream.linear.gather @!p1 [hbm4b:s15+s17], $0x50, $0x38;
	[tilespmem:$0x7900] =	vst v63  }
0x49: {  	p0 =	por p1, p1;
	_ =	swait.ge @!p1 [sflag:s20], $0x50  }
0x4a: {  	s18 =	simm.s32 @!p0 $0x1;
	[sflag:s20] =	ssyncset.done @!p0 $0x0  }
0x4b: {  	s15 =	simm.s32 @!p0 $0x50;
	s17 =	simm.s32 @!p0 $0x5000;
	[sflag:s20] =	ssyncadd.s32 @!p0 $0xFFFFFFB0  }
0x4c: {  	[tilespmem:s17], [sflag:$0x1] =	stream.indirect.gather @!p0 [hbm4b:s4+s15], $0x80, s16, s15, $0xb8;
	[tilespmem:$0x7900] =	vst v63  }
0x4d: {  	_ =	swait.ge @!p0 [sflag:s18], $0x2800  }
0x4e: {  	[sflag:s18] =	ssyncset.done @!p0 $0x0  }
0x4f: {  	s16 =	simm.s32 @!p0 $0x2;
	[sflag:s18] =	ssyncadd.s32 @!p0 $0xFFFFD800  }
0x50: {  	[spmem:s2] =	stream.indirect.scatter.add.f32 @!p0 [tilespmem:s17], [sflag:$0x2], $0x80, s19, s15, $0xb8;
	[tilespmem:$0x7900] =	vst v63  }
0x51: {  	_ =	swait.ge @!p0 [sflag:s16], $0x2800  }
0x52: {  	s30 =	sshll.u32 s1, $0x6;
	s14 =	sadd.s32 $0x1, s14;
	[sflag:s16] =	ssyncset.done @!p0 $0x0  }
0x53: {  	s31 =	sshrl.u32 s6, $0x3;
	[sflag:s16] =	ssyncadd.s32 @!p0 $0xFFFFD800;
	p0 =	sne.s32 s14, s9  }
.Ltmp2:
0x54: {  	s15 =	sor.u32 $0x1C02, s30;
	[bflag:$0x0] =	sbarrier.arrive $0xFFFF;
	(pc) =	sbr.rel @p0 .LBB2_1-.Ltmp2, $4  }
0x55: {  	[hbm:s8], [sflag:s15] =	dma.local [spmem:s31], $0xA00  }
0x56: {  	_ =	swait.ge [sflag:s13], $0xA00  }
0x57: {  	[sflag:s13] =	ssyncset.done $0x0  }
0x58: {  	[sflag:s13] =	ssyncadd.s32 $0xFFFFF600  }
0x59: {  	_ =	sfence.sel $0x180000  }
0x5a: {  	[bflag:$0x0] =	sbarrier.arrive $0xFFFF  }
0x5b: {  	p0 =	sne.s32 s1, $0x0;
	_ =	strace $0x90000053  }
0x5c: {  	s0 =	sadd.s32 @!p0 $0x100000, s0;
	[bflag:$0x2] =	sbarrier.arrive $0xFFFF  }
0x5d: {  	[sflag:s0] =	ssyncadd.tile.s32 @!p0 $0x1;
	_ =	shalt  }
.Lfunc_end2:
_tile_overlayer_lowered:
.L_overlay_start_2:
0x5e: {  	(tag) =	ssettag $0x2  }
0x5f: {  	s0 =	rddreg [dreg:$0x0];
	s2 =	stileid.u32  }
0x60: {  	s1 =	rddreg [dreg:$0x1];
	p0 =	sne.s32 s2, $0x0  }
0x61: {  	s3 =	rddreg [dreg:$0x2];
	[bflag:$0x3] =	sbarrier.arrive $0xFFFF;
	s2 =	simm.s32 @!p0 $0x1C02  }
0x62: {  	[timem:s3], [sflag:s2] =	dma.local @!p0 [hbm:s0], s1  }
0x63: {  	s0 =	simm.s32 @!p0 $0x2  }
0x64: {  	_ =	swait.ge @!p0 [sflag:s0], s1  }
0x65: {  	s1 =	ssub.s32 @!p0 $0x0, s1;
	[sflag:s0] =	ssyncset.done @!p0 $0x0  }
0x66: {  	[sflag:s0] =	ssyncadd.s32 @!p0 s1  }
0x67: {  	[bflag:$0x3] =	sbarrier.arrive $0xFFFF  }
0x68: {  	_ =	shalt  }

// kernel: kernel.30.cloned.1.call-start
scs
__scs_entry_jumppad:
0x0: {  	(pc) =	sbr.rel $0x88, $3  }
0x1: {  	(tag) =	ssettag $0x0;
	lr =	simm.s32 $0x1  }
0x2: {  	[smem:$0x3F97] =	sst lr;
	_ =	strace $0xD0000000  }
0x3: {  	_ = 	snop  }
0x4: {  	_ = 	snop  }
0x5: {  	_ = 	snop  }
0x6: {  	_ = 	snop  }
0x7: {  	_ = 	snop  }
__scs_overlays_trampoline_lowered:
0x8: {  	[smem:$0x3FA6] =	sst s0  }
0x9: {  	[smem:$0x3FA7] =	sst s1  }
0xa: {  	[smem:$0x3FA8] =	sst s2  }
0xb: {  	[smem:$0x3FA9] =	sst s3  }
0xc: {  	[smem:$0x3FAA] =	sst s4  }
0xd: {  	[smem:$0x3FAB] =	sst s5  }
0xe: {  	[smem:$0x3FAC] =	sst s6  }
0xf: {  	[smem:$0x3FAD] =	sst s7  }
0x10: {  	[smem:$0x3FAE] =	sst s8  }
0x11: {  	[smem:$0x3FAF] =	sst s9;
	s0 =	simm.s32 @!p0 $0x0  }
0x12: {  	s1 =	sld [smem:$0x3F95];
	s0 =	simm.s32 @p0 $0x1  }
0x13: {  	[smem:$0x3FB0] =	sst s0;
	s0 =	simm.s32 @!p1 $0x0  }
0x14: {  	s2 =	sld [smem:$0x3F94];
	s0 =	simm.s32 @p1 $0x1  }
0x15: {  	[smem:$0x3FB1] =	sst s0;
	s0 =	simm.s32 @!p2 $0x0  }
0x16: {  	s3 =	sld [smem:$0x3FDB];
	s0 =	simm.s32 @p2 $0x1  }
0x17: {  	s4 =	simm.s32 $0x1BF5;
	[smem:$0x3FB3] =	sst s0  }
0x18: {  	s0 =	sld [smem:$0x3F96];
	_ =	swait.ge [sflag:s4], $0x0  }
0x19: {  	s7 =	sld [smem:$0x3F97]  }
0x1a: {  	s8 =	sadd.s32 $0xFFFFE003, lr  }
0x1b: {  	s9 =	sadd.s32 $0xFFFFFEF7, lr;
	s5 =	simm.s32 $0xFFFFFFFF;
	p2 =	slt.u32 s8, $0xFFFFF086  }
0x1c: {  	p1 =	slt.u32 s9, $0xF7A;
	s5 =	simm.s32 @!p2 $0x0  }
0x1d: {  	s5 =	simm.s32 @p1 $0x1;
	p0 =	seq.s32 s7, s2  }
0x1e: {  	s7 =	smul.u32 @!p0 $0xF7A, s2;
	p2 =	seq.s32 @!p0 s5, $0x0  }
0x1f: {  	s9 =	smul.u32 $0xF7A, s1;
	s8 =	simm.s32 @!p0 $0x1BF5;
	p2 =	por !p2, p0  }
0x20: {  	[sflag:s8] =	ssyncset.s32 @!p0 $0xFFFFF086;
	s6 =	sadd.s32 @!p0 s3, s7;
	s7 =	simm.s32 @!p0 $0x108  }
0x21: {  	s3 =	sadd.s32 s3, s9;
	s6 =	sadd.s32 @!p0 $0x88, s6;
	s7 =	simm.s32 @p2 $0x1082  }
0x22: {  	[simem:s7], [sflag:s8] =	dma.local @!p0 [hbm:s6], $0xF7A  }
0x23: {  	s9 =	sor.u32 $0xD0000000, s2;
	s6 =	simm.s32 $0x108;
	_ =	swait.ge @!p0 [sflag:s8], $0x0  }
0x24: {  	s3 =	sadd.s32 $0x88, s3;
	s6 =	simm.s32 @!p1 $0x1082;
	[sflag:s4] =	ssyncset.s32 $0xFFFFF086  }
0x25: {  	[simem:s6], [sflag:s4] =	dma.local [hbm:s3], $0xF7A  }
0x26: {  	[smem:$0x3F97] =	sst s1;
	(tag) =	ssettag s2;
	_ =	strace s9  }
0x27: {  	s1 =	sld [smem:$0x3FA7]  }
0x28: {  	s2 =	sld [smem:$0x3FA8]  }
0x29: {  	s4 =	sld [smem:$0x3FAA]  }
0x2a: {  	p0 =	seq.s32 s5, $0x0;
	s5 =	sld [smem:$0x3FAB]  }
0x2b: {  	s6 =	sld [smem:$0x3FAC]  }
0x2c: {  	s7 =	sld [smem:$0x3FAD]  }
0x2d: {  	s3 =	simm.s32 $0x108;
	s8 =	sld [smem:$0x3FAE]  }
0x2e: {  	s3 =	simm.s32 @!p0 $0x1082;
	s9 =	sld [smem:$0x3FAF]  }
0x2f: {  	lr =	sadd.s32 s0, s3;
	s0 =	sld [smem:$0x3FA6]  }
0x30: {  	s3 =	sld [smem:$0x3FA9]  }
0x31: {  	[smem:$0x3FB2] =	sst s10  }
0x32: {  	s10 =	sld [smem:$0x3FB0];
	_ =	sdelay $0x3  }
0x33: {  	p0 =	seq.s32 s10, $0x1;
	s10 =	sld [smem:$0x3FB2];
	_ =	sdelay $0x3  }
0x34: {  	[smem:$0x3FB2] =	sst s10  }
0x35: {  	s10 =	sld [smem:$0x3FB1];
	_ =	sdelay $0x3  }
0x36: {  	p1 =	seq.s32 s10, $0x1;
	s10 =	sld [smem:$0x3FB2];
	_ =	sdelay $0x3  }
0x37: {  	[smem:$0x3FB2] =	sst s10  }
0x38: {  	s10 =	sld [smem:$0x3FB3]  }
0x39: {  	_ = 	snop;
	(pc) =	sbr.ind lr, $3  }
0x3a: {  	_ = 	snop  }
0x3b: {  	_ = 	snop  }
0x3c: {  	p2 =	seq.s32 s10, $0x1;
	s10 =	sld [smem:$0x3FB2]  }
0x3d: {  	_ =	shalt  }
0x3e: {  	_ =	shalt  }
0x3f: {  	_ =	shalt  }
0x40: {  	_ =	shalt  }
0x41: {  	_ =	shalt  }
0x42: {  	_ =	shalt  }
0x43: {  	_ =	shalt  }
0x44: {  	_ =	shalt  }
0x45: {  	_ =	shalt  }
0x46: {  	_ =	shalt  }
0x47: {  	_ =	shalt  }
0x48: {  	_ =	shalt  }
0x49: {  	_ =	shalt  }
0x4a: {  	_ =	shalt  }
0x4b: {  	_ =	shalt  }
0x4c: {  	_ =	shalt  }
0x4d: {  	_ =	shalt  }
0x4e: {  	_ =	shalt  }
0x4f: {  	_ =	shalt  }
0x50: {  	_ =	shalt  }
0x51: {  	_ =	shalt  }
0x52: {  	_ =	shalt  }
0x53: {  	_ =	shalt  }
0x54: {  	_ =	shalt  }
0x55: {  	_ =	shalt  }
0x56: {  	_ =	shalt  }
0x57: {  	_ =	shalt  }
0x58: {  	_ =	shalt  }
0x59: {  	_ =	shalt  }
0x5a: {  	_ =	shalt  }
0x5b: {  	_ =	shalt  }
0x5c: {  	_ =	shalt  }
0x5d: {  	_ =	shalt  }
0x5e: {  	_ =	shalt  }
0x5f: {  	_ =	shalt  }
0x60: {  	_ =	shalt  }
0x61: {  	_ =	shalt  }
0x62: {  	_ =	shalt  }
0x63: {  	_ =	shalt  }
0x64: {  	_ =	shalt  }
0x65: {  	_ =	shalt  }
0x66: {  	_ =	shalt  }
0x67: {  	_ =	shalt  }
0x68: {  	_ =	shalt  }
0x69: {  	_ =	shalt  }
0x6a: {  	_ =	shalt  }
0x6b: {  	_ =	shalt  }
0x6c: {  	_ =	shalt  }
0x6d: {  	_ =	shalt  }
0x6e: {  	_ =	shalt  }
0x6f: {  	_ =	shalt  }
0x70: {  	_ =	shalt  }
0x71: {  	_ =	shalt  }
0x72: {  	_ =	shalt  }
0x73: {  	_ =	shalt  }
0x74: {  	_ =	shalt  }
0x75: {  	_ =	shalt  }
0x76: {  	_ =	shalt  }
0x77: {  	_ =	shalt  }
0x78: {  	_ =	shalt  }
0x79: {  	_ =	shalt  }
0x7a: {  	_ =	shalt  }
0x7b: {  	_ =	shalt  }
0x7c: {  	_ =	shalt  }
0x7d: {  	_ =	shalt  }
0x7e: {  	_ =	shalt  }
0x7f: {  	_ =	shalt  }
0x80: {  	_ =	shalt  }
0x81: {  	_ =	shalt  }
0x82: {  	_ =	shalt  }
0x83: {  	_ =	shalt  }
0x84: {  	_ =	shalt  }
0x85: {  	_ =	shalt  }
0x86: {  	_ =	shalt  }
0x87: {  	_ =	shalt  }
.Lfunc_end0:
.L_simem_size_0:
called_computation.5_lowered:
.L_overlay_start_0:
0x88: {  	s2 =	sld [smem:$0x3FD9]  }
0x89: {  	s3 =	sld [smem:$0x3FFE];
	_ =	sdelay $0x1  }
0x8a: {  	s1 =	srdreg.scid  }
0x8b: {  	s0 =	sand.u32 $0x1, s1  }
0x8c: {  	s17 =	sshll.u32 s0, $0xA;
	s2 =	sadd.s32 s3, s2  }
0x8d: {  	s2 =	sadd.s32 s2, s17  }
0x8e: {  	[smem:$0x3FBE] =	sst s2  }
0x8f: {  	_ = 	snop  }
0x90: {  	s2 =	sld [smem:$0x3FD0];
	(tm) =	ssettm $0x1  }
0x91: {  	s18 =	sld [smem:$0x3FFB];
	_ =	sdelay $0x3  }
0x92: {  	_ =	strace s18  }
0x93: {  	s3 =	sld [smem:$0x3FFC];
	_ =	sdelay $0x3  }
0x94: {  	_ =	strace s3  }
0x95: {  	s3 =	sld [smem:$0x3FFD];
	_ =	sdelay $0x3  }
0x96: {  	_ =	strace s3  }
0x97: {  	_ =	strace $0x8FFFFFFF  }
0x98: {  	s19 =	sld [smem:$0x3FDB];
	_ =	sdelay $0x1  }
0x99: {  	s4 =	simm.s32 $_scs_section_size  }
0x9a: {  	s5 =	simm.s32 $_size__tile_overlayer_lowered;
	s6 =	simm.s32 $_tile_overlayer_lowered  }
0x9b: {  	s22 =	simm.s32 $0x1BFF;
	s21 =	sshll.u32 s6, $0x1;
	s3 =	sadd.s32 s4, s19  }
0x9c: {  	s7 =	simm.s32 $0x0;
	s20 =	sshll.u32 s5, $0x1;
	s5 =	sadd.s32 s21, s3  }
0x9d: {  	[timem:s7], [sflag:s22] =	dma.local [hbm:s5], s20  }
0x9e: {  	_ =	swait.ge [sflag:s22], s20  }
0x9f: {  	s4 =	ssub.s32 $0x0, s20;
	[sflag:s22] =	ssyncset.done $0x0  }
0xa0: {  	[sflag:s22] =	ssyncadd.s32 s4;
	_ =	sdelay $0x1  }
0xa1: {  	s23 =	simm.s32 $0x1B8B  }
0xa2: {  	_ =	swait.ge [sflag:s23], $0x1  }
0xa3: {  	[sflag:s23] =	ssyncset.done $0x0  }
0xa4: {  	s25 =	simm.s32 $0x1B8E;
	s24 =	sld [smem:$0x3FFE];
	[sflag:s23] =	ssyncadd.s32 $0xFFFFFFFF  }
0xa5: {  	s26 =	simm.s32 $execute0_lowered;
	[smem:$0x3FD2] =	sst s25  }
0xa6: {  	s5 =	sshll.u32 s26, $0x1;
	_ =	strace $0x80000055;
	[dreg:$0x1] =	wrdreg $0xFFFFFFFF  }
0xa7: {  	s28 =	simm.s32 $_size_execute0_lowered;
	s3 =	sadd.s32 s3, s5;
	[dreg:$0x0] =	wrdreg $0x0  }
0xa8: {  	s5 =	sshll.u32 s28, $0x1;
	[dreg:$0x2] =	wrdreg s3  }
0xa9: {  	[dreg:$0x3] =	wrdreg s5  }
0xaa: {  	[dreg:$0x4] =	wrdreg $0xC0  }
0xab: {  	_ =	task [dreg:s7], $0x5FFFF  }
0xac: {  	[dreg:$0x1] =	wrdreg $0xFFFFFFFF  }
0xad: {  	[dreg:$0x0] =	wrdreg $0x60  }
0xae: {  	[dreg:$0x2] =	wrdreg s24  }
0xaf: {  	[dreg:$0x3] =	wrdreg s2  }
0xb0: {  	[dreg:$0x4] =	wrdreg $0x0  }
0xb1: {  	[dreg:$0x5] =	wrdreg $0x9  }
0xb2: {  	_ =	task.clear_ibuf [dreg:s7], $0x6FFFF;
	_ =	strace $0x90000055  }
0xb3: {  	s29 =	simm.s32 $0x9;
	_ =	strace $0x80000057  }
0xb4: {  	_ =	swait.ge [sflag:s29], $0x1  }
0xb5: {  	[sflag:s29] =	ssyncadd.s32 $0xFFFFFFFF  }
0xb6: {  	_ =	strace $0x90000057  }
0xb7: {  	_ =	sfence  }
0xb8: {  	s30 =	sld [smem:$0x0];
	_ =	sdelay $0x2  }
0xb9: {  	s31 =	sshll.u32 s1, $0xD;
	s1 =	sshrl.u32 s1, $0x2  }
0xba: {  	s3 =	sand.u32 $0x4000, s31;
	s1 =	sadd.s32 s1, s30  }
0xbb: {  	s0 =	sor.u32 s3, s0;
	s1 =	sshll.u32 s1, $0x11  }
0xbc: {  	s0 =	sor.u32 s1, s0  }
0xbd: {  	s0 =	sadd.s32 $0x8F2B, s0  }
0xbe: {  	[sflag:s0] =	ssyncadd.remote.s32 $0x1  }
0xbf: {  	_ =	sfence.sel $0xFFFF  }
0xc0: {  	[dreg:$0x0] =	wrdreg $0xFFFFFFFF;
	(pc) =	sbr.abs _section_cstart, $3  }
0xc1: {  	[dreg:$0x1] =	wrdreg $0xFFFFFFFF  }
0xc2: {  	_ =	task.clear_ibuf [dreg:s7], $0x2FFFF;
	_ =	strace $0x9FFFFFFF  }
0xc3: {  	(tm) =	ssettm $0x7FFFFFFF  }
tec
execute0_lowered:
.L_overlay_start_1:
0x0: {  	(tag) =	ssettag $0x1  }
0x1: {  	s5 =	rddreg [dreg:$0x0]  }
0x2: {  	s8 =	rddreg [dreg:$0x1]  }
0x3: {  	s2 =	rddreg [dreg:$0x2]  }
0x4: {  	s0 =	rddreg [dreg:$0x3];
	s1 =	stileid.u32  }
0x5: {  	s4 =	srdreg.scid;
	s6 =	smul.u32 $0x14, s1  }
0x6: {  	s3 =	simm.s32 $0x0;
	s7 =	sand.u32 $0x1, s4;
	s9 =	smul.u32 $0x14000, s1  }
0x7: {  	[smem:$0x7FF] =	sst s3;
	s13 =	smul.u32 $0x5000, s1;
	s4 =	sadd.s32 $0x9800, s5  }
0x8: {  	s10 =	ssub.s32 $0x2, s7;
	s11 =	smul.u32 $0x50000, s7;
	_ =	strace $0x80000056  }
0x9: {  	s31 =	smul.u32 $0xA, s7;
	s12 =	sshrl.u32 s10, $0x1;
	s14 =	sadd.s32 s6, s5  }
0xa: {  	s29 =	sshrl.u32 s9, $0x2;
	s5 =	sshll.u32 s1, $0x1;
	s10 =	ssub.s32 s10, s12  }
0xb: {  	s30 =	sadd.s32 s13, s11;
	s6 =	sadd.s32 s29, s2;
	s11 =	sadd.s32 s31, s14  }
0xc: {  	s12 =	simm.s32 $0x5000;
	s13 =	simm.s32 $0x2;
	s9 =	sshrl.u32 s30, $0x3  }
0xd: {  	s14 =	simm.s32 $0x0;
	s7 =	sadd.s32 $0x2800, s6;
	s8 =	sadd.s32 s8, s9  }
0xe: {  	v0 =	vimm.f32 $0.0e+00;
	s9 =	smax.u32 s10, $0x1;
	s10 =	sadd.s32 $0x4800, s11;
	s11 =	sadd.s32 $0x7000, s11  }
.LBB2_1:
0xf: {  	s15 =	sand.u32 $0xFE00, s3  }
0x10: {  	s16 =	sand.u32 $0x70, s3;
	s17 =	sshrl.u32 s15, $0x2  }
0x11: {  	s15 =	simm.s32 $0x40;
	s17 =	sor.u32 s16, s17;
	s16 =	simm.s32 $0x0  }
.LBB2_2:
0x12: {  	p0 =	sne.s32 s15, $0x9FC0  }
0x13: {  	[tilespmem:s17+$0x5000] =	vst v0;
	s16 =	sadd.s32 $0x10, s16;
	s17 =	smov.u32 s15;
	s15 =	sadd.s32 $0x40, s15  }
.Ltmp0:
0x14: {  	(pc) =	sbr.rel @p0 .LBB2_2-.Ltmp0, $4  }
0x15: {  	_ = 	snop  }
0x16: {  	s17 =	sand.u32 $0xFE00, s17  }
0x17: {  	s18 =	sand.u32 $0x70, s16;
	s17 =	sshrl.u32 s17, $0x2  }
0x18: {  	s17 =	sor.u32 s18, s17  }
0x19: {  	[tilespmem:s17+$0x5000] =	vst v0  }
0x1a: {  	[spmem:s6] =	stream.linear.scatter [tilespmem:s12], [sflag:$0x2], $0x2800, $0x38;
	[tilespmem:$0x7900] =	vst v63  }
0x1b: {  	_ =	swait.ge [sflag:s13], $0x2800  }
0x1c: {  	[sflag:s13] =	ssyncset.done $0x0  }
0x1d: {  	[sflag:s13] =	ssyncadd.s32 $0xFFFFD800  }
0x1e: {  	[spmem:s7] =	stream.linear.scatter [tilespmem:s12], [sflag:$0x2], $0x2800, $0x38;
	[tilespmem:$0x7900] =	vst v63  }
0x1f: {  	_ =	swait.ge [sflag:s13], $0x2800  }
0x20: {  	p0 =	sgt.u32 s5, $0x3E7;
	[sflag:s13] =	ssyncset.done $0x0  }
0x21: {  	s15 =	sadd.s32 @!p0 $0x0, s10;
	s16 =	simm.s32 @!p0 $0x0;
	[sflag:s13] =	ssyncadd.s32 $0xFFFFD800  }
0x22: {  	s17 =	simm.s32 @!p0 $0x7800;
	s18 =	simm.s32 @!p0 $0x3;
	[bflag:$0x0] =	sbarrier.arrive $0xFFFF  }
0x23: {  	[tilespmem:s17], [sflag:$0x3] =	stream.linear.gather @!p0 [hbm4b:s15+s16], $0x50, $0x38;
	[tilespmem:$0x7900] =	vst v63  }
0x24: {  	_ =	swait.ge @!p0 [sflag:s18], $0x50  }
0x25: {  	[sflag:s18] =	ssyncset.done @!p0 $0x0  }
0x26: {  	s19 =	simm.s32 @!p0 $0x7880;
	s15 =	sadd.s32 @!p0 $0x0, s11;
	[sflag:s18] =	ssyncadd.s32 @!p0 $0xFFFFFFB0  }
0x27: {  	[tilespmem:s19], [sflag:$0x3] =	stream.linear.gather @!p0 [hbm4b:s15+s16], $0x50, $0x38;
	[tilespmem:$0x7900] =	vst v63  }
0x28: {  	_ =	swait.ge @!p0 [sflag:s18], $0x50;
	p0 =	por p0, p0  }
0x29: {  	[sflag:s18] =	ssyncset.done @!p0 $0x0;
	s15 =	simm.s32 @!p0 $0x50  }
0x2a: {  	s16 =	simm.s32 @!p0 $0x5000;
	[sflag:s18] =	ssyncadd.s32 @!p0 $0xFFFFFFB0;
	s18 =	simm.s32 @!p0 $0x1  }
0x2b: {  	[tilespmem:s16], [sflag:$0x1] =	stream.indirect.gather @!p0 [hbm4b:s4+s15], $0x80, s19, s15, $0xb8;
	[tilespmem:$0x7900] =	vst v63  }
0x2c: {  	_ =	swait.ge @!p0 [sflag:s18], $0x2800  }
0x2d: {  	[sflag:s18] =	ssyncset.done @!p0 $0x0  }
0x2e: {  	[sflag:s18] =	ssyncadd.s32 @!p0 $0xFFFFD800  }
0x2f: {  	[spmem:s2] =	stream.indirect.scatter.add.f32 @!p0 [tilespmem:s16], [sflag:$0x2], $0x80, s17, s15, $0xb8;
	[tilespmem:$0x7900] =	vst v63  }
0x30: {  	s18 =	simm.s32 @!p0 $0x2;
	s15 =	simm.s32 $0x140;
	s16 =	sadd.s32 $0x20, s5  }
0x31: {  	s17 =	simm.s32 $0x280;
	p1 =	sgt.u32 s16, $0x3E7;
	_ =	swait.ge @!p0 [sflag:s18], $0x2800  }
.LBB2_4:
0x32: {  	s19 =	sadd.s32 @!p1 s15, s10;
	s20 =	simm.s32 @!p1 $0x0;
	[sflag:s18] =	ssyncset.done @!p0 $0x0  }
0x33: {  	s21 =	simm.s32 @!p1 $0x7800;
	s22 =	simm.s32 @!p1 $0x3;
	[sflag:s18] =	ssyncadd.s32 @!p0 $0xFFFFD800  }
0x34: {  	[tilespmem:s21], [sflag:$0x3] =	stream.linear.gather @!p1 [hbm4b:s19+s20], $0x50, $0x38;
	[tilespmem:$0x7900] =	vst v63  }
0x35: {  	s18 =	smov.u32 s17;
	s17 =	sadd.s32 $0x140, s17;
	_ =	swait.ge @!p1 [sflag:s22], $0x50  }
0x36: {  	s23 =	simm.s32 @!p1 $0x7880;
	s19 =	sadd.s32 @!p1 s15, s11;
	[sflag:s22] =	ssyncset.done @!p1 $0x0  }
0x37: {  	p2 =	sne.s32 s17, $0x2800;
	s15 =	smov.u32 s18;
	[sflag:s22] =	ssyncadd.s32 @!p1 $0xFFFFFFB0  }
0x38: {  	[tilespmem:s23], [sflag:$0x3] =	stream.linear.gather @!p1 [hbm4b:s19+s20], $0x50, $0x38;
	[tilespmem:$0x7900] =	vst v63  }
0x39: {  	p0 =	por p1, p1;
	_ =	swait.ge @!p1 [sflag:s22], $0x50  }
0x3a: {  	s19 =	simm.s32 @!p0 $0x50;
	s20 =	simm.s32 @!p0 $0x5000;
	[sflag:s22] =	ssyncset.done @!p0 $0x0  }
0x3b: {  	s18 =	simm.s32 @!p0 $0x1;
	[sflag:s22] =	ssyncadd.s32 @!p0 $0xFFFFFFB0  }
0x3c: {  	[tilespmem:s20], [sflag:$0x1] =	stream.indirect.gather @!p0 [hbm4b:s4+s19], $0x80, s23, s19, $0xb8;
	[tilespmem:$0x7900] =	vst v63  }
.Ltmp1:
0x3d: {  	_ =	swait.ge @!p0 [sflag:s18], $0x2800;
	(pc) =	sbr.rel @p2 .LBB2_4-.Ltmp1, $4  }
0x3e: {  	[sflag:s18] =	ssyncset.done @!p0 $0x0  }
0x3f: {  	s16 =	sadd.s32 $0x20, s16;
	[sflag:s18] =	ssyncadd.s32 @!p0 $0xFFFFD800;
	s18 =	simm.s32 @!p0 $0x2  }
0x40: {  	[spmem:s2] =	stream.indirect.scatter.add.f32 @!p0 [tilespmem:s20], [sflag:$0x2], $0x80, s21, s19, $0xb8;
	[tilespmem:$0x7900] =	vst v63  }
0x41: {  	p1 =	sgt.u32 s16, $0x3E7;
	_ =	swait.ge @!p0 [sflag:s18], $0x2800  }
0x42: {  	s16 =	sadd.s32 @!p1 s15, s10;
	s17 =	simm.s32 @!p1 $0x0;
	[sflag:s18] =	ssyncset.done @!p0 $0x0  }
0x43: {  	s19 =	simm.s32 @!p1 $0x7800;
	s20 =	simm.s32 @!p1 $0x3;
	[sflag:s18] =	ssyncadd.s32 @!p0 $0xFFFFD800  }
0x44: {  	[tilespmem:s19], [sflag:$0x3] =	stream.linear.gather @!p1 [hbm4b:s16+s17], $0x50, $0x38;
	[tilespmem:$0x7900] =	vst v63  }
0x45: {  	_ =	swait.ge @!p1 [sflag:s20], $0x50  }
0x46: {  	[sflag:s20] =	ssyncset.done @!p1 $0x0  }
0x47: {  	s15 =	sadd.s32 @!p1 s15, s11;
	s16 =	simm.s32 @!p1 $0x7880;
	[sflag:s20] =	ssyncadd.s32 @!p1 $0xFFFFFFB0  }
0x48: {  	[tilespmem:s16], [sflag:$0x3] =	stream.linear.gather @!p1 [hbm4b:s15+s17], $0x50, $0x38;
	[tilespmem:$0x7900] =	vst v63  }
0x49: {  	p0 =	por p1, p1;
	_ =	swait.ge @!p1 [sflag:s20], $0x50  }
0x4a: {  	s18 =	simm.s32 @!p0 $0x1;
	[sflag:s20] =	ssyncset.done @!p0 $0x0  }
0x4b: {  	s15 =	simm.s32 @!p0 $0x50;
	s17 =	simm.s32 @!p0 $0x5000;
	[sflag:s20] =	ssyncadd.s32 @!p0 $0xFFFFFFB0  }
0x4c: {  	[tilespmem:s17], [sflag:$0x1] =	stream.indirect.gather @!p0 [hbm4b:s4+s15], $0x80, s16, s15, $0xb8;
	[tilespmem:$0x7900] =	vst v63  }
0x4d: {  	_ =	swait.ge @!p0 [sflag:s18], $0x2800  }
0x4e: {  	[sflag:s18] =	ssyncset.done @!p0 $0x0  }
0x4f: {  	s16 =	simm.s32 @!p0 $0x2;
	[sflag:s18] =	ssyncadd.s32 @!p0 $0xFFFFD800  }
0x50: {  	[spmem:s2] =	stream.indirect.scatter.add.f32 @!p0 [tilespmem:s17], [sflag:$0x2], $0x80, s19, s15, $0xb8;
	[tilespmem:$0x7900] =	vst v63  }
0x51: {  	_ =	swait.ge @!p0 [sflag:s16], $0x2800  }
0x52: {  	s30 =	sshll.u32 s1, $0x6;
	s14 =	sadd.s32 $0x1, s14;
	[sflag:s16] =	ssyncset.done @!p0 $0x0  }
0x53: {  	s31 =	sshrl.u32 s6, $0x3;
	[sflag:s16] =	ssyncadd.s32 @!p0 $0xFFFFD800;
	p0 =	sne.s32 s14, s9  }
.Ltmp2:
0x54: {  	s15 =	sor.u32 $0x1C02, s30;
	[bflag:$0x0] =	sbarrier.arrive $0xFFFF;
	(pc) =	sbr.rel @p0 .LBB2_1-.Ltmp2, $4  }
0x55: {  	[hbm:s8], [sflag:s15] =	dma.local [spmem:s31], $0xA00  }
0x56: {  	_ =	swait.ge [sflag:s13], $0xA00  }
0x57: {  	[sflag:s13] =	ssyncset.done $0x0  }
0x58: {  	[sflag:s13] =	ssyncadd.s32 $0xFFFFF600  }
0x59: {  	_ =	sfence.sel $0x180000  }
0x5a: {  	[bflag:$0x0] =	sbarrier.arrive $0xFFFF  }
0x5b: {  	p0 =	sne.s32 s1, $0x0;
	_ =	strace $0x90000056  }
0x5c: {  	s0 =	sadd.s32 @!p0 $0x100000, s0;
	[bflag:$0x2] =	sbarrier.arrive $0xFFFF  }
0x5d: {  	[sflag:s0] =	ssyncadd.tile.s32 @!p0 $0x1;
	_ =	shalt  }
.Lfunc_end2:
_tile_overlayer_lowered:
.L_overlay_start_2:
0x5e: {  	(tag) =	ssettag $0x2  }
0x5f: {  	s0 =	rddreg [dreg:$0x0];
	s2 =	stileid.u32  }
0x60: {  	s1 =	rddreg [dreg:$0x1];
	p0 =	sne.s32 s2, $0x0  }
0x61: {  	s3 =	rddreg [dreg:$0x2];
	[bflag:$0x3] =	sbarrier.arrive $0xFFFF;
	s2 =	simm.s32 @!p0 $0x1C02  }
0x62: {  	[timem:s3], [sflag:s2] =	dma.local @!p0 [hbm:s0], s1  }
0x63: {  	s0 =	simm.s32 @!p0 $0x2  }
0x64: {  	_ =	swait.ge @!p0 [sflag:s0], s1  }
0x65: {  	s1 =	ssub.s32 @!p0 $0x0, s1;
	[sflag:s0] =	ssyncset.done @!p0 $0x0  }
0x66: {  	[sflag:s0] =	ssyncadd.s32 @!p0 s1  }
0x67: {  	[bflag:$0x3] =	sbarrier.arrive $0xFFFF  }
0x68: {  	_ =	shalt  }

// kernel: kernel.33.cloned.1.call-start
scs
__scs_entry_jumppad:
0x0: {  	(pc) =	sbr.rel $0x88, $3  }
0x1: {  	(tag) =	ssettag $0x0;
	lr =	simm.s32 $0x1  }
0x2: {  	[smem:$0x3F97] =	sst lr;
	_ =	strace $0xD0000000  }
0x3: {  	_ = 	snop  }
0x4: {  	_ = 	snop  }
0x5: {  	_ = 	snop  }
0x6: {  	_ = 	snop  }
0x7: {  	_ = 	snop  }
__scs_overlays_trampoline_lowered:
0x8: {  	[smem:$0x3FA6] =	sst s0  }
0x9: {  	[smem:$0x3FA7] =	sst s1  }
0xa: {  	[smem:$0x3FA8] =	sst s2  }
0xb: {  	[smem:$0x3FA9] =	sst s3  }
0xc: {  	[smem:$0x3FAA] =	sst s4  }
0xd: {  	[smem:$0x3FAB] =	sst s5  }
0xe: {  	[smem:$0x3FAC] =	sst s6  }
0xf: {  	[smem:$0x3FAD] =	sst s7  }
0x10: {  	[smem:$0x3FAE] =	sst s8  }
0x11: {  	[smem:$0x3FAF] =	sst s9;
	s0 =	simm.s32 @!p0 $0x0  }
0x12: {  	s1 =	sld [smem:$0x3F95];
	s0 =	simm.s32 @p0 $0x1  }
0x13: {  	[smem:$0x3FB0] =	sst s0;
	s0 =	simm.s32 @!p1 $0x0  }
0x14: {  	s2 =	sld [smem:$0x3F94];
	s0 =	simm.s32 @p1 $0x1  }
0x15: {  	[smem:$0x3FB1] =	sst s0;
	s0 =	simm.s32 @!p2 $0x0  }
0x16: {  	s3 =	sld [smem:$0x3FDB];
	s0 =	simm.s32 @p2 $0x1  }
0x17: {  	s4 =	simm.s32 $0x1BF5;
	[smem:$0x3FB3] =	sst s0  }
0x18: {  	s0 =	sld [smem:$0x3F96];
	_ =	swait.ge [sflag:s4], $0x0  }
0x19: {  	s7 =	sld [smem:$0x3F97]  }
0x1a: {  	s8 =	sadd.s32 $0xFFFFE003, lr  }
0x1b: {  	s9 =	sadd.s32 $0xFFFFFEF7, lr;
	s5 =	simm.s32 $0xFFFFFFFF;
	p2 =	slt.u32 s8, $0xFFFFF086  }
0x1c: {  	p1 =	slt.u32 s9, $0xF7A;
	s5 =	simm.s32 @!p2 $0x0  }
0x1d: {  	s5 =	simm.s32 @p1 $0x1;
	p0 =	seq.s32 s7, s2  }
0x1e: {  	s7 =	smul.u32 @!p0 $0xF7A, s2;
	p2 =	seq.s32 @!p0 s5, $0x0  }
0x1f: {  	s9 =	smul.u32 $0xF7A, s1;
	s8 =	simm.s32 @!p0 $0x1BF5;
	p2 =	por !p2, p0  }
0x20: {  	[sflag:s8] =	ssyncset.s32 @!p0 $0xFFFFF086;
	s6 =	sadd.s32 @!p0 s3, s7;
	s7 =	simm.s32 @!p0 $0x108  }
0x21: {  	s3 =	sadd.s32 s3, s9;
	s6 =	sadd.s32 @!p0 $0x88, s6;
	s7 =	simm.s32 @p2 $0x1082  }
0x22: {  	[simem:s7], [sflag:s8] =	dma.local @!p0 [hbm:s6], $0xF7A  }
0x23: {  	s9 =	sor.u32 $0xD0000000, s2;
	s6 =	simm.s32 $0x108;
	_ =	swait.ge @!p0 [sflag:s8], $0x0  }
0x24: {  	s3 =	sadd.s32 $0x88, s3;
	s6 =	simm.s32 @!p1 $0x1082;
	[sflag:s4] =	ssyncset.s32 $0xFFFFF086  }
0x25: {  	[simem:s6], [sflag:s4] =	dma.local [hbm:s3], $0xF7A  }
0x26: {  	[smem:$0x3F97] =	sst s1;
	(tag) =	ssettag s2;
	_ =	strace s9  }
0x27: {  	s1 =	sld [smem:$0x3FA7]  }
0x28: {  	s2 =	sld [smem:$0x3FA8]  }
0x29: {  	s4 =	sld [smem:$0x3FAA]  }
0x2a: {  	p0 =	seq.s32 s5, $0x0;
	s5 =	sld [smem:$0x3FAB]  }
0x2b: {  	s6 =	sld [smem:$0x3FAC]  }
0x2c: {  	s7 =	sld [smem:$0x3FAD]  }
0x2d: {  	s3 =	simm.s32 $0x108;
	s8 =	sld [smem:$0x3FAE]  }
0x2e: {  	s3 =	simm.s32 @!p0 $0x1082;
	s9 =	sld [smem:$0x3FAF]  }
0x2f: {  	lr =	sadd.s32 s0, s3;
	s0 =	sld [smem:$0x3FA6]  }
0x30: {  	s3 =	sld [smem:$0x3FA9]  }
0x31: {  	[smem:$0x3FB2] =	sst s10  }
0x32: {  	s10 =	sld [smem:$0x3FB0];
	_ =	sdelay $0x3  }
0x33: {  	p0 =	seq.s32 s10, $0x1;
	s10 =	sld [smem:$0x3FB2];
	_ =	sdelay $0x3  }
0x34: {  	[smem:$0x3FB2] =	sst s10  }
0x35: {  	s10 =	sld [smem:$0x3FB1];
	_ =	sdelay $0x3  }
0x36: {  	p1 =	seq.s32 s10, $0x1;
	s10 =	sld [smem:$0x3FB2];
	_ =	sdelay $0x3  }
0x37: {  	[smem:$0x3FB2] =	sst s10  }
0x38: {  	s10 =	sld [smem:$0x3FB3]  }
0x39: {  	_ = 	snop;
	(pc) =	sbr.ind lr, $3  }
0x3a: {  	_ = 	snop  }
0x3b: {  	_ = 	snop  }
0x3c: {  	p2 =	seq.s32 s10, $0x1;
	s10 =	sld [smem:$0x3FB2]  }
0x3d: {  	_ =	shalt  }
0x3e: {  	_ =	shalt  }
0x3f: {  	_ =	shalt  }
0x40: {  	_ =	shalt  }
0x41: {  	_ =	shalt  }
0x42: {  	_ =	shalt  }
0x43: {  	_ =	shalt  }
0x44: {  	_ =	shalt  }
0x45: {  	_ =	shalt  }
0x46: {  	_ =	shalt  }
0x47: {  	_ =	shalt  }
0x48: {  	_ =	shalt  }
0x49: {  	_ =	shalt  }
0x4a: {  	_ =	shalt  }
0x4b: {  	_ =	shalt  }
0x4c: {  	_ =	shalt  }
0x4d: {  	_ =	shalt  }
0x4e: {  	_ =	shalt  }
0x4f: {  	_ =	shalt  }
0x50: {  	_ =	shalt  }
0x51: {  	_ =	shalt  }
0x52: {  	_ =	shalt  }
0x53: {  	_ =	shalt  }
0x54: {  	_ =	shalt  }
0x55: {  	_ =	shalt  }
0x56: {  	_ =	shalt  }
0x57: {  	_ =	shalt  }
0x58: {  	_ =	shalt  }
0x59: {  	_ =	shalt  }
0x5a: {  	_ =	shalt  }
0x5b: {  	_ =	shalt  }
0x5c: {  	_ =	shalt  }
0x5d: {  	_ =	shalt  }
0x5e: {  	_ =	shalt  }
0x5f: {  	_ =	shalt  }
0x60: {  	_ =	shalt  }
0x61: {  	_ =	shalt  }
0x62: {  	_ =	shalt  }
0x63: {  	_ =	shalt  }
0x64: {  	_ =	shalt  }
0x65: {  	_ =	shalt  }
0x66: {  	_ =	shalt  }
0x67: {  	_ =	shalt  }
0x68: {  	_ =	shalt  }
0x69: {  	_ =	shalt  }
0x6a: {  	_ =	shalt  }
0x6b: {  	_ =	shalt  }
0x6c: {  	_ =	shalt  }
0x6d: {  	_ =	shalt  }
0x6e: {  	_ =	shalt  }
0x6f: {  	_ =	shalt  }
0x70: {  	_ =	shalt  }
0x71: {  	_ =	shalt  }
0x72: {  	_ =	shalt  }
0x73: {  	_ =	shalt  }
0x74: {  	_ =	shalt  }
0x75: {  	_ =	shalt  }
0x76: {  	_ =	shalt  }
0x77: {  	_ =	shalt  }
0x78: {  	_ =	shalt  }
0x79: {  	_ =	shalt  }
0x7a: {  	_ =	shalt  }
0x7b: {  	_ =	shalt  }
0x7c: {  	_ =	shalt  }
0x7d: {  	_ =	shalt  }
0x7e: {  	_ =	shalt  }
0x7f: {  	_ =	shalt  }
0x80: {  	_ =	shalt  }
0x81: {  	_ =	shalt  }
0x82: {  	_ =	shalt  }
0x83: {  	_ =	shalt  }
0x84: {  	_ =	shalt  }
0x85: {  	_ =	shalt  }
0x86: {  	_ =	shalt  }
0x87: {  	_ =	shalt  }
.Lfunc_end0:
.L_simem_size_0:
called_computation.6_lowered:
.L_overlay_start_0:
0x88: {  	s2 =	sld [smem:$0x3FD9]  }
0x89: {  	s3 =	sld [smem:$0x3FFE];
	_ =	sdelay $0x1  }
0x8a: {  	s1 =	srdreg.scid  }
0x8b: {  	s0 =	sand.u32 $0x1, s1  }
0x8c: {  	s17 =	sshll.u32 s0, $0xA;
	s2 =	sadd.s32 s3, s2  }
0x8d: {  	s2 =	sadd.s32 s2, s17  }
0x8e: {  	[smem:$0x3FBE] =	sst s2  }
0x8f: {  	_ = 	snop  }
0x90: {  	s2 =	sld [smem:$0x3FC6]  }
0x91: {  	s18 =	sld [smem:$0x3FD0];
	(tm) =	ssettm $0x1  }
0x92: {  	s4 =	sld [smem:$0x3FFB];
	_ =	sdelay $0x3  }
0x93: {  	_ =	strace s4  }
0x94: {  	s4 =	sld [smem:$0x3FFC];
	_ =	sdelay $0x3  }
0x95: {  	_ =	strace s4  }
0x96: {  	s4 =	sld [smem:$0x3FFD];
	_ =	sdelay $0x3  }
0x97: {  	_ =	strace s4  }
0x98: {  	_ =	strace $0x8FFFFFFF  }
0x99: {  	s19 =	sld [smem:$0x3FDB];
	_ =	sdelay $0x1  }
0x9a: {  	s5 =	simm.s32 $_scs_section_size  }
0x9b: {  	s6 =	simm.s32 $_size__tile_overlayer_lowered;
	s7 =	simm.s32 $_tile_overlayer_lowered  }
0x9c: {  	s22 =	simm.s32 $0x1BFF;
	s21 =	sshll.u32 s7, $0x1;
	s4 =	sadd.s32 s5, s19  }
0x9d: {  	s8 =	simm.s32 $0x0;
	s20 =	sshll.u32 s6, $0x1;
	s6 =	sadd.s32 s21, s4  }
0x9e: {  	[timem:s8], [sflag:s22] =	dma.local [hbm:s6], s20  }
0x9f: {  	_ =	swait.ge [sflag:s22], s20  }
0xa0: {  	s5 =	ssub.s32 $0x0, s20;
	[sflag:s22] =	ssyncset.done $0x0  }
0xa1: {  	[sflag:s22] =	ssyncadd.s32 s5;
	_ =	sdelay $0x1  }
0xa2: {  	s23 =	simm.s32 $0x1B8B  }
0xa3: {  	_ =	swait.ge [sflag:s23], $0x1  }
0xa4: {  	[sflag:s23] =	ssyncset.done $0x0  }
0xa5: {  	s25 =	simm.s32 $0x1B8E;
	s24 =	sld [smem:$0x3FFE];
	[sflag:s23] =	ssyncadd.s32 $0xFFFFFFFF  }
0xa6: {  	s26 =	simm.s32 $execute0_lowered;
	[smem:$0x3FD2] =	sst s25  }
0xa7: {  	s6 =	sshll.u32 s26, $0x1;
	_ =	strace $0x80000058;
	[dreg:$0x1] =	wrdreg $0xFFFFFFFF  }
0xa8: {  	s28 =	simm.s32 $_size_execute0_lowered;
	s4 =	sadd.s32 s4, s6;
	[dreg:$0x0] =	wrdreg $0x0  }
0xa9: {  	s6 =	sshll.u32 s28, $0x1;
	[dreg:$0x2] =	wrdreg s4  }
0xaa: {  	[dreg:$0x3] =	wrdreg s6  }
0xab: {  	[dreg:$0x4] =	wrdreg $0xC0  }
0xac: {  	_ =	task [dreg:s8], $0x5FFFF  }
0xad: {  	[dreg:$0x1] =	wrdreg $0xFFFFFFFF  }
0xae: {  	[dreg:$0x0] =	wrdreg $0x60  }
0xaf: {  	[dreg:$0x2] =	wrdreg s24  }
0xb0: {  	[dreg:$0x3] =	wrdreg s2  }
0xb1: {  	[dreg:$0x4] =	wrdreg s18  }
0xb2: {  	[dreg:$0x5] =	wrdreg $0x9  }
0xb3: {  	_ =	task.clear_ibuf [dreg:s8], $0x6FFFF;
	_ =	strace $0x90000058  }
0xb4: {  	s29 =	simm.s32 $0x9;
	_ =	strace $0x8000005A  }
0xb5: {  	_ =	swait.ge [sflag:s29], $0x1  }
0xb6: {  	[sflag:s29] =	ssyncadd.s32 $0xFFFFFFFF  }
0xb7: {  	_ =	strace $0x9000005A  }
0xb8: {  	_ =	sfence  }
0xb9: {  	s30 =	sld [smem:$0x0];
	_ =	sdelay $0x2  }
0xba: {  	s31 =	sshll.u32 s1, $0xD;
	s1 =	sshrl.u32 s1, $0x2  }
0xbb: {  	s3 =	sand.u32 $0x4000, s31;
	s1 =	sadd.s32 s1, s30  }
0xbc: {  	s0 =	sor.u32 s3, s0;
	s1 =	sshll.u32 s1, $0x11  }
0xbd: {  	s0 =	sor.u32 s1, s0  }
0xbe: {  	s0 =	sadd.s32 $0x8F2B, s0  }
0xbf: {  	[sflag:s0] =	ssyncadd.remote.s32 $0x1  }
0xc0: {  	_ =	sfence.sel $0xFFFF  }
0xc1: {  	[dreg:$0x0] =	wrdreg $0xFFFFFFFF;
	(pc) =	sbr.abs _section_cstart, $3  }
0xc2: {  	[dreg:$0x1] =	wrdreg $0xFFFFFFFF  }
0xc3: {  	_ =	task.clear_ibuf [dreg:s8], $0x2FFFF;
	_ =	strace $0x9FFFFFFF  }
0xc4: {  	(tm) =	ssettm $0x7FFFFFFF  }
0xc5: {  	_ =	shalt  }
tec
execute0_lowered:
.L_overlay_start_1:
0x0: {  	(tag) =	ssettag $0x1  }
0x1: {  	s1 =	srdreg.scid;
	s0 =	stileid.u32  }
0x2: {  	s5 =	rddreg [dreg:$0x0];
	s16 =	sand.u32 $0x1, s1;
	s30 =	sshll.u32 s0, $0x1  }
0x3: {  	s15 =	rddreg [dreg:$0x1];
	s14 =	sor.u32 s16, s30  }
0x4: {  	s21 =	rddreg [dreg:$0x2];
	s2 =	simm.s32 $0x0;
	s3 =	smul.u32 $0xA, s14  }
0x5: {  	s4 =	simm.s32 $0x3;
	[smem:$0x7FF] =	sst s2  }
0x6: {  	s1 =	rddreg [dreg:$0x3];
	_ =	strace $0x80000059;
	s3 =	sadd.s32 s15, s3  }
0x7: {  	[tilespmem:s2], [sflag:$0x3] =	stream.linear.gather [hbm4b:s3+s2], $0x50, $0x38;
	[tilespmem:$0x2880] =	vst v63  }
0x8: {  	_ =	swait.ge [sflag:s4], $0x50  }
0x9: {  	s6 =	simm.s32 $0x50;
	s7 =	simm.s32 $0x80;
	[sflag:s4] =	ssyncset.done $0x0  }
0xa: {  	s8 =	simm.s32 $0x1;
	s5 =	sadd.s32 $0x4400, s5;
	[sflag:s4] =	ssyncadd.s32 $0xFFFFFFB0  }
0xb: {  	[tilespmem:s7], [sflag:$0x1] =	stream.indirect.gather [hbm4b:s5+s6], $0x80, s2, s6, $0xb8;
	[tilespmem:$0x2880] =	vst v63  }
0xc: {  	s9 =	smul.u32 $0x500, s14;
	_ =	swait.ge [sflag:s8], $0x2800  }
0xd: {  	s10 =	simm.s32 $0x2;
	[sflag:s8] =	ssyncset.done $0x0  }
0xe: {  	s12 =	sor.u32 $0x20, s14;
	s9 =	sadd.s32 s21, s9;
	[sflag:s8] =	ssyncadd.s32 $0xFFFFD800  }
0xf: {  	[hbm4b:s9+s2] =	stream.linear.scatter [tilespmem:s7], [sflag:$0x2], $0x2800, $0x38;
	[tilespmem:$0x2880] =	vst v63  }
0x10: {  	s11 =	smul.u32 $0xA, s12;
	_ =	swait.ge [sflag:s10], $0x2800  }
0x11: {  	[sflag:s10] =	ssyncset.done $0x0  }
0x12: {  	s11 =	sadd.s32 s15, s11;
	[sflag:s10] =	ssyncadd.s32 $0xFFFFD800  }
0x13: {  	[tilespmem:s2], [sflag:$0x3] =	stream.linear.gather [hbm4b:s11+s2], $0x50, $0x38;
	[tilespmem:$0x2880] =	vst v63  }
0x14: {  	_ =	swait.ge [sflag:s4], $0x50  }
0x15: {  	[sflag:s4] =	ssyncset.done $0x0  }
0x16: {  	[sflag:s4] =	ssyncadd.s32 $0xFFFFFFB0  }
0x17: {  	[tilespmem:s7], [sflag:$0x1] =	stream.indirect.gather [hbm4b:s5+s6], $0x80, s2, s6, $0xb8;
	[tilespmem:$0x2880] =	vst v63  }
0x18: {  	s12 =	smul.u32 $0x500, s12;
	_ =	swait.ge [sflag:s8], $0x2800  }
0x19: {  	[sflag:s8] =	ssyncset.done $0x0  }
0x1a: {  	s17 =	sor.u32 $0x40, s14;
	s12 =	sadd.s32 s21, s12;
	[sflag:s8] =	ssyncadd.s32 $0xFFFFD800  }
0x1b: {  	[hbm4b:s12+s2] =	stream.linear.scatter [tilespmem:s7], [sflag:$0x2], $0x2800, $0x38;
	[tilespmem:$0x2880] =	vst v63  }
0x1c: {  	s13 =	smul.u32 $0xA, s17;
	_ =	swait.ge [sflag:s10], $0x2800  }
0x1d: {  	[sflag:s10] =	ssyncset.done $0x0  }
0x1e: {  	s13 =	sadd.s32 s15, s13;
	[sflag:s10] =	ssyncadd.s32 $0xFFFFD800  }
0x1f: {  	[tilespmem:s2], [sflag:$0x3] =	stream.linear.gather [hbm4b:s13+s2], $0x50, $0x38;
	[tilespmem:$0x2880] =	vst v63  }
0x20: {  	_ =	swait.ge [sflag:s4], $0x50  }
0x21: {  	[sflag:s4] =	ssyncset.done $0x0  }
0x22: {  	[sflag:s4] =	ssyncadd.s32 $0xFFFFFFB0  }
0x23: {  	[tilespmem:s7], [sflag:$0x1] =	stream.indirect.gather [hbm4b:s5+s6], $0x80, s2, s6, $0xb8;
	[tilespmem:$0x2880] =	vst v63  }
0x24: {  	s17 =	smul.u32 $0x500, s17;
	_ =	swait.ge [sflag:s8], $0x2800  }
0x25: {  	s22 =	ssub.s32 $0x2, s16;
	s18 =	sor.u32 $0x60, s14;
	[sflag:s8] =	ssyncset.done $0x0  }
0x26: {  	s23 =	sshrl.u32 s22, $0x1;
	s14 =	sadd.s32 s21, s17;
	[sflag:s8] =	ssyncadd.s32 $0xFFFFD800  }
0x27: {  	[hbm4b:s14+s2] =	stream.linear.scatter [tilespmem:s7], [sflag:$0x2], $0x2800, $0x38;
	[tilespmem:$0x2880] =	vst v63  }
0x28: {  	s31 =	smul.u32 $0xA, s18;
	p0 =	sgt.u32 s18, $0x7C;
	_ =	swait.ge [sflag:s10], $0x2800  }
0x29: {  	s24 =	smul.u32 $0x500, s18;
	s16 =	simm.s32 @!p0 $0x0;
	[sflag:s10] =	ssyncset.done $0x0  }
0x2a: {  	s15 =	sadd.s32 s15, s31;
	s17 =	simm.s32 @!p0 $0x3;
	[sflag:s10] =	ssyncadd.s32 $0xFFFFD800  }
0x2b: {  	[tilespmem:s16], [sflag:$0x3] =	stream.linear.gather @!p0 [hbm4b:s15+s16], $0x50, $0x38;
	[tilespmem:$0x2880] =	vst v63  }
0x2c: {  	s22 =	ssub.s32 s22, s23;
	s18 =	simm.s32 @!p0 $0x1;
	_ =	swait.ge @!p0 [sflag:s17], $0x50  }
0x2d: {  	s19 =	simm.s32 @!p0 $0x50;
	s23 =	smax.u32 s22, $0x1;
	[sflag:s17] =	ssyncset.done @!p0 $0x0  }
0x2e: {  	s20 =	simm.s32 @!p0 $0x80;
	s23 =	sadd.s32 $0xFFFFFFFF, s23;
	[sflag:s17] =	ssyncadd.s32 @!p0 $0xFFFFFFB0  }
0x2f: {  	[tilespmem:s20], [sflag:$0x1] =	stream.indirect.gather @!p0 [hbm4b:s5+s19], $0x80, s16, s19, $0xb8;
	[tilespmem:$0x2880] =	vst v63  }
0x30: {  	p1 =	sne.s32 s23, $0x0;
	_ =	swait.ge @!p0 [sflag:s18], $0x2800  }
.Ltmp0:
0x31: {  	[sflag:s18] =	ssyncset.done @!p0 $0x0;
	(pc) =	sbr.rel @!p1 .LBB2_2-.Ltmp0, $4  }
0x32: {  	s22 =	sadd.s32 s21, s24;
	s21 =	simm.s32 @!p0 $0x2;
	[sflag:s18] =	ssyncadd.s32 @!p0 $0xFFFFD800  }
0x33: {  	[hbm4b:s22+s16] =	stream.linear.scatter @!p0 [tilespmem:s20], [sflag:$0x2], $0x2800, $0x38;
	[tilespmem:$0x2880] =	vst v63  }
0x34: {  	_ =	swait.ge @!p0 [sflag:s21], $0x2800  }
0x35: {  	[sflag:s21] =	ssyncset.done @!p0 $0x0  }
.LBB2_1:
0x36: {  	s23 =	sadd.s32 $0xFFFFFFFF, s23;
	[sflag:s21] =	ssyncadd.s32 @!p0 $0xFFFFD800  }
0x37: {  	[tilespmem:s2], [sflag:$0x3] =	stream.linear.gather [hbm4b:s3+s2], $0x50, $0x38;
	[tilespmem:$0x2880] =	vst v63  }
0x38: {  	p1 =	sne.s32 s23, $0x0;
	_ =	swait.ge [sflag:s4], $0x50  }
0x39: {  	[sflag:s4] =	ssyncset.done $0x0  }
0x3a: {  	[sflag:s4] =	ssyncadd.s32 $0xFFFFFFB0  }
0x3b: {  	[tilespmem:s7], [sflag:$0x1] =	stream.indirect.gather [hbm4b:s5+s6], $0x80, s2, s6, $0xb8;
	[tilespmem:$0x2880] =	vst v63  }
0x3c: {  	_ =	swait.ge [sflag:s8], $0x2800  }
0x3d: {  	[sflag:s8] =	ssyncset.done $0x0  }
0x3e: {  	[sflag:s8] =	ssyncadd.s32 $0xFFFFD800  }
0x3f: {  	[hbm4b:s9+s2] =	stream.linear.scatter [tilespmem:s7], [sflag:$0x2], $0x2800, $0x38;
	[tilespmem:$0x2880] =	vst v63  }
0x40: {  	_ =	swait.ge [sflag:s10], $0x2800  }
0x41: {  	[sflag:s10] =	ssyncset.done $0x0  }
0x42: {  	[sflag:s10] =	ssyncadd.s32 $0xFFFFD800  }
0x43: {  	[tilespmem:s2], [sflag:$0x3] =	stream.linear.gather [hbm4b:s11+s2], $0x50, $0x38;
	[tilespmem:$0x2880] =	vst v63  }
0x44: {  	_ =	swait.ge [sflag:s4], $0x50  }
0x45: {  	[sflag:s4] =	ssyncset.done $0x0  }
0x46: {  	[sflag:s4] =	ssyncadd.s32 $0xFFFFFFB0  }
0x47: {  	[tilespmem:s7], [sflag:$0x1] =	stream.indirect.gather [hbm4b:s5+s6], $0x80, s2, s6, $0xb8;
	[tilespmem:$0x2880] =	vst v63  }
0x48: {  	_ =	swait.ge [sflag:s8], $0x2800  }
0x49: {  	[sflag:s8] =	ssyncset.done $0x0  }
0x4a: {  	[sflag:s8] =	ssyncadd.s32 $0xFFFFD800  }
0x4b: {  	[hbm4b:s12+s2] =	stream.linear.scatter [tilespmem:s7], [sflag:$0x2], $0x2800, $0x38;
	[tilespmem:$0x2880] =	vst v63  }
0x4c: {  	_ =	swait.ge [sflag:s10], $0x2800  }
0x4d: {  	[sflag:s10] =	ssyncset.done $0x0  }
0x4e: {  	[sflag:s10] =	ssyncadd.s32 $0xFFFFD800  }
0x4f: {  	[tilespmem:s2], [sflag:$0x3] =	stream.linear.gather [hbm4b:s13+s2], $0x50, $0x38;
	[tilespmem:$0x2880] =	vst v63  }
0x50: {  	_ =	swait.ge [sflag:s4], $0x50  }
0x51: {  	[sflag:s4] =	ssyncset.done $0x0  }
0x52: {  	[sflag:s4] =	ssyncadd.s32 $0xFFFFFFB0  }
0x53: {  	[tilespmem:s7], [sflag:$0x1] =	stream.indirect.gather [hbm4b:s5+s6], $0x80, s2, s6, $0xb8;
	[tilespmem:$0x2880] =	vst v63  }
0x54: {  	_ =	swait.ge [sflag:s8], $0x2800  }
0x55: {  	[sflag:s8] =	ssyncset.done $0x0  }
0x56: {  	[sflag:s8] =	ssyncadd.s32 $0xFFFFD800  }
0x57: {  	[hbm4b:s14+s2] =	stream.linear.scatter [tilespmem:s7], [sflag:$0x2], $0x2800, $0x38;
	[tilespmem:$0x2880] =	vst v63  }
0x58: {  	_ =	swait.ge [sflag:s10], $0x2800  }
0x59: {  	[sflag:s10] =	ssyncset.done $0x0  }
0x5a: {  	[sflag:s10] =	ssyncadd.s32 $0xFFFFD800  }
0x5b: {  	[tilespmem:s16], [sflag:$0x3] =	stream.linear.gather @!p0 [hbm4b:s15+s16], $0x50, $0x38;
	[tilespmem:$0x2880] =	vst v63  }
0x5c: {  	_ =	swait.ge @!p0 [sflag:s17], $0x50  }
0x5d: {  	[sflag:s17] =	ssyncset.done @!p0 $0x0  }
0x5e: {  	[sflag:s17] =	ssyncadd.s32 @!p0 $0xFFFFFFB0  }
0x5f: {  	[tilespmem:s20], [sflag:$0x1] =	stream.indirect.gather @!p0 [hbm4b:s5+s19], $0x80, s16, s19, $0xb8;
	[tilespmem:$0x2880] =	vst v63  }
0x60: {  	_ =	swait.ge @!p0 [sflag:s18], $0x2800  }
.Ltmp1:
0x61: {  	[sflag:s18] =	ssyncset.done @!p0 $0x0;
	(pc) =	sbr.rel @p1 .LBB2_1-.Ltmp1, $4  }
0x62: {  	[sflag:s18] =	ssyncadd.s32 @!p0 $0xFFFFD800  }
0x63: {  	[hbm4b:s22+s16] =	stream.linear.scatter @!p0 [tilespmem:s20], [sflag:$0x2], $0x2800, $0x38;
	[tilespmem:$0x2880] =	vst v63  }
0x64: {  	_ =	swait.ge @!p0 [sflag:s21], $0x2800  }
0x65: {  	[sflag:s21] =	ssyncset.done @!p0 $0x0  }
.LBB2_2:
0x66: {  	[sflag:s21] =	ssyncadd.s32 @!p0 $0xFFFFD800  }
0x67: {  	_ =	sfence.sel $0x180000  }
0x68: {  	[bflag:$0x0] =	sbarrier.arrive $0xFFFF  }
0x69: {  	p0 =	sne.s32 s0, $0x0;
	_ =	strace $0x90000059  }
0x6a: {  	s0 =	sadd.s32 @!p0 $0x100000, s1;
	[bflag:$0x2] =	sbarrier.arrive $0xFFFF  }
0x6b: {  	[sflag:s0] =	ssyncadd.tile.s32 @!p0 $0x1;
	_ =	shalt  }
.Lfunc_end2:
_tile_overlayer_lowered:
.L_overlay_start_2:
0x6c: {  	(tag) =	ssettag $0x2  }
0x6d: {  	s0 =	rddreg [dreg:$0x0];
	s2 =	stileid.u32  }
0x6e: {  	s1 =	rddreg [dreg:$0x1];
	p0 =	sne.s32 s2, $0x0  }
0x6f: {  	s3 =	rddreg [dreg:$0x2];
	[bflag:$0x3] =	sbarrier.arrive $0xFFFF;
	s2 =	simm.s32 @!p0 $0x1C02  }
0x70: {  	[timem:s3], [sflag:s2] =	dma.local @!p0 [hbm:s0], s1  }
0x71: {  	s0 =	simm.s32 @!p0 $0x2  }
0x72: {  	_ =	swait.ge @!p0 [sflag:s0], s1  }
0x73: {  	s1 =	ssub.s32 @!p0 $0x0, s1;
	[sflag:s0] =	ssyncset.done @!p0 $0x0  }
0x74: {  	[sflag:s0] =	ssyncadd.s32 @!p0 s1  }
0x75: {  	[bflag:$0x3] =	sbarrier.arrive $0xFFFF  }
0x76: {  	_ =	shalt  }

</sc_bundles>
